<compile_context>
chip_gen: v7x
topology: tpu7x:2x2x1
jax: 0.10.2.dev20260603
libtpu: 0.0.44.dev20260713+nightly
codegen_flags: <defaults>
</compile_context>

<pallas_src>
import jax
import jax.numpy as jnp
from jax import lax
from jax.experimental import pallas as pl
from jax.experimental.pallas import tpu as pltpu
from jax.experimental.pallas import tpu_sc as plsc

N = 10000
E = 320000
D = 128
H = 8
OUT = 32
HC = H // 2
FW = HC * OUT
FWE = FW + 16
EB = 80
NSUB = 16
EPT = E // NSUB
NBATCH = EPT // EB
RPT = 640
NRING = 3


def _stripe(s, fn):
    @pl.when(s < NSUB - 1)
    def _():
        fn(pl.multiple_of(s * RPT, 8), RPT)

    @pl.when(s == NSUB - 1)
    def _():
        fn((NSUB - 1) * RPT, N - (NSUB - 1) * RPT)


def _sc_edge(src_hbm, dst_hbm, fe_hbm, er_hbm, zf_hbm,
             u_out,
             srcb, dstb, sdst, featb, erdb,
             u_sp, gsem0, gsem1, gsem2, ssem0, ssem1, ssem2,
             isem0, isem1, isem2):
    c = lax.axis_index("c")
    s = lax.axis_index("s")
    gsem = (gsem0, gsem1, gsem2)
    ssem = (ssem0, ssem1, ssem2)
    isem = (isem0, isem1, isem2)

    def zinit(r0, nr):
        pltpu.sync_copy(zf_hbm.at[pl.ds(r0, nr)], u_sp.at[pl.ds(r0, nr)])

    _stripe(s, zinit)
    plsc.subcore_barrier()

    row0 = s * NBATCH

    def fire_idx(jj, b):
        pltpu.async_copy(src_hbm.at[row0 + jj], srcb.at[b], isem[b])
        pltpu.async_copy(dst_hbm.at[row0 + jj], dstb.at[b], isem[b])

    def wait_idx(b):
        pltpu.make_async_copy(src_hbm.at[0], srcb.at[b], isem[b]).wait()
        pltpu.make_async_copy(dst_hbm.at[0], dstb.at[b], isem[b]).wait()

    def fire_gathers(b):
        @pl.when(c == 0)
        def _():
            pltpu.async_copy(fe_hbm.at[0].at[srcb.at[b]], featb.at[b],
                             gsem[b])
            pltpu.async_copy(er_hbm.at[0].at[dstb.at[b]], erdb.at[b],
                             gsem[b])

        @pl.when(c == 1)
        def _():
            pltpu.async_copy(fe_hbm.at[1].at[srcb.at[b]], featb.at[b],
                             gsem[b])
            pltpu.async_copy(er_hbm.at[1].at[dstb.at[b]], erdb.at[b],
                             gsem[b])

    def wait_gathers(b):
        pltpu.make_async_copy(fe_hbm.at[0].at[srcb.at[b]], featb.at[b],
                              gsem[b]).wait()
        pltpu.make_async_copy(er_hbm.at[0].at[dstb.at[b]], erdb.at[b],
                              gsem[b]).wait()

    def fire_scatter(b):
        pltpu.async_copy(featb.at[b], u_sp.at[sdst.at[b]], ssem[b], add=True)

    def wait_scatter(b):
        pltpu.make_async_copy(featb.at[b], u_sp.at[sdst.at[b]],
                              ssem[b]).wait()

    def proc(j, b, skip_ws, g2, i3):
        bn = (b + 2) % NRING
        wait_gathers(b)

        @plsc.parallel_loop(0, EB // 16, 1, unroll=5)
        def cpdst(g):
            sdst[b, pl.ds(g * 16, 16)] = dstb[b, pl.ds(g * 16, 16)]

        @plsc.parallel_loop(0, EB, 1, unroll=4)
        def wphase(i):
            e = featb[b, i, pl.ds(FW, 16)] + erdb[b, i, :]
            e = jnp.where(e >= 0.0, e, 0.2 * e)
            featb[b, i, pl.ds(FW, 16)] = jnp.exp(e)

        if not skip_ws:
            wait_scatter(bn)
        if g2:
            wait_idx(bn)
            fire_gathers(bn)
        if i3 == "always":
            fire_idx(j + 3, b)
        elif i3 == "guard":
            @pl.when(j + 3 < NBATCH)
            def _():
                fire_idx(j + 3, b)

        @plsc.parallel_loop(0, EB, 1, unroll=2)
        def scale(i):
            w = featb[b, i, pl.ds(FW, 16)]
            for hh in range(HC):
                wv = jnp.broadcast_to(w[hh], (16,))
                for k in range(2):
                    col = hh * OUT + k * 16
                    featb[b, i, pl.ds(col, 16)] = (
                        featb[b, i, pl.ds(col, 16)] * wv)

        fire_scatter(b)

    fire_idx(0, 0)
    fire_idx(1, 1)
    fire_idx(2, 2)
    wait_idx(0)
    fire_gathers(0)
    wait_idx(1)
    fire_gathers(1)
    proc(0, 0, True, True, "always")
    proc(1, 1, False, True, "always")

    def triple(t, carry):
        j0 = 3 * t + 2
        proc(j0, 2, False, True, "guard")
        proc(j0 + 1, 0, False, True, "guard")
        proc(j0 + 2, 1, False, True, "guard")
        return carry

    lax.fori_loop(0, (NBATCH - 4) // 3, triple, 0)
    proc(NBATCH - 2, 2, False, False, "never")
    proc(NBATCH - 1, 0, False, False, "never")
    wait_scatter(0)
    plsc.subcore_barrier()

    def wout(r0, nr):
        pltpu.sync_copy(u_sp.at[pl.ds(r0, nr)], u_out.at[c, pl.ds(r0, nr)])

    _stripe(s, wout)


def _sc_call(src2, dst2, fe, er2, zf):
    mesh = plsc.VectorSubcoreMesh(core_axis_name="c", subcore_axis_name="s")
    return pl.kernel(
        _sc_edge,
        out_type=jax.ShapeDtypeStruct((2, N, FWE), jnp.float32),
        mesh=mesh,
        scratch_types=[
            pltpu.VMEM((NRING, EB), jnp.int32),
            pltpu.VMEM((NRING, EB), jnp.int32),
            pltpu.VMEM((NRING, EB), jnp.int32),
            pltpu.VMEM((NRING, EB, FWE), jnp.float32),
            pltpu.VMEM((NRING, EB, 16), jnp.float32),
            pltpu.VMEM_SHARED((N, FWE), jnp.float32),
            pltpu.SemaphoreType.DMA,
            pltpu.SemaphoreType.DMA,
            pltpu.SemaphoreType.DMA,
            pltpu.SemaphoreType.DMA,
            pltpu.SemaphoreType.DMA,
            pltpu.SemaphoreType.DMA,
            pltpu.SemaphoreType.DMA,
            pltpu.SemaphoreType.DMA,
            pltpu.SemaphoreType.DMA,
        ],
        compiler_params=pltpu.CompilerParams(
            needs_layout_passes=False, use_tc_tiling_on_sc=False),
    )(src2, dst2, fe, er2, zf)


RB = 1000


def _prologue(x_ref, w_ref, al_ref, ar_ref, fe_ref, er_ref):
    fc = jnp.dot(x_ref[...], w_ref[...], preferred_element_type=jnp.float32)
    pel = jnp.dot(fc, al_ref[0], preferred_element_type=jnp.float32)
    per = jnp.dot(fc, ar_ref[0], preferred_element_type=jnp.float32)
    z12 = jnp.zeros((RB, 12), jnp.float32)
    fe_ref[0] = jnp.concatenate([fc, pel, z12], axis=1)
    er_ref[0] = jnp.concatenate([per, z12], axis=1)


def _epilogue(u_ref, sel_ref, bias_ref, w44_ref, b44_ref, o_ref):
    acc = jnp.zeros((RB, OUT), jnp.float32)
    for c in range(2):
        uc = u_ref[c, :, 0:FW]
        dinv = 1.0 / jnp.maximum(u_ref[c, :, FW:FW + HC], 1e-9)
        dfull = jnp.dot(dinv, sel_ref[...],
                        preferred_element_type=jnp.float32)
        r = uc * dfull + bias_ref[c][None, :]
        r = jnp.where(r > 0.0, r, jnp.exp(r) - 1.0)
        acc = acc + jnp.dot(r, w44_ref[c], preferred_element_type=jnp.float32)
    o_ref[...] = acc + b44_ref[...]


def kernel(x, edge_index, W_fc, attn_l, attn_r, bias_gat, W44, b44):
    src = edge_index[0]
    dst = edge_index[1]

    rows = jnp.arange(FW, dtype=jnp.int32)
    z = jnp.zeros((2, FW, HC), jnp.float32)
    ridx = jnp.tile(rows, 2)
    cidx = jnp.repeat(jnp.arange(2, dtype=jnp.int32), FW)
    Al = z.at[cidx, ridx, ridx // OUT].set(attn_l.reshape(-1))
    Ar = z.at[cidx, ridx, ridx // OUT].set(attn_r.reshape(-1))

    fe, er2 = pl.pallas_call(
        _prologue,
        grid=(N // RB, 2),
        in_specs=[
            pl.BlockSpec((RB, D), lambda i, c: (i, 0)),
            pl.BlockSpec((D, FW), lambda i, c: (0, c)),
            pl.BlockSpec((1, FW, HC), lambda i, c: (c, 0, 0)),
            pl.BlockSpec((1, FW, HC), lambda i, c: (c, 0, 0)),
        ],
        out_specs=[
            pl.BlockSpec((1, RB, FWE), lambda i, c: (c, i, 0)),
            pl.BlockSpec((1, RB, 16), lambda i, c: (c, i, 0)),
        ],
        out_shape=[
            jax.ShapeDtypeStruct((2, N, FWE), jnp.float32),
            jax.ShapeDtypeStruct((2, N, 16), jnp.float32),
        ],
    )(x, W_fc, Al, Ar)

    zf = jnp.zeros((N, FWE), jnp.float32)

    U = _sc_call(src.reshape(E // EB, EB), dst.reshape(E // EB, EB),
                 fe, er2, zf)

    sel = jnp.kron(jnp.eye(HC, dtype=jnp.float32),
                   jnp.ones((1, OUT), jnp.float32))

    out = pl.pallas_call(
        _epilogue,
        grid=(N // RB,),
        in_specs=[
            pl.BlockSpec((2, RB, FWE), lambda i: (0, i, 0)),
            pl.BlockSpec((HC, FW), lambda i: (0, 0)),
            pl.BlockSpec((2, FW), lambda i: (0, 0)),
            pl.BlockSpec((2, FW, OUT), lambda i: (0, 0, 0)),
            pl.BlockSpec((1, OUT), lambda i: (0, 0)),
        ],
        out_specs=pl.BlockSpec((RB, OUT), lambda i: (i, 0)),
        out_shape=jax.ShapeDtypeStruct((N, OUT), jnp.float32),
    )(U, sel, bias_gat.reshape(2, FW), W44.reshape(2, FW, OUT),
      b44.reshape(1, OUT))
    return out

# --- scband reference (transcript-rebuilt; emitter-appended) ---
"""Pipeline reference for scband-sc-encoder-53592601919691 (READ-ONLY COPY).

The authoritative reference and input builder live on the scoring server;
editing this copy changes nothing except your own understanding.
"""

import jax, jax.numpy as jnp
import numpy as np

N = 10000
E = 320000
D = 128
H = 8
OUT = 32

def setup_inputs(seed: int = 0):
    key = jax.random.key(seed)
    ks = jax.random.split(key, 8)
    x = jax.random.normal(ks[0], (N, D), dtype=jnp.float32)
    edge_index = jax.random.randint(ks[1], (2, E), 0, N).astype(jnp.int32)
    W_fc = jax.random.normal(ks[2], (D, H * OUT), dtype=jnp.float32) * 0.05
    attn_l = jax.random.normal(ks[3], (H, OUT), dtype=jnp.float32) * 0.05
    attn_r = jax.random.normal(ks[4], (H, OUT), dtype=jnp.float32) * 0.05
    bias_gat = jnp.zeros((H * OUT,), dtype=jnp.float32)
    W44 = jax.random.normal(ks[5], (H * OUT, OUT), dtype=jnp.float32) * 0.05
    b44 = jnp.zeros((OUT,), dtype=jnp.float32)
    return {"x": x, "edge_index": edge_index, "W_fc": W_fc, "attn_l": attn_l,
            "attn_r": attn_r, "bias_gat": bias_gat, "W44": W44, "b44": b44}

def reference(x, edge_index, W_fc, attn_l, attn_r, bias_gat, W44, b44):
    # DGL-style GATConv with 8 heads (feat_drop=attn_drop=0 -> identity), then Linear.
    src = edge_index[0]
    dst = edge_index[1]
    feat = (x @ W_fc).reshape(-1, H, OUT)           # [N, H, OUT]
    el = jnp.sum(feat * attn_l[None, :, :], axis=-1)  # [N, H]
    er = jnp.sum(feat * attn_r[None, :, :], axis=-1)  # [N, H]
    e = el[src] + er[dst]                            # [E, H] gather
    e = jax.nn.leaky_relu(e, negative_slope=0.2)
    # edge softmax over incoming edges of each dst node
    emax = jax.ops.segment_max(e, dst, num_segments=N)
    emax = jnp.where(jnp.isfinite(emax), emax, 0.0)
    ee = jnp.exp(e - emax[dst])
    denom = jax.ops.segment_sum(ee, dst, num_segments=N)
    alpha = ee / jnp.maximum(denom[dst], 1e-9)       # [E, H]
    msg = feat[src] * alpha[:, :, None]              # [E, H, OUT] gather
    rst = jax.ops.segment_sum(msg, dst, num_segments=N)  # [N, H, OUT] scatter-add
    rst = rst + bias_gat.reshape(1, H, OUT)
    rst = jax.nn.elu(rst)
    x1 = rst.reshape(N, H * OUT)                     # flatten(1)
    out = x1 @ W44 + b44                             # layer44
    return out

if __name__ == "__main__":
    import jax
    _d = setup_inputs()
    print(jax.jit(kernel)(*tuple(_d.values())))

</pallas_src>

<mosaic_0001>
#map = affine_map<(d0, d1) -> (0, 0)>
#map1 = affine_map<(d0, d1) -> (0, 0, 0)>
module attributes {stable_mosaic.version = 14 : i64} {
  func.func @_sc_edge(%arg0: i32, %arg1: i32, %arg2: memref<4000x80xi32, #tpu.memory_space<hbm>>, %arg3: memref<4000x80xi32, #tpu.memory_space<hbm>>, %arg4: memref<2x10000x144xf32, #tpu.memory_space<hbm>>, %arg5: memref<2x10000x16xf32, #tpu.memory_space<hbm>>, %arg6: memref<10000x144xf32, #tpu.memory_space<hbm>>, %arg7: memref<2x10000x144xf32, #tpu.memory_space<hbm>>, %arg8: memref<3x80xi32, #tpu.memory_space<vmem>>, %arg9: memref<3x80xi32, #tpu.memory_space<vmem>>, %arg10: memref<3x80xi32, #tpu.memory_space<vmem>>, %arg11: memref<3x80x144xf32, #tpu.memory_space<vmem>>, %arg12: memref<3x80x16xf32, #tpu.memory_space<vmem>>, %arg13: memref<10000x144xf32, #tpu.memory_space<vmem_shared>>, %arg14: memref<!tpu.dma_semaphore, #tpu.memory_space<semaphore_mem>>, %arg15: memref<!tpu.dma_semaphore, #tpu.memory_space<semaphore_mem>>, %arg16: memref<!tpu.dma_semaphore, #tpu.memory_space<semaphore_mem>>, %arg17: memref<!tpu.dma_semaphore, #tpu.memory_space<semaphore_mem>>, %arg18: memref<!tpu.dma_semaphore, #tpu.memory_space<semaphore_mem>>, %arg19: memref<!tpu.dma_semaphore, #tpu.memory_space<semaphore_mem>>, %arg20: memref<!tpu.dma_semaphore, #tpu.memory_space<semaphore_mem>>, %arg21: memref<!tpu.dma_semaphore, #tpu.memory_space<semaphore_mem>>, %arg22: memref<!tpu.dma_semaphore, #tpu.memory_space<semaphore_mem>>) attributes {dimension_semantics = [#tpu.dimension_semantics<core_parallel>, #tpu.dimension_semantics<subcore_parallel>], iteration_bounds = array<i64: 2, 16>, scalar_prefetch = 0 : i64, scratch_operands = 15 : i64, tpu.core_type = #tpu.core_type<sc_vector_subcore>, window_params = [{transform_indices = #map}, {transform_indices = #map}, {transform_indices = #map1}, {transform_indices = #map1}, {transform_indices = #map}, {transform_indices = #map1}]} {
    %lt3A = arith.constant 15 : i32
    %lt3A_0 = arith.cmpi slt, %arg1, %lt3A : i32
    %convert_element_type3A = arith.extui %lt3A_0 : i1 to i32
    %cond3A = arith.constant 0 : i32
    %cond3A_1 = arith.cmpi ne, %convert_element_type3A, %cond3A : i32
    scf.if %cond3A_1 {
      %mul3A_589 = arith.constant 640 : i32
      %mul3A_590 = arith.muli %arg1, %mul3A_589 : i32
      %multiple_of3A = tpu.assume_multiple %mul3A_590, 8 : i32
      "tpu.region"() ({
        %run_scoped3A = tpu.sem_alloc : memref<!tpu.dma_semaphore, #tpu.memory_space<semaphore_mem>>
        %dma_start3A_591 = arith.constant 0 : i32
        %dma_start3A_592 = tpu.memref_slice %arg13[%multiple_of3A, %dma_start3A_591] : memref<10000x144xf32, #tpu.memory_space<vmem_shared>> -> memref<640x144xf32, #tpu.memory_space<vmem_shared>>
        %dma_start3A_593 = arith.constant 0 : i32
        %dma_start3A_594 = tpu.memref_slice %arg6[%multiple_of3A, %dma_start3A_593] : memref<10000x144xf32, #tpu.memory_space<hbm>> -> memref<640x144xf32, #tpu.memory_space<hbm>>
        tpu.enqueue_dma source(%dma_start3A_594 : memref<640x144xf32, #tpu.memory_space<hbm>>) target(%dma_start3A_592 : memref<640x144xf32, #tpu.memory_space<vmem_shared>>) target_semaphore(%run_scoped3A : memref<!tpu.dma_semaphore, #tpu.memory_space<semaphore_mem>>)
        %dma_wait3A_595 = arith.constant 0 : i32
        %dma_wait3A_596 = tpu.memref_slice %arg13[%multiple_of3A, %dma_wait3A_595] : memref<10000x144xf32, #tpu.memory_space<vmem_shared>> -> memref<640x144xf32, #tpu.memory_space<vmem_shared>>
        %dma_wait3A_597 = arith.constant 0 : i32
        %dma_wait3A_598 = tpu.memref_slice %arg6[%multiple_of3A, %dma_wait3A_597] : memref<10000x144xf32, #tpu.memory_space<hbm>> -> memref<640x144xf32, #tpu.memory_space<hbm>>
        tpu.wait_dma2 semaphore(%run_scoped3A : memref<!tpu.dma_semaphore, #tpu.memory_space<semaphore_mem>>) src(%dma_wait3A_598 : memref<640x144xf32, #tpu.memory_space<hbm>>) dst(%dma_wait3A_596 : memref<640x144xf32, #tpu.memory_space<vmem_shared>>)
        tpu.yield
      }) : () -> ()
    } else {
    }
    %eq3A = arith.constant 15 : i32
    %eq3A_2 = arith.cmpi eq, %arg1, %eq3A : i32
    %convert_element_type3A_3 = arith.extui %eq3A_2 : i1 to i32
    %cond3A_4 = arith.constant 0 : i32
    %cond3A_5 = arith.cmpi ne, %convert_element_type3A_3, %cond3A_4 : i32
    scf.if %cond3A_5 {
      "tpu.region"() ({
        %run_scoped3A = tpu.sem_alloc : memref<!tpu.dma_semaphore, #tpu.memory_space<semaphore_mem>>
        %dma_start3A_589 = arith.constant 9600 : i32
        %dma_start3A_590 = arith.constant 0 : i32
        %dma_start3A_591 = tpu.memref_slice %arg13[%dma_start3A_589, %dma_start3A_590] : memref<10000x144xf32, #tpu.memory_space<vmem_shared>> -> memref<400x144xf32, #tpu.memory_space<vmem_shared>>
        %dma_start3A_592 = arith.constant 9600 : i32
        %dma_start3A_593 = arith.constant 0 : i32
        %dma_start3A_594 = tpu.memref_slice %arg6[%dma_start3A_592, %dma_start3A_593] : memref<10000x144xf32, #tpu.memory_space<hbm>> -> memref<400x144xf32, #tpu.memory_space<hbm>>
        tpu.enqueue_dma source(%dma_start3A_594 : memref<400x144xf32, #tpu.memory_space<hbm>>) target(%dma_start3A_591 : memref<400x144xf32, #tpu.memory_space<vmem_shared>>) target_semaphore(%run_scoped3A : memref<!tpu.dma_semaphore, #tpu.memory_space<semaphore_mem>>)
        %dma_wait3A_595 = arith.constant 9600 : i32
        %dma_wait3A_596 = arith.constant 0 : i32
        %dma_wait3A_597 = tpu.memref_slice %arg13[%dma_wait3A_595, %dma_wait3A_596] : memref<10000x144xf32, #tpu.memory_space<vmem_shared>> -> memref<400x144xf32, #tpu.memory_space<vmem_shared>>
        %dma_wait3A_598 = arith.constant 9600 : i32
        %dma_wait3A_599 = arith.constant 0 : i32
        %dma_wait3A_600 = tpu.memref_slice %arg6[%dma_wait3A_598, %dma_wait3A_599] : memref<10000x144xf32, #tpu.memory_space<hbm>> -> memref<400x144xf32, #tpu.memory_space<hbm>>
        tpu.wait_dma2 semaphore(%run_scoped3A : memref<!tpu.dma_semaphore, #tpu.memory_space<semaphore_mem>>) src(%dma_wait3A_600 : memref<400x144xf32, #tpu.memory_space<hbm>>) dst(%dma_wait3A_597 : memref<400x144xf32, #tpu.memory_space<vmem_shared>>)
        tpu.yield
      }) : () -> ()
    } else {
    }
    %barrier3A = arith.constant 0 : index
    tpu.barrier barrier_id(%barrier3A)
    %mul3A = arith.constant 250 : i32
    %mul3A_6 = arith.muli %arg1, %mul3A : i32
    %add3A = arith.constant 0 : i32
    %add3A_7 = arith.addi %mul3A_6, %add3A : i32
    %dma_start3A = arith.constant 0 : i32
    %dma_start3A_8 = arith.constant 0 : i32
    %dma_start3A_9 = tpu.memref_slice %arg8[%dma_start3A, %dma_start3A_8] : memref<3x80xi32, #tpu.memory_space<vmem>> -> memref<1x80xi32, #tpu.memory_space<vmem>>
    %dma_start3A_10 = tpu.memref_squeeze %dma_start3A_9 : memref<1x80xi32, #tpu.memory_space<vmem>> -> memref<80xi32, #tpu.memory_space<vmem>>
    %dma_start3A_11 = arith.constant 0 : i32
    %dma_start3A_12 = tpu.memref_slice %arg2[%add3A_7, %dma_start3A_11] : memref<4000x80xi32, #tpu.memory_space<hbm>> -> memref<1x80xi32, #tpu.memory_space<hbm>>
    %dma_start3A_13 = tpu.memref_squeeze %dma_start3A_12 : memref<1x80xi32, #tpu.memory_space<hbm>> -> memref<80xi32, #tpu.memory_space<hbm>>
    %dma_start3A_14 = arith.constant 0 : i32
    %dma_start3A_15 = tpu.memref_slice %arg8[%dma_start3A, %dma_start3A_14] : memref<3x80xi32, #tpu.memory_space<vmem>> -> memref<1x80xi32, #tpu.memory_space<vmem>>
    %dma_start3A_16 = tpu.memref_squeeze %dma_start3A_15 : memref<1x80xi32, #tpu.memory_space<vmem>> -> memref<80xi32, #tpu.memory_space<vmem>>
    %dma_start3A_17 = arith.constant 0 : i32
    %dma_start3A_18 = tpu.memref_slice %arg2[%add3A_7, %dma_start3A_17] : memref<4000x80xi32, #tpu.memory_space<hbm>> -> memref<1x80xi32, #tpu.memory_space<hbm>>
    %dma_start3A_19 = tpu.memref_squeeze %dma_start3A_18 : memref<1x80xi32, #tpu.memory_space<hbm>> -> memref<80xi32, #tpu.memory_space<hbm>>
    tpu.enqueue_dma source(%dma_start3A_19 : memref<80xi32, #tpu.memory_space<hbm>>) target(%dma_start3A_16 : memref<80xi32, #tpu.memory_space<vmem>>) target_semaphore(%arg20 : memref<!tpu.dma_semaphore, #tpu.memory_space<semaphore_mem>>)
    %add3A_20 = arith.constant 0 : i32
    %add3A_21 = arith.addi %mul3A_6, %add3A_20 : i32
    %dma_start3A_22 = arith.constant 0 : i32
    %dma_start3A_23 = arith.constant 0 : i32
    %dma_start3A_24 = tpu.memref_slice %arg9[%dma_start3A_22, %dma_start3A_23] : memref<3x80xi32, #tpu.memory_space<vmem>> -> memref<1x80xi32, #tpu.memory_space<vmem>>
    %dma_start3A_25 = tpu.memref_squeeze %dma_start3A_24 : memref<1x80xi32, #tpu.memory_space<vmem>> -> memref<80xi32, #tpu.memory_space<vmem>>
    %dma_start3A_26 = arith.constant 0 : i32
    %dma_start3A_27 = tpu.memref_slice %arg3[%add3A_21, %dma_start3A_26] : memref<4000x80xi32, #tpu.memory_space<hbm>> -> memref<1x80xi32, #tpu.memory_space<hbm>>
    %dma_start3A_28 = tpu.memref_squeeze %dma_start3A_27 : memref<1x80xi32, #tpu.memory_space<hbm>> -> memref<80xi32, #tpu.memory_space<hbm>>
    %dma_start3A_29 = arith.constant 0 : i32
    %dma_start3A_30 = tpu.memref_slice %arg9[%dma_start3A_22, %dma_start3A_29] : memref<3x80xi32, #tpu.memory_space<vmem>> -> memref<1x80xi32, #tpu.memory_space<vmem>>
    %dma_start3A_31 = tpu.memref_squeeze %dma_start3A_30 : memref<1x80xi32, #tpu.memory_space<vmem>> -> memref<80xi32, #tpu.memory_space<vmem>>
    %dma_start3A_32 = arith.constant 0 : i32
    %dma_start3A_33 = tpu.memref_slice %arg3[%add3A_21, %dma_start3A_32] : memref<4000x80xi32, #tpu.memory_space<hbm>> -> memref<1x80xi32, #tpu.memory_space<hbm>>
    %dma_start3A_34 = tpu.memref_squeeze %dma_start3A_33 : memref<1x80xi32, #tpu.memory_space<hbm>> -> memref<80xi32, #tpu.memory_space<hbm>>
    tpu.enqueue_dma source(%dma_start3A_34 : memref<80xi32, #tpu.memory_space<hbm>>) target(%dma_start3A_31 : memref<80xi32, #tpu.memory_space<vmem>>) target_semaphore(%arg20 : memref<!tpu.dma_semaphore, #tpu.memory_space<semaphore_mem>>)
    %add3A_35 = arith.constant 1 : i32
    %add3A_36 = arith.addi %mul3A_6, %add3A_35 : i32
    %dma_start3A_37 = arith.constant 1 : i32
    %dma_start3A_38 = arith.constant 0 : i32
    %dma_start3A_39 = tpu.memref_slice %arg8[%dma_start3A_37, %dma_start3A_38] : memref<3x80xi32, #tpu.memory_space<vmem>> -> memref<1x80xi32, #tpu.memory_space<vmem>>
    %dma_start3A_40 = tpu.memref_squeeze %dma_start3A_39 : memref<1x80xi32, #tpu.memory_space<vmem>> -> memref<80xi32, #tpu.memory_space<vmem>>
    %dma_start3A_41 = arith.constant 0 : i32
    %dma_start3A_42 = tpu.memref_slice %arg2[%add3A_36, %dma_start3A_41] : memref<4000x80xi32, #tpu.memory_space<hbm>> -> memref<1x80xi32, #tpu.memory_space<hbm>>
    %dma_start3A_43 = tpu.memref_squeeze %dma_start3A_42 : memref<1x80xi32, #tpu.memory_space<hbm>> -> memref<80xi32, #tpu.memory_space<hbm>>
    %dma_start3A_44 = arith.constant 0 : i32
    %dma_start3A_45 = tpu.memref_slice %arg8[%dma_start3A_37, %dma_start3A_44] : memref<3x80xi32, #tpu.memory_space<vmem>> -> memref<1x80xi32, #tpu.memory_space<vmem>>
    %dma_start3A_46 = tpu.memref_squeeze %dma_start3A_45 : memref<1x80xi32, #tpu.memory_space<vmem>> -> memref<80xi32, #tpu.memory_space<vmem>>
    %dma_start3A_47 = arith.constant 0 : i32
    %dma_start3A_48 = tpu.memref_slice %arg2[%add3A_36, %dma_start3A_47] : memref<4000x80xi32, #tpu.memory_space<hbm>> -> memref<1x80xi32, #tpu.memory_space<hbm>>
    %dma_start3A_49 = tpu.memref_squeeze %dma_start3A_48 : memref<1x80xi32, #tpu.memory_space<hbm>> -> memref<80xi32, #tpu.memory_space<hbm>>
    tpu.enqueue_dma source(%dma_start3A_49 : memref<80xi32, #tpu.memory_space<hbm>>) target(%dma_start3A_46 : memref<80xi32, #tpu.memory_space<vmem>>) target_semaphore(%arg21 : memref<!tpu.dma_semaphore, #tpu.memory_space<semaphore_mem>>)
    %add3A_50 = arith.constant 1 : i32
    %add3A_51 = arith.addi %mul3A_6, %add3A_50 : i32
    %dma_start3A_52 = arith.constant 1 : i32
    %dma_start3A_53 = arith.constant 0 : i32
    %dma_start3A_54 = tpu.memref_slice %arg9[%dma_start3A_52, %dma_start3A_53] : memref<3x80xi32, #tpu.memory_space<vmem>> -> memref<1x80xi32, #tpu.memory_space<vmem>>
    %dma_start3A_55 = tpu.memref_squeeze %dma_start3A_54 : memref<1x80xi32, #tpu.memory_space<vmem>> -> memref<80xi32, #tpu.memory_space<vmem>>
    %dma_start3A_56 = arith.constant 0 : i32
    %dma_start3A_57 = tpu.memref_slice %arg3[%add3A_51, %dma_start3A_56] : memref<4000x80xi32, #tpu.memory_space<hbm>> -> memref<1x80xi32, #tpu.memory_space<hbm>>
    %dma_start3A_58 = tpu.memref_squeeze %dma_start3A_57 : memref<1x80xi32, #tpu.memory_space<hbm>> -> memref<80xi32, #tpu.memory_space<hbm>>
    %dma_start3A_59 = arith.constant 0 : i32
    %dma_start3A_60 = tpu.memref_slice %arg9[%dma_start3A_52, %dma_start3A_59] : memref<3x80xi32, #tpu.memory_space<vmem>> -> memref<1x80xi32, #tpu.memory_space<vmem>>
    %dma_start3A_61 = tpu.memref_squeeze %dma_start3A_60 : memref<1x80xi32, #tpu.memory_space<vmem>> -> memref<80xi32, #tpu.memory_space<vmem>>
    %dma_start3A_62 = arith.constant 0 : i32
    %dma_start3A_63 = tpu.memref_slice %arg3[%add3A_51, %dma_start3A_62] : memref<4000x80xi32, #tpu.memory_space<hbm>> -> memref<1x80xi32, #tpu.memory_space<hbm>>
    %dma_start3A_64 = tpu.memref_squeeze %dma_start3A_63 : memref<1x80xi32, #tpu.memory_space<hbm>> -> memref<80xi32, #tpu.memory_space<hbm>>
    tpu.enqueue_dma source(%dma_start3A_64 : memref<80xi32, #tpu.memory_space<hbm>>) target(%dma_start3A_61 : memref<80xi32, #tpu.memory_space<vmem>>) target_semaphore(%arg21 : memref<!tpu.dma_semaphore, #tpu.memory_space<semaphore_mem>>)
    %add3A_65 = arith.constant 2 : i32
    %add3A_66 = arith.addi %mul3A_6, %add3A_65 : i32
    %dma_start3A_67 = arith.constant 2 : i32
    %dma_start3A_68 = arith.constant 0 : i32
    %dma_start3A_69 = tpu.memref_slice %arg8[%dma_start3A_67, %dma_start3A_68] : memref<3x80xi32, #tpu.memory_space<vmem>> -> memref<1x80xi32, #tpu.memory_space<vmem>>
    %dma_start3A_70 = tpu.memref_squeeze %dma_start3A_69 : memref<1x80xi32, #tpu.memory_space<vmem>> -> memref<80xi32, #tpu.memory_space<vmem>>
    %dma_start3A_71 = arith.constant 0 : i32
    %dma_start3A_72 = tpu.memref_slice %arg2[%add3A_66, %dma_start3A_71] : memref<4000x80xi32, #tpu.memory_space<hbm>> -> memref<1x80xi32, #tpu.memory_space<hbm>>
    %dma_start3A_73 = tpu.memref_squeeze %dma_start3A_72 : memref<1x80xi32, #tpu.memory_space<hbm>> -> memref<80xi32, #tpu.memory_space<hbm>>
    %dma_start3A_74 = arith.constant 0 : i32
    %dma_start3A_75 = tpu.memref_slice %arg8[%dma_start3A_67, %dma_start3A_74] : memref<3x80xi32, #tpu.memory_space<vmem>> -> memref<1x80xi32, #tpu.memory_space<vmem>>
    %dma_start3A_76 = tpu.memref_squeeze %dma_start3A_75 : memref<1x80xi32, #tpu.memory_space<vmem>> -> memref<80xi32, #tpu.memory_space<vmem>>
    %dma_start3A_77 = arith.constant 0 : i32
    %dma_start3A_78 = tpu.memref_slice %arg2[%add3A_66, %dma_start3A_77] : memref<4000x80xi32, #tpu.memory_space<hbm>> -> memref<1x80xi32, #tpu.memory_space<hbm>>
    %dma_start3A_79 = tpu.memref_squeeze %dma_start3A_78 : memref<1x80xi32, #tpu.memory_space<hbm>> -> memref<80xi32, #tpu.memory_space<hbm>>
    tpu.enqueue_dma source(%dma_start3A_79 : memref<80xi32, #tpu.memory_space<hbm>>) target(%dma_start3A_76 : memref<80xi32, #tpu.memory_space<vmem>>) target_semaphore(%arg22 : memref<!tpu.dma_semaphore, #tpu.memory_space<semaphore_mem>>)
    %add3A_80 = arith.constant 2 : i32
    %add3A_81 = arith.addi %mul3A_6, %add3A_80 : i32
    %dma_start3A_82 = arith.constant 2 : i32
    %dma_start3A_83 = arith.constant 0 : i32
    %dma_start3A_84 = tpu.memref_slice %arg9[%dma_start3A_82, %dma_start3A_83] : memref<3x80xi32, #tpu.memory_space<vmem>> -> memref<1x80xi32, #tpu.memory_space<vmem>>
    %dma_start3A_85 = tpu.memref_squeeze %dma_start3A_84 : memref<1x80xi32, #tpu.memory_space<vmem>> -> memref<80xi32, #tpu.memory_space<vmem>>
    %dma_start3A_86 = arith.constant 0 : i32
    %dma_start3A_87 = tpu.memref_slice %arg3[%add3A_81, %dma_start3A_86] : memref<4000x80xi32, #tpu.memory_space<hbm>> -> memref<1x80xi32, #tpu.memory_space<hbm>>
    %dma_start3A_88 = tpu.memref_squeeze %dma_start3A_87 : memref<1x80xi32, #tpu.memory_space<hbm>> -> memref<80xi32, #tpu.memory_space<hbm>>
    %dma_start3A_89 = arith.constant 0 : i32
    %dma_start3A_90 = tpu.memref_slice %arg9[%dma_start3A_82, %dma_start3A_89] : memref<3x80xi32, #tpu.memory_space<vmem>> -> memref<1x80xi32, #tpu.memory_space<vmem>>
    %dma_start3A_91 = tpu.memref_squeeze %dma_start3A_90 : memref<1x80xi32, #tpu.memory_space<vmem>> -> memref<80xi32, #tpu.memory_space<vmem>>
    %dma_start3A_92 = arith.constant 0 : i32
    %dma_start3A_93 = tpu.memref_slice %arg3[%add3A_81, %dma_start3A_92] : memref<4000x80xi32, #tpu.memory_space<hbm>> -> memref<1x80xi32, #tpu.memory_space<hbm>>
    %dma_start3A_94 = tpu.memref_squeeze %dma_start3A_93 : memref<1x80xi32, #tpu.memory_space<hbm>> -> memref<80xi32, #tpu.memory_space<hbm>>
    tpu.enqueue_dma source(%dma_start3A_94 : memref<80xi32, #tpu.memory_space<hbm>>) target(%dma_start3A_91 : memref<80xi32, #tpu.memory_space<vmem>>) target_semaphore(%arg22 : memref<!tpu.dma_semaphore, #tpu.memory_space<semaphore_mem>>)
    %dma_wait3A = arith.constant 0 : i32
    %dma_wait3A_95 = arith.constant 0 : i32
    %dma_wait3A_96 = arith.constant 0 : i32
    %dma_wait3A_97 = tpu.memref_slice %arg8[%dma_wait3A_95, %dma_wait3A_96] : memref<3x80xi32, #tpu.memory_space<vmem>> -> memref<1x80xi32, #tpu.memory_space<vmem>>
    %dma_wait3A_98 = tpu.memref_squeeze %dma_wait3A_97 : memref<1x80xi32, #tpu.memory_space<vmem>> -> memref<80xi32, #tpu.memory_space<vmem>>
    %dma_wait3A_99 = arith.constant 0 : i32
    %dma_wait3A_100 = tpu.memref_slice %arg2[%dma_wait3A, %dma_wait3A_99] : memref<4000x80xi32, #tpu.memory_space<hbm>> -> memref<1x80xi32, #tpu.memory_space<hbm>>
    %dma_wait3A_101 = tpu.memref_squeeze %dma_wait3A_100 : memref<1x80xi32, #tpu.memory_space<hbm>> -> memref<80xi32, #tpu.memory_space<hbm>>
    %dma_wait3A_102 = arith.constant 0 : i32
    %dma_wait3A_103 = tpu.memref_slice %arg8[%dma_wait3A_95, %dma_wait3A_102] : memref<3x80xi32, #tpu.memory_space<vmem>> -> memref<1x80xi32, #tpu.memory_space<vmem>>
    %dma_wait3A_104 = tpu.memref_squeeze %dma_wait3A_103 : memref<1x80xi32, #tpu.memory_space<vmem>> -> memref<80xi32, #tpu.memory_space<vmem>>
    %dma_wait3A_105 = arith.constant 0 : i32
    %dma_wait3A_106 = tpu.memref_slice %arg2[%dma_wait3A, %dma_wait3A_105] : memref<4000x80xi32, #tpu.memory_space<hbm>> -> memref<1x80xi32, #tpu.memory_space<hbm>>
    %dma_wait3A_107 = tpu.memref_squeeze %dma_wait3A_106 : memref<1x80xi32, #tpu.memory_space<hbm>> -> memref<80xi32, #tpu.memory_space<hbm>>
    tpu.wait_dma2 semaphore(%arg20 : memref<!tpu.dma_semaphore, #tpu.memory_space<semaphore_mem>>) src(%dma_wait3A_107 : memref<80xi32, #tpu.memory_space<hbm>>) dst(%dma_wait3A_104 : memref<80xi32, #tpu.memory_space<vmem>>)
    %dma_wait3A_108 = arith.constant 0 : i32
    %dma_wait3A_109 = arith.constant 0 : i32
    %dma_wait3A_110 = arith.constant 0 : i32
    %dma_wait3A_111 = tpu.memref_slice %arg9[%dma_wait3A_109, %dma_wait3A_110] : memref<3x80xi32, #tpu.memory_space<vmem>> -> memref<1x80xi32, #tpu.memory_space<vmem>>
    %dma_wait3A_112 = tpu.memref_squeeze %dma_wait3A_111 : memref<1x80xi32, #tpu.memory_space<vmem>> -> memref<80xi32, #tpu.memory_space<vmem>>
    %dma_wait3A_113 = arith.constant 0 : i32
    %dma_wait3A_114 = tpu.memref_slice %arg3[%dma_wait3A_108, %dma_wait3A_113] : memref<4000x80xi32, #tpu.memory_space<hbm>> -> memref<1x80xi32, #tpu.memory_space<hbm>>
    %dma_wait3A_115 = tpu.memref_squeeze %dma_wait3A_114 : memref<1x80xi32, #tpu.memory_space<hbm>> -> memref<80xi32, #tpu.memory_space<hbm>>
    %dma_wait3A_116 = arith.constant 0 : i32
    %dma_wait3A_117 = tpu.memref_slice %arg9[%dma_wait3A_109, %dma_wait3A_116] : memref<3x80xi32, #tpu.memory_space<vmem>> -> memref<1x80xi32, #tpu.memory_space<vmem>>
    %dma_wait3A_118 = tpu.memref_squeeze %dma_wait3A_117 : memref<1x80xi32, #tpu.memory_space<vmem>> -> memref<80xi32, #tpu.memory_space<vmem>>
    %dma_wait3A_119 = arith.constant 0 : i32
    %dma_wait3A_120 = tpu.memref_slice %arg3[%dma_wait3A_108, %dma_wait3A_119] : memref<4000x80xi32, #tpu.memory_space<hbm>> -> memref<1x80xi32, #tpu.memory_space<hbm>>
    %dma_wait3A_121 = tpu.memref_squeeze %dma_wait3A_120 : memref<1x80xi32, #tpu.memory_space<hbm>> -> memref<80xi32, #tpu.memory_space<hbm>>
    tpu.wait_dma2 semaphore(%arg20 : memref<!tpu.dma_semaphore, #tpu.memory_space<semaphore_mem>>) src(%dma_wait3A_121 : memref<80xi32, #tpu.memory_space<hbm>>) dst(%dma_wait3A_118 : memref<80xi32, #tpu.memory_space<vmem>>)
    %eq3A_122 = arith.constant 0 : i32
    %eq3A_123 = arith.cmpi eq, %arg0, %eq3A_122 : i32
    %convert_element_type3A_124 = arith.extui %eq3A_123 : i1 to i32
    %cond3A_125 = arith.constant 0 : i32
    %cond3A_126 = arith.cmpi ne, %convert_element_type3A_124, %cond3A_125 : i32
    scf.if %cond3A_126 {
      %dma_start3A_589 = arith.constant 0 : i32
      %dma_start3A_590 = arith.constant 0 : i32
      %dma_start3A_591 = arith.constant 0 : i32
      %dma_start3A_592 = arith.constant 0 : i32
      %dma_start3A_593 = arith.constant 0 : i32
      %dma_start3A_594 = tpu.memref_slice %arg11[%dma_start3A_591, %dma_start3A_592, %dma_start3A_593] : memref<3x80x144xf32, #tpu.memory_space<vmem>> -> memref<1x80x144xf32, #tpu.memory_space<vmem>>
      %dma_start3A_595 = tpu.memref_squeeze %dma_start3A_594 : memref<1x80x144xf32, #tpu.memory_space<vmem>> -> memref<80x144xf32, #tpu.memory_space<vmem>>
      %dma_start3A_596 = arith.constant 0 : i32
      %dma_start3A_597 = tpu.memref_slice %arg8[%dma_start3A_590, %dma_start3A_596] : memref<3x80xi32, #tpu.memory_space<vmem>> -> memref<1x80xi32, #tpu.memory_space<vmem>>
      %dma_start3A_598 = tpu.memref_squeeze %dma_start3A_597 : memref<1x80xi32, #tpu.memory_space<vmem>> -> memref<80xi32, #tpu.memory_space<vmem>>
      %dma_start3A_599 = arith.constant 0 : i32
      %dma_start3A_600 = arith.constant 0 : i32
      %dma_start3A_601 = tpu.memref_slice %arg4[%dma_start3A_589, %dma_start3A_599, %dma_start3A_600] : memref<2x10000x144xf32, #tpu.memory_space<hbm>> -> memref<1x10000x144xf32, #tpu.memory_space<hbm>>
      %dma_start3A_602 = tpu.memref_squeeze %dma_start3A_601 : memref<1x10000x144xf32, #tpu.memory_space<hbm>> -> memref<10000x144xf32, #tpu.memory_space<hbm>>
      %dma_start3A_603 = arith.constant 0 : i32
      %dma_start3A_604 = arith.constant 0 : i32
      %dma_start3A_605 = tpu.memref_slice %dma_start3A_602[%dma_start3A_603, %dma_start3A_604] : memref<10000x144xf32, #tpu.memory_space<hbm>> -> memref<10000x144xf32, #tpu.memory_space<hbm>>
      tpu.enqueue_indirect_dma source(%dma_start3A_605 : memref<10000x144xf32, #tpu.memory_space<hbm>>) target(%dma_start3A_595 : memref<80x144xf32, #tpu.memory_space<vmem>>) offsets(%dma_start3A_598 : memref<80xi32, #tpu.memory_space<vmem>>) semaphore(%arg14 : memref<!tpu.dma_semaphore, #tpu.memory_space<semaphore_mem>>)
      %dma_start3A_606 = arith.constant 0 : i32
      %dma_start3A_607 = arith.constant 0 : i32
      %dma_start3A_608 = arith.constant 0 : i32
      %dma_start3A_609 = arith.constant 0 : i32
      %dma_start3A_610 = arith.constant 0 : i32
      %dma_start3A_611 = tpu.memref_slice %arg12[%dma_start3A_608, %dma_start3A_609, %dma_start3A_610] : memref<3x80x16xf32, #tpu.memory_space<vmem>> -> memref<1x80x16xf32, #tpu.memory_space<vmem>>
      %dma_start3A_612 = tpu.memref_squeeze %dma_start3A_611 : memref<1x80x16xf32, #tpu.memory_space<vmem>> -> memref<80x16xf32, #tpu.memory_space<vmem>>
      %dma_start3A_613 = arith.constant 0 : i32
      %dma_start3A_614 = tpu.memref_slice %arg9[%dma_start3A_607, %dma_start3A_613] : memref<3x80xi32, #tpu.memory_space<vmem>> -> memref<1x80xi32, #tpu.memory_space<vmem>>
      %dma_start3A_615 = tpu.memref_squeeze %dma_start3A_614 : memref<1x80xi32, #tpu.memory_space<vmem>> -> memref<80xi32, #tpu.memory_space<vmem>>
      %dma_start3A_616 = arith.constant 0 : i32
      %dma_start3A_617 = arith.constant 0 : i32
      %dma_start3A_618 = tpu.memref_slice %arg5[%dma_start3A_606, %dma_start3A_616, %dma_start3A_617] : memref<2x10000x16xf32, #tpu.memory_space<hbm>> -> memref<1x10000x16xf32, #tpu.memory_space<hbm>>
      %dma_start3A_619 = tpu.memref_squeeze %dma_start3A_618 : memref<1x10000x16xf32, #tpu.memory_space<hbm>> -> memref<10000x16xf32, #tpu.memory_space<hbm>>
      %dma_start3A_620 = arith.constant 0 : i32
      %dma_start3A_621 = arith.constant 0 : i32
      %dma_start3A_622 = tpu.memref_slice %dma_start3A_619[%dma_start3A_620, %dma_start3A_621] : memref<10000x16xf32, #tpu.memory_space<hbm>> -> memref<10000x16xf32, #tpu.memory_space<hbm>>
      tpu.enqueue_indirect_dma source(%dma_start3A_622 : memref<10000x16xf32, #tpu.memory_space<hbm>>) target(%dma_start3A_612 : memref<80x16xf32, #tpu.memory_space<vmem>>) offsets(%dma_start3A_615 : memref<80xi32, #tpu.memory_space<vmem>>) semaphore(%arg14 : memref<!tpu.dma_semaphore, #tpu.memory_space<semaphore_mem>>)
    } else {
    }
    %eq3A_127 = arith.constant 1 : i32
    %eq3A_128 = arith.cmpi eq, %arg0, %eq3A_127 : i32
    %convert_element_type3A_129 = arith.extui %eq3A_128 : i1 to i32
    %cond3A_130 = arith.constant 0 : i32
    %cond3A_131 = arith.cmpi ne, %convert_element_type3A_129, %cond3A_130 : i32
    scf.if %cond3A_131 {
      %dma_start3A_589 = arith.constant 1 : i32
      %dma_start3A_590 = arith.constant 0 : i32
      %dma_start3A_591 = arith.constant 0 : i32
      %dma_start3A_592 = arith.constant 0 : i32
      %dma_start3A_593 = arith.constant 0 : i32
      %dma_start3A_594 = tpu.memref_slice %arg11[%dma_start3A_591, %dma_start3A_592, %dma_start3A_593] : memref<3x80x144xf32, #tpu.memory_space<vmem>> -> memref<1x80x144xf32, #tpu.memory_space<vmem>>
      %dma_start3A_595 = tpu.memref_squeeze %dma_start3A_594 : memref<1x80x144xf32, #tpu.memory_space<vmem>> -> memref<80x144xf32, #tpu.memory_space<vmem>>
      %dma_start3A_596 = arith.constant 0 : i32
      %dma_start3A_597 = tpu.memref_slice %arg8[%dma_start3A_590, %dma_start3A_596] : memref<3x80xi32, #tpu.memory_space<vmem>> -> memref<1x80xi32, #tpu.memory_space<vmem>>
      %dma_start3A_598 = tpu.memref_squeeze %dma_start3A_597 : memref<1x80xi32, #tpu.memory_space<vmem>> -> memref<80xi32, #tpu.memory_space<vmem>>
      %dma_start3A_599 = arith.constant 0 : i32
      %dma_start3A_600 = arith.constant 0 : i32
      %dma_start3A_601 = tpu.memref_slice %arg4[%dma_start3A_589, %dma_start3A_599, %dma_start3A_600] : memref<2x10000x144xf32, #tpu.memory_space<hbm>> -> memref<1x10000x144xf32, #tpu.memory_space<hbm>>
      %dma_start3A_602 = tpu.memref_squeeze %dma_start3A_601 : memref<1x10000x144xf32, #tpu.memory_space<hbm>> -> memref<10000x144xf32, #tpu.memory_space<hbm>>
      %dma_start3A_603 = arith.constant 0 : i32
      %dma_start3A_604 = arith.constant 0 : i32
      %dma_start3A_605 = tpu.memref_slice %dma_start3A_602[%dma_start3A_603, %dma_start3A_604] : memref<10000x144xf32, #tpu.memory_space<hbm>> -> memref<10000x144xf32, #tpu.memory_space<hbm>>
      tpu.enqueue_indirect_dma source(%dma_start3A_605 : memref<10000x144xf32, #tpu.memory_space<hbm>>) target(%dma_start3A_595 : memref<80x144xf32, #tpu.memory_space<vmem>>) offsets(%dma_start3A_598 : memref<80xi32, #tpu.memory_space<vmem>>) semaphore(%arg14 : memref<!tpu.dma_semaphore, #tpu.memory_space<semaphore_mem>>)
      %dma_start3A_606 = arith.constant 1 : i32
      %dma_start3A_607 = arith.constant 0 : i32
      %dma_start3A_608 = arith.constant 0 : i32
      %dma_start3A_609 = arith.constant 0 : i32
      %dma_start3A_610 = arith.constant 0 : i32
      %dma_start3A_611 = tpu.memref_slice %arg12[%dma_start3A_608, %dma_start3A_609, %dma_start3A_610] : memref<3x80x16xf32, #tpu.memory_space<vmem>> -> memref<1x80x16xf32, #tpu.memory_space<vmem>>
      %dma_start3A_612 = tpu.memref_squeeze %dma_start3A_611 : memref<1x80x16xf32, #tpu.memory_space<vmem>> -> memref<80x16xf32, #tpu.memory_space<vmem>>
      %dma_start3A_613 = arith.constant 0 : i32
      %dma_start3A_614 = tpu.memref_slice %arg9[%dma_start3A_607, %dma_start3A_613] : memref<3x80xi32, #tpu.memory_space<vmem>> -> memref<1x80xi32, #tpu.memory_space<vmem>>
      %dma_start3A_615 = tpu.memref_squeeze %dma_start3A_614 : memref<1x80xi32, #tpu.memory_space<vmem>> -> memref<80xi32, #tpu.memory_space<vmem>>
      %dma_start3A_616 = arith.constant 0 : i32
      %dma_start3A_617 = arith.constant 0 : i32
      %dma_start3A_618 = tpu.memref_slice %arg5[%dma_start3A_606, %dma_start3A_616, %dma_start3A_617] : memref<2x10000x16xf32, #tpu.memory_space<hbm>> -> memref<1x10000x16xf32, #tpu.memory_space<hbm>>
      %dma_start3A_619 = tpu.memref_squeeze %dma_start3A_618 : memref<1x10000x16xf32, #tpu.memory_space<hbm>> -> memref<10000x16xf32, #tpu.memory_space<hbm>>
      %dma_start3A_620 = arith.constant 0 : i32
      %dma_start3A_621 = arith.constant 0 : i32
      %dma_start3A_622 = tpu.memref_slice %dma_start3A_619[%dma_start3A_620, %dma_start3A_621] : memref<10000x16xf32, #tpu.memory_space<hbm>> -> memref<10000x16xf32, #tpu.memory_space<hbm>>
      tpu.enqueue_indirect_dma source(%dma_start3A_622 : memref<10000x16xf32, #tpu.memory_space<hbm>>) target(%dma_start3A_612 : memref<80x16xf32, #tpu.memory_space<vmem>>) offsets(%dma_start3A_615 : memref<80xi32, #tpu.memory_space<vmem>>) semaphore(%arg14 : memref<!tpu.dma_semaphore, #tpu.memory_space<semaphore_mem>>)
    } else {
    }
    %dma_wait3A_132 = arith.constant 0 : i32
    %dma_wait3A_133 = arith.constant 1 : i32
    %dma_wait3A_134 = arith.constant 0 : i32
    %dma_wait3A_135 = tpu.memref_slice %arg8[%dma_wait3A_133, %dma_wait3A_134] : memref<3x80xi32, #tpu.memory_space<vmem>> -> memref<1x80xi32, #tpu.memory_space<vmem>>
    %dma_wait3A_136 = tpu.memref_squeeze %dma_wait3A_135 : memref<1x80xi32, #tpu.memory_space<vmem>> -> memref<80xi32, #tpu.memory_space<vmem>>
    %dma_wait3A_137 = arith.constant 0 : i32
    %dma_wait3A_138 = tpu.memref_slice %arg2[%dma_wait3A_132, %dma_wait3A_137] : memref<4000x80xi32, #tpu.memory_space<hbm>> -> memref<1x80xi32, #tpu.memory_space<hbm>>
    %dma_wait3A_139 = tpu.memref_squeeze %dma_wait3A_138 : memref<1x80xi32, #tpu.memory_space<hbm>> -> memref<80xi32, #tpu.memory_space<hbm>>
    %dma_wait3A_140 = arith.constant 0 : i32
    %dma_wait3A_141 = tpu.memref_slice %arg8[%dma_wait3A_133, %dma_wait3A_140] : memref<3x80xi32, #tpu.memory_space<vmem>> -> memref<1x80xi32, #tpu.memory_space<vmem>>
    %dma_wait3A_142 = tpu.memref_squeeze %dma_wait3A_141 : memref<1x80xi32, #tpu.memory_space<vmem>> -> memref<80xi32, #tpu.memory_space<vmem>>
    %dma_wait3A_143 = arith.constant 0 : i32
    %dma_wait3A_144 = tpu.memref_slice %arg2[%dma_wait3A_132, %dma_wait3A_143] : memref<4000x80xi32, #tpu.memory_space<hbm>> -> memref<1x80xi32, #tpu.memory_space<hbm>>
    %dma_wait3A_145 = tpu.memref_squeeze %dma_wait3A_144 : memref<1x80xi32, #tpu.memory_space<hbm>> -> memref<80xi32, #tpu.memory_space<hbm>>
    tpu.wait_dma2 semaphore(%arg21 : memref<!tpu.dma_semaphore, #tpu.memory_space<semaphore_mem>>) src(%dma_wait3A_145 : memref<80xi32, #tpu.memory_space<hbm>>) dst(%dma_wait3A_142 : memref<80xi32, #tpu.memory_space<vmem>>)
    %dma_wait3A_146 = arith.constant 0 : i32
    %dma_wait3A_147 = arith.constant 1 : i32
    %dma_wait3A_148 = arith.constant 0 : i32
    %dma_wait3A_149 = tpu.memref_slice %arg9[%dma_wait3A_147, %dma_wait3A_148] : memref<3x80xi32, #tpu.memory_space<vmem>> -> memref<1x80xi32, #tpu.memory_space<vmem>>
    %dma_wait3A_150 = tpu.memref_squeeze %dma_wait3A_149 : memref<1x80xi32, #tpu.memory_space<vmem>> -> memref<80xi32, #tpu.memory_space<vmem>>
    %dma_wait3A_151 = arith.constant 0 : i32
    %dma_wait3A_152 = tpu.memref_slice %arg3[%dma_wait3A_146, %dma_wait3A_151] : memref<4000x80xi32, #tpu.memory_space<hbm>> -> memref<1x80xi32, #tpu.memory_space<hbm>>
    %dma_wait3A_153 = tpu.memref_squeeze %dma_wait3A_152 : memref<1x80xi32, #tpu.memory_space<hbm>> -> memref<80xi32, #tpu.memory_space<hbm>>
    %dma_wait3A_154 = arith.constant 0 : i32
    %dma_wait3A_155 = tpu.memref_slice %arg9[%dma_wait3A_147, %dma_wait3A_154] : memref<3x80xi32, #tpu.memory_space<vmem>> -> memref<1x80xi32, #tpu.memory_space<vmem>>
    %dma_wait3A_156 = tpu.memref_squeeze %dma_wait3A_155 : memref<1x80xi32, #tpu.memory_space<vmem>> -> memref<80xi32, #tpu.memory_space<vmem>>
    %dma_wait3A_157 = arith.constant 0 : i32
    %dma_wait3A_158 = tpu.memref_slice %arg3[%dma_wait3A_146, %dma_wait3A_157] : memref<4000x80xi32, #tpu.memory_space<hbm>> -> memref<1x80xi32, #tpu.memory_space<hbm>>
    %dma_wait3A_159 = tpu.memref_squeeze %dma_wait3A_158 : memref<1x80xi32, #tpu.memory_space<hbm>> -> memref<80xi32, #tpu.memory_space<hbm>>
    tpu.wait_dma2 semaphore(%arg21 : memref<!tpu.dma_semaphore, #tpu.memory_space<semaphore_mem>>) src(%dma_wait3A_159 : memref<80xi32, #tpu.memory_space<hbm>>) dst(%dma_wait3A_156 : memref<80xi32, #tpu.memory_space<vmem>>)
    %eq3A_160 = arith.constant 0 : i32
    %eq3A_161 = arith.cmpi eq, %arg0, %eq3A_160 : i32
    %convert_element_type3A_162 = arith.extui %eq3A_161 : i1 to i32
    %cond3A_163 = arith.constant 0 : i32
    %cond3A_164 = arith.cmpi ne, %convert_element_type3A_162, %cond3A_163 : i32
    scf.if %cond3A_164 {
      %dma_start3A_589 = arith.constant 0 : i32
      %dma_start3A_590 = arith.constant 1 : i32
      %dma_start3A_591 = arith.constant 1 : i32
      %dma_start3A_592 = arith.constant 0 : i32
      %dma_start3A_593 = arith.constant 0 : i32
      %dma_start3A_594 = tpu.memref_slice %arg11[%dma_start3A_591, %dma_start3A_592, %dma_start3A_593] : memref<3x80x144xf32, #tpu.memory_space<vmem>> -> memref<1x80x144xf32, #tpu.memory_space<vmem>>
      %dma_start3A_595 = tpu.memref_squeeze %dma_start3A_594 : memref<1x80x144xf32, #tpu.memory_space<vmem>> -> memref<80x144xf32, #tpu.memory_space<vmem>>
      %dma_start3A_596 = arith.constant 0 : i32
      %dma_start3A_597 = tpu.memref_slice %arg8[%dma_start3A_590, %dma_start3A_596] : memref<3x80xi32, #tpu.memory_space<vmem>> -> memref<1x80xi32, #tpu.memory_space<vmem>>
      %dma_start3A_598 = tpu.memref_squeeze %dma_start3A_597 : memref<1x80xi32, #tpu.memory_space<vmem>> -> memref<80xi32, #tpu.memory_space<vmem>>
      %dma_start3A_599 = arith.constant 0 : i32
      %dma_start3A_600 = arith.constant 0 : i32
      %dma_start3A_601 = tpu.memref_slice %arg4[%dma_start3A_589, %dma_start3A_599, %dma_start3A_600] : memref<2x10000x144xf32, #tpu.memory_space<hbm>> -> memref<1x10000x144xf32, #tpu.memory_space<hbm>>
      %dma_start3A_602 = tpu.memref_squeeze %dma_start3A_601 : memref<1x10000x144xf32, #tpu.memory_space<hbm>> -> memref<10000x144xf32, #tpu.memory_space<hbm>>
      %dma_start3A_603 = arith.constant 0 : i32
      %dma_start3A_604 = arith.constant 0 : i32
      %dma_start3A_605 = tpu.memref_slice %dma_start3A_602[%dma_start3A_603, %dma_start3A_604] : memref<10000x144xf32, #tpu.memory_space<hbm>> -> memref<10000x144xf32, #tpu.memory_space<hbm>>
      tpu.enqueue_indirect_dma source(%dma_start3A_605 : memref<10000x144xf32, #tpu.memory_space<hbm>>) target(%dma_start3A_595 : memref<80x144xf32, #tpu.memory_space<vmem>>) offsets(%dma_start3A_598 : memref<80xi32, #tpu.memory_space<vmem>>) semaphore(%arg15 : memref<!tpu.dma_semaphore, #tpu.memory_space<semaphore_mem>>)
      %dma_start3A_606 = arith.constant 0 : i32
      %dma_start3A_607 = arith.constant 1 : i32
      %dma_start3A_608 = arith.constant 1 : i32
      %dma_start3A_609 = arith.constant 0 : i32
      %dma_start3A_610 = arith.constant 0 : i32
      %dma_start3A_611 = tpu.memref_slice %arg12[%dma_start3A_608, %dma_start3A_609, %dma_start3A_610] : memref<3x80x16xf32, #tpu.memory_space<vmem>> -> memref<1x80x16xf32, #tpu.memory_space<vmem>>
      %dma_start3A_612 = tpu.memref_squeeze %dma_start3A_611 : memref<1x80x16xf32, #tpu.memory_space<vmem>> -> memref<80x16xf32, #tpu.memory_space<vmem>>
      %dma_start3A_613 = arith.constant 0 : i32
      %dma_start3A_614 = tpu.memref_slice %arg9[%dma_start3A_607, %dma_start3A_613] : memref<3x80xi32, #tpu.memory_space<vmem>> -> memref<1x80xi32, #tpu.memory_space<vmem>>
      %dma_start3A_615 = tpu.memref_squeeze %dma_start3A_614 : memref<1x80xi32, #tpu.memory_space<vmem>> -> memref<80xi32, #tpu.memory_space<vmem>>
      %dma_start3A_616 = arith.constant 0 : i32
      %dma_start3A_617 = arith.constant 0 : i32
      %dma_start3A_618 = tpu.memref_slice %arg5[%dma_start3A_606, %dma_start3A_616, %dma_start3A_617] : memref<2x10000x16xf32, #tpu.memory_space<hbm>> -> memref<1x10000x16xf32, #tpu.memory_space<hbm>>
      %dma_start3A_619 = tpu.memref_squeeze %dma_start3A_618 : memref<1x10000x16xf32, #tpu.memory_space<hbm>> -> memref<10000x16xf32, #tpu.memory_space<hbm>>
      %dma_start3A_620 = arith.constant 0 : i32
      %dma_start3A_621 = arith.constant 0 : i32
      %dma_start3A_622 = tpu.memref_slice %dma_start3A_619[%dma_start3A_620, %dma_start3A_621] : memref<10000x16xf32, #tpu.memory_space<hbm>> -> memref<10000x16xf32, #tpu.memory_space<hbm>>
      tpu.enqueue_indirect_dma source(%dma_start3A_622 : memref<10000x16xf32, #tpu.memory_space<hbm>>) target(%dma_start3A_612 : memref<80x16xf32, #tpu.memory_space<vmem>>) offsets(%dma_start3A_615 : memref<80xi32, #tpu.memory_space<vmem>>) semaphore(%arg15 : memref<!tpu.dma_semaphore, #tpu.memory_space<semaphore_mem>>)
    } else {
    }
    %eq3A_165 = arith.constant 1 : i32
    %eq3A_166 = arith.cmpi eq, %arg0, %eq3A_165 : i32
    %convert_element_type3A_167 = arith.extui %eq3A_166 : i1 to i32
    %cond3A_168 = arith.constant 0 : i32
    %cond3A_169 = arith.cmpi ne, %convert_element_type3A_167, %cond3A_168 : i32
    scf.if %cond3A_169 {
      %dma_start3A_589 = arith.constant 1 : i32
      %dma_start3A_590 = arith.constant 1 : i32
      %dma_start3A_591 = arith.constant 1 : i32
      %dma_start3A_592 = arith.constant 0 : i32
      %dma_start3A_593 = arith.constant 0 : i32
      %dma_start3A_594 = tpu.memref_slice %arg11[%dma_start3A_591, %dma_start3A_592, %dma_start3A_593] : memref<3x80x144xf32, #tpu.memory_space<vmem>> -> memref<1x80x144xf32, #tpu.memory_space<vmem>>
      %dma_start3A_595 = tpu.memref_squeeze %dma_start3A_594 : memref<1x80x144xf32, #tpu.memory_space<vmem>> -> memref<80x144xf32, #tpu.memory_space<vmem>>
      %dma_start3A_596 = arith.constant 0 : i32
      %dma_start3A_597 = tpu.memref_slice %arg8[%dma_start3A_590, %dma_start3A_596] : memref<3x80xi32, #tpu.memory_space<vmem>> -> memref<1x80xi32, #tpu.memory_space<vmem>>
      %dma_start3A_598 = tpu.memref_squeeze %dma_start3A_597 : memref<1x80xi32, #tpu.memory_space<vmem>> -> memref<80xi32, #tpu.memory_space<vmem>>
      %dma_start3A_599 = arith.constant 0 : i32
      %dma_start3A_600 = arith.constant 0 : i32
      %dma_start3A_601 = tpu.memref_slice %arg4[%dma_start3A_589, %dma_start3A_599, %dma_start3A_600] : memref<2x10000x144xf32, #tpu.memory_space<hbm>> -> memref<1x10000x144xf32, #tpu.memory_space<hbm>>
      %dma_start3A_602 = tpu.memref_squeeze %dma_start3A_601 : memref<1x10000x144xf32, #tpu.memory_space<hbm>> -> memref<10000x144xf32, #tpu.memory_space<hbm>>
      %dma_start3A_603 = arith.constant 0 : i32
      %dma_start3A_604 = arith.constant 0 : i32
      %dma_start3A_605 = tpu.memref_slice %dma_start3A_602[%dma_start3A_603, %dma_start3A_604] : memref<10000x144xf32, #tpu.memory_space<hbm>> -> memref<10000x144xf32, #tpu.memory_space<hbm>>
      tpu.enqueue_indirect_dma source(%dma_start3A_605 : memref<10000x144xf32, #tpu.memory_space<hbm>>) target(%dma_start3A_595 : memref<80x144xf32, #tpu.memory_space<vmem>>) offsets(%dma_start3A_598 : memref<80xi32, #tpu.memory_space<vmem>>) semaphore(%arg15 : memref<!tpu.dma_semaphore, #tpu.memory_space<semaphore_mem>>)
      %dma_start3A_606 = arith.constant 1 : i32
      %dma_start3A_607 = arith.constant 1 : i32
      %dma_start3A_608 = arith.constant 1 : i32
      %dma_start3A_609 = arith.constant 0 : i32
      %dma_start3A_610 = arith.constant 0 : i32
      %dma_start3A_611 = tpu.memref_slice %arg12[%dma_start3A_608, %dma_start3A_609, %dma_start3A_610] : memref<3x80x16xf32, #tpu.memory_space<vmem>> -> memref<1x80x16xf32, #tpu.memory_space<vmem>>
      %dma_start3A_612 = tpu.memref_squeeze %dma_start3A_611 : memref<1x80x16xf32, #tpu.memory_space<vmem>> -> memref<80x16xf32, #tpu.memory_space<vmem>>
      %dma_start3A_613 = arith.constant 0 : i32
      %dma_start3A_614 = tpu.memref_slice %arg9[%dma_start3A_607, %dma_start3A_613] : memref<3x80xi32, #tpu.memory_space<vmem>> -> memref<1x80xi32, #tpu.memory_space<vmem>>
      %dma_start3A_615 = tpu.memref_squeeze %dma_start3A_614 : memref<1x80xi32, #tpu.memory_space<vmem>> -> memref<80xi32, #tpu.memory_space<vmem>>
      %dma_start3A_616 = arith.constant 0 : i32
      %dma_start3A_617 = arith.constant 0 : i32
      %dma_start3A_618 = tpu.memref_slice %arg5[%dma_start3A_606, %dma_start3A_616, %dma_start3A_617] : memref<2x10000x16xf32, #tpu.memory_space<hbm>> -> memref<1x10000x16xf32, #tpu.memory_space<hbm>>
      %dma_start3A_619 = tpu.memref_squeeze %dma_start3A_618 : memref<1x10000x16xf32, #tpu.memory_space<hbm>> -> memref<10000x16xf32, #tpu.memory_space<hbm>>
      %dma_start3A_620 = arith.constant 0 : i32
      %dma_start3A_621 = arith.constant 0 : i32
      %dma_start3A_622 = tpu.memref_slice %dma_start3A_619[%dma_start3A_620, %dma_start3A_621] : memref<10000x16xf32, #tpu.memory_space<hbm>> -> memref<10000x16xf32, #tpu.memory_space<hbm>>
      tpu.enqueue_indirect_dma source(%dma_start3A_622 : memref<10000x16xf32, #tpu.memory_space<hbm>>) target(%dma_start3A_612 : memref<80x16xf32, #tpu.memory_space<vmem>>) offsets(%dma_start3A_615 : memref<80xi32, #tpu.memory_space<vmem>>) semaphore(%arg15 : memref<!tpu.dma_semaphore, #tpu.memory_space<semaphore_mem>>)
    } else {
    }
    %dma_wait3A_170 = arith.constant 0 : i32
    %dma_wait3A_171 = arith.constant 0 : i32
    %dma_wait3A_172 = arith.constant 0 : i32
    %dma_wait3A_173 = arith.constant 0 : i32
    %dma_wait3A_174 = arith.constant 0 : i32
    %dma_wait3A_175 = tpu.memref_slice %arg11[%dma_wait3A_172, %dma_wait3A_173, %dma_wait3A_174] : memref<3x80x144xf32, #tpu.memory_space<vmem>> -> memref<1x80x144xf32, #tpu.memory_space<vmem>>
    %dma_wait3A_176 = tpu.memref_squeeze %dma_wait3A_175 : memref<1x80x144xf32, #tpu.memory_space<vmem>> -> memref<80x144xf32, #tpu.memory_space<vmem>>
    %dma_wait3A_177 = arith.constant 0 : i32
    %dma_wait3A_178 = tpu.memref_slice %arg8[%dma_wait3A_171, %dma_wait3A_177] : memref<3x80xi32, #tpu.memory_space<vmem>> -> memref<1x80xi32, #tpu.memory_space<vmem>>
    %dma_wait3A_179 = tpu.memref_squeeze %dma_wait3A_178 : memref<1x80xi32, #tpu.memory_space<vmem>> -> memref<80xi32, #tpu.memory_space<vmem>>
    %dma_wait3A_180 = arith.constant 0 : i32
    %dma_wait3A_181 = arith.constant 0 : i32
    %dma_wait3A_182 = tpu.memref_slice %arg4[%dma_wait3A_170, %dma_wait3A_180, %dma_wait3A_181] : memref<2x10000x144xf32, #tpu.memory_space<hbm>> -> memref<1x10000x144xf32, #tpu.memory_space<hbm>>
    %dma_wait3A_183 = tpu.memref_squeeze %dma_wait3A_182 : memref<1x10000x144xf32, #tpu.memory_space<hbm>> -> memref<10000x144xf32, #tpu.memory_space<hbm>>
    %dma_wait3A_184 = arith.constant 0 : i32
    %dma_wait3A_185 = arith.constant 0 : i32
    %dma_wait3A_186 = tpu.memref_slice %dma_wait3A_183[%dma_wait3A_184, %dma_wait3A_185] : memref<10000x144xf32, #tpu.memory_space<hbm>> -> memref<10000x144xf32, #tpu.memory_space<hbm>>
    tpu.wait_indirect_dma semaphore(%arg14 : memref<!tpu.dma_semaphore, #tpu.memory_space<semaphore_mem>>) src(%dma_wait3A_186 : memref<10000x144xf32, #tpu.memory_space<hbm>>) dst(%dma_wait3A_176 : memref<80x144xf32, #tpu.memory_space<vmem>>)
    %dma_wait3A_187 = arith.constant 0 : i32
    %dma_wait3A_188 = arith.constant 0 : i32
    %dma_wait3A_189 = arith.constant 0 : i32
    %dma_wait3A_190 = arith.constant 0 : i32
    %dma_wait3A_191 = arith.constant 0 : i32
    %dma_wait3A_192 = tpu.memref_slice %arg12[%dma_wait3A_189, %dma_wait3A_190, %dma_wait3A_191] : memref<3x80x16xf32, #tpu.memory_space<vmem>> -> memref<1x80x16xf32, #tpu.memory_space<vmem>>
    %dma_wait3A_193 = tpu.memref_squeeze %dma_wait3A_192 : memref<1x80x16xf32, #tpu.memory_space<vmem>> -> memref<80x16xf32, #tpu.memory_space<vmem>>
    %dma_wait3A_194 = arith.constant 0 : i32
    %dma_wait3A_195 = tpu.memref_slice %arg9[%dma_wait3A_188, %dma_wait3A_194] : memref<3x80xi32, #tpu.memory_space<vmem>> -> memref<1x80xi32, #tpu.memory_space<vmem>>
    %dma_wait3A_196 = tpu.memref_squeeze %dma_wait3A_195 : memref<1x80xi32, #tpu.memory_space<vmem>> -> memref<80xi32, #tpu.memory_space<vmem>>
    %dma_wait3A_197 = arith.constant 0 : i32
    %dma_wait3A_198 = arith.constant 0 : i32
    %dma_wait3A_199 = tpu.memref_slice %arg5[%dma_wait3A_187, %dma_wait3A_197, %dma_wait3A_198] : memref<2x10000x16xf32, #tpu.memory_space<hbm>> -> memref<1x10000x16xf32, #tpu.memory_space<hbm>>
    %dma_wait3A_200 = tpu.memref_squeeze %dma_wait3A_199 : memref<1x10000x16xf32, #tpu.memory_space<hbm>> -> memref<10000x16xf32, #tpu.memory_space<hbm>>
    %dma_wait3A_201 = arith.constant 0 : i32
    %dma_wait3A_202 = arith.constant 0 : i32
    %dma_wait3A_203 = tpu.memref_slice %dma_wait3A_200[%dma_wait3A_201, %dma_wait3A_202] : memref<10000x16xf32, #tpu.memory_space<hbm>> -> memref<10000x16xf32, #tpu.memory_space<hbm>>
    tpu.wait_indirect_dma semaphore(%arg14 : memref<!tpu.dma_semaphore, #tpu.memory_space<semaphore_mem>>) src(%dma_wait3A_203 : memref<10000x16xf32, #tpu.memory_space<hbm>>) dst(%dma_wait3A_193 : memref<80x16xf32, #tpu.memory_space<vmem>>)
    %parallel_loop3A = arith.constant 0 : i32
    %parallel_loop3A_204 = arith.constant 5 : i32
    %parallel_loop3A_205 = arith.constant 1 : i32
    scf.for %parallel_loop3A_589 = %parallel_loop3A to %parallel_loop3A_204 step %parallel_loop3A_205  : i32 {
      %parallel_loop3A_590 = arith.constant 16 : i32
      %parallel_loop3A_591 = arith.muli %parallel_loop3A_589, %parallel_loop3A_590 : i32
      %parallel_loop3A_592 = arith.constant 0 : i32
      %parallel_loop3A_593 = arith.index_cast %parallel_loop3A_592 : i32 to index
      %parallel_loop3A_594 = arith.index_cast %parallel_loop3A_591 : i32 to index
      %parallel_loop3A_595 = tpu.vector_load %arg9[%parallel_loop3A_593, %parallel_loop3A_594] {strides = array<i32>} : memref<3x80xi32, #tpu.memory_space<vmem>>, vector<16xi32>,
      %parallel_loop3A_596 = arith.constant 16 : i32
      %parallel_loop3A_597 = arith.muli %parallel_loop3A_589, %parallel_loop3A_596 : i32
      %parallel_loop3A_598 = arith.constant 0 : i32
      %parallel_loop3A_599 = arith.index_cast %parallel_loop3A_598 : i32 to index
      %parallel_loop3A_600 = arith.index_cast %parallel_loop3A_597 : i32 to index
      %parallel_loop3A_601 = tpu.vector_load %arg10[%parallel_loop3A_599, %parallel_loop3A_600] {strides = array<i32>} : memref<3x80xi32, #tpu.memory_space<vmem>>, vector<16xi32>,
      tpu.vector_store %arg10[%parallel_loop3A_599, %parallel_loop3A_600], %parallel_loop3A_595 {strides = array<i32>} : memref<3x80xi32, #tpu.memory_space<vmem>>, vector<16xi32>,
    } {sc.loop_unroll_factor = 5 : i64, sc.parallel_access}
    %parallel_loop3A_206 = arith.constant 0 : i32
    %parallel_loop3A_207 = arith.constant 80 : i32
    %parallel_loop3A_208 = arith.constant 1 : i32
    scf.for %parallel_loop3A_589 = %parallel_loop3A_206 to %parallel_loop3A_207 step %parallel_loop3A_208  : i32 {
      %parallel_loop3A_590 = arith.constant 0 : i32
      %parallel_loop3A_591 = arith.index_cast %parallel_loop3A_590 : i32 to index
      %parallel_loop3A_592 = arith.index_cast %parallel_loop3A_589 : i32 to index
      %parallel_loop3A_593 = arith.constant 128 : index
      %parallel_loop3A_594 = tpu.vector_load %arg11[%parallel_loop3A_591, %parallel_loop3A_592, %parallel_loop3A_593] {strides = array<i32>} : memref<3x80x144xf32, #tpu.memory_space<vmem>>, vector<16xf32>,
      %parallel_loop3A_595 = arith.constant 0 : i32
      %parallel_loop3A_596 = arith.index_cast %parallel_loop3A_595 : i32 to index
      %parallel_loop3A_597 = arith.index_cast %parallel_loop3A_589 : i32 to index
      %parallel_loop3A_598 = arith.constant 0 : index
      %parallel_loop3A_599 = tpu.vector_load %arg12[%parallel_loop3A_596, %parallel_loop3A_597, %parallel_loop3A_598] {strides = array<i32>} : memref<3x80x16xf32, #tpu.memory_space<vmem>>, vector<16xf32>,
      %parallel_loop3A_600 = arith.addf %parallel_loop3A_594, %parallel_loop3A_599 : vector<16xf32>
      %parallel_loop3A_601 = arith.constant 0.000000e+00 : f32
      %parallel_loop3A_602 = vector.broadcast %parallel_loop3A_601 : f32 to vector<16xf32>
      %parallel_loop3A_603 = arith.cmpf oge, %parallel_loop3A_600, %parallel_loop3A_602 : vector<16xf32>
      %parallel_loop3A_604 = arith.constant 2.000000e-01 : f32
      %parallel_loop3A_605 = vector.broadcast %parallel_loop3A_604 : f32 to vector<16xf32>
      %parallel_loop3A_606 = arith.mulf %parallel_loop3A_605, %parallel_loop3A_600 : vector<16xf32>
      %parallel_loop3A_607 = arith.select %parallel_loop3A_603, %parallel_loop3A_600, %parallel_loop3A_606 : vector<16xi1>, vector<16xf32>
      %parallel_loop3A_608 = math.exp %parallel_loop3A_607 : vector<16xf32>
      %parallel_loop3A_609 = arith.constant 0 : i32
      %parallel_loop3A_610 = arith.index_cast %parallel_loop3A_609 : i32 to index
      %parallel_loop3A_611 = arith.index_cast %parallel_loop3A_589 : i32 to index
      %parallel_loop3A_612 = arith.constant 128 : index
      %parallel_loop3A_613 = tpu.vector_load %arg11[%parallel_loop3A_610, %parallel_loop3A_611, %parallel_loop3A_612] {strides = array<i32>} : memref<3x80x144xf32, #tpu.memory_space<vmem>>, vector<16xf32>,
      tpu.vector_store %arg11[%parallel_loop3A_610, %parallel_loop3A_611, %parallel_loop3A_612], %parallel_loop3A_608 {strides = array<i32>} : memref<3x80x144xf32, #tpu.memory_space<vmem>>, vector<16xf32>,
    } {sc.loop_unroll_factor = 4 : i64, sc.parallel_access}
    %dma_wait3A_209 = arith.constant 0 : i32
    %dma_wait3A_210 = arith.constant 2 : i32
    %dma_wait3A_211 = arith.constant 0 : i32
    %dma_wait3A_212 = tpu.memref_slice %arg8[%dma_wait3A_210, %dma_wait3A_211] : memref<3x80xi32, #tpu.memory_space<vmem>> -> memref<1x80xi32, #tpu.memory_space<vmem>>
    %dma_wait3A_213 = tpu.memref_squeeze %dma_wait3A_212 : memref<1x80xi32, #tpu.memory_space<vmem>> -> memref<80xi32, #tpu.memory_space<vmem>>
    %dma_wait3A_214 = arith.constant 0 : i32
    %dma_wait3A_215 = tpu.memref_slice %arg2[%dma_wait3A_209, %dma_wait3A_214] : memref<4000x80xi32, #tpu.memory_space<hbm>> -> memref<1x80xi32, #tpu.memory_space<hbm>>
    %dma_wait3A_216 = tpu.memref_squeeze %dma_wait3A_215 : memref<1x80xi32, #tpu.memory_space<hbm>> -> memref<80xi32, #tpu.memory_space<hbm>>
    %dma_wait3A_217 = arith.constant 0 : i32
    %dma_wait3A_218 = tpu.memref_slice %arg8[%dma_wait3A_210, %dma_wait3A_217] : memref<3x80xi32, #tpu.memory_space<vmem>> -> memref<1x80xi32, #tpu.memory_space<vmem>>
    %dma_wait3A_219 = tpu.memref_squeeze %dma_wait3A_218 : memref<1x80xi32, #tpu.memory_space<vmem>> -> memref<80xi32, #tpu.memory_space<vmem>>
    %dma_wait3A_220 = arith.constant 0 : i32
    %dma_wait3A_221 = tpu.memref_slice %arg2[%dma_wait3A_209, %dma_wait3A_220] : memref<4000x80xi32, #tpu.memory_space<hbm>> -> memref<1x80xi32, #tpu.memory_space<hbm>>
    %dma_wait3A_222 = tpu.memref_squeeze %dma_wait3A_221 : memref<1x80xi32, #tpu.memory_space<hbm>> -> memref<80xi32, #tpu.memory_space<hbm>>
    tpu.wait_dma2 semaphore(%arg22 : memref<!tpu.dma_semaphore, #tpu.memory_space<semaphore_mem>>) src(%dma_wait3A_222 : memref<80xi32, #tpu.memory_space<hbm>>) dst(%dma_wait3A_219 : memref<80xi32, #tpu.memory_space<vmem>>)
    %dma_wait3A_223 = arith.constant 0 : i32
    %dma_wait3A_224 = arith.constant 2 : i32
    %dma_wait3A_225 = arith.constant 0 : i32
    %dma_wait3A_226 = tpu.memref_slice %arg9[%dma_wait3A_224, %dma_wait3A_225] : memref<3x80xi32, #tpu.memory_space<vmem>> -> memref<1x80xi32, #tpu.memory_space<vmem>>
    %dma_wait3A_227 = tpu.memref_squeeze %dma_wait3A_226 : memref<1x80xi32, #tpu.memory_space<vmem>> -> memref<80xi32, #tpu.memory_space<vmem>>
    %dma_wait3A_228 = arith.constant 0 : i32
    %dma_wait3A_229 = tpu.memref_slice %arg3[%dma_wait3A_223, %dma_wait3A_228] : memref<4000x80xi32, #tpu.memory_space<hbm>> -> memref<1x80xi32, #tpu.memory_space<hbm>>
    %dma_wait3A_230 = tpu.memref_squeeze %dma_wait3A_229 : memref<1x80xi32, #tpu.memory_space<hbm>> -> memref<80xi32, #tpu.memory_space<hbm>>
    %dma_wait3A_231 = arith.constant 0 : i32
    %dma_wait3A_232 = tpu.memref_slice %arg9[%dma_wait3A_224, %dma_wait3A_231] : memref<3x80xi32, #tpu.memory_space<vmem>> -> memref<1x80xi32, #tpu.memory_space<vmem>>
    %dma_wait3A_233 = tpu.memref_squeeze %dma_wait3A_232 : memref<1x80xi32, #tpu.memory_space<vmem>> -> memref<80xi32, #tpu.memory_space<vmem>>
    %dma_wait3A_234 = arith.constant 0 : i32
    %dma_wait3A_235 = tpu.memref_slice %arg3[%dma_wait3A_223, %dma_wait3A_234] : memref<4000x80xi32, #tpu.memory_space<hbm>> -> memref<1x80xi32, #tpu.memory_space<hbm>>
    %dma_wait3A_236 = tpu.memref_squeeze %dma_wait3A_235 : memref<1x80xi32, #tpu.memory_space<hbm>> -> memref<80xi32, #tpu.memory_space<hbm>>
    tpu.wait_dma2 semaphore(%arg22 : memref<!tpu.dma_semaphore, #tpu.memory_space<semaphore_mem>>) src(%dma_wait3A_236 : memref<80xi32, #tpu.memory_space<hbm>>) dst(%dma_wait3A_233 : memref<80xi32, #tpu.memory_space<vmem>>)
    %eq3A_237 = arith.constant 0 : i32
    %eq3A_238 = arith.cmpi eq, %arg0, %eq3A_237 : i32
    %convert_element_type3A_239 = arith.extui %eq3A_238 : i1 to i32
    %cond3A_240 = arith.constant 0 : i32
    %cond3A_241 = arith.cmpi ne, %convert_element_type3A_239, %cond3A_240 : i32
    scf.if %cond3A_241 {
      %dma_start3A_589 = arith.constant 0 : i32
      %dma_start3A_590 = arith.constant 2 : i32
      %dma_start3A_591 = arith.constant 2 : i32
      %dma_start3A_592 = arith.constant 0 : i32
      %dma_start3A_593 = arith.constant 0 : i32
      %dma_start3A_594 = tpu.memref_slice %arg11[%dma_start3A_591, %dma_start3A_592, %dma_start3A_593] : memref<3x80x144xf32, #tpu.memory_space<vmem>> -> memref<1x80x144xf32, #tpu.memory_space<vmem>>
      %dma_start3A_595 = tpu.memref_squeeze %dma_start3A_594 : memref<1x80x144xf32, #tpu.memory_space<vmem>> -> memref<80x144xf32, #tpu.memory_space<vmem>>
      %dma_start3A_596 = arith.constant 0 : i32
      %dma_start3A_597 = tpu.memref_slice %arg8[%dma_start3A_590, %dma_start3A_596] : memref<3x80xi32, #tpu.memory_space<vmem>> -> memref<1x80xi32, #tpu.memory_space<vmem>>
      %dma_start3A_598 = tpu.memref_squeeze %dma_start3A_597 : memref<1x80xi32, #tpu.memory_space<vmem>> -> memref<80xi32, #tpu.memory_space<vmem>>
      %dma_start3A_599 = arith.constant 0 : i32
      %dma_start3A_600 = arith.constant 0 : i32
      %dma_start3A_601 = tpu.memref_slice %arg4[%dma_start3A_589, %dma_start3A_599, %dma_start3A_600] : memref<2x10000x144xf32, #tpu.memory_space<hbm>> -> memref<1x10000x144xf32, #tpu.memory_space<hbm>>
      %dma_start3A_602 = tpu.memref_squeeze %dma_start3A_601 : memref<1x10000x144xf32, #tpu.memory_space<hbm>> -> memref<10000x144xf32, #tpu.memory_space<hbm>>
      %dma_start3A_603 = arith.constant 0 : i32
      %dma_start3A_604 = arith.constant 0 : i32
      %dma_start3A_605 = tpu.memref_slice %dma_start3A_602[%dma_start3A_603, %dma_start3A_604] : memref<10000x144xf32, #tpu.memory_space<hbm>> -> memref<10000x144xf32, #tpu.memory_space<hbm>>
      tpu.enqueue_indirect_dma source(%dma_start3A_605 : memref<10000x144xf32, #tpu.memory_space<hbm>>) target(%dma_start3A_595 : memref<80x144xf32, #tpu.memory_space<vmem>>) offsets(%dma_start3A_598 : memref<80xi32, #tpu.memory_space<vmem>>) semaphore(%arg16 : memref<!tpu.dma_semaphore, #tpu.memory_space<semaphore_mem>>)
      %dma_start3A_606 = arith.constant 0 : i32
      %dma_start3A_607 = arith.constant 2 : i32
      %dma_start3A_608 = arith.constant 2 : i32
      %dma_start3A_609 = arith.constant 0 : i32
      %dma_start3A_610 = arith.constant 0 : i32
      %dma_start3A_611 = tpu.memref_slice %arg12[%dma_start3A_608, %dma_start3A_609, %dma_start3A_610] : memref<3x80x16xf32, #tpu.memory_space<vmem>> -> memref<1x80x16xf32, #tpu.memory_space<vmem>>
      %dma_start3A_612 = tpu.memref_squeeze %dma_start3A_611 : memref<1x80x16xf32, #tpu.memory_space<vmem>> -> memref<80x16xf32, #tpu.memory_space<vmem>>
      %dma_start3A_613 = arith.constant 0 : i32
      %dma_start3A_614 = tpu.memref_slice %arg9[%dma_start3A_607, %dma_start3A_613] : memref<3x80xi32, #tpu.memory_space<vmem>> -> memref<1x80xi32, #tpu.memory_space<vmem>>
      %dma_start3A_615 = tpu.memref_squeeze %dma_start3A_614 : memref<1x80xi32, #tpu.memory_space<vmem>> -> memref<80xi32, #tpu.memory_space<vmem>>
      %dma_start3A_616 = arith.constant 0 : i32
      %dma_start3A_617 = arith.constant 0 : i32
      %dma_start3A_618 = tpu.memref_slice %arg5[%dma_start3A_606, %dma_start3A_616, %dma_start3A_617] : memref<2x10000x16xf32, #tpu.memory_space<hbm>> -> memref<1x10000x16xf32, #tpu.memory_space<hbm>>
      %dma_start3A_619 = tpu.memref_squeeze %dma_start3A_618 : memref<1x10000x16xf32, #tpu.memory_space<hbm>> -> memref<10000x16xf32, #tpu.memory_space<hbm>>
      %dma_start3A_620 = arith.constant 0 : i32
      %dma_start3A_621 = arith.constant 0 : i32
      %dma_start3A_622 = tpu.memref_slice %dma_start3A_619[%dma_start3A_620, %dma_start3A_621] : memref<10000x16xf32, #tpu.memory_space<hbm>> -> memref<10000x16xf32, #tpu.memory_space<hbm>>
      tpu.enqueue_indirect_dma source(%dma_start3A_622 : memref<10000x16xf32, #tpu.memory_space<hbm>>) target(%dma_start3A_612 : memref<80x16xf32, #tpu.memory_space<vmem>>) offsets(%dma_start3A_615 : memref<80xi32, #tpu.memory_space<vmem>>) semaphore(%arg16 : memref<!tpu.dma_semaphore, #tpu.memory_space<semaphore_mem>>)
    } else {
    }
    %eq3A_242 = arith.constant 1 : i32
    %eq3A_243 = arith.cmpi eq, %arg0, %eq3A_242 : i32
    %convert_element_type3A_244 = arith.extui %eq3A_243 : i1 to i32
    %cond3A_245 = arith.constant 0 : i32
    %cond3A_246 = arith.cmpi ne, %convert_element_type3A_244, %cond3A_245 : i32
    scf.if %cond3A_246 {
      %dma_start3A_589 = arith.constant 1 : i32
      %dma_start3A_590 = arith.constant 2 : i32
      %dma_start3A_591 = arith.constant 2 : i32
      %dma_start3A_592 = arith.constant 0 : i32
      %dma_start3A_593 = arith.constant 0 : i32
      %dma_start3A_594 = tpu.memref_slice %arg11[%dma_start3A_591, %dma_start3A_592, %dma_start3A_593] : memref<3x80x144xf32, #tpu.memory_space<vmem>> -> memref<1x80x144xf32, #tpu.memory_space<vmem>>
      %dma_start3A_595 = tpu.memref_squeeze %dma_start3A_594 : memref<1x80x144xf32, #tpu.memory_space<vmem>> -> memref<80x144xf32, #tpu.memory_space<vmem>>
      %dma_start3A_596 = arith.constant 0 : i32
      %dma_start3A_597 = tpu.memref_slice %arg8[%dma_start3A_590, %dma_start3A_596] : memref<3x80xi32, #tpu.memory_space<vmem>> -> memref<1x80xi32, #tpu.memory_space<vmem>>
      %dma_start3A_598 = tpu.memref_squeeze %dma_start3A_597 : memref<1x80xi32, #tpu.memory_space<vmem>> -> memref<80xi32, #tpu.memory_space<vmem>>
      %dma_start3A_599 = arith.constant 0 : i32
      %dma_start3A_600 = arith.constant 0 : i32
      %dma_start3A_601 = tpu.memref_slice %arg4[%dma_start3A_589, %dma_start3A_599, %dma_start3A_600] : memref<2x10000x144xf32, #tpu.memory_space<hbm>> -> memref<1x10000x144xf32, #tpu.memory_space<hbm>>
      %dma_start3A_602 = tpu.memref_squeeze %dma_start3A_601 : memref<1x10000x144xf32, #tpu.memory_space<hbm>> -> memref<10000x144xf32, #tpu.memory_space<hbm>>
      %dma_start3A_603 = arith.constant 0 : i32
      %dma_start3A_604 = arith.constant 0 : i32
      %dma_start3A_605 = tpu.memref_slice %dma_start3A_602[%dma_start3A_603, %dma_start3A_604] : memref<10000x144xf32, #tpu.memory_space<hbm>> -> memref<10000x144xf32, #tpu.memory_space<hbm>>
      tpu.enqueue_indirect_dma source(%dma_start3A_605 : memref<10000x144xf32, #tpu.memory_space<hbm>>) target(%dma_start3A_595 : memref<80x144xf32, #tpu.memory_space<vmem>>) offsets(%dma_start3A_598 : memref<80xi32, #tpu.memory_space<vmem>>) semaphore(%arg16 : memref<!tpu.dma_semaphore, #tpu.memory_space<semaphore_mem>>)
      %dma_start3A_606 = arith.constant 1 : i32
      %dma_start3A_607 = arith.constant 2 : i32
      %dma_start3A_608 = arith.constant 2 : i32
      %dma_start3A_609 = arith.constant 0 : i32
      %dma_start3A_610 = arith.constant 0 : i32
      %dma_start3A_611 = tpu.memref_slice %arg12[%dma_start3A_608, %dma_start3A_609, %dma_start3A_610] : memref<3x80x16xf32, #tpu.memory_space<vmem>> -> memref<1x80x16xf32, #tpu.memory_space<vmem>>
      %dma_start3A_612 = tpu.memref_squeeze %dma_start3A_611 : memref<1x80x16xf32, #tpu.memory_space<vmem>> -> memref<80x16xf32, #tpu.memory_space<vmem>>
      %dma_start3A_613 = arith.constant 0 : i32
      %dma_start3A_614 = tpu.memref_slice %arg9[%dma_start3A_607, %dma_start3A_613] : memref<3x80xi32, #tpu.memory_space<vmem>> -> memref<1x80xi32, #tpu.memory_space<vmem>>
      %dma_start3A_615 = tpu.memref_squeeze %dma_start3A_614 : memref<1x80xi32, #tpu.memory_space<vmem>> -> memref<80xi32, #tpu.memory_space<vmem>>
      %dma_start3A_616 = arith.constant 0 : i32
      %dma_start3A_617 = arith.constant 0 : i32
      %dma_start3A_618 = tpu.memref_slice %arg5[%dma_start3A_606, %dma_start3A_616, %dma_start3A_617] : memref<2x10000x16xf32, #tpu.memory_space<hbm>> -> memref<1x10000x16xf32, #tpu.memory_space<hbm>>
      %dma_start3A_619 = tpu.memref_squeeze %dma_start3A_618 : memref<1x10000x16xf32, #tpu.memory_space<hbm>> -> memref<10000x16xf32, #tpu.memory_space<hbm>>
      %dma_start3A_620 = arith.constant 0 : i32
      %dma_start3A_621 = arith.constant 0 : i32
      %dma_start3A_622 = tpu.memref_slice %dma_start3A_619[%dma_start3A_620, %dma_start3A_621] : memref<10000x16xf32, #tpu.memory_space<hbm>> -> memref<10000x16xf32, #tpu.memory_space<hbm>>
      tpu.enqueue_indirect_dma source(%dma_start3A_622 : memref<10000x16xf32, #tpu.memory_space<hbm>>) target(%dma_start3A_612 : memref<80x16xf32, #tpu.memory_space<vmem>>) offsets(%dma_start3A_615 : memref<80xi32, #tpu.memory_space<vmem>>) semaphore(%arg16 : memref<!tpu.dma_semaphore, #tpu.memory_space<semaphore_mem>>)
    } else {
    }
    %add3A_247 = arith.constant 3 : i32
    %add3A_248 = arith.addi %mul3A_6, %add3A_247 : i32
    %dma_start3A_249 = arith.constant 0 : i32
    %dma_start3A_250 = arith.constant 0 : i32
    %dma_start3A_251 = tpu.memref_slice %arg8[%dma_start3A_249, %dma_start3A_250] : memref<3x80xi32, #tpu.memory_space<vmem>> -> memref<1x80xi32, #tpu.memory_space<vmem>>
    %dma_start3A_252 = tpu.memref_squeeze %dma_start3A_251 : memref<1x80xi32, #tpu.memory_space<vmem>> -> memref<80xi32, #tpu.memory_space<vmem>>
    %dma_start3A_253 = arith.constant 0 : i32
    %dma_start3A_254 = tpu.memref_slice %arg2[%add3A_248, %dma_start3A_253] : memref<4000x80xi32, #tpu.memory_space<hbm>> -> memref<1x80xi32, #tpu.memory_space<hbm>>
    %dma_start3A_255 = tpu.memref_squeeze %dma_start3A_254 : memref<1x80xi32, #tpu.memory_space<hbm>> -> memref<80xi32, #tpu.memory_space<hbm>>
    %dma_start3A_256 = arith.constant 0 : i32
    %dma_start3A_257 = tpu.memref_slice %arg8[%dma_start3A_249, %dma_start3A_256] : memref<3x80xi32, #tpu.memory_space<vmem>> -> memref<1x80xi32, #tpu.memory_space<vmem>>
    %dma_start3A_258 = tpu.memref_squeeze %dma_start3A_257 : memref<1x80xi32, #tpu.memory_space<vmem>> -> memref<80xi32, #tpu.memory_space<vmem>>
    %dma_start3A_259 = arith.constant 0 : i32
    %dma_start3A_260 = tpu.memref_slice %arg2[%add3A_248, %dma_start3A_259] : memref<4000x80xi32, #tpu.memory_space<hbm>> -> memref<1x80xi32, #tpu.memory_space<hbm>>
    %dma_start3A_261 = tpu.memref_squeeze %dma_start3A_260 : memref<1x80xi32, #tpu.memory_space<hbm>> -> memref<80xi32, #tpu.memory_space<hbm>>
    tpu.enqueue_dma source(%dma_start3A_261 : memref<80xi32, #tpu.memory_space<hbm>>) target(%dma_start3A_258 : memref<80xi32, #tpu.memory_space<vmem>>) target_semaphore(%arg20 : memref<!tpu.dma_semaphore, #tpu.memory_space<semaphore_mem>>)
    %add3A_262 = arith.constant 3 : i32
    %add3A_263 = arith.addi %mul3A_6, %add3A_262 : i32
    %dma_start3A_264 = arith.constant 0 : i32
    %dma_start3A_265 = arith.constant 0 : i32
    %dma_start3A_266 = tpu.memref_slice %arg9[%dma_start3A_264, %dma_start3A_265] : memref<3x80xi32, #tpu.memory_space<vmem>> -> memref<1x80xi32, #tpu.memory_space<vmem>>
    %dma_start3A_267 = tpu.memref_squeeze %dma_start3A_266 : memref<1x80xi32, #tpu.memory_space<vmem>> -> memref<80xi32, #tpu.memory_space<vmem>>
    %dma_start3A_268 = arith.constant 0 : i32
    %dma_start3A_269 = tpu.memref_slice %arg3[%add3A_263, %dma_start3A_268] : memref<4000x80xi32, #tpu.memory_space<hbm>> -> memref<1x80xi32, #tpu.memory_space<hbm>>
    %dma_start3A_270 = tpu.memref_squeeze %dma_start3A_269 : memref<1x80xi32, #tpu.memory_space<hbm>> -> memref<80xi32, #tpu.memory_space<hbm>>
    %dma_start3A_271 = arith.constant 0 : i32
    %dma_start3A_272 = tpu.memref_slice %arg9[%dma_start3A_264, %dma_start3A_271] : memref<3x80xi32, #tpu.memory_space<vmem>> -> memref<1x80xi32, #tpu.memory_space<vmem>>
    %dma_start3A_273 = tpu.memref_squeeze %dma_start3A_272 : memref<1x80xi32, #tpu.memory_space<vmem>> -> memref<80xi32, #tpu.memory_space<vmem>>
    %dma_start3A_274 = arith.constant 0 : i32
    %dma_start3A_275 = tpu.memref_slice %arg3[%add3A_263, %dma_start3A_274] : memref<4000x80xi32, #tpu.memory_space<hbm>> -> memref<1x80xi32, #tpu.memory_space<hbm>>
    %dma_start3A_276 = tpu.memref_squeeze %dma_start3A_275 : memref<1x80xi32, #tpu.memory_space<hbm>> -> memref<80xi32, #tpu.memory_space<hbm>>
    tpu.enqueue_dma source(%dma_start3A_276 : memref<80xi32, #tpu.memory_space<hbm>>) target(%dma_start3A_273 : memref<80xi32, #tpu.memory_space<vmem>>) target_semaphore(%arg20 : memref<!tpu.dma_semaphore, #tpu.memory_space<semaphore_mem>>)
    %parallel_loop3A_277 = arith.constant 0 : i32
    %parallel_loop3A_278 = arith.constant 80 : i32
    %parallel_loop3A_279 = arith.constant 1 : i32
    scf.for %parallel_loop3A_589 = %parallel_loop3A_277 to %parallel_loop3A_278 step %parallel_loop3A_279  : i32 {
      %parallel_loop3A_590 = arith.constant 0 : i32
      %parallel_loop3A_591 = arith.index_cast %parallel_loop3A_590 : i32 to index
      %parallel_loop3A_592 = arith.index_cast %parallel_loop3A_589 : i32 to index
      %parallel_loop3A_593 = arith.constant 128 : index
      %parallel_loop3A_594 = tpu.vector_load %arg11[%parallel_loop3A_591, %parallel_loop3A_592, %parallel_loop3A_593] {strides = array<i32>} : memref<3x80x144xf32, #tpu.memory_space<vmem>>, vector<16xf32>,
      %parallel_loop3A_595 = vector.extract_strided_slice %parallel_loop3A_594 {offsets = [0], sizes = [1], strides = [1]} : vector<16xf32> to vector<1xf32>
      %parallel_loop3A_596 = vector.extract %parallel_loop3A_595[0] : f32 from vector<1xf32>
      %parallel_loop3A_597 = vector.broadcast %parallel_loop3A_596 : f32 to vector<16xf32>
      %parallel_loop3A_598 = arith.constant 0 : i32
      %parallel_loop3A_599 = arith.index_cast %parallel_loop3A_598 : i32 to index
      %parallel_loop3A_600 = arith.index_cast %parallel_loop3A_589 : i32 to index
      %parallel_loop3A_601 = arith.constant 0 : index
      %parallel_loop3A_602 = tpu.vector_load %arg11[%parallel_loop3A_599, %parallel_loop3A_600, %parallel_loop3A_601] {strides = array<i32>} : memref<3x80x144xf32, #tpu.memory_space<vmem>>, vector<16xf32>,
      %parallel_loop3A_603 = arith.mulf %parallel_loop3A_602, %parallel_loop3A_597 : vector<16xf32>
      %parallel_loop3A_604 = arith.constant 0 : i32
      %parallel_loop3A_605 = arith.index_cast %parallel_loop3A_604 : i32 to index
      %parallel_loop3A_606 = arith.index_cast %parallel_loop3A_589 : i32 to index
      %parallel_loop3A_607 = arith.constant 0 : index
      %parallel_loop3A_608 = tpu.vector_load %arg11[%parallel_loop3A_605, %parallel_loop3A_606, %parallel_loop3A_607] {strides = array<i32>} : memref<3x80x144xf32, #tpu.memory_space<vmem>>, vector<16xf32>,
      tpu.vector_store %arg11[%parallel_loop3A_605, %parallel_loop3A_606, %parallel_loop3A_607], %parallel_loop3A_603 {strides = array<i32>} : memref<3x80x144xf32, #tpu.memory_space<vmem>>, vector<16xf32>,
      %parallel_loop3A_609 = arith.constant 0 : i32
      %parallel_loop3A_610 = arith.index_cast %parallel_loop3A_609 : i32 to index
      %parallel_loop3A_611 = arith.index_cast %parallel_loop3A_589 : i32 to index
      %parallel_loop3A_612 = arith.constant 16 : index
      %parallel_loop3A_613 = tpu.vector_load %arg11[%parallel_loop3A_610, %parallel_loop3A_611, %parallel_loop3A_612] {strides = array<i32>} : memref<3x80x144xf32, #tpu.memory_space<vmem>>, vector<16xf32>,
      %parallel_loop3A_614 = arith.mulf %parallel_loop3A_613, %parallel_loop3A_597 : vector<16xf32>
      %parallel_loop3A_615 = arith.constant 0 : i32
      %parallel_loop3A_616 = arith.index_cast %parallel_loop3A_615 : i32 to index
      %parallel_loop3A_617 = arith.index_cast %parallel_loop3A_589 : i32 to index
      %parallel_loop3A_618 = arith.constant 16 : index
      %parallel_loop3A_619 = tpu.vector_load %arg11[%parallel_loop3A_616, %parallel_loop3A_617, %parallel_loop3A_618] {strides = array<i32>} : memref<3x80x144xf32, #tpu.memory_space<vmem>>, vector<16xf32>,
      tpu.vector_store %arg11[%parallel_loop3A_616, %parallel_loop3A_617, %parallel_loop3A_618], %parallel_loop3A_614 {strides = array<i32>} : memref<3x80x144xf32, #tpu.memory_space<vmem>>, vector<16xf32>,
      %parallel_loop3A_620 = vector.extract_strided_slice %parallel_loop3A_594 {offsets = [1], sizes = [1], strides = [1]} : vector<16xf32> to vector<1xf32>
      %parallel_loop3A_621 = vector.extract %parallel_loop3A_620[0] : f32 from vector<1xf32>
      %parallel_loop3A_622 = vector.broadcast %parallel_loop3A_621 : f32 to vector<16xf32>
      %parallel_loop3A_623 = arith.constant 0 : i32
      %parallel_loop3A_624 = arith.index_cast %parallel_loop3A_623 : i32 to index
      %parallel_loop3A_625 = arith.index_cast %parallel_loop3A_589 : i32 to index
      %parallel_loop3A_626 = arith.constant 32 : index
      %parallel_loop3A_627 = tpu.vector_load %arg11[%parallel_loop3A_624, %parallel_loop3A_625, %parallel_loop3A_626] {strides = array<i32>} : memref<3x80x144xf32, #tpu.memory_space<vmem>>, vector<16xf32>,
      %parallel_loop3A_628 = arith.mulf %parallel_loop3A_627, %parallel_loop3A_622 : vector<16xf32>
      %parallel_loop3A_629 = arith.constant 0 : i32
      %parallel_loop3A_630 = arith.index_cast %parallel_loop3A_629 : i32 to index
      %parallel_loop3A_631 = arith.index_cast %parallel_loop3A_589 : i32 to index
      %parallel_loop3A_632 = arith.constant 32 : index
      %parallel_loop3A_633 = tpu.vector_load %arg11[%parallel_loop3A_630, %parallel_loop3A_631, %parallel_loop3A_632] {strides = array<i32>} : memref<3x80x144xf32, #tpu.memory_space<vmem>>, vector<16xf32>,
      tpu.vector_store %arg11[%parallel_loop3A_630, %parallel_loop3A_631, %parallel_loop3A_632], %parallel_loop3A_628 {strides = array<i32>} : memref<3x80x144xf32, #tpu.memory_space<vmem>>, vector<16xf32>,
      %parallel_loop3A_634 = arith.constant 0 : i32
      %parallel_loop3A_635 = arith.index_cast %parallel_loop3A_634 : i32 to index
      %parallel_loop3A_636 = arith.index_cast %parallel_loop3A_589 : i32 to index
      %parallel_loop3A_637 = arith.constant 48 : index
      %parallel_loop3A_638 = tpu.vector_load %arg11[%parallel_loop3A_635, %parallel_loop3A_636, %parallel_loop3A_637] {strides = array<i32>} : memref<3x80x144xf32, #tpu.memory_space<vmem>>, vector<16xf32>,
      %parallel_loop3A_639 = arith.mulf %parallel_loop3A_638, %parallel_loop3A_622 : vector<16xf32>
      %parallel_loop3A_640 = arith.constant 0 : i32
      %parallel_loop3A_641 = arith.index_cast %parallel_loop3A_640 : i32 to index
      %parallel_loop3A_642 = arith.index_cast %parallel_loop3A_589 : i32 to index
      %parallel_loop3A_643 = arith.constant 48 : index
      %parallel_loop3A_644 = tpu.vector_load %arg11[%parallel_loop3A_641, %parallel_loop3A_642, %parallel_loop3A_643] {strides = array<i32>} : memref<3x80x144xf32, #tpu.memory_space<vmem>>, vector<16xf32>,
      tpu.vector_store %arg11[%parallel_loop3A_641, %parallel_loop3A_642, %parallel_loop3A_643], %parallel_loop3A_639 {strides = array<i32>} : memref<3x80x144xf32, #tpu.memory_space<vmem>>, vector<16xf32>,
      %parallel_loop3A_645 = vector.extract_strided_slice %parallel_loop3A_594 {offsets = [2], sizes = [1], strides = [1]} : vector<16xf32> to vector<1xf32>
      %parallel_loop3A_646 = vector.extract %parallel_loop3A_645[0] : f32 from vector<1xf32>
      %parallel_loop3A_647 = vector.broadcast %parallel_loop3A_646 : f32 to vector<16xf32>
      %parallel_loop3A_648 = arith.constant 0 : i32
      %parallel_loop3A_649 = arith.index_cast %parallel_loop3A_648 : i32 to index
      %parallel_loop3A_650 = arith.index_cast %parallel_loop3A_589 : i32 to index
      %parallel_loop3A_651 = arith.constant 64 : index
      %parallel_loop3A_652 = tpu.vector_load %arg11[%parallel_loop3A_649, %parallel_loop3A_650, %parallel_loop3A_651] {strides = array<i32>} : memref<3x80x144xf32, #tpu.memory_space<vmem>>, vector<16xf32>,
      %parallel_loop3A_653 = arith.mulf %parallel_loop3A_652, %parallel_loop3A_647 : vector<16xf32>
      %parallel_loop3A_654 = arith.constant 0 : i32
      %parallel_loop3A_655 = arith.index_cast %parallel_loop3A_654 : i32 to index
      %parallel_loop3A_656 = arith.index_cast %parallel_loop3A_589 : i32 to index
      %parallel_loop3A_657 = arith.constant 64 : index
      %parallel_loop3A_658 = tpu.vector_load %arg11[%parallel_loop3A_655, %parallel_loop3A_656, %parallel_loop3A_657] {strides = array<i32>} : memref<3x80x144xf32, #tpu.memory_space<vmem>>, vector<16xf32>,
      tpu.vector_store %arg11[%parallel_loop3A_655, %parallel_loop3A_656, %parallel_loop3A_657], %parallel_loop3A_653 {strides = array<i32>} : memref<3x80x144xf32, #tpu.memory_space<vmem>>, vector<16xf32>,
      %parallel_loop3A_659 = arith.constant 0 : i32
      %parallel_loop3A_660 = arith.index_cast %parallel_loop3A_659 : i32 to index
      %parallel_loop3A_661 = arith.index_cast %parallel_loop3A_589 : i32 to index
      %parallel_loop3A_662 = arith.constant 80 : index
      %parallel_loop3A_663 = tpu.vector_load %arg11[%parallel_loop3A_660, %parallel_loop3A_661, %parallel_loop3A_662] {strides = array<i32>} : memref<3x80x144xf32, #tpu.memory_space<vmem>>, vector<16xf32>,
      %parallel_loop3A_664 = arith.mulf %parallel_loop3A_663, %parallel_loop3A_647 : vector<16xf32>
      %parallel_loop3A_665 = arith.constant 0 : i32
      %parallel_loop3A_666 = arith.index_cast %parallel_loop3A_665 : i32 to index
      %parallel_loop3A_667 = arith.index_cast %parallel_loop3A_589 : i32 to index
      %parallel_loop3A_668 = arith.constant 80 : index
      %parallel_loop3A_669 = tpu.vector_load %arg11[%parallel_loop3A_666, %parallel_loop3A_667, %parallel_loop3A_668] {strides = array<i32>} : memref<3x80x144xf32, #tpu.memory_space<vmem>>, vector<16xf32>,
      tpu.vector_store %arg11[%parallel_loop3A_666, %parallel_loop3A_667, %parallel_loop3A_668], %parallel_loop3A_664 {strides = array<i32>} : memref<3x80x144xf32, #tpu.memory_space<vmem>>, vector<16xf32>,
      %parallel_loop3A_670 = vector.extract_strided_slice %parallel_loop3A_594 {offsets = [3], sizes = [1], strides = [1]} : vector<16xf32> to vector<1xf32>
      %parallel_loop3A_671 = vector.extract %parallel_loop3A_670[0] : f32 from vector<1xf32>
      %parallel_loop3A_672 = vector.broadcast %parallel_loop3A_671 : f32 to vector<16xf32>
      %parallel_loop3A_673 = arith.constant 0 : i32
      %parallel_loop3A_674 = arith.index_cast %parallel_loop3A_673 : i32 to index
      %parallel_loop3A_675 = arith.index_cast %parallel_loop3A_589 : i32 to index
      %parallel_loop3A_676 = arith.constant 96 : index
      %parallel_loop3A_677 = tpu.vector_load %arg11[%parallel_loop3A_674, %parallel_loop3A_675, %parallel_loop3A_676] {strides = array<i32>} : memref<3x80x144xf32, #tpu.memory_space<vmem>>, vector<16xf32>,
      %parallel_loop3A_678 = arith.mulf %parallel_loop3A_677, %parallel_loop3A_672 : vector<16xf32>
      %parallel_loop3A_679 = arith.constant 0 : i32
      %parallel_loop3A_680 = arith.index_cast %parallel_loop3A_679 : i32 to index
      %parallel_loop3A_681 = arith.index_cast %parallel_loop3A_589 : i32 to index
      %parallel_loop3A_682 = arith.constant 96 : index
      %parallel_loop3A_683 = tpu.vector_load %arg11[%parallel_loop3A_680, %parallel_loop3A_681, %parallel_loop3A_682] {strides = array<i32>} : memref<3x80x144xf32, #tpu.memory_space<vmem>>, vector<16xf32>,
      tpu.vector_store %arg11[%parallel_loop3A_680, %parallel_loop3A_681, %parallel_loop3A_682], %parallel_loop3A_678 {strides = array<i32>} : memref<3x80x144xf32, #tpu.memory_space<vmem>>, vector<16xf32>,
      %parallel_loop3A_684 = arith.constant 0 : i32
      %parallel_loop3A_685 = arith.index_cast %parallel_loop3A_684 : i32 to index
      %parallel_loop3A_686 = arith.index_cast %parallel_loop3A_589 : i32 to index
      %parallel_loop3A_687 = arith.constant 112 : index
      %parallel_loop3A_688 = tpu.vector_load %arg11[%parallel_loop3A_685, %parallel_loop3A_686, %parallel_loop3A_687] {strides = array<i32>} : memref<3x80x144xf32, #tpu.memory_space<vmem>>, vector<16xf32>,
      %parallel_loop3A_689 = arith.mulf %parallel_loop3A_688, %parallel_loop3A_672 : vector<16xf32>
      %parallel_loop3A_690 = arith.constant 0 : i32
      %parallel_loop3A_691 = arith.index_cast %parallel_loop3A_690 : i32 to index
      %parallel_loop3A_692 = arith.index_cast %parallel_loop3A_589 : i32 to index
      %parallel_loop3A_693 = arith.constant 112 : index
      %parallel_loop3A_694 = tpu.vector_load %arg11[%parallel_loop3A_691, %parallel_loop3A_692, %parallel_loop3A_693] {strides = array<i32>} : memref<3x80x144xf32, #tpu.memory_space<vmem>>, vector<16xf32>,
      tpu.vector_store %arg11[%parallel_loop3A_691, %parallel_loop3A_692, %parallel_loop3A_693], %parallel_loop3A_689 {strides = array<i32>} : memref<3x80x144xf32, #tpu.memory_space<vmem>>, vector<16xf32>,
    } {sc.loop_unroll_factor = 2 : i64, sc.parallel_access}
    %dma_start3A_280 = arith.constant 0 : i32
    %dma_start3A_281 = arith.constant 0 : i32
    %dma_start3A_282 = arith.constant 0 : i32
    %dma_start3A_283 = arith.constant 0 : i32
    %dma_start3A_284 = tpu.memref_slice %arg11[%dma_start3A_280, %dma_start3A_282, %dma_start3A_283] : memref<3x80x144xf32, #tpu.memory_space<vmem>> -> memref<1x80x144xf32, #tpu.memory_space<vmem>>
    %dma_start3A_285 = tpu.memref_squeeze %dma_start3A_284 : memref<1x80x144xf32, #tpu.memory_space<vmem>> -> memref<80x144xf32, #tpu.memory_space<vmem>>
    %dma_start3A_286 = arith.constant 0 : i32
    %dma_start3A_287 = tpu.memref_slice %arg10[%dma_start3A_281, %dma_start3A_286] : memref<3x80xi32, #tpu.memory_space<vmem>> -> memref<1x80xi32, #tpu.memory_space<vmem>>
    %dma_start3A_288 = tpu.memref_squeeze %dma_start3A_287 : memref<1x80xi32, #tpu.memory_space<vmem>> -> memref<80xi32, #tpu.memory_space<vmem>>
    %dma_start3A_289 = arith.constant 0 : i32
    %dma_start3A_290 = arith.constant 0 : i32
    %dma_start3A_291 = tpu.memref_slice %arg13[%dma_start3A_289, %dma_start3A_290] : memref<10000x144xf32, #tpu.memory_space<vmem_shared>> -> memref<10000x144xf32, #tpu.memory_space<vmem_shared>>
    tpu.enqueue_indirect_dma source(%dma_start3A_285 : memref<80x144xf32, #tpu.memory_space<vmem>>) target(%dma_start3A_291 : memref<10000x144xf32, #tpu.memory_space<vmem_shared>>) offsets(%dma_start3A_288 : memref<80xi32, #tpu.memory_space<vmem>>) semaphore(%arg17 : memref<!tpu.dma_semaphore, #tpu.memory_space<semaphore_mem>>) {add = true}
    %dma_wait3A_292 = arith.constant 0 : i32
    %dma_wait3A_293 = arith.constant 1 : i32
    %dma_wait3A_294 = arith.constant 1 : i32
    %dma_wait3A_295 = arith.constant 0 : i32
    %dma_wait3A_296 = arith.constant 0 : i32
    %dma_wait3A_297 = tpu.memref_slice %arg11[%dma_wait3A_294, %dma_wait3A_295, %dma_wait3A_296] : memref<3x80x144xf32, #tpu.memory_space<vmem>> -> memref<1x80x144xf32, #tpu.memory_space<vmem>>
    %dma_wait3A_298 = tpu.memref_squeeze %dma_wait3A_297 : memref<1x80x144xf32, #tpu.memory_space<vmem>> -> memref<80x144xf32, #tpu.memory_space<vmem>>
    %dma_wait3A_299 = arith.constant 0 : i32
    %dma_wait3A_300 = tpu.memref_slice %arg8[%dma_wait3A_293, %dma_wait3A_299] : memref<3x80xi32, #tpu.memory_space<vmem>> -> memref<1x80xi32, #tpu.memory_space<vmem>>
    %dma_wait3A_301 = tpu.memref_squeeze %dma_wait3A_300 : memref<1x80xi32, #tpu.memory_space<vmem>> -> memref<80xi32, #tpu.memory_space<vmem>>
    %dma_wait3A_302 = arith.constant 0 : i32
    %dma_wait3A_303 = arith.constant 0 : i32
    %dma_wait3A_304 = tpu.memref_slice %arg4[%dma_wait3A_292, %dma_wait3A_302, %dma_wait3A_303] : memref<2x10000x144xf32, #tpu.memory_space<hbm>> -> memref<1x10000x144xf32, #tpu.memory_space<hbm>>
    %dma_wait3A_305 = tpu.memref_squeeze %dma_wait3A_304 : memref<1x10000x144xf32, #tpu.memory_space<hbm>> -> memref<10000x144xf32, #tpu.memory_space<hbm>>
    %dma_wait3A_306 = arith.constant 0 : i32
    %dma_wait3A_307 = arith.constant 0 : i32
    %dma_wait3A_308 = tpu.memref_slice %dma_wait3A_305[%dma_wait3A_306, %dma_wait3A_307] : memref<10000x144xf32, #tpu.memory_space<hbm>> -> memref<10000x144xf32, #tpu.memory_space<hbm>>
    tpu.wait_indirect_dma semaphore(%arg15 : memref<!tpu.dma_semaphore, #tpu.memory_space<semaphore_mem>>) src(%dma_wait3A_308 : memref<10000x144xf32, #tpu.memory_space<hbm>>) dst(%dma_wait3A_298 : memref<80x144xf32, #tpu.memory_space<vmem>>)
    %dma_wait3A_309 = arith.constant 0 : i32
    %dma_wait3A_310 = arith.constant 1 : i32
    %dma_wait3A_311 = arith.constant 1 : i32
    %dma_wait3A_312 = arith.constant 0 : i32
    %dma_wait3A_313 = arith.constant 0 : i32
    %dma_wait3A_314 = tpu.memref_slice %arg12[%dma_wait3A_311, %dma_wait3A_312, %dma_wait3A_313] : memref<3x80x16xf32, #tpu.memory_space<vmem>> -> memref<1x80x16xf32, #tpu.memory_space<vmem>>
    %dma_wait3A_315 = tpu.memref_squeeze %dma_wait3A_314 : memref<1x80x16xf32, #tpu.memory_space<vmem>> -> memref<80x16xf32, #tpu.memory_space<vmem>>
    %dma_wait3A_316 = arith.constant 0 : i32
    %dma_wait3A_317 = tpu.memref_slice %arg9[%dma_wait3A_310, %dma_wait3A_316] : memref<3x80xi32, #tpu.memory_space<vmem>> -> memref<1x80xi32, #tpu.memory_space<vmem>>
    %dma_wait3A_318 = tpu.memref_squeeze %dma_wait3A_317 : memref<1x80xi32, #tpu.memory_space<vmem>> -> memref<80xi32, #tpu.memory_space<vmem>>
    %dma_wait3A_319 = arith.constant 0 : i32
    %dma_wait3A_320 = arith.constant 0 : i32
    %dma_wait3A_321 = tpu.memref_slice %arg5[%dma_wait3A_309, %dma_wait3A_319, %dma_wait3A_320] : memref<2x10000x16xf32, #tpu.memory_space<hbm>> -> memref<1x10000x16xf32, #tpu.memory_space<hbm>>
    %dma_wait3A_322 = tpu.memref_squeeze %dma_wait3A_321 : memref<1x10000x16xf32, #tpu.memory_space<hbm>> -> memref<10000x16xf32, #tpu.memory_space<hbm>>
    %dma_wait3A_323 = arith.constant 0 : i32
    %dma_wait3A_324 = arith.constant 0 : i32
    %dma_wait3A_325 = tpu.memref_slice %dma_wait3A_322[%dma_wait3A_323, %dma_wait3A_324] : memref<10000x16xf32, #tpu.memory_space<hbm>> -> memref<10000x16xf32, #tpu.memory_space<hbm>>
    tpu.wait_indirect_dma semaphore(%arg15 : memref<!tpu.dma_semaphore, #tpu.memory_space<semaphore_mem>>) src(%dma_wait3A_325 : memref<10000x16xf32, #tpu.memory_space<hbm>>) dst(%dma_wait3A_315 : memref<80x16xf32, #tpu.memory_space<vmem>>)
    %parallel_loop3A_326 = arith.constant 0 : i32
    %parallel_loop3A_327 = arith.constant 5 : i32
    %parallel_loop3A_328 = arith.constant 1 : i32
    scf.for %parallel_loop3A_589 = %parallel_loop3A_326 to %parallel_loop3A_327 step %parallel_loop3A_328  : i32 {
      %parallel_loop3A_590 = arith.constant 16 : i32
      %parallel_loop3A_591 = arith.muli %parallel_loop3A_589, %parallel_loop3A_590 : i32
      %parallel_loop3A_592 = arith.constant 1 : i32
      %parallel_loop3A_593 = arith.index_cast %parallel_loop3A_592 : i32 to index
      %parallel_loop3A_594 = arith.index_cast %parallel_loop3A_591 : i32 to index
      %parallel_loop3A_595 = tpu.vector_load %arg9[%parallel_loop3A_593, %parallel_loop3A_594] {strides = array<i32>} : memref<3x80xi32, #tpu.memory_space<vmem>>, vector<16xi32>,
      %parallel_loop3A_596 = arith.constant 16 : i32
      %parallel_loop3A_597 = arith.muli %parallel_loop3A_589, %parallel_loop3A_596 : i32
      %parallel_loop3A_598 = arith.constant 1 : i32
      %parallel_loop3A_599 = arith.index_cast %parallel_loop3A_598 : i32 to index
      %parallel_loop3A_600 = arith.index_cast %parallel_loop3A_597 : i32 to index
      %parallel_loop3A_601 = tpu.vector_load %arg10[%parallel_loop3A_599, %parallel_loop3A_600] {strides = array<i32>} : memref<3x80xi32, #tpu.memory_space<vmem>>, vector<16xi32>,
      tpu.vector_store %arg10[%parallel_loop3A_599, %parallel_loop3A_600], %parallel_loop3A_595 {strides = array<i32>} : memref<3x80xi32, #tpu.memory_space<vmem>>, vector<16xi32>,
    } {sc.loop_unroll_factor = 5 : i64, sc.parallel_access}
    %parallel_loop3A_329 = arith.constant 0 : i32
    %parallel_loop3A_330 = arith.constant 80 : i32
    %parallel_loop3A_331 = arith.constant 1 : i32
    scf.for %parallel_loop3A_589 = %parallel_loop3A_329 to %parallel_loop3A_330 step %parallel_loop3A_331  : i32 {
      %parallel_loop3A_590 = arith.constant 1 : i32
      %parallel_loop3A_591 = arith.index_cast %parallel_loop3A_590 : i32 to index
      %parallel_loop3A_592 = arith.index_cast %parallel_loop3A_589 : i32 to index
      %parallel_loop3A_593 = arith.constant 128 : index
      %parallel_loop3A_594 = tpu.vector_load %arg11[%parallel_loop3A_591, %parallel_loop3A_592, %parallel_loop3A_593] {strides = array<i32>} : memref<3x80x144xf32, #tpu.memory_space<vmem>>, vector<16xf32>,
      %parallel_loop3A_595 = arith.constant 1 : i32
      %parallel_loop3A_596 = arith.index_cast %parallel_loop3A_595 : i32 to index
      %parallel_loop3A_597 = arith.index_cast %parallel_loop3A_589 : i32 to index
      %parallel_loop3A_598 = arith.constant 0 : index
      %parallel_loop3A_599 = tpu.vector_load %arg12[%parallel_loop3A_596, %parallel_loop3A_597, %parallel_loop3A_598] {strides = array<i32>} : memref<3x80x16xf32, #tpu.memory_space<vmem>>, vector<16xf32>,
      %parallel_loop3A_600 = arith.addf %parallel_loop3A_594, %parallel_loop3A_599 : vector<16xf32>
      %parallel_loop3A_601 = arith.constant 0.000000e+00 : f32
      %parallel_loop3A_602 = vector.broadcast %parallel_loop3A_601 : f32 to vector<16xf32>
      %parallel_loop3A_603 = arith.cmpf oge, %parallel_loop3A_600, %parallel_loop3A_602 : vector<16xf32>
      %parallel_loop3A_604 = arith.constant 2.000000e-01 : f32
      %parallel_loop3A_605 = vector.broadcast %parallel_loop3A_604 : f32 to vector<16xf32>
      %parallel_loop3A_606 = arith.mulf %parallel_loop3A_605, %parallel_loop3A_600 : vector<16xf32>
      %parallel_loop3A_607 = arith.select %parallel_loop3A_603, %parallel_loop3A_600, %parallel_loop3A_606 : vector<16xi1>, vector<16xf32>
      %parallel_loop3A_608 = math.exp %parallel_loop3A_607 : vector<16xf32>
      %parallel_loop3A_609 = arith.constant 1 : i32
      %parallel_loop3A_610 = arith.index_cast %parallel_loop3A_609 : i32 to index
      %parallel_loop3A_611 = arith.index_cast %parallel_loop3A_589 : i32 to index
      %parallel_loop3A_612 = arith.constant 128 : index
      %parallel_loop3A_613 = tpu.vector_load %arg11[%parallel_loop3A_610, %parallel_loop3A_611, %parallel_loop3A_612] {strides = array<i32>} : memref<3x80x144xf32, #tpu.memory_space<vmem>>, vector<16xf32>,
      tpu.vector_store %arg11[%parallel_loop3A_610, %parallel_loop3A_611, %parallel_loop3A_612], %parallel_loop3A_608 {strides = array<i32>} : memref<3x80x144xf32, #tpu.memory_space<vmem>>, vector<16xf32>,
    } {sc.loop_unroll_factor = 4 : i64, sc.parallel_access}
    %dma_wait3A_332 = arith.constant 0 : i32
    %dma_wait3A_333 = arith.constant 0 : i32
    %dma_wait3A_334 = arith.constant 0 : i32
    %dma_wait3A_335 = arith.constant 0 : i32
    %dma_wait3A_336 = tpu.memref_slice %arg11[%dma_wait3A_332, %dma_wait3A_334, %dma_wait3A_335] : memref<3x80x144xf32, #tpu.memory_space<vmem>> -> memref<1x80x144xf32, #tpu.memory_space<vmem>>
    %dma_wait3A_337 = tpu.memref_squeeze %dma_wait3A_336 : memref<1x80x144xf32, #tpu.memory_space<vmem>> -> memref<80x144xf32, #tpu.memory_space<vmem>>
    %dma_wait3A_338 = arith.constant 0 : i32
    %dma_wait3A_339 = tpu.memref_slice %arg10[%dma_wait3A_333, %dma_wait3A_338] : memref<3x80xi32, #tpu.memory_space<vmem>> -> memref<1x80xi32, #tpu.memory_space<vmem>>
    %dma_wait3A_340 = tpu.memref_squeeze %dma_wait3A_339 : memref<1x80xi32, #tpu.memory_space<vmem>> -> memref<80xi32, #tpu.memory_space<vmem>>
    %dma_wait3A_341 = arith.constant 0 : i32
    %dma_wait3A_342 = arith.constant 0 : i32
    %dma_wait3A_343 = tpu.memref_slice %arg13[%dma_wait3A_341, %dma_wait3A_342] : memref<10000x144xf32, #tpu.memory_space<vmem_shared>> -> memref<10000x144xf32, #tpu.memory_space<vmem_shared>>
    tpu.wait_indirect_dma semaphore(%arg17 : memref<!tpu.dma_semaphore, #tpu.memory_space<semaphore_mem>>) src(%dma_wait3A_337 : memref<80x144xf32, #tpu.memory_space<vmem>>) dst(%dma_wait3A_343 : memref<10000x144xf32, #tpu.memory_space<vmem_shared>>)
    %dma_wait3A_344 = arith.constant 0 : i32
    %dma_wait3A_345 = arith.constant 0 : i32
    %dma_wait3A_346 = arith.constant 0 : i32
    %dma_wait3A_347 = tpu.memref_slice %arg8[%dma_wait3A_345, %dma_wait3A_346] : memref<3x80xi32, #tpu.memory_space<vmem>> -> memref<1x80xi32, #tpu.memory_space<vmem>>
    %dma_wait3A_348 = tpu.memref_squeeze %dma_wait3A_347 : memref<1x80xi32, #tpu.memory_space<vmem>> -> memref<80xi32, #tpu.memory_space<vmem>>
    %dma_wait3A_349 = arith.constant 0 : i32
    %dma_wait3A_350 = tpu.memref_slice %arg2[%dma_wait3A_344, %dma_wait3A_349] : memref<4000x80xi32, #tpu.memory_space<hbm>> -> memref<1x80xi32, #tpu.memory_space<hbm>>
    %dma_wait3A_351 = tpu.memref_squeeze %dma_wait3A_350 : memref<1x80xi32, #tpu.memory_space<hbm>> -> memref<80xi32, #tpu.memory_space<hbm>>
    %dma_wait3A_352 = arith.constant 0 : i32
    %dma_wait3A_353 = tpu.memref_slice %arg8[%dma_wait3A_345, %dma_wait3A_352] : memref<3x80xi32, #tpu.memory_space<vmem>> -> memref<1x80xi32, #tpu.memory_space<vmem>>
    %dma_wait3A_354 = tpu.memref_squeeze %dma_wait3A_353 : memref<1x80xi32, #tpu.memory_space<vmem>> -> memref<80xi32, #tpu.memory_space<vmem>>
    %dma_wait3A_355 = arith.constant 0 : i32
    %dma_wait3A_356 = tpu.memref_slice %arg2[%dma_wait3A_344, %dma_wait3A_355] : memref<4000x80xi32, #tpu.memory_space<hbm>> -> memref<1x80xi32, #tpu.memory_space<hbm>>
    %dma_wait3A_357 = tpu.memref_squeeze %dma_wait3A_356 : memref<1x80xi32, #tpu.memory_space<hbm>> -> memref<80xi32, #tpu.memory_space<hbm>>
    tpu.wait_dma2 semaphore(%arg20 : memref<!tpu.dma_semaphore, #tpu.memory_space<semaphore_mem>>) src(%dma_wait3A_357 : memref<80xi32, #tpu.memory_space<hbm>>) dst(%dma_wait3A_354 : memref<80xi32, #tpu.memory_space<vmem>>)
    %dma_wait3A_358 = arith.constant 0 : i32
    %dma_wait3A_359 = arith.constant 0 : i32
    %dma_wait3A_360 = arith.constant 0 : i32
    %dma_wait3A_361 = tpu.memref_slice %arg9[%dma_wait3A_359, %dma_wait3A_360] : memref<3x80xi32, #tpu.memory_space<vmem>> -> memref<1x80xi32, #tpu.memory_space<vmem>>
    %dma_wait3A_362 = tpu.memref_squeeze %dma_wait3A_361 : memref<1x80xi32, #tpu.memory_space<vmem>> -> memref<80xi32, #tpu.memory_space<vmem>>
    %dma_wait3A_363 = arith.constant 0 : i32
    %dma_wait3A_364 = tpu.memref_slice %arg3[%dma_wait3A_358, %dma_wait3A_363] : memref<4000x80xi32, #tpu.memory_space<hbm>> -> memref<1x80xi32, #tpu.memory_space<hbm>>
    %dma_wait3A_365 = tpu.memref_squeeze %dma_wait3A_364 : memref<1x80xi32, #tpu.memory_space<hbm>> -> memref<80xi32, #tpu.memory_space<hbm>>
    %dma_wait3A_366 = arith.constant 0 : i32
    %dma_wait3A_367 = tpu.memref_slice %arg9[%dma_wait3A_359, %dma_wait3A_366] : memref<3x80xi32, #tpu.memory_space<vmem>> -> memref<1x80xi32, #tpu.memory_space<vmem>>
    %dma_wait3A_368 = tpu.memref_squeeze %dma_wait3A_367 : memref<1x80xi32, #tpu.memory_space<vmem>> -> memref<80xi32, #tpu.memory_space<vmem>>
    %dma_wait3A_369 = arith.constant 0 : i32
    %dma_wait3A_370 = tpu.memref_slice %arg3[%dma_wait3A_358, %dma_wait3A_369] : memref<4000x80xi32, #tpu.memory_space<hbm>> -> memref<1x80xi32, #tpu.memory_space<hbm>>
    %dma_wait3A_371 = tpu.memref_squeeze %dma_wait3A_370 : memref<1x80xi32, #tpu.memory_space<hbm>> -> memref<80xi32, #tpu.memory_space<hbm>>
    tpu.wait_dma2 semaphore(%arg20 : memref<!tpu.dma_semaphore, #tpu.memory_space<semaphore_mem>>) src(%dma_wait3A_371 : memref<80xi32, #tpu.memory_space<hbm>>) dst(%dma_wait3A_368 : memref<80xi32, #tpu.memory_space<vmem>>)
    %eq3A_372 = arith.constant 0 : i32
    %eq3A_373 = arith.cmpi eq, %arg0, %eq3A_372 : i32
    %convert_element_type3A_374 = arith.extui %eq3A_373 : i1 to i32
    %cond3A_375 = arith.constant 0 : i32
    %cond3A_376 = arith.cmpi ne, %convert_element_type3A_374, %cond3A_375 : i32
    scf.if %cond3A_376 {
      %dma_start3A_589 = arith.constant 0 : i32
      %dma_start3A_590 = arith.constant 0 : i32
      %dma_start3A_591 = arith.constant 0 : i32
      %dma_start3A_592 = arith.constant 0 : i32
      %dma_start3A_593 = arith.constant 0 : i32
      %dma_start3A_594 = tpu.memref_slice %arg11[%dma_start3A_591, %dma_start3A_592, %dma_start3A_593] : memref<3x80x144xf32, #tpu.memory_space<vmem>> -> memref<1x80x144xf32, #tpu.memory_space<vmem>>
      %dma_start3A_595 = tpu.memref_squeeze %dma_start3A_594 : memref<1x80x144xf32, #tpu.memory_space<vmem>> -> memref<80x144xf32, #tpu.memory_space<vmem>>
      %dma_start3A_596 = arith.constant 0 : i32
      %dma_start3A_597 = tpu.memref_slice %arg8[%dma_start3A_590, %dma_start3A_596] : memref<3x80xi32, #tpu.memory_space<vmem>> -> memref<1x80xi32, #tpu.memory_space<vmem>>
      %dma_start3A_598 = tpu.memref_squeeze %dma_start3A_597 : memref<1x80xi32, #tpu.memory_space<vmem>> -> memref<80xi32, #tpu.memory_space<vmem>>
      %dma_start3A_599 = arith.constant 0 : i32
      %dma_start3A_600 = arith.constant 0 : i32
      %dma_start3A_601 = tpu.memref_slice %arg4[%dma_start3A_589, %dma_start3A_599, %dma_start3A_600] : memref<2x10000x144xf32, #tpu.memory_space<hbm>> -> memref<1x10000x144xf32, #tpu.memory_space<hbm>>
      %dma_start3A_602 = tpu.memref_squeeze %dma_start3A_601 : memref<1x10000x144xf32, #tpu.memory_space<hbm>> -> memref<10000x144xf32, #tpu.memory_space<hbm>>
      %dma_start3A_603 = arith.constant 0 : i32
      %dma_start3A_604 = arith.constant 0 : i32
      %dma_start3A_605 = tpu.memref_slice %dma_start3A_602[%dma_start3A_603, %dma_start3A_604] : memref<10000x144xf32, #tpu.memory_space<hbm>> -> memref<10000x144xf32, #tpu.memory_space<hbm>>
      tpu.enqueue_indirect_dma source(%dma_start3A_605 : memref<10000x144xf32, #tpu.memory_space<hbm>>) target(%dma_start3A_595 : memref<80x144xf32, #tpu.memory_space<vmem>>) offsets(%dma_start3A_598 : memref<80xi32, #tpu.memory_space<vmem>>) semaphore(%arg14 : memref<!tpu.dma_semaphore, #tpu.memory_space<semaphore_mem>>)
      %dma_start3A_606 = arith.constant 0 : i32
      %dma_start3A_607 = arith.constant 0 : i32
      %dma_start3A_608 = arith.constant 0 : i32
      %dma_start3A_609 = arith.constant 0 : i32
      %dma_start3A_610 = arith.constant 0 : i32
      %dma_start3A_611 = tpu.memref_slice %arg12[%dma_start3A_608, %dma_start3A_609, %dma_start3A_610] : memref<3x80x16xf32, #tpu.memory_space<vmem>> -> memref<1x80x16xf32, #tpu.memory_space<vmem>>
      %dma_start3A_612 = tpu.memref_squeeze %dma_start3A_611 : memref<1x80x16xf32, #tpu.memory_space<vmem>> -> memref<80x16xf32, #tpu.memory_space<vmem>>
      %dma_start3A_613 = arith.constant 0 : i32
      %dma_start3A_614 = tpu.memref_slice %arg9[%dma_start3A_607, %dma_start3A_613] : memref<3x80xi32, #tpu.memory_space<vmem>> -> memref<1x80xi32, #tpu.memory_space<vmem>>
      %dma_start3A_615 = tpu.memref_squeeze %dma_start3A_614 : memref<1x80xi32, #tpu.memory_space<vmem>> -> memref<80xi32, #tpu.memory_space<vmem>>
      %dma_start3A_616 = arith.constant 0 : i32
      %dma_start3A_617 = arith.constant 0 : i32
      %dma_start3A_618 = tpu.memref_slice %arg5[%dma_start3A_606, %dma_start3A_616, %dma_start3A_617] : memref<2x10000x16xf32, #tpu.memory_space<hbm>> -> memref<1x10000x16xf32, #tpu.memory_space<hbm>>
      %dma_start3A_619 = tpu.memref_squeeze %dma_start3A_618 : memref<1x10000x16xf32, #tpu.memory_space<hbm>> -> memref<10000x16xf32, #tpu.memory_space<hbm>>
      %dma_start3A_620 = arith.constant 0 : i32
      %dma_start3A_621 = arith.constant 0 : i32
      %dma_start3A_622 = tpu.memref_slice %dma_start3A_619[%dma_start3A_620, %dma_start3A_621] : memref<10000x16xf32, #tpu.memory_space<hbm>> -> memref<10000x16xf32, #tpu.memory_space<hbm>>
      tpu.enqueue_indirect_dma source(%dma_start3A_622 : memref<10000x16xf32, #tpu.memory_space<hbm>>) target(%dma_start3A_612 : memref<80x16xf32, #tpu.memory_space<vmem>>) offsets(%dma_start3A_615 : memref<80xi32, #tpu.memory_space<vmem>>) semaphore(%arg14 : memref<!tpu.dma_semaphore, #tpu.memory_space<semaphore_mem>>)
    } else {
    }
    %eq3A_377 = arith.constant 1 : i32
    %eq3A_378 = arith.cmpi eq, %arg0, %eq3A_377 : i32
    %convert_element_type3A_379 = arith.extui %eq3A_378 : i1 to i32
    %cond3A_380 = arith.constant 0 : i32
    %cond3A_381 = arith.cmpi ne, %convert_element_type3A_379, %cond3A_380 : i32
    scf.if %cond3A_381 {
      %dma_start3A_589 = arith.constant 1 : i32
      %dma_start3A_590 = arith.constant 0 : i32
      %dma_start3A_591 = arith.constant 0 : i32
      %dma_start3A_592 = arith.constant 0 : i32
      %dma_start3A_593 = arith.constant 0 : i32
      %dma_start3A_594 = tpu.memref_slice %arg11[%dma_start3A_591, %dma_start3A_592, %dma_start3A_593] : memref<3x80x144xf32, #tpu.memory_space<vmem>> -> memref<1x80x144xf32, #tpu.memory_space<vmem>>
      %dma_start3A_595 = tpu.memref_squeeze %dma_start3A_594 : memref<1x80x144xf32, #tpu.memory_space<vmem>> -> memref<80x144xf32, #tpu.memory_space<vmem>>
      %dma_start3A_596 = arith.constant 0 : i32
      %dma_start3A_597 = tpu.memref_slice %arg8[%dma_start3A_590, %dma_start3A_596] : memref<3x80xi32, #tpu.memory_space<vmem>> -> memref<1x80xi32, #tpu.memory_space<vmem>>
      %dma_start3A_598 = tpu.memref_squeeze %dma_start3A_597 : memref<1x80xi32, #tpu.memory_space<vmem>> -> memref<80xi32, #tpu.memory_space<vmem>>
      %dma_start3A_599 = arith.constant 0 : i32
      %dma_start3A_600 = arith.constant 0 : i32
      %dma_start3A_601 = tpu.memref_slice %arg4[%dma_start3A_589, %dma_start3A_599, %dma_start3A_600] : memref<2x10000x144xf32, #tpu.memory_space<hbm>> -> memref<1x10000x144xf32, #tpu.memory_space<hbm>>
      %dma_start3A_602 = tpu.memref_squeeze %dma_start3A_601 : memref<1x10000x144xf32, #tpu.memory_space<hbm>> -> memref<10000x144xf32, #tpu.memory_space<hbm>>
      %dma_start3A_603 = arith.constant 0 : i32
      %dma_start3A_604 = arith.constant 0 : i32
      %dma_start3A_605 = tpu.memref_slice %dma_start3A_602[%dma_start3A_603, %dma_start3A_604] : memref<10000x144xf32, #tpu.memory_space<hbm>> -> memref<10000x144xf32, #tpu.memory_space<hbm>>
      tpu.enqueue_indirect_dma source(%dma_start3A_605 : memref<10000x144xf32, #tpu.memory_space<hbm>>) target(%dma_start3A_595 : memref<80x144xf32, #tpu.memory_space<vmem>>) offsets(%dma_start3A_598 : memref<80xi32, #tpu.memory_space<vmem>>) semaphore(%arg14 : memref<!tpu.dma_semaphore, #tpu.memory_space<semaphore_mem>>)
      %dma_start3A_606 = arith.constant 1 : i32
      %dma_start3A_607 = arith.constant 0 : i32
      %dma_start3A_608 = arith.constant 0 : i32
      %dma_start3A_609 = arith.constant 0 : i32
      %dma_start3A_610 = arith.constant 0 : i32
      %dma_start3A_611 = tpu.memref_slice %arg12[%dma_start3A_608, %dma_start3A_609, %dma_start3A_610] : memref<3x80x16xf32, #tpu.memory_space<vmem>> -> memref<1x80x16xf32, #tpu.memory_space<vmem>>
      %dma_start3A_612 = tpu.memref_squeeze %dma_start3A_611 : memref<1x80x16xf32, #tpu.memory_space<vmem>> -> memref<80x16xf32, #tpu.memory_space<vmem>>
      %dma_start3A_613 = arith.constant 0 : i32
      %dma_start3A_614 = tpu.memref_slice %arg9[%dma_start3A_607, %dma_start3A_613] : memref<3x80xi32, #tpu.memory_space<vmem>> -> memref<1x80xi32, #tpu.memory_space<vmem>>
      %dma_start3A_615 = tpu.memref_squeeze %dma_start3A_614 : memref<1x80xi32, #tpu.memory_space<vmem>> -> memref<80xi32, #tpu.memory_space<vmem>>
      %dma_start3A_616 = arith.constant 0 : i32
      %dma_start3A_617 = arith.constant 0 : i32
      %dma_start3A_618 = tpu.memref_slice %arg5[%dma_start3A_606, %dma_start3A_616, %dma_start3A_617] : memref<2x10000x16xf32, #tpu.memory_space<hbm>> -> memref<1x10000x16xf32, #tpu.memory_space<hbm>>
      %dma_start3A_619 = tpu.memref_squeeze %dma_start3A_618 : memref<1x10000x16xf32, #tpu.memory_space<hbm>> -> memref<10000x16xf32, #tpu.memory_space<hbm>>
      %dma_start3A_620 = arith.constant 0 : i32
      %dma_start3A_621 = arith.constant 0 : i32
      %dma_start3A_622 = tpu.memref_slice %dma_start3A_619[%dma_start3A_620, %dma_start3A_621] : memref<10000x16xf32, #tpu.memory_space<hbm>> -> memref<10000x16xf32, #tpu.memory_space<hbm>>
      tpu.enqueue_indirect_dma source(%dma_start3A_622 : memref<10000x16xf32, #tpu.memory_space<hbm>>) target(%dma_start3A_612 : memref<80x16xf32, #tpu.memory_space<vmem>>) offsets(%dma_start3A_615 : memref<80xi32, #tpu.memory_space<vmem>>) semaphore(%arg14 : memref<!tpu.dma_semaphore, #tpu.memory_space<semaphore_mem>>)
    } else {
    }
    %add3A_382 = arith.constant 4 : i32
    %add3A_383 = arith.addi %mul3A_6, %add3A_382 : i32
    %dma_start3A_384 = arith.constant 1 : i32
    %dma_start3A_385 = arith.constant 0 : i32
    %dma_start3A_386 = tpu.memref_slice %arg8[%dma_start3A_384, %dma_start3A_385] : memref<3x80xi32, #tpu.memory_space<vmem>> -> memref<1x80xi32, #tpu.memory_space<vmem>>
    %dma_start3A_387 = tpu.memref_squeeze %dma_start3A_386 : memref<1x80xi32, #tpu.memory_space<vmem>> -> memref<80xi32, #tpu.memory_space<vmem>>
    %dma_start3A_388 = arith.constant 0 : i32
    %dma_start3A_389 = tpu.memref_slice %arg2[%add3A_383, %dma_start3A_388] : memref<4000x80xi32, #tpu.memory_space<hbm>> -> memref<1x80xi32, #tpu.memory_space<hbm>>
    %dma_start3A_390 = tpu.memref_squeeze %dma_start3A_389 : memref<1x80xi32, #tpu.memory_space<hbm>> -> memref<80xi32, #tpu.memory_space<hbm>>
    %dma_start3A_391 = arith.constant 0 : i32
    %dma_start3A_392 = tpu.memref_slice %arg8[%dma_start3A_384, %dma_start3A_391] : memref<3x80xi32, #tpu.memory_space<vmem>> -> memref<1x80xi32, #tpu.memory_space<vmem>>
    %dma_start3A_393 = tpu.memref_squeeze %dma_start3A_392 : memref<1x80xi32, #tpu.memory_space<vmem>> -> memref<80xi32, #tpu.memory_space<vmem>>
    %dma_start3A_394 = arith.constant 0 : i32
    %dma_start3A_395 = tpu.memref_slice %arg2[%add3A_383, %dma_start3A_394] : memref<4000x80xi32, #tpu.memory_space<hbm>> -> memref<1x80xi32, #tpu.memory_space<hbm>>
    %dma_start3A_396 = tpu.memref_squeeze %dma_start3A_395 : memref<1x80xi32, #tpu.memory_space<hbm>> -> memref<80xi32, #tpu.memory_space<hbm>>
    tpu.enqueue_dma source(%dma_start3A_396 : memref<80xi32, #tpu.memory_space<hbm>>) target(%dma_start3A_393 : memref<80xi32, #tpu.memory_space<vmem>>) target_semaphore(%arg21 : memref<!tpu.dma_semaphore, #tpu.memory_space<semaphore_mem>>)
    %add3A_397 = arith.constant 4 : i32
    %add3A_398 = arith.addi %mul3A_6, %add3A_397 : i32
    %dma_start3A_399 = arith.constant 1 : i32
    %dma_start3A_400 = arith.constant 0 : i32
    %dma_start3A_401 = tpu.memref_slice %arg9[%dma_start3A_399, %dma_start3A_400] : memref<3x80xi32, #tpu.memory_space<vmem>> -> memref<1x80xi32, #tpu.memory_space<vmem>>
    %dma_start3A_402 = tpu.memref_squeeze %dma_start3A_401 : memref<1x80xi32, #tpu.memory_space<vmem>> -> memref<80xi32, #tpu.memory_space<vmem>>
    %dma_start3A_403 = arith.constant 0 : i32
    %dma_start3A_404 = tpu.memref_slice %arg3[%add3A_398, %dma_start3A_403] : memref<4000x80xi32, #tpu.memory_space<hbm>> -> memref<1x80xi32, #tpu.memory_space<hbm>>
    %dma_start3A_405 = tpu.memref_squeeze %dma_start3A_404 : memref<1x80xi32, #tpu.memory_space<hbm>> -> memref<80xi32, #tpu.memory_space<hbm>>
    %dma_start3A_406 = arith.constant 0 : i32
    %dma_start3A_407 = tpu.memref_slice %arg9[%dma_start3A_399, %dma_start3A_406] : memref<3x80xi32, #tpu.memory_space<vmem>> -> memref<1x80xi32, #tpu.memory_space<vmem>>
    %dma_start3A_408 = tpu.memref_squeeze %dma_start3A_407 : memref<1x80xi32, #tpu.memory_space<vmem>> -> memref<80xi32, #tpu.memory_space<vmem>>
    %dma_start3A_409 = arith.constant 0 : i32
    %dma_start3A_410 = tpu.memref_slice %arg3[%add3A_398, %dma_start3A_409] : memref<4000x80xi32, #tpu.memory_space<hbm>> -> memref<1x80xi32, #tpu.memory_space<hbm>>
    %dma_start3A_411 = tpu.memref_squeeze %dma_start3A_410 : memref<1x80xi32, #tpu.memory_space<hbm>> -> memref<80xi32, #tpu.memory_space<hbm>>
    tpu.enqueue_dma source(%dma_start3A_411 : memref<80xi32, #tpu.memory_space<hbm>>) target(%dma_start3A_408 : memref<80xi32, #tpu.memory_space<vmem>>) target_semaphore(%arg21 : memref<!tpu.dma_semaphore, #tpu.memory_space<semaphore_mem>>)
    %parallel_loop3A_412 = arith.constant 0 : i32
    %parallel_loop3A_413 = arith.constant 80 : i32
    %parallel_loop3A_414 = arith.constant 1 : i32
    scf.for %parallel_loop3A_589 = %parallel_loop3A_412 to %parallel_loop3A_413 step %parallel_loop3A_414  : i32 {
      %parallel_loop3A_590 = arith.constant 1 : i32
      %parallel_loop3A_591 = arith.index_cast %parallel_loop3A_590 : i32 to index
      %parallel_loop3A_592 = arith.index_cast %parallel_loop3A_589 : i32 to index
      %parallel_loop3A_593 = arith.constant 128 : index
      %parallel_loop3A_594 = tpu.vector_load %arg11[%parallel_loop3A_591, %parallel_loop3A_592, %parallel_loop3A_593] {strides = array<i32>} : memref<3x80x144xf32, #tpu.memory_space<vmem>>, vector<16xf32>,
      %parallel_loop3A_595 = vector.extract_strided_slice %parallel_loop3A_594 {offsets = [0], sizes = [1], strides = [1]} : vector<16xf32> to vector<1xf32>
      %parallel_loop3A_596 = vector.extract %parallel_loop3A_595[0] : f32 from vector<1xf32>
      %parallel_loop3A_597 = vector.broadcast %parallel_loop3A_596 : f32 to vector<16xf32>
      %parallel_loop3A_598 = arith.constant 1 : i32
      %parallel_loop3A_599 = arith.index_cast %parallel_loop3A_598 : i32 to index
      %parallel_loop3A_600 = arith.index_cast %parallel_loop3A_589 : i32 to index
      %parallel_loop3A_601 = arith.constant 0 : index
      %parallel_loop3A_602 = tpu.vector_load %arg11[%parallel_loop3A_599, %parallel_loop3A_600, %parallel_loop3A_601] {strides = array<i32>} : memref<3x80x144xf32, #tpu.memory_space<vmem>>, vector<16xf32>,
      %parallel_loop3A_603 = arith.mulf %parallel_loop3A_602, %parallel_loop3A_597 : vector<16xf32>
      %parallel_loop3A_604 = arith.constant 1 : i32
      %parallel_loop3A_605 = arith.index_cast %parallel_loop3A_604 : i32 to index
      %parallel_loop3A_606 = arith.index_cast %parallel_loop3A_589 : i32 to index
      %parallel_loop3A_607 = arith.constant 0 : index
      %parallel_loop3A_608 = tpu.vector_load %arg11[%parallel_loop3A_605, %parallel_loop3A_606, %parallel_loop3A_607] {strides = array<i32>} : memref<3x80x144xf32, #tpu.memory_space<vmem>>, vector<16xf32>,
      tpu.vector_store %arg11[%parallel_loop3A_605, %parallel_loop3A_606, %parallel_loop3A_607], %parallel_loop3A_603 {strides = array<i32>} : memref<3x80x144xf32, #tpu.memory_space<vmem>>, vector<16xf32>,
      %parallel_loop3A_609 = arith.constant 1 : i32
      %parallel_loop3A_610 = arith.index_cast %parallel_loop3A_609 : i32 to index
      %parallel_loop3A_611 = arith.index_cast %parallel_loop3A_589 : i32 to index
      %parallel_loop3A_612 = arith.constant 16 : index
      %parallel_loop3A_613 = tpu.vector_load %arg11[%parallel_loop3A_610, %parallel_loop3A_611, %parallel_loop3A_612] {strides = array<i32>} : memref<3x80x144xf32, #tpu.memory_space<vmem>>, vector<16xf32>,
      %parallel_loop3A_614 = arith.mulf %parallel_loop3A_613, %parallel_loop3A_597 : vector<16xf32>
      %parallel_loop3A_615 = arith.constant 1 : i32
      %parallel_loop3A_616 = arith.index_cast %parallel_loop3A_615 : i32 to index
      %parallel_loop3A_617 = arith.index_cast %parallel_loop3A_589 : i32 to index
      %parallel_loop3A_618 = arith.constant 16 : index
      %parallel_loop3A_619 = tpu.vector_load %arg11[%parallel_loop3A_616, %parallel_loop3A_617, %parallel_loop3A_618] {strides = array<i32>} : memref<3x80x144xf32, #tpu.memory_space<vmem>>, vector<16xf32>,
      tpu.vector_store %arg11[%parallel_loop3A_616, %parallel_loop3A_617, %parallel_loop3A_618], %parallel_loop3A_614 {strides = array<i32>} : memref<3x80x144xf32, #tpu.memory_space<vmem>>, vector<16xf32>,
      %parallel_loop3A_620 = vector.extract_strided_slice %parallel_loop3A_594 {offsets = [1], sizes = [1], strides = [1]} : vector<16xf32> to vector<1xf32>
      %parallel_loop3A_621 = vector.extract %parallel_loop3A_620[0] : f32 from vector<1xf32>
      %parallel_loop3A_622 = vector.broadcast %parallel_loop3A_621 : f32 to vector<16xf32>
      %parallel_loop3A_623 = arith.constant 1 : i32
      %parallel_loop3A_624 = arith.index_cast %parallel_loop3A_623 : i32 to index
      %parallel_loop3A_625 = arith.index_cast %parallel_loop3A_589 : i32 to index
      %parallel_loop3A_626 = arith.constant 32 : index
      %parallel_loop3A_627 = tpu.vector_load %arg11[%parallel_loop3A_624, %parallel_loop3A_625, %parallel_loop3A_626] {strides = array<i32>} : memref<3x80x144xf32, #tpu.memory_space<vmem>>, vector<16xf32>,
      %parallel_loop3A_628 = arith.mulf %parallel_loop3A_627, %parallel_loop3A_622 : vector<16xf32>
      %parallel_loop3A_629 = arith.constant 1 : i32
      %parallel_loop3A_630 = arith.index_cast %parallel_loop3A_629 : i32 to index
      %parallel_loop3A_631 = arith.index_cast %parallel_loop3A_589 : i32 to index
      %parallel_loop3A_632 = arith.constant 32 : index
      %parallel_loop3A_633 = tpu.vector_load %arg11[%parallel_loop3A_630, %parallel_loop3A_631, %parallel_loop3A_632] {strides = array<i32>} : memref<3x80x144xf32, #tpu.memory_space<vmem>>, vector<16xf32>,
      tpu.vector_store %arg11[%parallel_loop3A_630, %parallel_loop3A_631, %parallel_loop3A_632], %parallel_loop3A_628 {strides = array<i32>} : memref<3x80x144xf32, #tpu.memory_space<vmem>>, vector<16xf32>,
      %parallel_loop3A_634 = arith.constant 1 : i32
      %parallel_loop3A_635 = arith.index_cast %parallel_loop3A_634 : i32 to index
      %parallel_loop3A_636 = arith.index_cast %parallel_loop3A_589 : i32 to index
      %parallel_loop3A_637 = arith.constant 48 : index
      %parallel_loop3A_638 = tpu.vector_load %arg11[%parallel_loop3A_635, %parallel_loop3A_636, %parallel_loop3A_637] {strides = array<i32>} : memref<3x80x144xf32, #tpu.memory_space<vmem>>, vector<16xf32>,
      %parallel_loop3A_639 = arith.mulf %parallel_loop3A_638, %parallel_loop3A_622 : vector<16xf32>
      %parallel_loop3A_640 = arith.constant 1 : i32
      %parallel_loop3A_641 = arith.index_cast %parallel_loop3A_640 : i32 to index
      %parallel_loop3A_642 = arith.index_cast %parallel_loop3A_589 : i32 to index
      %parallel_loop3A_643 = arith.constant 48 : index
      %parallel_loop3A_644 = tpu.vector_load %arg11[%parallel_loop3A_641, %parallel_loop3A_642, %parallel_loop3A_643] {strides = array<i32>} : memref<3x80x144xf32, #tpu.memory_space<vmem>>, vector<16xf32>,
      tpu.vector_store %arg11[%parallel_loop3A_641, %parallel_loop3A_642, %parallel_loop3A_643], %parallel_loop3A_639 {strides = array<i32>} : memref<3x80x144xf32, #tpu.memory_space<vmem>>, vector<16xf32>,
      %parallel_loop3A_645 = vector.extract_strided_slice %parallel_loop3A_594 {offsets = [2], sizes = [1], strides = [1]} : vector<16xf32> to vector<1xf32>
      %parallel_loop3A_646 = vector.extract %parallel_loop3A_645[0] : f32 from vector<1xf32>
      %parallel_loop3A_647 = vector.broadcast %parallel_loop3A_646 : f32 to vector<16xf32>
      %parallel_loop3A_648 = arith.constant 1 : i32
      %parallel_loop3A_649 = arith.index_cast %parallel_loop3A_648 : i32 to index
      %parallel_loop3A_650 = arith.index_cast %parallel_loop3A_589 : i32 to index
      %parallel_loop3A_651 = arith.constant 64 : index
      %parallel_loop3A_652 = tpu.vector_load %arg11[%parallel_loop3A_649, %parallel_loop3A_650, %parallel_loop3A_651] {strides = array<i32>} : memref<3x80x144xf32, #tpu.memory_space<vmem>>, vector<16xf32>,
      %parallel_loop3A_653 = arith.mulf %parallel_loop3A_652, %parallel_loop3A_647 : vector<16xf32>
      %parallel_loop3A_654 = arith.constant 1 : i32
      %parallel_loop3A_655 = arith.index_cast %parallel_loop3A_654 : i32 to index
      %parallel_loop3A_656 = arith.index_cast %parallel_loop3A_589 : i32 to index
      %parallel_loop3A_657 = arith.constant 64 : index
      %parallel_loop3A_658 = tpu.vector_load %arg11[%parallel_loop3A_655, %parallel_loop3A_656, %parallel_loop3A_657] {strides = array<i32>} : memref<3x80x144xf32, #tpu.memory_space<vmem>>, vector<16xf32>,
      tpu.vector_store %arg11[%parallel_loop3A_655, %parallel_loop3A_656, %parallel_loop3A_657], %parallel_loop3A_653 {strides = array<i32>} : memref<3x80x144xf32, #tpu.memory_space<vmem>>, vector<16xf32>,
      %parallel_loop3A_659 = arith.constant 1 : i32
      %parallel_loop3A_660 = arith.index_cast %parallel_loop3A_659 : i32 to index
      %parallel_loop3A_661 = arith.index_cast %parallel_loop3A_589 : i32 to index
      %parallel_loop3A_662 = arith.constant 80 : index
      %parallel_loop3A_663 = tpu.vector_load %arg11[%parallel_loop3A_660, %parallel_loop3A_661, %parallel_loop3A_662] {strides = array<i32>} : memref<3x80x144xf32, #tpu.memory_space<vmem>>, vector<16xf32>,
      %parallel_loop3A_664 = arith.mulf %parallel_loop3A_663, %parallel_loop3A_647 : vector<16xf32>
      %parallel_loop3A_665 = arith.constant 1 : i32
      %parallel_loop3A_666 = arith.index_cast %parallel_loop3A_665 : i32 to index
      %parallel_loop3A_667 = arith.index_cast %parallel_loop3A_589 : i32 to index
      %parallel_loop3A_668 = arith.constant 80 : index
      %parallel_loop3A_669 = tpu.vector_load %arg11[%parallel_loop3A_666, %parallel_loop3A_667, %parallel_loop3A_668] {strides = array<i32>} : memref<3x80x144xf32, #tpu.memory_space<vmem>>, vector<16xf32>,
      tpu.vector_store %arg11[%parallel_loop3A_666, %parallel_loop3A_667, %parallel_loop3A_668], %parallel_loop3A_664 {strides = array<i32>} : memref<3x80x144xf32, #tpu.memory_space<vmem>>, vector<16xf32>,
      %parallel_loop3A_670 = vector.extract_strided_slice %parallel_loop3A_594 {offsets = [3], sizes = [1], strides = [1]} : vector<16xf32> to vector<1xf32>
      %parallel_loop3A_671 = vector.extract %parallel_loop3A_670[0] : f32 from vector<1xf32>
      %parallel_loop3A_672 = vector.broadcast %parallel_loop3A_671 : f32 to vector<16xf32>
      %parallel_loop3A_673 = arith.constant 1 : i32
      %parallel_loop3A_674 = arith.index_cast %parallel_loop3A_673 : i32 to index
      %parallel_loop3A_675 = arith.index_cast %parallel_loop3A_589 : i32 to index
      %parallel_loop3A_676 = arith.constant 96 : index
      %parallel_loop3A_677 = tpu.vector_load %arg11[%parallel_loop3A_674, %parallel_loop3A_675, %parallel_loop3A_676] {strides = array<i32>} : memref<3x80x144xf32, #tpu.memory_space<vmem>>, vector<16xf32>,
      %parallel_loop3A_678 = arith.mulf %parallel_loop3A_677, %parallel_loop3A_672 : vector<16xf32>
      %parallel_loop3A_679 = arith.constant 1 : i32
      %parallel_loop3A_680 = arith.index_cast %parallel_loop3A_679 : i32 to index
      %parallel_loop3A_681 = arith.index_cast %parallel_loop3A_589 : i32 to index
      %parallel_loop3A_682 = arith.constant 96 : index
      %parallel_loop3A_683 = tpu.vector_load %arg11[%parallel_loop3A_680, %parallel_loop3A_681, %parallel_loop3A_682] {strides = array<i32>} : memref<3x80x144xf32, #tpu.memory_space<vmem>>, vector<16xf32>,
      tpu.vector_store %arg11[%parallel_loop3A_680, %parallel_loop3A_681, %parallel_loop3A_682], %parallel_loop3A_678 {strides = array<i32>} : memref<3x80x144xf32, #tpu.memory_space<vmem>>, vector<16xf32>,
      %parallel_loop3A_684 = arith.constant 1 : i32
      %parallel_loop3A_685 = arith.index_cast %parallel_loop3A_684 : i32 to index
      %parallel_loop3A_686 = arith.index_cast %parallel_loop3A_589 : i32 to index
      %parallel_loop3A_687 = arith.constant 112 : index
      %parallel_loop3A_688 = tpu.vector_load %arg11[%parallel_loop3A_685, %parallel_loop3A_686, %parallel_loop3A_687] {strides = array<i32>} : memref<3x80x144xf32, #tpu.memory_space<vmem>>, vector<16xf32>,
      %parallel_loop3A_689 = arith.mulf %parallel_loop3A_688, %parallel_loop3A_672 : vector<16xf32>
      %parallel_loop3A_690 = arith.constant 1 : i32
      %parallel_loop3A_691 = arith.index_cast %parallel_loop3A_690 : i32 to index
      %parallel_loop3A_692 = arith.index_cast %parallel_loop3A_589 : i32 to index
      %parallel_loop3A_693 = arith.constant 112 : index
      %parallel_loop3A_694 = tpu.vector_load %arg11[%parallel_loop3A_691, %parallel_loop3A_692, %parallel_loop3A_693] {strides = array<i32>} : memref<3x80x144xf32, #tpu.memory_space<vmem>>, vector<16xf32>,
      tpu.vector_store %arg11[%parallel_loop3A_691, %parallel_loop3A_692, %parallel_loop3A_693], %parallel_loop3A_689 {strides = array<i32>} : memref<3x80x144xf32, #tpu.memory_space<vmem>>, vector<16xf32>,
    } {sc.loop_unroll_factor = 2 : i64, sc.parallel_access}
    %dma_start3A_415 = arith.constant 1 : i32
    %dma_start3A_416 = arith.constant 1 : i32
    %dma_start3A_417 = arith.constant 0 : i32
    %dma_start3A_418 = arith.constant 0 : i32
    %dma_start3A_419 = tpu.memref_slice %arg11[%dma_start3A_415, %dma_start3A_417, %dma_start3A_418] : memref<3x80x144xf32, #tpu.memory_space<vmem>> -> memref<1x80x144xf32, #tpu.memory_space<vmem>>
    %dma_start3A_420 = tpu.memref_squeeze %dma_start3A_419 : memref<1x80x144xf32, #tpu.memory_space<vmem>> -> memref<80x144xf32, #tpu.memory_space<vmem>>
    %dma_start3A_421 = arith.constant 0 : i32
    %dma_start3A_422 = tpu.memref_slice %arg10[%dma_start3A_416, %dma_start3A_421] : memref<3x80xi32, #tpu.memory_space<vmem>> -> memref<1x80xi32, #tpu.memory_space<vmem>>
    %dma_start3A_423 = tpu.memref_squeeze %dma_start3A_422 : memref<1x80xi32, #tpu.memory_space<vmem>> -> memref<80xi32, #tpu.memory_space<vmem>>
    %dma_start3A_424 = arith.constant 0 : i32
    %dma_start3A_425 = arith.constant 0 : i32
    %dma_start3A_426 = tpu.memref_slice %arg13[%dma_start3A_424, %dma_start3A_425] : memref<10000x144xf32, #tpu.memory_space<vmem_shared>> -> memref<10000x144xf32, #tpu.memory_space<vmem_shared>>
    tpu.enqueue_indirect_dma source(%dma_start3A_420 : memref<80x144xf32, #tpu.memory_space<vmem>>) target(%dma_start3A_426 : memref<10000x144xf32, #tpu.memory_space<vmem_shared>>) offsets(%dma_start3A_423 : memref<80xi32, #tpu.memory_space<vmem>>) semaphore(%arg18 : memref<!tpu.dma_semaphore, #tpu.memory_space<semaphore_mem>>) {add = true}
    %scan3A = arith.constant 0 : i32
    %scan3A_427 = arith.constant 0 : i32
    %scan3A_428 = arith.constant 82 : i32
    %scan3A_429 = arith.addi %scan3A_427, %scan3A_428 : i32
    %scan3A_430 = arith.constant 1 : i32
    scf.for %scan3A_589 = %scan3A_427 to %scan3A_429 step %scan3A_430  : i32 {
      %mul3A_590 = arith.constant 3 : i32
      %mul3A_591 = arith.muli %mul3A_590, %scan3A_589 : i32
      %add3A_592 = arith.constant 2 : i32
      %add3A_593 = arith.addi %mul3A_591, %add3A_592 : i32
      %dma_wait3A_594 = arith.constant 0 : i32
      %dma_wait3A_595 = arith.constant 2 : i32
      %dma_wait3A_596 = arith.constant 2 : i32
      %dma_wait3A_597 = arith.constant 0 : i32
      %dma_wait3A_598 = arith.constant 0 : i32
      %dma_wait3A_599 = tpu.memref_slice %arg11[%dma_wait3A_596, %dma_wait3A_597, %dma_wait3A_598] : memref<3x80x144xf32, #tpu.memory_space<vmem>> -> memref<1x80x144xf32, #tpu.memory_space<vmem>>
      %dma_wait3A_600 = tpu.memref_squeeze %dma_wait3A_599 : memref<1x80x144xf32, #tpu.memory_space<vmem>> -> memref<80x144xf32, #tpu.memory_space<vmem>>
      %dma_wait3A_601 = arith.constant 0 : i32
      %dma_wait3A_602 = tpu.memref_slice %arg8[%dma_wait3A_595, %dma_wait3A_601] : memref<3x80xi32, #tpu.memory_space<vmem>> -> memref<1x80xi32, #tpu.memory_space<vmem>>
      %dma_wait3A_603 = tpu.memref_squeeze %dma_wait3A_602 : memref<1x80xi32, #tpu.memory_space<vmem>> -> memref<80xi32, #tpu.memory_space<vmem>>
      %dma_wait3A_604 = arith.constant 0 : i32
      %dma_wait3A_605 = arith.constant 0 : i32
      %dma_wait3A_606 = tpu.memref_slice %arg4[%dma_wait3A_594, %dma_wait3A_604, %dma_wait3A_605] : memref<2x10000x144xf32, #tpu.memory_space<hbm>> -> memref<1x10000x144xf32, #tpu.memory_space<hbm>>
      %dma_wait3A_607 = tpu.memref_squeeze %dma_wait3A_606 : memref<1x10000x144xf32, #tpu.memory_space<hbm>> -> memref<10000x144xf32, #tpu.memory_space<hbm>>
      %dma_wait3A_608 = arith.constant 0 : i32
      %dma_wait3A_609 = arith.constant 0 : i32
      %dma_wait3A_610 = tpu.memref_slice %dma_wait3A_607[%dma_wait3A_608, %dma_wait3A_609] : memref<10000x144xf32, #tpu.memory_space<hbm>> -> memref<10000x144xf32, #tpu.memory_space<hbm>>
      tpu.wait_indirect_dma semaphore(%arg16 : memref<!tpu.dma_semaphore, #tpu.memory_space<semaphore_mem>>) src(%dma_wait3A_610 : memref<10000x144xf32, #tpu.memory_space<hbm>>) dst(%dma_wait3A_600 : memref<80x144xf32, #tpu.memory_space<vmem>>)
      %dma_wait3A_611 = arith.constant 0 : i32
      %dma_wait3A_612 = arith.constant 2 : i32
      %dma_wait3A_613 = arith.constant 2 : i32
      %dma_wait3A_614 = arith.constant 0 : i32
      %dma_wait3A_615 = arith.constant 0 : i32
      %dma_wait3A_616 = tpu.memref_slice %arg12[%dma_wait3A_613, %dma_wait3A_614, %dma_wait3A_615] : memref<3x80x16xf32, #tpu.memory_space<vmem>> -> memref<1x80x16xf32, #tpu.memory_space<vmem>>
      %dma_wait3A_617 = tpu.memref_squeeze %dma_wait3A_616 : memref<1x80x16xf32, #tpu.memory_space<vmem>> -> memref<80x16xf32, #tpu.memory_space<vmem>>
      %dma_wait3A_618 = arith.constant 0 : i32
      %dma_wait3A_619 = tpu.memref_slice %arg9[%dma_wait3A_612, %dma_wait3A_618] : memref<3x80xi32, #tpu.memory_space<vmem>> -> memref<1x80xi32, #tpu.memory_space<vmem>>
      %dma_wait3A_620 = tpu.memref_squeeze %dma_wait3A_619 : memref<1x80xi32, #tpu.memory_space<vmem>> -> memref<80xi32, #tpu.memory_space<vmem>>
      %dma_wait3A_621 = arith.constant 0 : i32
      %dma_wait3A_622 = arith.constant 0 : i32
      %dma_wait3A_623 = tpu.memref_slice %arg5[%dma_wait3A_611, %dma_wait3A_621, %dma_wait3A_622] : memref<2x10000x16xf32, #tpu.memory_space<hbm>> -> memref<1x10000x16xf32, #tpu.memory_space<hbm>>
      %dma_wait3A_624 = tpu.memref_squeeze %dma_wait3A_623 : memref<1x10000x16xf32, #tpu.memory_space<hbm>> -> memref<10000x16xf32, #tpu.memory_space<hbm>>
      %dma_wait3A_625 = arith.constant 0 : i32
      %dma_wait3A_626 = arith.constant 0 : i32
      %dma_wait3A_627 = tpu.memref_slice %dma_wait3A_624[%dma_wait3A_625, %dma_wait3A_626] : memref<10000x16xf32, #tpu.memory_space<hbm>> -> memref<10000x16xf32, #tpu.memory_space<hbm>>
      tpu.wait_indirect_dma semaphore(%arg16 : memref<!tpu.dma_semaphore, #tpu.memory_space<semaphore_mem>>) src(%dma_wait3A_627 : memref<10000x16xf32, #tpu.memory_space<hbm>>) dst(%dma_wait3A_617 : memref<80x16xf32, #tpu.memory_space<vmem>>)
      %parallel_loop3A_628 = arith.constant 0 : i32
      %parallel_loop3A_629 = arith.constant 5 : i32
      %parallel_loop3A_630 = arith.constant 1 : i32
      scf.for %parallel_loop3A_934 = %parallel_loop3A_628 to %parallel_loop3A_629 step %parallel_loop3A_630  : i32 {
        %parallel_loop3A_935 = arith.constant 16 : i32
        %parallel_loop3A_936 = arith.muli %parallel_loop3A_934, %parallel_loop3A_935 : i32
        %parallel_loop3A_937 = arith.constant 2 : i32
        %parallel_loop3A_938 = arith.index_cast %parallel_loop3A_937 : i32 to index
        %parallel_loop3A_939 = arith.index_cast %parallel_loop3A_936 : i32 to index
        %parallel_loop3A_940 = tpu.vector_load %arg9[%parallel_loop3A_938, %parallel_loop3A_939] {strides = array<i32>} : memref<3x80xi32, #tpu.memory_space<vmem>>, vector<16xi32>,
        %parallel_loop3A_941 = arith.constant 16 : i32
        %parallel_loop3A_942 = arith.muli %parallel_loop3A_934, %parallel_loop3A_941 : i32
        %parallel_loop3A_943 = arith.constant 2 : i32
        %parallel_loop3A_944 = arith.index_cast %parallel_loop3A_943 : i32 to index
        %parallel_loop3A_945 = arith.index_cast %parallel_loop3A_942 : i32 to index
        %parallel_loop3A_946 = tpu.vector_load %arg10[%parallel_loop3A_944, %parallel_loop3A_945] {strides = array<i32>} : memref<3x80xi32, #tpu.memory_space<vmem>>, vector<16xi32>,
        tpu.vector_store %arg10[%parallel_loop3A_944, %parallel_loop3A_945], %parallel_loop3A_940 {strides = array<i32>} : memref<3x80xi32, #tpu.memory_space<vmem>>, vector<16xi32>,
      } {sc.loop_unroll_factor = 5 : i64, sc.parallel_access}
      %parallel_loop3A_631 = arith.constant 0 : i32
      %parallel_loop3A_632 = arith.constant 80 : i32
      %parallel_loop3A_633 = arith.constant 1 : i32
      scf.for %parallel_loop3A_934 = %parallel_loop3A_631 to %parallel_loop3A_632 step %parallel_loop3A_633  : i32 {
        %parallel_loop3A_935 = arith.constant 2 : i32
        %parallel_loop3A_936 = arith.index_cast %parallel_loop3A_935 : i32 to index
        %parallel_loop3A_937 = arith.index_cast %parallel_loop3A_934 : i32 to index
        %parallel_loop3A_938 = arith.constant 128 : index
        %parallel_loop3A_939 = tpu.vector_load %arg11[%parallel_loop3A_936, %parallel_loop3A_937, %parallel_loop3A_938] {strides = array<i32>} : memref<3x80x144xf32, #tpu.memory_space<vmem>>, vector<16xf32>,
        %parallel_loop3A_940 = arith.constant 2 : i32
        %parallel_loop3A_941 = arith.index_cast %parallel_loop3A_940 : i32 to index
        %parallel_loop3A_942 = arith.index_cast %parallel_loop3A_934 : i32 to index
        %parallel_loop3A_943 = arith.constant 0 : index
        %parallel_loop3A_944 = tpu.vector_load %arg12[%parallel_loop3A_941, %parallel_loop3A_942, %parallel_loop3A_943] {strides = array<i32>} : memref<3x80x16xf32, #tpu.memory_space<vmem>>, vector<16xf32>,
        %parallel_loop3A_945 = arith.addf %parallel_loop3A_939, %parallel_loop3A_944 : vector<16xf32>
        %parallel_loop3A_946 = arith.constant 0.000000e+00 : f32
        %parallel_loop3A_947 = vector.broadcast %parallel_loop3A_946 : f32 to vector<16xf32>
        %parallel_loop3A_948 = arith.cmpf oge, %parallel_loop3A_945, %parallel_loop3A_947 : vector<16xf32>
        %parallel_loop3A_949 = arith.constant 2.000000e-01 : f32
        %parallel_loop3A_950 = vector.broadcast %parallel_loop3A_949 : f32 to vector<16xf32>
        %parallel_loop3A_951 = arith.mulf %parallel_loop3A_950, %parallel_loop3A_945 : vector<16xf32>
        %parallel_loop3A_952 = arith.select %parallel_loop3A_948, %parallel_loop3A_945, %parallel_loop3A_951 : vector<16xi1>, vector<16xf32>
        %parallel_loop3A_953 = math.exp %parallel_loop3A_952 : vector<16xf32>
        %parallel_loop3A_954 = arith.constant 2 : i32
        %parallel_loop3A_955 = arith.index_cast %parallel_loop3A_954 : i32 to index
        %parallel_loop3A_956 = arith.index_cast %parallel_loop3A_934 : i32 to index
        %parallel_loop3A_957 = arith.constant 128 : index
        %parallel_loop3A_958 = tpu.vector_load %arg11[%parallel_loop3A_955, %parallel_loop3A_956, %parallel_loop3A_957] {strides = array<i32>} : memref<3x80x144xf32, #tpu.memory_space<vmem>>, vector<16xf32>,
        tpu.vector_store %arg11[%parallel_loop3A_955, %parallel_loop3A_956, %parallel_loop3A_957], %parallel_loop3A_953 {strides = array<i32>} : memref<3x80x144xf32, #tpu.memory_space<vmem>>, vector<16xf32>,
      } {sc.loop_unroll_factor = 4 : i64, sc.parallel_access}
      %dma_wait3A_634 = arith.constant 1 : i32
      %dma_wait3A_635 = arith.constant 1 : i32
      %dma_wait3A_636 = arith.constant 0 : i32
      %dma_wait3A_637 = arith.constant 0 : i32
      %dma_wait3A_638 = tpu.memref_slice %arg11[%dma_wait3A_634, %dma_wait3A_636, %dma_wait3A_637] : memref<3x80x144xf32, #tpu.memory_space<vmem>> -> memref<1x80x144xf32, #tpu.memory_space<vmem>>
      %dma_wait3A_639 = tpu.memref_squeeze %dma_wait3A_638 : memref<1x80x144xf32, #tpu.memory_space<vmem>> -> memref<80x144xf32, #tpu.memory_space<vmem>>
      %dma_wait3A_640 = arith.constant 0 : i32
      %dma_wait3A_641 = tpu.memref_slice %arg10[%dma_wait3A_635, %dma_wait3A_640] : memref<3x80xi32, #tpu.memory_space<vmem>> -> memref<1x80xi32, #tpu.memory_space<vmem>>
      %dma_wait3A_642 = tpu.memref_squeeze %dma_wait3A_641 : memref<1x80xi32, #tpu.memory_space<vmem>> -> memref<80xi32, #tpu.memory_space<vmem>>
      %dma_wait3A_643 = arith.constant 0 : i32
      %dma_wait3A_644 = arith.constant 0 : i32
      %dma_wait3A_645 = tpu.memref_slice %arg13[%dma_wait3A_643, %dma_wait3A_644] : memref<10000x144xf32, #tpu.memory_space<vmem_shared>> -> memref<10000x144xf32, #tpu.memory_space<vmem_shared>>
      tpu.wait_indirect_dma semaphore(%arg18 : memref<!tpu.dma_semaphore, #tpu.memory_space<semaphore_mem>>) src(%dma_wait3A_639 : memref<80x144xf32, #tpu.memory_space<vmem>>) dst(%dma_wait3A_645 : memref<10000x144xf32, #tpu.memory_space<vmem_shared>>)
      %dma_wait3A_646 = arith.constant 0 : i32
      %dma_wait3A_647 = arith.constant 1 : i32
      %dma_wait3A_648 = arith.constant 0 : i32
      %dma_wait3A_649 = tpu.memref_slice %arg8[%dma_wait3A_647, %dma_wait3A_648] : memref<3x80xi32, #tpu.memory_space<vmem>> -> memref<1x80xi32, #tpu.memory_space<vmem>>
      %dma_wait3A_650 = tpu.memref_squeeze %dma_wait3A_649 : memref<1x80xi32, #tpu.memory_space<vmem>> -> memref<80xi32, #tpu.memory_space<vmem>>
      %dma_wait3A_651 = arith.constant 0 : i32
      %dma_wait3A_652 = tpu.memref_slice %arg2[%dma_wait3A_646, %dma_wait3A_651] : memref<4000x80xi32, #tpu.memory_space<hbm>> -> memref<1x80xi32, #tpu.memory_space<hbm>>
      %dma_wait3A_653 = tpu.memref_squeeze %dma_wait3A_652 : memref<1x80xi32, #tpu.memory_space<hbm>> -> memref<80xi32, #tpu.memory_space<hbm>>
      %dma_wait3A_654 = arith.constant 0 : i32
      %dma_wait3A_655 = tpu.memref_slice %arg8[%dma_wait3A_647, %dma_wait3A_654] : memref<3x80xi32, #tpu.memory_space<vmem>> -> memref<1x80xi32, #tpu.memory_space<vmem>>
      %dma_wait3A_656 = tpu.memref_squeeze %dma_wait3A_655 : memref<1x80xi32, #tpu.memory_space<vmem>> -> memref<80xi32, #tpu.memory_space<vmem>>
      %dma_wait3A_657 = arith.constant 0 : i32
      %dma_wait3A_658 = tpu.memref_slice %arg2[%dma_wait3A_646, %dma_wait3A_657] : memref<4000x80xi32, #tpu.memory_space<hbm>> -> memref<1x80xi32, #tpu.memory_space<hbm>>
      %dma_wait3A_659 = tpu.memref_squeeze %dma_wait3A_658 : memref<1x80xi32, #tpu.memory_space<hbm>> -> memref<80xi32, #tpu.memory_space<hbm>>
      tpu.wait_dma2 semaphore(%arg21 : memref<!tpu.dma_semaphore, #tpu.memory_space<semaphore_mem>>) src(%dma_wait3A_659 : memref<80xi32, #tpu.memory_space<hbm>>) dst(%dma_wait3A_656 : memref<80xi32, #tpu.memory_space<vmem>>)
      %dma_wait3A_660 = arith.constant 0 : i32
      %dma_wait3A_661 = arith.constant 1 : i32
      %dma_wait3A_662 = arith.constant 0 : i32
      %dma_wait3A_663 = tpu.memref_slice %arg9[%dma_wait3A_661, %dma_wait3A_662] : memref<3x80xi32, #tpu.memory_space<vmem>> -> memref<1x80xi32, #tpu.memory_space<vmem>>
      %dma_wait3A_664 = tpu.memref_squeeze %dma_wait3A_663 : memref<1x80xi32, #tpu.memory_space<vmem>> -> memref<80xi32, #tpu.memory_space<vmem>>
      %dma_wait3A_665 = arith.constant 0 : i32
      %dma_wait3A_666 = tpu.memref_slice %arg3[%dma_wait3A_660, %dma_wait3A_665] : memref<4000x80xi32, #tpu.memory_space<hbm>> -> memref<1x80xi32, #tpu.memory_space<hbm>>
      %dma_wait3A_667 = tpu.memref_squeeze %dma_wait3A_666 : memref<1x80xi32, #tpu.memory_space<hbm>> -> memref<80xi32, #tpu.memory_space<hbm>>
      %dma_wait3A_668 = arith.constant 0 : i32
      %dma_wait3A_669 = tpu.memref_slice %arg9[%dma_wait3A_661, %dma_wait3A_668] : memref<3x80xi32, #tpu.memory_space<vmem>> -> memref<1x80xi32, #tpu.memory_space<vmem>>
      %dma_wait3A_670 = tpu.memref_squeeze %dma_wait3A_669 : memref<1x80xi32, #tpu.memory_space<vmem>> -> memref<80xi32, #tpu.memory_space<vmem>>
      %dma_wait3A_671 = arith.constant 0 : i32
      %dma_wait3A_672 = tpu.memref_slice %arg3[%dma_wait3A_660, %dma_wait3A_671] : memref<4000x80xi32, #tpu.memory_space<hbm>> -> memref<1x80xi32, #tpu.memory_space<hbm>>
      %dma_wait3A_673 = tpu.memref_squeeze %dma_wait3A_672 : memref<1x80xi32, #tpu.memory_space<hbm>> -> memref<80xi32, #tpu.memory_space<hbm>>
      tpu.wait_dma2 semaphore(%arg21 : memref<!tpu.dma_semaphore, #tpu.memory_space<semaphore_mem>>) src(%dma_wait3A_673 : memref<80xi32, #tpu.memory_space<hbm>>) dst(%dma_wait3A_670 : memref<80xi32, #tpu.memory_space<vmem>>)
      %eq3A_674 = arith.constant 0 : i32
      %eq3A_675 = arith.cmpi eq, %arg0, %eq3A_674 : i32
      %convert_element_type3A_676 = arith.extui %eq3A_675 : i1 to i32
      %cond3A_677 = arith.constant 0 : i32
      %cond3A_678 = arith.cmpi ne, %convert_element_type3A_676, %cond3A_677 : i32
      scf.if %cond3A_678 {
        %dma_start3A_934 = arith.constant 0 : i32
        %dma_start3A_935 = arith.constant 1 : i32
        %dma_start3A_936 = arith.constant 1 : i32
        %dma_start3A_937 = arith.constant 0 : i32
        %dma_start3A_938 = arith.constant 0 : i32
        %dma_start3A_939 = tpu.memref_slice %arg11[%dma_start3A_936, %dma_start3A_937, %dma_start3A_938] : memref<3x80x144xf32, #tpu.memory_space<vmem>> -> memref<1x80x144xf32, #tpu.memory_space<vmem>>
        %dma_start3A_940 = tpu.memref_squeeze %dma_start3A_939 : memref<1x80x144xf32, #tpu.memory_space<vmem>> -> memref<80x144xf32, #tpu.memory_space<vmem>>
        %dma_start3A_941 = arith.constant 0 : i32
        %dma_start3A_942 = tpu.memref_slice %arg8[%dma_start3A_935, %dma_start3A_941] : memref<3x80xi32, #tpu.memory_space<vmem>> -> memref<1x80xi32, #tpu.memory_space<vmem>>
        %dma_start3A_943 = tpu.memref_squeeze %dma_start3A_942 : memref<1x80xi32, #tpu.memory_space<vmem>> -> memref<80xi32, #tpu.memory_space<vmem>>
        %dma_start3A_944 = arith.constant 0 : i32
        %dma_start3A_945 = arith.constant 0 : i32
        %dma_start3A_946 = tpu.memref_slice %arg4[%dma_start3A_934, %dma_start3A_944, %dma_start3A_945] : memref<2x10000x144xf32, #tpu.memory_space<hbm>> -> memref<1x10000x144xf32, #tpu.memory_space<hbm>>
        %dma_start3A_947 = tpu.memref_squeeze %dma_start3A_946 : memref<1x10000x144xf32, #tpu.memory_space<hbm>> -> memref<10000x144xf32, #tpu.memory_space<hbm>>
        %dma_start3A_948 = arith.constant 0 : i32
        %dma_start3A_949 = arith.constant 0 : i32
        %dma_start3A_950 = tpu.memref_slice %dma_start3A_947[%dma_start3A_948, %dma_start3A_949] : memref<10000x144xf32, #tpu.memory_space<hbm>> -> memref<10000x144xf32, #tpu.memory_space<hbm>>
        tpu.enqueue_indirect_dma source(%dma_start3A_950 : memref<10000x144xf32, #tpu.memory_space<hbm>>) target(%dma_start3A_940 : memref<80x144xf32, #tpu.memory_space<vmem>>) offsets(%dma_start3A_943 : memref<80xi32, #tpu.memory_space<vmem>>) semaphore(%arg15 : memref<!tpu.dma_semaphore, #tpu.memory_space<semaphore_mem>>)
        %dma_start3A_951 = arith.constant 0 : i32
        %dma_start3A_952 = arith.constant 1 : i32
        %dma_start3A_953 = arith.constant 1 : i32
        %dma_start3A_954 = arith.constant 0 : i32
        %dma_start3A_955 = arith.constant 0 : i32
        %dma_start3A_956 = tpu.memref_slice %arg12[%dma_start3A_953, %dma_start3A_954, %dma_start3A_955] : memref<3x80x16xf32, #tpu.memory_space<vmem>> -> memref<1x80x16xf32, #tpu.memory_space<vmem>>
        %dma_start3A_957 = tpu.memref_squeeze %dma_start3A_956 : memref<1x80x16xf32, #tpu.memory_space<vmem>> -> memref<80x16xf32, #tpu.memory_space<vmem>>
        %dma_start3A_958 = arith.constant 0 : i32
        %dma_start3A_959 = tpu.memref_slice %arg9[%dma_start3A_952, %dma_start3A_958] : memref<3x80xi32, #tpu.memory_space<vmem>> -> memref<1x80xi32, #tpu.memory_space<vmem>>
        %dma_start3A_960 = tpu.memref_squeeze %dma_start3A_959 : memref<1x80xi32, #tpu.memory_space<vmem>> -> memref<80xi32, #tpu.memory_space<vmem>>
        %dma_start3A_961 = arith.constant 0 : i32
        %dma_start3A_962 = arith.constant 0 : i32
        %dma_start3A_963 = tpu.memref_slice %arg5[%dma_start3A_951, %dma_start3A_961, %dma_start3A_962] : memref<2x10000x16xf32, #tpu.memory_space<hbm>> -> memref<1x10000x16xf32, #tpu.memory_space<hbm>>
        %dma_start3A_964 = tpu.memref_squeeze %dma_start3A_963 : memref<1x10000x16xf32, #tpu.memory_space<hbm>> -> memref<10000x16xf32, #tpu.memory_space<hbm>>
        %dma_start3A_965 = arith.constant 0 : i32
        %dma_start3A_966 = arith.constant 0 : i32
        %dma_start3A_967 = tpu.memref_slice %dma_start3A_964[%dma_start3A_965, %dma_start3A_966] : memref<10000x16xf32, #tpu.memory_space<hbm>> -> memref<10000x16xf32, #tpu.memory_space<hbm>>
        tpu.enqueue_indirect_dma source(%dma_start3A_967 : memref<10000x16xf32, #tpu.memory_space<hbm>>) target(%dma_start3A_957 : memref<80x16xf32, #tpu.memory_space<vmem>>) offsets(%dma_start3A_960 : memref<80xi32, #tpu.memory_space<vmem>>) semaphore(%arg15 : memref<!tpu.dma_semaphore, #tpu.memory_space<semaphore_mem>>)
      } else {
      }
      %eq3A_679 = arith.constant 1 : i32
      %eq3A_680 = arith.cmpi eq, %arg0, %eq3A_679 : i32
      %convert_element_type3A_681 = arith.extui %eq3A_680 : i1 to i32
      %cond3A_682 = arith.constant 0 : i32
      %cond3A_683 = arith.cmpi ne, %convert_element_type3A_681, %cond3A_682 : i32
      scf.if %cond3A_683 {
        %dma_start3A_934 = arith.constant 1 : i32
        %dma_start3A_935 = arith.constant 1 : i32
        %dma_start3A_936 = arith.constant 1 : i32
        %dma_start3A_937 = arith.constant 0 : i32
        %dma_start3A_938 = arith.constant 0 : i32
        %dma_start3A_939 = tpu.memref_slice %arg11[%dma_start3A_936, %dma_start3A_937, %dma_start3A_938] : memref<3x80x144xf32, #tpu.memory_space<vmem>> -> memref<1x80x144xf32, #tpu.memory_space<vmem>>
        %dma_start3A_940 = tpu.memref_squeeze %dma_start3A_939 : memref<1x80x144xf32, #tpu.memory_space<vmem>> -> memref<80x144xf32, #tpu.memory_space<vmem>>
        %dma_start3A_941 = arith.constant 0 : i32
        %dma_start3A_942 = tpu.memref_slice %arg8[%dma_start3A_935, %dma_start3A_941] : memref<3x80xi32, #tpu.memory_space<vmem>> -> memref<1x80xi32, #tpu.memory_space<vmem>>
        %dma_start3A_943 = tpu.memref_squeeze %dma_start3A_942 : memref<1x80xi32, #tpu.memory_space<vmem>> -> memref<80xi32, #tpu.memory_space<vmem>>
        %dma_start3A_944 = arith.constant 0 : i32
        %dma_start3A_945 = arith.constant 0 : i32
        %dma_start3A_946 = tpu.memref_slice %arg4[%dma_start3A_934, %dma_start3A_944, %dma_start3A_945] : memref<2x10000x144xf32, #tpu.memory_space<hbm>> -> memref<1x10000x144xf32, #tpu.memory_space<hbm>>
        %dma_start3A_947 = tpu.memref_squeeze %dma_start3A_946 : memref<1x10000x144xf32, #tpu.memory_space<hbm>> -> memref<10000x144xf32, #tpu.memory_space<hbm>>
        %dma_start3A_948 = arith.constant 0 : i32
        %dma_start3A_949 = arith.constant 0 : i32
        %dma_start3A_950 = tpu.memref_slice %dma_start3A_947[%dma_start3A_948, %dma_start3A_949] : memref<10000x144xf32, #tpu.memory_space<hbm>> -> memref<10000x144xf32, #tpu.memory_space<hbm>>
        tpu.enqueue_indirect_dma source(%dma_start3A_950 : memref<10000x144xf32, #tpu.memory_space<hbm>>) target(%dma_start3A_940 : memref<80x144xf32, #tpu.memory_space<vmem>>) offsets(%dma_start3A_943 : memref<80xi32, #tpu.memory_space<vmem>>) semaphore(%arg15 : memref<!tpu.dma_semaphore, #tpu.memory_space<semaphore_mem>>)
        %dma_start3A_951 = arith.constant 1 : i32
        %dma_start3A_952 = arith.constant 1 : i32
        %dma_start3A_953 = arith.constant 1 : i32
        %dma_start3A_954 = arith.constant 0 : i32
        %dma_start3A_955 = arith.constant 0 : i32
        %dma_start3A_956 = tpu.memref_slice %arg12[%dma_start3A_953, %dma_start3A_954, %dma_start3A_955] : memref<3x80x16xf32, #tpu.memory_space<vmem>> -> memref<1x80x16xf32, #tpu.memory_space<vmem>>
        %dma_start3A_957 = tpu.memref_squeeze %dma_start3A_956 : memref<1x80x16xf32, #tpu.memory_space<vmem>> -> memref<80x16xf32, #tpu.memory_space<vmem>>
        %dma_start3A_958 = arith.constant 0 : i32
        %dma_start3A_959 = tpu.memref_slice %arg9[%dma_start3A_952, %dma_start3A_958] : memref<3x80xi32, #tpu.memory_space<vmem>> -> memref<1x80xi32, #tpu.memory_space<vmem>>
        %dma_start3A_960 = tpu.memref_squeeze %dma_start3A_959 : memref<1x80xi32, #tpu.memory_space<vmem>> -> memref<80xi32, #tpu.memory_space<vmem>>
        %dma_start3A_961 = arith.constant 0 : i32
        %dma_start3A_962 = arith.constant 0 : i32
        %dma_start3A_963 = tpu.memref_slice %arg5[%dma_start3A_951, %dma_start3A_961, %dma_start3A_962] : memref<2x10000x16xf32, #tpu.memory_space<hbm>> -> memref<1x10000x16xf32, #tpu.memory_space<hbm>>
        %dma_start3A_964 = tpu.memref_squeeze %dma_start3A_963 : memref<1x10000x16xf32, #tpu.memory_space<hbm>> -> memref<10000x16xf32, #tpu.memory_space<hbm>>
        %dma_start3A_965 = arith.constant 0 : i32
        %dma_start3A_966 = arith.constant 0 : i32
        %dma_start3A_967 = tpu.memref_slice %dma_start3A_964[%dma_start3A_965, %dma_start3A_966] : memref<10000x16xf32, #tpu.memory_space<hbm>> -> memref<10000x16xf32, #tpu.memory_space<hbm>>
        tpu.enqueue_indirect_dma source(%dma_start3A_967 : memref<10000x16xf32, #tpu.memory_space<hbm>>) target(%dma_start3A_957 : memref<80x16xf32, #tpu.memory_space<vmem>>) offsets(%dma_start3A_960 : memref<80xi32, #tpu.memory_space<vmem>>) semaphore(%arg15 : memref<!tpu.dma_semaphore, #tpu.memory_space<semaphore_mem>>)
      } else {
      }
      %add3A_684 = arith.constant 3 : i32
      %add3A_685 = arith.addi %add3A_593, %add3A_684 : i32
      %lt3A_686 = arith.constant 250 : i32
      %lt3A_687 = arith.cmpi slt, %add3A_685, %lt3A_686 : i32
      %convert_element_type3A_688 = arith.extui %lt3A_687 : i1 to i32
      %cond3A_689 = arith.constant 0 : i32
      %cond3A_690 = arith.cmpi ne, %convert_element_type3A_688, %cond3A_689 : i32
      scf.if %cond3A_690 {
        %add3A_934 = arith.constant 3 : i32
        %add3A_935 = arith.addi %add3A_593, %add3A_934 : i32
        %add3A_936 = arith.addi %mul3A_6, %add3A_935 : i32
        %dma_start3A_937 = arith.constant 2 : i32
        %dma_start3A_938 = arith.constant 0 : i32
        %dma_start3A_939 = tpu.memref_slice %arg8[%dma_start3A_937, %dma_start3A_938] : memref<3x80xi32, #tpu.memory_space<vmem>> -> memref<1x80xi32, #tpu.memory_space<vmem>>
        %dma_start3A_940 = tpu.memref_squeeze %dma_start3A_939 : memref<1x80xi32, #tpu.memory_space<vmem>> -> memref<80xi32, #tpu.memory_space<vmem>>
        %dma_start3A_941 = arith.constant 0 : i32
        %dma_start3A_942 = tpu.memref_slice %arg2[%add3A_936, %dma_start3A_941] : memref<4000x80xi32, #tpu.memory_space<hbm>> -> memref<1x80xi32, #tpu.memory_space<hbm>>
        %dma_start3A_943 = tpu.memref_squeeze %dma_start3A_942 : memref<1x80xi32, #tpu.memory_space<hbm>> -> memref<80xi32, #tpu.memory_space<hbm>>
        %dma_start3A_944 = arith.constant 0 : i32
        %dma_start3A_945 = tpu.memref_slice %arg8[%dma_start3A_937, %dma_start3A_944] : memref<3x80xi32, #tpu.memory_space<vmem>> -> memref<1x80xi32, #tpu.memory_space<vmem>>
        %dma_start3A_946 = tpu.memref_squeeze %dma_start3A_945 : memref<1x80xi32, #tpu.memory_space<vmem>> -> memref<80xi32, #tpu.memory_space<vmem>>
        %dma_start3A_947 = arith.constant 0 : i32
        %dma_start3A_948 = tpu.memref_slice %arg2[%add3A_936, %dma_start3A_947] : memref<4000x80xi32, #tpu.memory_space<hbm>> -> memref<1x80xi32, #tpu.memory_space<hbm>>
        %dma_start3A_949 = tpu.memref_squeeze %dma_start3A_948 : memref<1x80xi32, #tpu.memory_space<hbm>> -> memref<80xi32, #tpu.memory_space<hbm>>
        tpu.enqueue_dma source(%dma_start3A_949 : memref<80xi32, #tpu.memory_space<hbm>>) target(%dma_start3A_946 : memref<80xi32, #tpu.memory_space<vmem>>) target_semaphore(%arg22 : memref<!tpu.dma_semaphore, #tpu.memory_space<semaphore_mem>>)
        %add3A_950 = arith.addi %mul3A_6, %add3A_935 : i32
        %dma_start3A_951 = arith.constant 2 : i32
        %dma_start3A_952 = arith.constant 0 : i32
        %dma_start3A_953 = tpu.memref_slice %arg9[%dma_start3A_951, %dma_start3A_952] : memref<3x80xi32, #tpu.memory_space<vmem>> -> memref<1x80xi32, #tpu.memory_space<vmem>>
        %dma_start3A_954 = tpu.memref_squeeze %dma_start3A_953 : memref<1x80xi32, #tpu.memory_space<vmem>> -> memref<80xi32, #tpu.memory_space<vmem>>
        %dma_start3A_955 = arith.constant 0 : i32
        %dma_start3A_956 = tpu.memref_slice %arg3[%add3A_950, %dma_start3A_955] : memref<4000x80xi32, #tpu.memory_space<hbm>> -> memref<1x80xi32, #tpu.memory_space<hbm>>
        %dma_start3A_957 = tpu.memref_squeeze %dma_start3A_956 : memref<1x80xi32, #tpu.memory_space<hbm>> -> memref<80xi32, #tpu.memory_space<hbm>>
        %dma_start3A_958 = arith.constant 0 : i32
        %dma_start3A_959 = tpu.memref_slice %arg9[%dma_start3A_951, %dma_start3A_958] : memref<3x80xi32, #tpu.memory_space<vmem>> -> memref<1x80xi32, #tpu.memory_space<vmem>>
        %dma_start3A_960 = tpu.memref_squeeze %dma_start3A_959 : memref<1x80xi32, #tpu.memory_space<vmem>> -> memref<80xi32, #tpu.memory_space<vmem>>
        %dma_start3A_961 = arith.constant 0 : i32
        %dma_start3A_962 = tpu.memref_slice %arg3[%add3A_950, %dma_start3A_961] : memref<4000x80xi32, #tpu.memory_space<hbm>> -> memref<1x80xi32, #tpu.memory_space<hbm>>
        %dma_start3A_963 = tpu.memref_squeeze %dma_start3A_962 : memref<1x80xi32, #tpu.memory_space<hbm>> -> memref<80xi32, #tpu.memory_space<hbm>>
        tpu.enqueue_dma source(%dma_start3A_963 : memref<80xi32, #tpu.memory_space<hbm>>) target(%dma_start3A_960 : memref<80xi32, #tpu.memory_space<vmem>>) target_semaphore(%arg22 : memref<!tpu.dma_semaphore, #tpu.memory_space<semaphore_mem>>)
      } else {
      }
      %parallel_loop3A_691 = arith.constant 0 : i32
      %parallel_loop3A_692 = arith.constant 80 : i32
      %parallel_loop3A_693 = arith.constant 1 : i32
      scf.for %parallel_loop3A_934 = %parallel_loop3A_691 to %parallel_loop3A_692 step %parallel_loop3A_693  : i32 {
        %parallel_loop3A_935 = arith.constant 2 : i32
        %parallel_loop3A_936 = arith.index_cast %parallel_loop3A_935 : i32 to index
        %parallel_loop3A_937 = arith.index_cast %parallel_loop3A_934 : i32 to index
        %parallel_loop3A_938 = arith.constant 128 : index
        %parallel_loop3A_939 = tpu.vector_load %arg11[%parallel_loop3A_936, %parallel_loop3A_937, %parallel_loop3A_938] {strides = array<i32>} : memref<3x80x144xf32, #tpu.memory_space<vmem>>, vector<16xf32>,
        %parallel_loop3A_940 = vector.extract_strided_slice %parallel_loop3A_939 {offsets = [0], sizes = [1], strides = [1]} : vector<16xf32> to vector<1xf32>
        %parallel_loop3A_941 = vector.extract %parallel_loop3A_940[0] : f32 from vector<1xf32>
        %parallel_loop3A_942 = vector.broadcast %parallel_loop3A_941 : f32 to vector<16xf32>
        %parallel_loop3A_943 = arith.constant 2 : i32
        %parallel_loop3A_944 = arith.index_cast %parallel_loop3A_943 : i32 to index
        %parallel_loop3A_945 = arith.index_cast %parallel_loop3A_934 : i32 to index
        %parallel_loop3A_946 = arith.constant 0 : index
        %parallel_loop3A_947 = tpu.vector_load %arg11[%parallel_loop3A_944, %parallel_loop3A_945, %parallel_loop3A_946] {strides = array<i32>} : memref<3x80x144xf32, #tpu.memory_space<vmem>>, vector<16xf32>,
        %parallel_loop3A_948 = arith.mulf %parallel_loop3A_947, %parallel_loop3A_942 : vector<16xf32>
        %parallel_loop3A_949 = arith.constant 2 : i32
        %parallel_loop3A_950 = arith.index_cast %parallel_loop3A_949 : i32 to index
        %parallel_loop3A_951 = arith.index_cast %parallel_loop3A_934 : i32 to index
        %parallel_loop3A_952 = arith.constant 0 : index
        %parallel_loop3A_953 = tpu.vector_load %arg11[%parallel_loop3A_950, %parallel_loop3A_951, %parallel_loop3A_952] {strides = array<i32>} : memref<3x80x144xf32, #tpu.memory_space<vmem>>, vector<16xf32>,
        tpu.vector_store %arg11[%parallel_loop3A_950, %parallel_loop3A_951, %parallel_loop3A_952], %parallel_loop3A_948 {strides = array<i32>} : memref<3x80x144xf32, #tpu.memory_space<vmem>>, vector<16xf32>,
        %parallel_loop3A_954 = arith.constant 2 : i32
        %parallel_loop3A_955 = arith.index_cast %parallel_loop3A_954 : i32 to index
        %parallel_loop3A_956 = arith.index_cast %parallel_loop3A_934 : i32 to index
        %parallel_loop3A_957 = arith.constant 16 : index
        %parallel_loop3A_958 = tpu.vector_load %arg11[%parallel_loop3A_955, %parallel_loop3A_956, %parallel_loop3A_957] {strides = array<i32>} : memref<3x80x144xf32, #tpu.memory_space<vmem>>, vector<16xf32>,
        %parallel_loop3A_959 = arith.mulf %parallel_loop3A_958, %parallel_loop3A_942 : vector<16xf32>
        %parallel_loop3A_960 = arith.constant 2 : i32
        %parallel_loop3A_961 = arith.index_cast %parallel_loop3A_960 : i32 to index
        %parallel_loop3A_962 = arith.index_cast %parallel_loop3A_934 : i32 to index
        %parallel_loop3A_963 = arith.constant 16 : index
        %parallel_loop3A_964 = tpu.vector_load %arg11[%parallel_loop3A_961, %parallel_loop3A_962, %parallel_loop3A_963] {strides = array<i32>} : memref<3x80x144xf32, #tpu.memory_space<vmem>>, vector<16xf32>,
        tpu.vector_store %arg11[%parallel_loop3A_961, %parallel_loop3A_962, %parallel_loop3A_963], %parallel_loop3A_959 {strides = array<i32>} : memref<3x80x144xf32, #tpu.memory_space<vmem>>, vector<16xf32>,
        %parallel_loop3A_965 = vector.extract_strided_slice %parallel_loop3A_939 {offsets = [1], sizes = [1], strides = [1]} : vector<16xf32> to vector<1xf32>
        %parallel_loop3A_966 = vector.extract %parallel_loop3A_965[0] : f32 from vector<1xf32>
        %parallel_loop3A_967 = vector.broadcast %parallel_loop3A_966 : f32 to vector<16xf32>
        %parallel_loop3A_968 = arith.constant 2 : i32
        %parallel_loop3A_969 = arith.index_cast %parallel_loop3A_968 : i32 to index
        %parallel_loop3A_970 = arith.index_cast %parallel_loop3A_934 : i32 to index
        %parallel_loop3A_971 = arith.constant 32 : index
        %parallel_loop3A_972 = tpu.vector_load %arg11[%parallel_loop3A_969, %parallel_loop3A_970, %parallel_loop3A_971] {strides = array<i32>} : memref<3x80x144xf32, #tpu.memory_space<vmem>>, vector<16xf32>,
        %parallel_loop3A_973 = arith.mulf %parallel_loop3A_972, %parallel_loop3A_967 : vector<16xf32>
        %parallel_loop3A_974 = arith.constant 2 : i32
        %parallel_loop3A_975 = arith.index_cast %parallel_loop3A_974 : i32 to index
        %parallel_loop3A_976 = arith.index_cast %parallel_loop3A_934 : i32 to index
        %parallel_loop3A_977 = arith.constant 32 : index
        %parallel_loop3A_978 = tpu.vector_load %arg11[%parallel_loop3A_975, %parallel_loop3A_976, %parallel_loop3A_977] {strides = array<i32>} : memref<3x80x144xf32, #tpu.memory_space<vmem>>, vector<16xf32>,
        tpu.vector_store %arg11[%parallel_loop3A_975, %parallel_loop3A_976, %parallel_loop3A_977], %parallel_loop3A_973 {strides = array<i32>} : memref<3x80x144xf32, #tpu.memory_space<vmem>>, vector<16xf32>,
        %parallel_loop3A_979 = arith.constant 2 : i32
        %parallel_loop3A_980 = arith.index_cast %parallel_loop3A_979 : i32 to index
        %parallel_loop3A_981 = arith.index_cast %parallel_loop3A_934 : i32 to index
        %parallel_loop3A_982 = arith.constant 48 : index
        %parallel_loop3A_983 = tpu.vector_load %arg11[%parallel_loop3A_980, %parallel_loop3A_981, %parallel_loop3A_982] {strides = array<i32>} : memref<3x80x144xf32, #tpu.memory_space<vmem>>, vector<16xf32>,
        %parallel_loop3A_984 = arith.mulf %parallel_loop3A_983, %parallel_loop3A_967 : vector<16xf32>
        %parallel_loop3A_985 = arith.constant 2 : i32
        %parallel_loop3A_986 = arith.index_cast %parallel_loop3A_985 : i32 to index
        %parallel_loop3A_987 = arith.index_cast %parallel_loop3A_934 : i32 to index
        %parallel_loop3A_988 = arith.constant 48 : index
        %parallel_loop3A_989 = tpu.vector_load %arg11[%parallel_loop3A_986, %parallel_loop3A_987, %parallel_loop3A_988] {strides = array<i32>} : memref<3x80x144xf32, #tpu.memory_space<vmem>>, vector<16xf32>,
        tpu.vector_store %arg11[%parallel_loop3A_986, %parallel_loop3A_987, %parallel_loop3A_988], %parallel_loop3A_984 {strides = array<i32>} : memref<3x80x144xf32, #tpu.memory_space<vmem>>, vector<16xf32>,
        %parallel_loop3A_990 = vector.extract_strided_slice %parallel_loop3A_939 {offsets = [2], sizes = [1], strides = [1]} : vector<16xf32> to vector<1xf32>
        %parallel_loop3A_991 = vector.extract %parallel_loop3A_990[0] : f32 from vector<1xf32>
        %parallel_loop3A_992 = vector.broadcast %parallel_loop3A_991 : f32 to vector<16xf32>
        %parallel_loop3A_993 = arith.constant 2 : i32
        %parallel_loop3A_994 = arith.index_cast %parallel_loop3A_993 : i32 to index
        %parallel_loop3A_995 = arith.index_cast %parallel_loop3A_934 : i32 to index
        %parallel_loop3A_996 = arith.constant 64 : index
        %parallel_loop3A_997 = tpu.vector_load %arg11[%parallel_loop3A_994, %parallel_loop3A_995, %parallel_loop3A_996] {strides = array<i32>} : memref<3x80x144xf32, #tpu.memory_space<vmem>>, vector<16xf32>,
        %parallel_loop3A_998 = arith.mulf %parallel_loop3A_997, %parallel_loop3A_992 : vector<16xf32>
        %parallel_loop3A_999 = arith.constant 2 : i32
        %parallel_loop3A_1000 = arith.index_cast %parallel_loop3A_999 : i32 to index
        %parallel_loop3A_1001 = arith.index_cast %parallel_loop3A_934 : i32 to index
        %parallel_loop3A_1002 = arith.constant 64 : index
        %parallel_loop3A_1003 = tpu.vector_load %arg11[%parallel_loop3A_1000, %parallel_loop3A_1001, %parallel_loop3A_1002] {strides = array<i32>} : memref<3x80x144xf32, #tpu.memory_space<vmem>>, vector<16xf32>,
        tpu.vector_store %arg11[%parallel_loop3A_1000, %parallel_loop3A_1001, %parallel_loop3A_1002], %parallel_loop3A_998 {strides = array<i32>} : memref<3x80x144xf32, #tpu.memory_space<vmem>>, vector<16xf32>,
        %parallel_loop3A_1004 = arith.constant 2 : i32
        %parallel_loop3A_1005 = arith.index_cast %parallel_loop3A_1004 : i32 to index
        %parallel_loop3A_1006 = arith.index_cast %parallel_loop3A_934 : i32 to index
        %parallel_loop3A_1007 = arith.constant 80 : index
        %parallel_loop3A_1008 = tpu.vector_load %arg11[%parallel_loop3A_1005, %parallel_loop3A_1006, %parallel_loop3A_1007] {strides = array<i32>} : memref<3x80x144xf32, #tpu.memory_space<vmem>>, vector<16xf32>,
        %parallel_loop3A_1009 = arith.mulf %parallel_loop3A_1008, %parallel_loop3A_992 : vector<16xf32>
        %parallel_loop3A_1010 = arith.constant 2 : i32
        %parallel_loop3A_1011 = arith.index_cast %parallel_loop3A_1010 : i32 to index
        %parallel_loop3A_1012 = arith.index_cast %parallel_loop3A_934 : i32 to index
        %parallel_loop3A_1013 = arith.constant 80 : index
        %parallel_loop3A_1014 = tpu.vector_load %arg11[%parallel_loop3A_1011, %parallel_loop3A_1012, %parallel_loop3A_1013] {strides = array<i32>} : memref<3x80x144xf32, #tpu.memory_space<vmem>>, vector<16xf32>,
        tpu.vector_store %arg11[%parallel_loop3A_1011, %parallel_loop3A_1012, %parallel_loop3A_1013], %parallel_loop3A_1009 {strides = array<i32>} : memref<3x80x144xf32, #tpu.memory_space<vmem>>, vector<16xf32>,
        %parallel_loop3A_1015 = vector.extract_strided_slice %parallel_loop3A_939 {offsets = [3], sizes = [1], strides = [1]} : vector<16xf32> to vector<1xf32>
        %parallel_loop3A_1016 = vector.extract %parallel_loop3A_1015[0] : f32 from vector<1xf32>
        %parallel_loop3A_1017 = vector.broadcast %parallel_loop3A_1016 : f32 to vector<16xf32>
        %parallel_loop3A_1018 = arith.constant 2 : i32
        %parallel_loop3A_1019 = arith.index_cast %parallel_loop3A_1018 : i32 to index
        %parallel_loop3A_1020 = arith.index_cast %parallel_loop3A_934 : i32 to index
        %parallel_loop3A_1021 = arith.constant 96 : index
        %parallel_loop3A_1022 = tpu.vector_load %arg11[%parallel_loop3A_1019, %parallel_loop3A_1020, %parallel_loop3A_1021] {strides = array<i32>} : memref<3x80x144xf32, #tpu.memory_space<vmem>>, vector<16xf32>,
        %parallel_loop3A_1023 = arith.mulf %parallel_loop3A_1022, %parallel_loop3A_1017 : vector<16xf32>
        %parallel_loop3A_1024 = arith.constant 2 : i32
        %parallel_loop3A_1025 = arith.index_cast %parallel_loop3A_1024 : i32 to index
        %parallel_loop3A_1026 = arith.index_cast %parallel_loop3A_934 : i32 to index
        %parallel_loop3A_1027 = arith.constant 96 : index
        %parallel_loop3A_1028 = tpu.vector_load %arg11[%parallel_loop3A_1025, %parallel_loop3A_1026, %parallel_loop3A_1027] {strides = array<i32>} : memref<3x80x144xf32, #tpu.memory_space<vmem>>, vector<16xf32>,
        tpu.vector_store %arg11[%parallel_loop3A_1025, %parallel_loop3A_1026, %parallel_loop3A_1027], %parallel_loop3A_1023 {strides = array<i32>} : memref<3x80x144xf32, #tpu.memory_space<vmem>>, vector<16xf32>,
        %parallel_loop3A_1029 = arith.constant 2 : i32
        %parallel_loop3A_1030 = arith.index_cast %parallel_loop3A_1029 : i32 to index
        %parallel_loop3A_1031 = arith.index_cast %parallel_loop3A_934 : i32 to index
        %parallel_loop3A_1032 = arith.constant 112 : index
        %parallel_loop3A_1033 = tpu.vector_load %arg11[%parallel_loop3A_1030, %parallel_loop3A_1031, %parallel_loop3A_1032] {strides = array<i32>} : memref<3x80x144xf32, #tpu.memory_space<vmem>>, vector<16xf32>,
        %parallel_loop3A_1034 = arith.mulf %parallel_loop3A_1033, %parallel_loop3A_1017 : vector<16xf32>
        %parallel_loop3A_1035 = arith.constant 2 : i32
        %parallel_loop3A_1036 = arith.index_cast %parallel_loop3A_1035 : i32 to index
        %parallel_loop3A_1037 = arith.index_cast %parallel_loop3A_934 : i32 to index
        %parallel_loop3A_1038 = arith.constant 112 : index
        %parallel_loop3A_1039 = tpu.vector_load %arg11[%parallel_loop3A_1036, %parallel_loop3A_1037, %parallel_loop3A_1038] {strides = array<i32>} : memref<3x80x144xf32, #tpu.memory_space<vmem>>, vector<16xf32>,
        tpu.vector_store %arg11[%parallel_loop3A_1036, %parallel_loop3A_1037, %parallel_loop3A_1038], %parallel_loop3A_1034 {strides = array<i32>} : memref<3x80x144xf32, #tpu.memory_space<vmem>>, vector<16xf32>,
      } {sc.loop_unroll_factor = 2 : i64, sc.parallel_access}
      %dma_start3A_694 = arith.constant 2 : i32
      %dma_start3A_695 = arith.constant 2 : i32
      %dma_start3A_696 = arith.constant 0 : i32
      %dma_start3A_697 = arith.constant 0 : i32
      %dma_start3A_698 = tpu.memref_slice %arg11[%dma_start3A_694, %dma_start3A_696, %dma_start3A_697] : memref<3x80x144xf32, #tpu.memory_space<vmem>> -> memref<1x80x144xf32, #tpu.memory_space<vmem>>
      %dma_start3A_699 = tpu.memref_squeeze %dma_start3A_698 : memref<1x80x144xf32, #tpu.memory_space<vmem>> -> memref<80x144xf32, #tpu.memory_space<vmem>>
      %dma_start3A_700 = arith.constant 0 : i32
      %dma_start3A_701 = tpu.memref_slice %arg10[%dma_start3A_695, %dma_start3A_700] : memref<3x80xi32, #tpu.memory_space<vmem>> -> memref<1x80xi32, #tpu.memory_space<vmem>>
      %dma_start3A_702 = tpu.memref_squeeze %dma_start3A_701 : memref<1x80xi32, #tpu.memory_space<vmem>> -> memref<80xi32, #tpu.memory_space<vmem>>
      %dma_start3A_703 = arith.constant 0 : i32
      %dma_start3A_704 = arith.constant 0 : i32
      %dma_start3A_705 = tpu.memref_slice %arg13[%dma_start3A_703, %dma_start3A_704] : memref<10000x144xf32, #tpu.memory_space<vmem_shared>> -> memref<10000x144xf32, #tpu.memory_space<vmem_shared>>
      tpu.enqueue_indirect_dma source(%dma_start3A_699 : memref<80x144xf32, #tpu.memory_space<vmem>>) target(%dma_start3A_705 : memref<10000x144xf32, #tpu.memory_space<vmem_shared>>) offsets(%dma_start3A_702 : memref<80xi32, #tpu.memory_space<vmem>>) semaphore(%arg19 : memref<!tpu.dma_semaphore, #tpu.memory_space<semaphore_mem>>) {add = true}
      %add3A_706 = arith.constant 1 : i32
      %add3A_707 = arith.addi %add3A_593, %add3A_706 : i32
      %dma_wait3A_708 = arith.constant 0 : i32
      %dma_wait3A_709 = arith.constant 0 : i32
      %dma_wait3A_710 = arith.constant 0 : i32
      %dma_wait3A_711 = arith.constant 0 : i32
      %dma_wait3A_712 = arith.constant 0 : i32
      %dma_wait3A_713 = tpu.memref_slice %arg11[%dma_wait3A_710, %dma_wait3A_711, %dma_wait3A_712] : memref<3x80x144xf32, #tpu.memory_space<vmem>> -> memref<1x80x144xf32, #tpu.memory_space<vmem>>
      %dma_wait3A_714 = tpu.memref_squeeze %dma_wait3A_713 : memref<1x80x144xf32, #tpu.memory_space<vmem>> -> memref<80x144xf32, #tpu.memory_space<vmem>>
      %dma_wait3A_715 = arith.constant 0 : i32
      %dma_wait3A_716 = tpu.memref_slice %arg8[%dma_wait3A_709, %dma_wait3A_715] : memref<3x80xi32, #tpu.memory_space<vmem>> -> memref<1x80xi32, #tpu.memory_space<vmem>>
      %dma_wait3A_717 = tpu.memref_squeeze %dma_wait3A_716 : memref<1x80xi32, #tpu.memory_space<vmem>> -> memref<80xi32, #tpu.memory_space<vmem>>
      %dma_wait3A_718 = arith.constant 0 : i32
      %dma_wait3A_719 = arith.constant 0 : i32
      %dma_wait3A_720 = tpu.memref_slice %arg4[%dma_wait3A_708, %dma_wait3A_718, %dma_wait3A_719] : memref<2x10000x144xf32, #tpu.memory_space<hbm>> -> memref<1x10000x144xf32, #tpu.memory_space<hbm>>
      %dma_wait3A_721 = tpu.memref_squeeze %dma_wait3A_720 : memref<1x10000x144xf32, #tpu.memory_space<hbm>> -> memref<10000x144xf32, #tpu.memory_space<hbm>>
      %dma_wait3A_722 = arith.constant 0 : i32
      %dma_wait3A_723 = arith.constant 0 : i32
      %dma_wait3A_724 = tpu.memref_slice %dma_wait3A_721[%dma_wait3A_722, %dma_wait3A_723] : memref<10000x144xf32, #tpu.memory_space<hbm>> -> memref<10000x144xf32, #tpu.memory_space<hbm>>
      tpu.wait_indirect_dma semaphore(%arg14 : memref<!tpu.dma_semaphore, #tpu.memory_space<semaphore_mem>>) src(%dma_wait3A_724 : memref<10000x144xf32, #tpu.memory_space<hbm>>) dst(%dma_wait3A_714 : memref<80x144xf32, #tpu.memory_space<vmem>>)
      %dma_wait3A_725 = arith.constant 0 : i32
      %dma_wait3A_726 = arith.constant 0 : i32
      %dma_wait3A_727 = arith.constant 0 : i32
      %dma_wait3A_728 = arith.constant 0 : i32
      %dma_wait3A_729 = arith.constant 0 : i32
      %dma_wait3A_730 = tpu.memref_slice %arg12[%dma_wait3A_727, %dma_wait3A_728, %dma_wait3A_729] : memref<3x80x16xf32, #tpu.memory_space<vmem>> -> memref<1x80x16xf32, #tpu.memory_space<vmem>>
      %dma_wait3A_731 = tpu.memref_squeeze %dma_wait3A_730 : memref<1x80x16xf32, #tpu.memory_space<vmem>> -> memref<80x16xf32, #tpu.memory_space<vmem>>
      %dma_wait3A_732 = arith.constant 0 : i32
      %dma_wait3A_733 = tpu.memref_slice %arg9[%dma_wait3A_726, %dma_wait3A_732] : memref<3x80xi32, #tpu.memory_space<vmem>> -> memref<1x80xi32, #tpu.memory_space<vmem>>
      %dma_wait3A_734 = tpu.memref_squeeze %dma_wait3A_733 : memref<1x80xi32, #tpu.memory_space<vmem>> -> memref<80xi32, #tpu.memory_space<vmem>>
      %dma_wait3A_735 = arith.constant 0 : i32
      %dma_wait3A_736 = arith.constant 0 : i32
      %dma_wait3A_737 = tpu.memref_slice %arg5[%dma_wait3A_725, %dma_wait3A_735, %dma_wait3A_736] : memref<2x10000x16xf32, #tpu.memory_space<hbm>> -> memref<1x10000x16xf32, #tpu.memory_space<hbm>>
      %dma_wait3A_738 = tpu.memref_squeeze %dma_wait3A_737 : memref<1x10000x16xf32, #tpu.memory_space<hbm>> -> memref<10000x16xf32, #tpu.memory_space<hbm>>
      %dma_wait3A_739 = arith.constant 0 : i32
      %dma_wait3A_740 = arith.constant 0 : i32
      %dma_wait3A_741 = tpu.memref_slice %dma_wait3A_738[%dma_wait3A_739, %dma_wait3A_740] : memref<10000x16xf32, #tpu.memory_space<hbm>> -> memref<10000x16xf32, #tpu.memory_space<hbm>>
      tpu.wait_indirect_dma semaphore(%arg14 : memref<!tpu.dma_semaphore, #tpu.memory_space<semaphore_mem>>) src(%dma_wait3A_741 : memref<10000x16xf32, #tpu.memory_space<hbm>>) dst(%dma_wait3A_731 : memref<80x16xf32, #tpu.memory_space<vmem>>)
      %parallel_loop3A_742 = arith.constant 0 : i32
      %parallel_loop3A_743 = arith.constant 5 : i32
      %parallel_loop3A_744 = arith.constant 1 : i32
      scf.for %parallel_loop3A_934 = %parallel_loop3A_742 to %parallel_loop3A_743 step %parallel_loop3A_744  : i32 {
        %parallel_loop3A_935 = arith.constant 16 : i32
        %parallel_loop3A_936 = arith.muli %parallel_loop3A_934, %parallel_loop3A_935 : i32
        %parallel_loop3A_937 = arith.constant 0 : i32
        %parallel_loop3A_938 = arith.index_cast %parallel_loop3A_937 : i32 to index
        %parallel_loop3A_939 = arith.index_cast %parallel_loop3A_936 : i32 to index
        %parallel_loop3A_940 = tpu.vector_load %arg9[%parallel_loop3A_938, %parallel_loop3A_939] {strides = array<i32>} : memref<3x80xi32, #tpu.memory_space<vmem>>, vector<16xi32>,
        %parallel_loop3A_941 = arith.constant 16 : i32
        %parallel_loop3A_942 = arith.muli %parallel_loop3A_934, %parallel_loop3A_941 : i32
        %parallel_loop3A_943 = arith.constant 0 : i32
        %parallel_loop3A_944 = arith.index_cast %parallel_loop3A_943 : i32 to index
        %parallel_loop3A_945 = arith.index_cast %parallel_loop3A_942 : i32 to index
        %parallel_loop3A_946 = tpu.vector_load %arg10[%parallel_loop3A_944, %parallel_loop3A_945] {strides = array<i32>} : memref<3x80xi32, #tpu.memory_space<vmem>>, vector<16xi32>,
        tpu.vector_store %arg10[%parallel_loop3A_944, %parallel_loop3A_945], %parallel_loop3A_940 {strides = array<i32>} : memref<3x80xi32, #tpu.memory_space<vmem>>, vector<16xi32>,
      } {sc.loop_unroll_factor = 5 : i64, sc.parallel_access}
      %parallel_loop3A_745 = arith.constant 0 : i32
      %parallel_loop3A_746 = arith.constant 80 : i32
      %parallel_loop3A_747 = arith.constant 1 : i32
      scf.for %parallel_loop3A_934 = %parallel_loop3A_745 to %parallel_loop3A_746 step %parallel_loop3A_747  : i32 {
        %parallel_loop3A_935 = arith.constant 0 : i32
        %parallel_loop3A_936 = arith.index_cast %parallel_loop3A_935 : i32 to index
        %parallel_loop3A_937 = arith.index_cast %parallel_loop3A_934 : i32 to index
        %parallel_loop3A_938 = arith.constant 128 : index
        %parallel_loop3A_939 = tpu.vector_load %arg11[%parallel_loop3A_936, %parallel_loop3A_937, %parallel_loop3A_938] {strides = array<i32>} : memref<3x80x144xf32, #tpu.memory_space<vmem>>, vector<16xf32>,
        %parallel_loop3A_940 = arith.constant 0 : i32
        %parallel_loop3A_941 = arith.index_cast %parallel_loop3A_940 : i32 to index
        %parallel_loop3A_942 = arith.index_cast %parallel_loop3A_934 : i32 to index
        %parallel_loop3A_943 = arith.constant 0 : index
        %parallel_loop3A_944 = tpu.vector_load %arg12[%parallel_loop3A_941, %parallel_loop3A_942, %parallel_loop3A_943] {strides = array<i32>} : memref<3x80x16xf32, #tpu.memory_space<vmem>>, vector<16xf32>,
        %parallel_loop3A_945 = arith.addf %parallel_loop3A_939, %parallel_loop3A_944 : vector<16xf32>
        %parallel_loop3A_946 = arith.constant 0.000000e+00 : f32
        %parallel_loop3A_947 = vector.broadcast %parallel_loop3A_946 : f32 to vector<16xf32>
        %parallel_loop3A_948 = arith.cmpf oge, %parallel_loop3A_945, %parallel_loop3A_947 : vector<16xf32>
        %parallel_loop3A_949 = arith.constant 2.000000e-01 : f32
        %parallel_loop3A_950 = vector.broadcast %parallel_loop3A_949 : f32 to vector<16xf32>
        %parallel_loop3A_951 = arith.mulf %parallel_loop3A_950, %parallel_loop3A_945 : vector<16xf32>
        %parallel_loop3A_952 = arith.select %parallel_loop3A_948, %parallel_loop3A_945, %parallel_loop3A_951 : vector<16xi1>, vector<16xf32>
        %parallel_loop3A_953 = math.exp %parallel_loop3A_952 : vector<16xf32>
        %parallel_loop3A_954 = arith.constant 0 : i32
        %parallel_loop3A_955 = arith.index_cast %parallel_loop3A_954 : i32 to index
        %parallel_loop3A_956 = arith.index_cast %parallel_loop3A_934 : i32 to index
        %parallel_loop3A_957 = arith.constant 128 : index
        %parallel_loop3A_958 = tpu.vector_load %arg11[%parallel_loop3A_955, %parallel_loop3A_956, %parallel_loop3A_957] {strides = array<i32>} : memref<3x80x144xf32, #tpu.memory_space<vmem>>, vector<16xf32>,
        tpu.vector_store %arg11[%parallel_loop3A_955, %parallel_loop3A_956, %parallel_loop3A_957], %parallel_loop3A_953 {strides = array<i32>} : memref<3x80x144xf32, #tpu.memory_space<vmem>>, vector<16xf32>,
      } {sc.loop_unroll_factor = 4 : i64, sc.parallel_access}
      %dma_wait3A_748 = arith.constant 2 : i32
      %dma_wait3A_749 = arith.constant 2 : i32
      %dma_wait3A_750 = arith.constant 0 : i32
      %dma_wait3A_751 = arith.constant 0 : i32
      %dma_wait3A_752 = tpu.memref_slice %arg11[%dma_wait3A_748, %dma_wait3A_750, %dma_wait3A_751] : memref<3x80x144xf32, #tpu.memory_space<vmem>> -> memref<1x80x144xf32, #tpu.memory_space<vmem>>
      %dma_wait3A_753 = tpu.memref_squeeze %dma_wait3A_752 : memref<1x80x144xf32, #tpu.memory_space<vmem>> -> memref<80x144xf32, #tpu.memory_space<vmem>>
      %dma_wait3A_754 = arith.constant 0 : i32
      %dma_wait3A_755 = tpu.memref_slice %arg10[%dma_wait3A_749, %dma_wait3A_754] : memref<3x80xi32, #tpu.memory_space<vmem>> -> memref<1x80xi32, #tpu.memory_space<vmem>>
      %dma_wait3A_756 = tpu.memref_squeeze %dma_wait3A_755 : memref<1x80xi32, #tpu.memory_space<vmem>> -> memref<80xi32, #tpu.memory_space<vmem>>
      %dma_wait3A_757 = arith.constant 0 : i32
      %dma_wait3A_758 = arith.constant 0 : i32
      %dma_wait3A_759 = tpu.memref_slice %arg13[%dma_wait3A_757, %dma_wait3A_758] : memref<10000x144xf32, #tpu.memory_space<vmem_shared>> -> memref<10000x144xf32, #tpu.memory_space<vmem_shared>>
      tpu.wait_indirect_dma semaphore(%arg19 : memref<!tpu.dma_semaphore, #tpu.memory_space<semaphore_mem>>) src(%dma_wait3A_753 : memref<80x144xf32, #tpu.memory_space<vmem>>) dst(%dma_wait3A_759 : memref<10000x144xf32, #tpu.memory_space<vmem_shared>>)
      %dma_wait3A_760 = arith.constant 0 : i32
      %dma_wait3A_761 = arith.constant 2 : i32
      %dma_wait3A_762 = arith.constant 0 : i32
      %dma_wait3A_763 = tpu.memref_slice %arg8[%dma_wait3A_761, %dma_wait3A_762] : memref<3x80xi32, #tpu.memory_space<vmem>> -> memref<1x80xi32, #tpu.memory_space<vmem>>
      %dma_wait3A_764 = tpu.memref_squeeze %dma_wait3A_763 : memref<1x80xi32, #tpu.memory_space<vmem>> -> memref<80xi32, #tpu.memory_space<vmem>>
      %dma_wait3A_765 = arith.constant 0 : i32
      %dma_wait3A_766 = tpu.memref_slice %arg2[%dma_wait3A_760, %dma_wait3A_765] : memref<4000x80xi32, #tpu.memory_space<hbm>> -> memref<1x80xi32, #tpu.memory_space<hbm>>
      %dma_wait3A_767 = tpu.memref_squeeze %dma_wait3A_766 : memref<1x80xi32, #tpu.memory_space<hbm>> -> memref<80xi32, #tpu.memory_space<hbm>>
      %dma_wait3A_768 = arith.constant 0 : i32
      %dma_wait3A_769 = tpu.memref_slice %arg8[%dma_wait3A_761, %dma_wait3A_768] : memref<3x80xi32, #tpu.memory_space<vmem>> -> memref<1x80xi32, #tpu.memory_space<vmem>>
      %dma_wait3A_770 = tpu.memref_squeeze %dma_wait3A_769 : memref<1x80xi32, #tpu.memory_space<vmem>> -> memref<80xi32, #tpu.memory_space<vmem>>
      %dma_wait3A_771 = arith.constant 0 : i32
      %dma_wait3A_772 = tpu.memref_slice %arg2[%dma_wait3A_760, %dma_wait3A_771] : memref<4000x80xi32, #tpu.memory_space<hbm>> -> memref<1x80xi32, #tpu.memory_space<hbm>>
      %dma_wait3A_773 = tpu.memref_squeeze %dma_wait3A_772 : memref<1x80xi32, #tpu.memory_space<hbm>> -> memref<80xi32, #tpu.memory_space<hbm>>
      tpu.wait_dma2 semaphore(%arg22 : memref<!tpu.dma_semaphore, #tpu.memory_space<semaphore_mem>>) src(%dma_wait3A_773 : memref<80xi32, #tpu.memory_space<hbm>>) dst(%dma_wait3A_770 : memref<80xi32, #tpu.memory_space<vmem>>)
      %dma_wait3A_774 = arith.constant 0 : i32
      %dma_wait3A_775 = arith.constant 2 : i32
      %dma_wait3A_776 = arith.constant 0 : i32
      %dma_wait3A_777 = tpu.memref_slice %arg9[%dma_wait3A_775, %dma_wait3A_776] : memref<3x80xi32, #tpu.memory_space<vmem>> -> memref<1x80xi32, #tpu.memory_space<vmem>>
      %dma_wait3A_778 = tpu.memref_squeeze %dma_wait3A_777 : memref<1x80xi32, #tpu.memory_space<vmem>> -> memref<80xi32, #tpu.memory_space<vmem>>
      %dma_wait3A_779 = arith.constant 0 : i32
      %dma_wait3A_780 = tpu.memref_slice %arg3[%dma_wait3A_774, %dma_wait3A_779] : memref<4000x80xi32, #tpu.memory_space<hbm>> -> memref<1x80xi32, #tpu.memory_space<hbm>>
      %dma_wait3A_781 = tpu.memref_squeeze %dma_wait3A_780 : memref<1x80xi32, #tpu.memory_space<hbm>> -> memref<80xi32, #tpu.memory_space<hbm>>
      %dma_wait3A_782 = arith.constant 0 : i32
      %dma_wait3A_783 = tpu.memref_slice %arg9[%dma_wait3A_775, %dma_wait3A_782] : memref<3x80xi32, #tpu.memory_space<vmem>> -> memref<1x80xi32, #tpu.memory_space<vmem>>
      %dma_wait3A_784 = tpu.memref_squeeze %dma_wait3A_783 : memref<1x80xi32, #tpu.memory_space<vmem>> -> memref<80xi32, #tpu.memory_space<vmem>>
      %dma_wait3A_785 = arith.constant 0 : i32
      %dma_wait3A_786 = tpu.memref_slice %arg3[%dma_wait3A_774, %dma_wait3A_785] : memref<4000x80xi32, #tpu.memory_space<hbm>> -> memref<1x80xi32, #tpu.memory_space<hbm>>
      %dma_wait3A_787 = tpu.memref_squeeze %dma_wait3A_786 : memref<1x80xi32, #tpu.memory_space<hbm>> -> memref<80xi32, #tpu.memory_space<hbm>>
      tpu.wait_dma2 semaphore(%arg22 : memref<!tpu.dma_semaphore, #tpu.memory_space<semaphore_mem>>) src(%dma_wait3A_787 : memref<80xi32, #tpu.memory_space<hbm>>) dst(%dma_wait3A_784 : memref<80xi32, #tpu.memory_space<vmem>>)
      %eq3A_788 = arith.constant 0 : i32
      %eq3A_789 = arith.cmpi eq, %arg0, %eq3A_788 : i32
      %convert_element_type3A_790 = arith.extui %eq3A_789 : i1 to i32
      %cond3A_791 = arith.constant 0 : i32
      %cond3A_792 = arith.cmpi ne, %convert_element_type3A_790, %cond3A_791 : i32
      scf.if %cond3A_792 {
        %dma_start3A_934 = arith.constant 0 : i32
        %dma_start3A_935 = arith.constant 2 : i32
        %dma_start3A_936 = arith.constant 2 : i32
        %dma_start3A_937 = arith.constant 0 : i32
        %dma_start3A_938 = arith.constant 0 : i32
        %dma_start3A_939 = tpu.memref_slice %arg11[%dma_start3A_936, %dma_start3A_937, %dma_start3A_938] : memref<3x80x144xf32, #tpu.memory_space<vmem>> -> memref<1x80x144xf32, #tpu.memory_space<vmem>>
        %dma_start3A_940 = tpu.memref_squeeze %dma_start3A_939 : memref<1x80x144xf32, #tpu.memory_space<vmem>> -> memref<80x144xf32, #tpu.memory_space<vmem>>
        %dma_start3A_941 = arith.constant 0 : i32
        %dma_start3A_942 = tpu.memref_slice %arg8[%dma_start3A_935, %dma_start3A_941] : memref<3x80xi32, #tpu.memory_space<vmem>> -> memref<1x80xi32, #tpu.memory_space<vmem>>
        %dma_start3A_943 = tpu.memref_squeeze %dma_start3A_942 : memref<1x80xi32, #tpu.memory_space<vmem>> -> memref<80xi32, #tpu.memory_space<vmem>>
        %dma_start3A_944 = arith.constant 0 : i32
        %dma_start3A_945 = arith.constant 0 : i32
        %dma_start3A_946 = tpu.memref_slice %arg4[%dma_start3A_934, %dma_start3A_944, %dma_start3A_945] : memref<2x10000x144xf32, #tpu.memory_space<hbm>> -> memref<1x10000x144xf32, #tpu.memory_space<hbm>>
        %dma_start3A_947 = tpu.memref_squeeze %dma_start3A_946 : memref<1x10000x144xf32, #tpu.memory_space<hbm>> -> memref<10000x144xf32, #tpu.memory_space<hbm>>
        %dma_start3A_948 = arith.constant 0 : i32
        %dma_start3A_949 = arith.constant 0 : i32
        %dma_start3A_950 = tpu.memref_slice %dma_start3A_947[%dma_start3A_948, %dma_start3A_949] : memref<10000x144xf32, #tpu.memory_space<hbm>> -> memref<10000x144xf32, #tpu.memory_space<hbm>>
        tpu.enqueue_indirect_dma source(%dma_start3A_950 : memref<10000x144xf32, #tpu.memory_space<hbm>>) target(%dma_start3A_940 : memref<80x144xf32, #tpu.memory_space<vmem>>) offsets(%dma_start3A_943 : memref<80xi32, #tpu.memory_space<vmem>>) semaphore(%arg16 : memref<!tpu.dma_semaphore, #tpu.memory_space<semaphore_mem>>)
        %dma_start3A_951 = arith.constant 0 : i32
        %dma_start3A_952 = arith.constant 2 : i32
        %dma_start3A_953 = arith.constant 2 : i32
        %dma_start3A_954 = arith.constant 0 : i32
        %dma_start3A_955 = arith.constant 0 : i32
        %dma_start3A_956 = tpu.memref_slice %arg12[%dma_start3A_953, %dma_start3A_954, %dma_start3A_955] : memref<3x80x16xf32, #tpu.memory_space<vmem>> -> memref<1x80x16xf32, #tpu.memory_space<vmem>>
        %dma_start3A_957 = tpu.memref_squeeze %dma_start3A_956 : memref<1x80x16xf32, #tpu.memory_space<vmem>> -> memref<80x16xf32, #tpu.memory_space<vmem>>
        %dma_start3A_958 = arith.constant 0 : i32
        %dma_start3A_959 = tpu.memref_slice %arg9[%dma_start3A_952, %dma_start3A_958] : memref<3x80xi32, #tpu.memory_space<vmem>> -> memref<1x80xi32, #tpu.memory_space<vmem>>
        %dma_start3A_960 = tpu.memref_squeeze %dma_start3A_959 : memref<1x80xi32, #tpu.memory_space<vmem>> -> memref<80xi32, #tpu.memory_space<vmem>>
        %dma_start3A_961 = arith.constant 0 : i32
        %dma_start3A_962 = arith.constant 0 : i32
        %dma_start3A_963 = tpu.memref_slice %arg5[%dma_start3A_951, %dma_start3A_961, %dma_start3A_962] : memref<2x10000x16xf32, #tpu.memory_space<hbm>> -> memref<1x10000x16xf32, #tpu.memory_space<hbm>>
        %dma_start3A_964 = tpu.memref_squeeze %dma_start3A_963 : memref<1x10000x16xf32, #tpu.memory_space<hbm>> -> memref<10000x16xf32, #tpu.memory_space<hbm>>
        %dma_start3A_965 = arith.constant 0 : i32
        %dma_start3A_966 = arith.constant 0 : i32
        %dma_start3A_967 = tpu.memref_slice %dma_start3A_964[%dma_start3A_965, %dma_start3A_966] : memref<10000x16xf32, #tpu.memory_space<hbm>> -> memref<10000x16xf32, #tpu.memory_space<hbm>>
        tpu.enqueue_indirect_dma source(%dma_start3A_967 : memref<10000x16xf32, #tpu.memory_space<hbm>>) target(%dma_start3A_957 : memref<80x16xf32, #tpu.memory_space<vmem>>) offsets(%dma_start3A_960 : memref<80xi32, #tpu.memory_space<vmem>>) semaphore(%arg16 : memref<!tpu.dma_semaphore, #tpu.memory_space<semaphore_mem>>)
      } else {
      }
      %eq3A_793 = arith.constant 1 : i32
      %eq3A_794 = arith.cmpi eq, %arg0, %eq3A_793 : i32
      %convert_element_type3A_795 = arith.extui %eq3A_794 : i1 to i32
      %cond3A_796 = arith.constant 0 : i32
      %cond3A_797 = arith.cmpi ne, %convert_element_type3A_795, %cond3A_796 : i32
      scf.if %cond3A_797 {
        %dma_start3A_934 = arith.constant 1 : i32
        %dma_start3A_935 = arith.constant 2 : i32
        %dma_start3A_936 = arith.constant 2 : i32
        %dma_start3A_937 = arith.constant 0 : i32
        %dma_start3A_938 = arith.constant 0 : i32
        %dma_start3A_939 = tpu.memref_slice %arg11[%dma_start3A_936, %dma_start3A_937, %dma_start3A_938] : memref<3x80x144xf32, #tpu.memory_space<vmem>> -> memref<1x80x144xf32, #tpu.memory_space<vmem>>
        %dma_start3A_940 = tpu.memref_squeeze %dma_start3A_939 : memref<1x80x144xf32, #tpu.memory_space<vmem>> -> memref<80x144xf32, #tpu.memory_space<vmem>>
        %dma_start3A_941 = arith.constant 0 : i32
        %dma_start3A_942 = tpu.memref_slice %arg8[%dma_start3A_935, %dma_start3A_941] : memref<3x80xi32, #tpu.memory_space<vmem>> -> memref<1x80xi32, #tpu.memory_space<vmem>>
        %dma_start3A_943 = tpu.memref_squeeze %dma_start3A_942 : memref<1x80xi32, #tpu.memory_space<vmem>> -> memref<80xi32, #tpu.memory_space<vmem>>
        %dma_start3A_944 = arith.constant 0 : i32
        %dma_start3A_945 = arith.constant 0 : i32
        %dma_start3A_946 = tpu.memref_slice %arg4[%dma_start3A_934, %dma_start3A_944, %dma_start3A_945] : memref<2x10000x144xf32, #tpu.memory_space<hbm>> -> memref<1x10000x144xf32, #tpu.memory_space<hbm>>
        %dma_start3A_947 = tpu.memref_squeeze %dma_start3A_946 : memref<1x10000x144xf32, #tpu.memory_space<hbm>> -> memref<10000x144xf32, #tpu.memory_space<hbm>>
        %dma_start3A_948 = arith.constant 0 : i32
        %dma_start3A_949 = arith.constant 0 : i32
        %dma_start3A_950 = tpu.memref_slice %dma_start3A_947[%dma_start3A_948, %dma_start3A_949] : memref<10000x144xf32, #tpu.memory_space<hbm>> -> memref<10000x144xf32, #tpu.memory_space<hbm>>
        tpu.enqueue_indirect_dma source(%dma_start3A_950 : memref<10000x144xf32, #tpu.memory_space<hbm>>) target(%dma_start3A_940 : memref<80x144xf32, #tpu.memory_space<vmem>>) offsets(%dma_start3A_943 : memref<80xi32, #tpu.memory_space<vmem>>) semaphore(%arg16 : memref<!tpu.dma_semaphore, #tpu.memory_space<semaphore_mem>>)
        %dma_start3A_951 = arith.constant 1 : i32
        %dma_start3A_952 = arith.constant 2 : i32
        %dma_start3A_953 = arith.constant 2 : i32
        %dma_start3A_954 = arith.constant 0 : i32
        %dma_start3A_955 = arith.constant 0 : i32
        %dma_start3A_956 = tpu.memref_slice %arg12[%dma_start3A_953, %dma_start3A_954, %dma_start3A_955] : memref<3x80x16xf32, #tpu.memory_space<vmem>> -> memref<1x80x16xf32, #tpu.memory_space<vmem>>
        %dma_start3A_957 = tpu.memref_squeeze %dma_start3A_956 : memref<1x80x16xf32, #tpu.memory_space<vmem>> -> memref<80x16xf32, #tpu.memory_space<vmem>>
        %dma_start3A_958 = arith.constant 0 : i32
        %dma_start3A_959 = tpu.memref_slice %arg9[%dma_start3A_952, %dma_start3A_958] : memref<3x80xi32, #tpu.memory_space<vmem>> -> memref<1x80xi32, #tpu.memory_space<vmem>>
        %dma_start3A_960 = tpu.memref_squeeze %dma_start3A_959 : memref<1x80xi32, #tpu.memory_space<vmem>> -> memref<80xi32, #tpu.memory_space<vmem>>
        %dma_start3A_961 = arith.constant 0 : i32
        %dma_start3A_962 = arith.constant 0 : i32
        %dma_start3A_963 = tpu.memref_slice %arg5[%dma_start3A_951, %dma_start3A_961, %dma_start3A_962] : memref<2x10000x16xf32, #tpu.memory_space<hbm>> -> memref<1x10000x16xf32, #tpu.memory_space<hbm>>
        %dma_start3A_964 = tpu.memref_squeeze %dma_start3A_963 : memref<1x10000x16xf32, #tpu.memory_space<hbm>> -> memref<10000x16xf32, #tpu.memory_space<hbm>>
        %dma_start3A_965 = arith.constant 0 : i32
        %dma_start3A_966 = arith.constant 0 : i32
        %dma_start3A_967 = tpu.memref_slice %dma_start3A_964[%dma_start3A_965, %dma_start3A_966] : memref<10000x16xf32, #tpu.memory_space<hbm>> -> memref<10000x16xf32, #tpu.memory_space<hbm>>
        tpu.enqueue_indirect_dma source(%dma_start3A_967 : memref<10000x16xf32, #tpu.memory_space<hbm>>) target(%dma_start3A_957 : memref<80x16xf32, #tpu.memory_space<vmem>>) offsets(%dma_start3A_960 : memref<80xi32, #tpu.memory_space<vmem>>) semaphore(%arg16 : memref<!tpu.dma_semaphore, #tpu.memory_space<semaphore_mem>>)
      } else {
      }
      %add3A_798 = arith.constant 3 : i32
      %add3A_799 = arith.addi %add3A_707, %add3A_798 : i32
      %lt3A_800 = arith.constant 250 : i32
      %lt3A_801 = arith.cmpi slt, %add3A_799, %lt3A_800 : i32
      %convert_element_type3A_802 = arith.extui %lt3A_801 : i1 to i32
      %cond3A_803 = arith.constant 0 : i32
      %cond3A_804 = arith.cmpi ne, %convert_element_type3A_802, %cond3A_803 : i32
      scf.if %cond3A_804 {
        %add3A_934 = arith.constant 3 : i32
        %add3A_935 = arith.addi %add3A_707, %add3A_934 : i32
        %add3A_936 = arith.addi %mul3A_6, %add3A_935 : i32
        %dma_start3A_937 = arith.constant 0 : i32
        %dma_start3A_938 = arith.constant 0 : i32
        %dma_start3A_939 = tpu.memref_slice %arg8[%dma_start3A_937, %dma_start3A_938] : memref<3x80xi32, #tpu.memory_space<vmem>> -> memref<1x80xi32, #tpu.memory_space<vmem>>
        %dma_start3A_940 = tpu.memref_squeeze %dma_start3A_939 : memref<1x80xi32, #tpu.memory_space<vmem>> -> memref<80xi32, #tpu.memory_space<vmem>>
        %dma_start3A_941 = arith.constant 0 : i32
        %dma_start3A_942 = tpu.memref_slice %arg2[%add3A_936, %dma_start3A_941] : memref<4000x80xi32, #tpu.memory_space<hbm>> -> memref<1x80xi32, #tpu.memory_space<hbm>>
        %dma_start3A_943 = tpu.memref_squeeze %dma_start3A_942 : memref<1x80xi32, #tpu.memory_space<hbm>> -> memref<80xi32, #tpu.memory_space<hbm>>
        %dma_start3A_944 = arith.constant 0 : i32
        %dma_start3A_945 = tpu.memref_slice %arg8[%dma_start3A_937, %dma_start3A_944] : memref<3x80xi32, #tpu.memory_space<vmem>> -> memref<1x80xi32, #tpu.memory_space<vmem>>
        %dma_start3A_946 = tpu.memref_squeeze %dma_start3A_945 : memref<1x80xi32, #tpu.memory_space<vmem>> -> memref<80xi32, #tpu.memory_space<vmem>>
        %dma_start3A_947 = arith.constant 0 : i32
        %dma_start3A_948 = tpu.memref_slice %arg2[%add3A_936, %dma_start3A_947] : memref<4000x80xi32, #tpu.memory_space<hbm>> -> memref<1x80xi32, #tpu.memory_space<hbm>>
        %dma_start3A_949 = tpu.memref_squeeze %dma_start3A_948 : memref<1x80xi32, #tpu.memory_space<hbm>> -> memref<80xi32, #tpu.memory_space<hbm>>
        tpu.enqueue_dma source(%dma_start3A_949 : memref<80xi32, #tpu.memory_space<hbm>>) target(%dma_start3A_946 : memref<80xi32, #tpu.memory_space<vmem>>) target_semaphore(%arg20 : memref<!tpu.dma_semaphore, #tpu.memory_space<semaphore_mem>>)
        %add3A_950 = arith.addi %mul3A_6, %add3A_935 : i32
        %dma_start3A_951 = arith.constant 0 : i32
        %dma_start3A_952 = arith.constant 0 : i32
        %dma_start3A_953 = tpu.memref_slice %arg9[%dma_start3A_951, %dma_start3A_952] : memref<3x80xi32, #tpu.memory_space<vmem>> -> memref<1x80xi32, #tpu.memory_space<vmem>>
        %dma_start3A_954 = tpu.memref_squeeze %dma_start3A_953 : memref<1x80xi32, #tpu.memory_space<vmem>> -> memref<80xi32, #tpu.memory_space<vmem>>
        %dma_start3A_955 = arith.constant 0 : i32
        %dma_start3A_956 = tpu.memref_slice %arg3[%add3A_950, %dma_start3A_955] : memref<4000x80xi32, #tpu.memory_space<hbm>> -> memref<1x80xi32, #tpu.memory_space<hbm>>
        %dma_start3A_957 = tpu.memref_squeeze %dma_start3A_956 : memref<1x80xi32, #tpu.memory_space<hbm>> -> memref<80xi32, #tpu.memory_space<hbm>>
        %dma_start3A_958 = arith.constant 0 : i32
        %dma_start3A_959 = tpu.memref_slice %arg9[%dma_start3A_951, %dma_start3A_958] : memref<3x80xi32, #tpu.memory_space<vmem>> -> memref<1x80xi32, #tpu.memory_space<vmem>>
        %dma_start3A_960 = tpu.memref_squeeze %dma_start3A_959 : memref<1x80xi32, #tpu.memory_space<vmem>> -> memref<80xi32, #tpu.memory_space<vmem>>
        %dma_start3A_961 = arith.constant 0 : i32
        %dma_start3A_962 = tpu.memref_slice %arg3[%add3A_950, %dma_start3A_961] : memref<4000x80xi32, #tpu.memory_space<hbm>> -> memref<1x80xi32, #tpu.memory_space<hbm>>
        %dma_start3A_963 = tpu.memref_squeeze %dma_start3A_962 : memref<1x80xi32, #tpu.memory_space<hbm>> -> memref<80xi32, #tpu.memory_space<hbm>>
        tpu.enqueue_dma source(%dma_start3A_963 : memref<80xi32, #tpu.memory_space<hbm>>) target(%dma_start3A_960 : memref<80xi32, #tpu.memory_space<vmem>>) target_semaphore(%arg20 : memref<!tpu.dma_semaphore, #tpu.memory_space<semaphore_mem>>)
      } else {
      }
      %parallel_loop3A_805 = arith.constant 0 : i32
      %parallel_loop3A_806 = arith.constant 80 : i32
      %parallel_loop3A_807 = arith.constant 1 : i32
      scf.for %parallel_loop3A_934 = %parallel_loop3A_805 to %parallel_loop3A_806 step %parallel_loop3A_807  : i32 {
        %parallel_loop3A_935 = arith.constant 0 : i32
        %parallel_loop3A_936 = arith.index_cast %parallel_loop3A_935 : i32 to index
        %parallel_loop3A_937 = arith.index_cast %parallel_loop3A_934 : i32 to index
        %parallel_loop3A_938 = arith.constant 128 : index
        %parallel_loop3A_939 = tpu.vector_load %arg11[%parallel_loop3A_936, %parallel_loop3A_937, %parallel_loop3A_938] {strides = array<i32>} : memref<3x80x144xf32, #tpu.memory_space<vmem>>, vector<16xf32>,
        %parallel_loop3A_940 = vector.extract_strided_slice %parallel_loop3A_939 {offsets = [0], sizes = [1], strides = [1]} : vector<16xf32> to vector<1xf32>
        %parallel_loop3A_941 = vector.extract %parallel_loop3A_940[0] : f32 from vector<1xf32>
        %parallel_loop3A_942 = vector.broadcast %parallel_loop3A_941 : f32 to vector<16xf32>
        %parallel_loop3A_943 = arith.constant 0 : i32
        %parallel_loop3A_944 = arith.index_cast %parallel_loop3A_943 : i32 to index
        %parallel_loop3A_945 = arith.index_cast %parallel_loop3A_934 : i32 to index
        %parallel_loop3A_946 = arith.constant 0 : index
        %parallel_loop3A_947 = tpu.vector_load %arg11[%parallel_loop3A_944, %parallel_loop3A_945, %parallel_loop3A_946] {strides = array<i32>} : memref<3x80x144xf32, #tpu.memory_space<vmem>>, vector<16xf32>,
        %parallel_loop3A_948 = arith.mulf %parallel_loop3A_947, %parallel_loop3A_942 : vector<16xf32>
        %parallel_loop3A_949 = arith.constant 0 : i32
        %parallel_loop3A_950 = arith.index_cast %parallel_loop3A_949 : i32 to index
        %parallel_loop3A_951 = arith.index_cast %parallel_loop3A_934 : i32 to index
        %parallel_loop3A_952 = arith.constant 0 : index
        %parallel_loop3A_953 = tpu.vector_load %arg11[%parallel_loop3A_950, %parallel_loop3A_951, %parallel_loop3A_952] {strides = array<i32>} : memref<3x80x144xf32, #tpu.memory_space<vmem>>, vector<16xf32>,
        tpu.vector_store %arg11[%parallel_loop3A_950, %parallel_loop3A_951, %parallel_loop3A_952], %parallel_loop3A_948 {strides = array<i32>} : memref<3x80x144xf32, #tpu.memory_space<vmem>>, vector<16xf32>,
        %parallel_loop3A_954 = arith.constant 0 : i32
        %parallel_loop3A_955 = arith.index_cast %parallel_loop3A_954 : i32 to index
        %parallel_loop3A_956 = arith.index_cast %parallel_loop3A_934 : i32 to index
        %parallel_loop3A_957 = arith.constant 16 : index
        %parallel_loop3A_958 = tpu.vector_load %arg11[%parallel_loop3A_955, %parallel_loop3A_956, %parallel_loop3A_957] {strides = array<i32>} : memref<3x80x144xf32, #tpu.memory_space<vmem>>, vector<16xf32>,
        %parallel_loop3A_959 = arith.mulf %parallel_loop3A_958, %parallel_loop3A_942 : vector<16xf32>
        %parallel_loop3A_960 = arith.constant 0 : i32
        %parallel_loop3A_961 = arith.index_cast %parallel_loop3A_960 : i32 to index
        %parallel_loop3A_962 = arith.index_cast %parallel_loop3A_934 : i32 to index
        %parallel_loop3A_963 = arith.constant 16 : index
        %parallel_loop3A_964 = tpu.vector_load %arg11[%parallel_loop3A_961, %parallel_loop3A_962, %parallel_loop3A_963] {strides = array<i32>} : memref<3x80x144xf32, #tpu.memory_space<vmem>>, vector<16xf32>,
        tpu.vector_store %arg11[%parallel_loop3A_961, %parallel_loop3A_962, %parallel_loop3A_963], %parallel_loop3A_959 {strides = array<i32>} : memref<3x80x144xf32, #tpu.memory_space<vmem>>, vector<16xf32>,
        %parallel_loop3A_965 = vector.extract_strided_slice %parallel_loop3A_939 {offsets = [1], sizes = [1], strides = [1]} : vector<16xf32> to vector<1xf32>
        %parallel_loop3A_966 = vector.extract %parallel_loop3A_965[0] : f32 from vector<1xf32>
        %parallel_loop3A_967 = vector.broadcast %parallel_loop3A_966 : f32 to vector<16xf32>
        %parallel_loop3A_968 = arith.constant 0 : i32
        %parallel_loop3A_969 = arith.index_cast %parallel_loop3A_968 : i32 to index
        %parallel_loop3A_970 = arith.index_cast %parallel_loop3A_934 : i32 to index
        %parallel_loop3A_971 = arith.constant 32 : index
        %parallel_loop3A_972 = tpu.vector_load %arg11[%parallel_loop3A_969, %parallel_loop3A_970, %parallel_loop3A_971] {strides = array<i32>} : memref<3x80x144xf32, #tpu.memory_space<vmem>>, vector<16xf32>,
        %parallel_loop3A_973 = arith.mulf %parallel_loop3A_972, %parallel_loop3A_967 : vector<16xf32>
        %parallel_loop3A_974 = arith.constant 0 : i32
        %parallel_loop3A_975 = arith.index_cast %parallel_loop3A_974 : i32 to index
        %parallel_loop3A_976 = arith.index_cast %parallel_loop3A_934 : i32 to index
        %parallel_loop3A_977 = arith.constant 32 : index
        %parallel_loop3A_978 = tpu.vector_load %arg11[%parallel_loop3A_975, %parallel_loop3A_976, %parallel_loop3A_977] {strides = array<i32>} : memref<3x80x144xf32, #tpu.memory_space<vmem>>, vector<16xf32>,
        tpu.vector_store %arg11[%parallel_loop3A_975, %parallel_loop3A_976, %parallel_loop3A_977], %parallel_loop3A_973 {strides = array<i32>} : memref<3x80x144xf32, #tpu.memory_space<vmem>>, vector<16xf32>,
        %parallel_loop3A_979 = arith.constant 0 : i32
        %parallel_loop3A_980 = arith.index_cast %parallel_loop3A_979 : i32 to index
        %parallel_loop3A_981 = arith.index_cast %parallel_loop3A_934 : i32 to index
        %parallel_loop3A_982 = arith.constant 48 : index
        %parallel_loop3A_983 = tpu.vector_load %arg11[%parallel_loop3A_980, %parallel_loop3A_981, %parallel_loop3A_982] {strides = array<i32>} : memref<3x80x144xf32, #tpu.memory_space<vmem>>, vector<16xf32>,
        %parallel_loop3A_984 = arith.mulf %parallel_loop3A_983, %parallel_loop3A_967 : vector<16xf32>
        %parallel_loop3A_985 = arith.constant 0 : i32
        %parallel_loop3A_986 = arith.index_cast %parallel_loop3A_985 : i32 to index
        %parallel_loop3A_987 = arith.index_cast %parallel_loop3A_934 : i32 to index
        %parallel_loop3A_988 = arith.constant 48 : index
        %parallel_loop3A_989 = tpu.vector_load %arg11[%parallel_loop3A_986, %parallel_loop3A_987, %parallel_loop3A_988] {strides = array<i32>} : memref<3x80x144xf32, #tpu.memory_space<vmem>>, vector<16xf32>,
        tpu.vector_store %arg11[%parallel_loop3A_986, %parallel_loop3A_987, %parallel_loop3A_988], %parallel_loop3A_984 {strides = array<i32>} : memref<3x80x144xf32, #tpu.memory_space<vmem>>, vector<16xf32>,
        %parallel_loop3A_990 = vector.extract_strided_slice %parallel_loop3A_939 {offsets = [2], sizes = [1], strides = [1]} : vector<16xf32> to vector<1xf32>
        %parallel_loop3A_991 = vector.extract %parallel_loop3A_990[0] : f32 from vector<1xf32>
        %parallel_loop3A_992 = vector.broadcast %parallel_loop3A_991 : f32 to vector<16xf32>
        %parallel_loop3A_993 = arith.constant 0 : i32
        %parallel_loop3A_994 = arith.index_cast %parallel_loop3A_993 : i32 to index
        %parallel_loop3A_995 = arith.index_cast %parallel_loop3A_934 : i32 to index
        %parallel_loop3A_996 = arith.constant 64 : index
        %parallel_loop3A_997 = tpu.vector_load %arg11[%parallel_loop3A_994, %parallel_loop3A_995, %parallel_loop3A_996] {strides = array<i32>} : memref<3x80x144xf32, #tpu.memory_space<vmem>>, vector<16xf32>,
        %parallel_loop3A_998 = arith.mulf %parallel_loop3A_997, %parallel_loop3A_992 : vector<16xf32>
        %parallel_loop3A_999 = arith.constant 0 : i32
        %parallel_loop3A_1000 = arith.index_cast %parallel_loop3A_999 : i32 to index
        %parallel_loop3A_1001 = arith.index_cast %parallel_loop3A_934 : i32 to index
        %parallel_loop3A_1002 = arith.constant 64 : index
        %parallel_loop3A_1003 = tpu.vector_load %arg11[%parallel_loop3A_1000, %parallel_loop3A_1001, %parallel_loop3A_1002] {strides = array<i32>} : memref<3x80x144xf32, #tpu.memory_space<vmem>>, vector<16xf32>,
        tpu.vector_store %arg11[%parallel_loop3A_1000, %parallel_loop3A_1001, %parallel_loop3A_1002], %parallel_loop3A_998 {strides = array<i32>} : memref<3x80x144xf32, #tpu.memory_space<vmem>>, vector<16xf32>,
        %parallel_loop3A_1004 = arith.constant 0 : i32
        %parallel_loop3A_1005 = arith.index_cast %parallel_loop3A_1004 : i32 to index
        %parallel_loop3A_1006 = arith.index_cast %parallel_loop3A_934 : i32 to index
        %parallel_loop3A_1007 = arith.constant 80 : index
        %parallel_loop3A_1008 = tpu.vector_load %arg11[%parallel_loop3A_1005, %parallel_loop3A_1006, %parallel_loop3A_1007] {strides = array<i32>} : memref<3x80x144xf32, #tpu.memory_space<vmem>>, vector<16xf32>,
        %parallel_loop3A_1009 = arith.mulf %parallel_loop3A_1008, %parallel_loop3A_992 : vector<16xf32>
        %parallel_loop3A_1010 = arith.constant 0 : i32
        %parallel_loop3A_1011 = arith.index_cast %parallel_loop3A_1010 : i32 to index
        %parallel_loop3A_1012 = arith.index_cast %parallel_loop3A_934 : i32 to index
        %parallel_loop3A_1013 = arith.constant 80 : index
        %parallel_loop3A_1014 = tpu.vector_load %arg11[%parallel_loop3A_1011, %parallel_loop3A_1012, %parallel_loop3A_1013] {strides = array<i32>} : memref<3x80x144xf32, #tpu.memory_space<vmem>>, vector<16xf32>,
        tpu.vector_store %arg11[%parallel_loop3A_1011, %parallel_loop3A_1012, %parallel_loop3A_1013], %parallel_loop3A_1009 {strides = array<i32>} : memref<3x80x144xf32, #tpu.memory_space<vmem>>, vector<16xf32>,
        %parallel_loop3A_1015 = vector.extract_strided_slice %parallel_loop3A_939 {offsets = [3], sizes = [1], strides = [1]} : vector<16xf32> to vector<1xf32>
        %parallel_loop3A_1016 = vector.extract %parallel_loop3A_1015[0] : f32 from vector<1xf32>
        %parallel_loop3A_1017 = vector.broadcast %parallel_loop3A_1016 : f32 to vector<16xf32>
        %parallel_loop3A_1018 = arith.constant 0 : i32
        %parallel_loop3A_1019 = arith.index_cast %parallel_loop3A_1018 : i32 to index
        %parallel_loop3A_1020 = arith.index_cast %parallel_loop3A_934 : i32 to index
        %parallel_loop3A_1021 = arith.constant 96 : index
        %parallel_loop3A_1022 = tpu.vector_load %arg11[%parallel_loop3A_1019, %parallel_loop3A_1020, %parallel_loop3A_1021] {strides = array<i32>} : memref<3x80x144xf32, #tpu.memory_space<vmem>>, vector<16xf32>,
        %parallel_loop3A_1023 = arith.mulf %parallel_loop3A_1022, %parallel_loop3A_1017 : vector<16xf32>
        %parallel_loop3A_1024 = arith.constant 0 : i32
        %parallel_loop3A_1025 = arith.index_cast %parallel_loop3A_1024 : i32 to index
        %parallel_loop3A_1026 = arith.index_cast %parallel_loop3A_934 : i32 to index
        %parallel_loop3A_1027 = arith.constant 96 : index
        %parallel_loop3A_1028 = tpu.vector_load %arg11[%parallel_loop3A_1025, %parallel_loop3A_1026, %parallel_loop3A_1027] {strides = array<i32>} : memref<3x80x144xf32, #tpu.memory_space<vmem>>, vector<16xf32>,
        tpu.vector_store %arg11[%parallel_loop3A_1025, %parallel_loop3A_1026, %parallel_loop3A_1027], %parallel_loop3A_1023 {strides = array<i32>} : memref<3x80x144xf32, #tpu.memory_space<vmem>>, vector<16xf32>,
        %parallel_loop3A_1029 = arith.constant 0 : i32
        %parallel_loop3A_1030 = arith.index_cast %parallel_loop3A_1029 : i32 to index
        %parallel_loop3A_1031 = arith.index_cast %parallel_loop3A_934 : i32 to index
        %parallel_loop3A_1032 = arith.constant 112 : index
        %parallel_loop3A_1033 = tpu.vector_load %arg11[%parallel_loop3A_1030, %parallel_loop3A_1031, %parallel_loop3A_1032] {strides = array<i32>} : memref<3x80x144xf32, #tpu.memory_space<vmem>>, vector<16xf32>,
        %parallel_loop3A_1034 = arith.mulf %parallel_loop3A_1033, %parallel_loop3A_1017 : vector<16xf32>
        %parallel_loop3A_1035 = arith.constant 0 : i32
        %parallel_loop3A_1036 = arith.index_cast %parallel_loop3A_1035 : i32 to index
        %parallel_loop3A_1037 = arith.index_cast %parallel_loop3A_934 : i32 to index
        %parallel_loop3A_1038 = arith.constant 112 : index
        %parallel_loop3A_1039 = tpu.vector_load %arg11[%parallel_loop3A_1036, %parallel_loop3A_1037, %parallel_loop3A_1038] {strides = array<i32>} : memref<3x80x144xf32, #tpu.memory_space<vmem>>, vector<16xf32>,
        tpu.vector_store %arg11[%parallel_loop3A_1036, %parallel_loop3A_1037, %parallel_loop3A_1038], %parallel_loop3A_1034 {strides = array<i32>} : memref<3x80x144xf32, #tpu.memory_space<vmem>>, vector<16xf32>,
      } {sc.loop_unroll_factor = 2 : i64, sc.parallel_access}
      %dma_start3A_808 = arith.constant 0 : i32
      %dma_start3A_809 = arith.constant 0 : i32
      %dma_start3A_810 = arith.constant 0 : i32
      %dma_start3A_811 = arith.constant 0 : i32
      %dma_start3A_812 = tpu.memref_slice %arg11[%dma_start3A_808, %dma_start3A_810, %dma_start3A_811] : memref<3x80x144xf32, #tpu.memory_space<vmem>> -> memref<1x80x144xf32, #tpu.memory_space<vmem>>
      %dma_start3A_813 = tpu.memref_squeeze %dma_start3A_812 : memref<1x80x144xf32, #tpu.memory_space<vmem>> -> memref<80x144xf32, #tpu.memory_space<vmem>>
      %dma_start3A_814 = arith.constant 0 : i32
      %dma_start3A_815 = tpu.memref_slice %arg10[%dma_start3A_809, %dma_start3A_814] : memref<3x80xi32, #tpu.memory_space<vmem>> -> memref<1x80xi32, #tpu.memory_space<vmem>>
      %dma_start3A_816 = tpu.memref_squeeze %dma_start3A_815 : memref<1x80xi32, #tpu.memory_space<vmem>> -> memref<80xi32, #tpu.memory_space<vmem>>
      %dma_start3A_817 = arith.constant 0 : i32
      %dma_start3A_818 = arith.constant 0 : i32
      %dma_start3A_819 = tpu.memref_slice %arg13[%dma_start3A_817, %dma_start3A_818] : memref<10000x144xf32, #tpu.memory_space<vmem_shared>> -> memref<10000x144xf32, #tpu.memory_space<vmem_shared>>
      tpu.enqueue_indirect_dma source(%dma_start3A_813 : memref<80x144xf32, #tpu.memory_space<vmem>>) target(%dma_start3A_819 : memref<10000x144xf32, #tpu.memory_space<vmem_shared>>) offsets(%dma_start3A_816 : memref<80xi32, #tpu.memory_space<vmem>>) semaphore(%arg17 : memref<!tpu.dma_semaphore, #tpu.memory_space<semaphore_mem>>) {add = true}
      %add3A_820 = arith.constant 2 : i32
      %add3A_821 = arith.addi %add3A_593, %add3A_820 : i32
      %dma_wait3A_822 = arith.constant 0 : i32
      %dma_wait3A_823 = arith.constant 1 : i32
      %dma_wait3A_824 = arith.constant 1 : i32
      %dma_wait3A_825 = arith.constant 0 : i32
      %dma_wait3A_826 = arith.constant 0 : i32
      %dma_wait3A_827 = tpu.memref_slice %arg11[%dma_wait3A_824, %dma_wait3A_825, %dma_wait3A_826] : memref<3x80x144xf32, #tpu.memory_space<vmem>> -> memref<1x80x144xf32, #tpu.memory_space<vmem>>
      %dma_wait3A_828 = tpu.memref_squeeze %dma_wait3A_827 : memref<1x80x144xf32, #tpu.memory_space<vmem>> -> memref<80x144xf32, #tpu.memory_space<vmem>>
      %dma_wait3A_829 = arith.constant 0 : i32
      %dma_wait3A_830 = tpu.memref_slice %arg8[%dma_wait3A_823, %dma_wait3A_829] : memref<3x80xi32, #tpu.memory_space<vmem>> -> memref<1x80xi32, #tpu.memory_space<vmem>>
      %dma_wait3A_831 = tpu.memref_squeeze %dma_wait3A_830 : memref<1x80xi32, #tpu.memory_space<vmem>> -> memref<80xi32, #tpu.memory_space<vmem>>
      %dma_wait3A_832 = arith.constant 0 : i32
      %dma_wait3A_833 = arith.constant 0 : i32
      %dma_wait3A_834 = tpu.memref_slice %arg4[%dma_wait3A_822, %dma_wait3A_832, %dma_wait3A_833] : memref<2x10000x144xf32, #tpu.memory_space<hbm>> -> memref<1x10000x144xf32, #tpu.memory_space<hbm>>
      %dma_wait3A_835 = tpu.memref_squeeze %dma_wait3A_834 : memref<1x10000x144xf32, #tpu.memory_space<hbm>> -> memref<10000x144xf32, #tpu.memory_space<hbm>>
      %dma_wait3A_836 = arith.constant 0 : i32
      %dma_wait3A_837 = arith.constant 0 : i32
      %dma_wait3A_838 = tpu.memref_slice %dma_wait3A_835[%dma_wait3A_836, %dma_wait3A_837] : memref<10000x144xf32, #tpu.memory_space<hbm>> -> memref<10000x144xf32, #tpu.memory_space<hbm>>
      tpu.wait_indirect_dma semaphore(%arg15 : memref<!tpu.dma_semaphore, #tpu.memory_space<semaphore_mem>>) src(%dma_wait3A_838 : memref<10000x144xf32, #tpu.memory_space<hbm>>) dst(%dma_wait3A_828 : memref<80x144xf32, #tpu.memory_space<vmem>>)
      %dma_wait3A_839 = arith.constant 0 : i32
      %dma_wait3A_840 = arith.constant 1 : i32
      %dma_wait3A_841 = arith.constant 1 : i32
      %dma_wait3A_842 = arith.constant 0 : i32
      %dma_wait3A_843 = arith.constant 0 : i32
      %dma_wait3A_844 = tpu.memref_slice %arg12[%dma_wait3A_841, %dma_wait3A_842, %dma_wait3A_843] : memref<3x80x16xf32, #tpu.memory_space<vmem>> -> memref<1x80x16xf32, #tpu.memory_space<vmem>>
      %dma_wait3A_845 = tpu.memref_squeeze %dma_wait3A_844 : memref<1x80x16xf32, #tpu.memory_space<vmem>> -> memref<80x16xf32, #tpu.memory_space<vmem>>
      %dma_wait3A_846 = arith.constant 0 : i32
      %dma_wait3A_847 = tpu.memref_slice %arg9[%dma_wait3A_840, %dma_wait3A_846] : memref<3x80xi32, #tpu.memory_space<vmem>> -> memref<1x80xi32, #tpu.memory_space<vmem>>
      %dma_wait3A_848 = tpu.memref_squeeze %dma_wait3A_847 : memref<1x80xi32, #tpu.memory_space<vmem>> -> memref<80xi32, #tpu.memory_space<vmem>>
      %dma_wait3A_849 = arith.constant 0 : i32
      %dma_wait3A_850 = arith.constant 0 : i32
      %dma_wait3A_851 = tpu.memref_slice %arg5[%dma_wait3A_839, %dma_wait3A_849, %dma_wait3A_850] : memref<2x10000x16xf32, #tpu.memory_space<hbm>> -> memref<1x10000x16xf32, #tpu.memory_space<hbm>>
      %dma_wait3A_852 = tpu.memref_squeeze %dma_wait3A_851 : memref<1x10000x16xf32, #tpu.memory_space<hbm>> -> memref<10000x16xf32, #tpu.memory_space<hbm>>
      %dma_wait3A_853 = arith.constant 0 : i32
      %dma_wait3A_854 = arith.constant 0 : i32
      %dma_wait3A_855 = tpu.memref_slice %dma_wait3A_852[%dma_wait3A_853, %dma_wait3A_854] : memref<10000x16xf32, #tpu.memory_space<hbm>> -> memref<10000x16xf32, #tpu.memory_space<hbm>>
      tpu.wait_indirect_dma semaphore(%arg15 : memref<!tpu.dma_semaphore, #tpu.memory_space<semaphore_mem>>) src(%dma_wait3A_855 : memref<10000x16xf32, #tpu.memory_space<hbm>>) dst(%dma_wait3A_845 : memref<80x16xf32, #tpu.memory_space<vmem>>)
      %parallel_loop3A_856 = arith.constant 0 : i32
      %parallel_loop3A_857 = arith.constant 5 : i32
      %parallel_loop3A_858 = arith.constant 1 : i32
      scf.for %parallel_loop3A_934 = %parallel_loop3A_856 to %parallel_loop3A_857 step %parallel_loop3A_858  : i32 {
        %parallel_loop3A_935 = arith.constant 16 : i32
        %parallel_loop3A_936 = arith.muli %parallel_loop3A_934, %parallel_loop3A_935 : i32
        %parallel_loop3A_937 = arith.constant 1 : i32
        %parallel_loop3A_938 = arith.index_cast %parallel_loop3A_937 : i32 to index
        %parallel_loop3A_939 = arith.index_cast %parallel_loop3A_936 : i32 to index
        %parallel_loop3A_940 = tpu.vector_load %arg9[%parallel_loop3A_938, %parallel_loop3A_939] {strides = array<i32>} : memref<3x80xi32, #tpu.memory_space<vmem>>, vector<16xi32>,
        %parallel_loop3A_941 = arith.constant 16 : i32
        %parallel_loop3A_942 = arith.muli %parallel_loop3A_934, %parallel_loop3A_941 : i32
        %parallel_loop3A_943 = arith.constant 1 : i32
        %parallel_loop3A_944 = arith.index_cast %parallel_loop3A_943 : i32 to index
        %parallel_loop3A_945 = arith.index_cast %parallel_loop3A_942 : i32 to index
        %parallel_loop3A_946 = tpu.vector_load %arg10[%parallel_loop3A_944, %parallel_loop3A_945] {strides = array<i32>} : memref<3x80xi32, #tpu.memory_space<vmem>>, vector<16xi32>,
        tpu.vector_store %arg10[%parallel_loop3A_944, %parallel_loop3A_945], %parallel_loop3A_940 {strides = array<i32>} : memref<3x80xi32, #tpu.memory_space<vmem>>, vector<16xi32>,
      } {sc.loop_unroll_factor = 5 : i64, sc.parallel_access}
      %parallel_loop3A_859 = arith.constant 0 : i32
      %parallel_loop3A_860 = arith.constant 80 : i32
      %parallel_loop3A_861 = arith.constant 1 : i32
      scf.for %parallel_loop3A_934 = %parallel_loop3A_859 to %parallel_loop3A_860 step %parallel_loop3A_861  : i32 {
        %parallel_loop3A_935 = arith.constant 1 : i32
        %parallel_loop3A_936 = arith.index_cast %parallel_loop3A_935 : i32 to index
        %parallel_loop3A_937 = arith.index_cast %parallel_loop3A_934 : i32 to index
        %parallel_loop3A_938 = arith.constant 128 : index
        %parallel_loop3A_939 = tpu.vector_load %arg11[%parallel_loop3A_936, %parallel_loop3A_937, %parallel_loop3A_938] {strides = array<i32>} : memref<3x80x144xf32, #tpu.memory_space<vmem>>, vector<16xf32>,
        %parallel_loop3A_940 = arith.constant 1 : i32
        %parallel_loop3A_941 = arith.index_cast %parallel_loop3A_940 : i32 to index
        %parallel_loop3A_942 = arith.index_cast %parallel_loop3A_934 : i32 to index
        %parallel_loop3A_943 = arith.constant 0 : index
        %parallel_loop3A_944 = tpu.vector_load %arg12[%parallel_loop3A_941, %parallel_loop3A_942, %parallel_loop3A_943] {strides = array<i32>} : memref<3x80x16xf32, #tpu.memory_space<vmem>>, vector<16xf32>,
        %parallel_loop3A_945 = arith.addf %parallel_loop3A_939, %parallel_loop3A_944 : vector<16xf32>
        %parallel_loop3A_946 = arith.constant 0.000000e+00 : f32
        %parallel_loop3A_947 = vector.broadcast %parallel_loop3A_946 : f32 to vector<16xf32>
        %parallel_loop3A_948 = arith.cmpf oge, %parallel_loop3A_945, %parallel_loop3A_947 : vector<16xf32>
        %parallel_loop3A_949 = arith.constant 2.000000e-01 : f32
        %parallel_loop3A_950 = vector.broadcast %parallel_loop3A_949 : f32 to vector<16xf32>
        %parallel_loop3A_951 = arith.mulf %parallel_loop3A_950, %parallel_loop3A_945 : vector<16xf32>
        %parallel_loop3A_952 = arith.select %parallel_loop3A_948, %parallel_loop3A_945, %parallel_loop3A_951 : vector<16xi1>, vector<16xf32>
        %parallel_loop3A_953 = math.exp %parallel_loop3A_952 : vector<16xf32>
        %parallel_loop3A_954 = arith.constant 1 : i32
        %parallel_loop3A_955 = arith.index_cast %parallel_loop3A_954 : i32 to index
        %parallel_loop3A_956 = arith.index_cast %parallel_loop3A_934 : i32 to index
        %parallel_loop3A_957 = arith.constant 128 : index
        %parallel_loop3A_958 = tpu.vector_load %arg11[%parallel_loop3A_955, %parallel_loop3A_956, %parallel_loop3A_957] {strides = array<i32>} : memref<3x80x144xf32, #tpu.memory_space<vmem>>, vector<16xf32>,
        tpu.vector_store %arg11[%parallel_loop3A_955, %parallel_loop3A_956, %parallel_loop3A_957], %parallel_loop3A_953 {strides = array<i32>} : memref<3x80x144xf32, #tpu.memory_space<vmem>>, vector<16xf32>,
      } {sc.loop_unroll_factor = 4 : i64, sc.parallel_access}
      %dma_wait3A_862 = arith.constant 0 : i32
      %dma_wait3A_863 = arith.constant 0 : i32
      %dma_wait3A_864 = arith.constant 0 : i32
      %dma_wait3A_865 = arith.constant 0 : i32
      %dma_wait3A_866 = tpu.memref_slice %arg11[%dma_wait3A_862, %dma_wait3A_864, %dma_wait3A_865] : memref<3x80x144xf32, #tpu.memory_space<vmem>> -> memref<1x80x144xf32, #tpu.memory_space<vmem>>
      %dma_wait3A_867 = tpu.memref_squeeze %dma_wait3A_866 : memref<1x80x144xf32, #tpu.memory_space<vmem>> -> memref<80x144xf32, #tpu.memory_space<vmem>>
      %dma_wait3A_868 = arith.constant 0 : i32
      %dma_wait3A_869 = tpu.memref_slice %arg10[%dma_wait3A_863, %dma_wait3A_868] : memref<3x80xi32, #tpu.memory_space<vmem>> -> memref<1x80xi32, #tpu.memory_space<vmem>>
      %dma_wait3A_870 = tpu.memref_squeeze %dma_wait3A_869 : memref<1x80xi32, #tpu.memory_space<vmem>> -> memref<80xi32, #tpu.memory_space<vmem>>
      %dma_wait3A_871 = arith.constant 0 : i32
      %dma_wait3A_872 = arith.constant 0 : i32
      %dma_wait3A_873 = tpu.memref_slice %arg13[%dma_wait3A_871, %dma_wait3A_872] : memref<10000x144xf32, #tpu.memory_space<vmem_shared>> -> memref<10000x144xf32, #tpu.memory_space<vmem_shared>>
      tpu.wait_indirect_dma semaphore(%arg17 : memref<!tpu.dma_semaphore, #tpu.memory_space<semaphore_mem>>) src(%dma_wait3A_867 : memref<80x144xf32, #tpu.memory_space<vmem>>) dst(%dma_wait3A_873 : memref<10000x144xf32, #tpu.memory_space<vmem_shared>>)
      %dma_wait3A_874 = arith.constant 0 : i32
      %dma_wait3A_875 = arith.constant 0 : i32
      %dma_wait3A_876 = arith.constant 0 : i32
      %dma_wait3A_877 = tpu.memref_slice %arg8[%dma_wait3A_875, %dma_wait3A_876] : memref<3x80xi32, #tpu.memory_space<vmem>> -> memref<1x80xi32, #tpu.memory_space<vmem>>
      %dma_wait3A_878 = tpu.memref_squeeze %dma_wait3A_877 : memref<1x80xi32, #tpu.memory_space<vmem>> -> memref<80xi32, #tpu.memory_space<vmem>>
      %dma_wait3A_879 = arith.constant 0 : i32
      %dma_wait3A_880 = tpu.memref_slice %arg2[%dma_wait3A_874, %dma_wait3A_879] : memref<4000x80xi32, #tpu.memory_space<hbm>> -> memref<1x80xi32, #tpu.memory_space<hbm>>
      %dma_wait3A_881 = tpu.memref_squeeze %dma_wait3A_880 : memref<1x80xi32, #tpu.memory_space<hbm>> -> memref<80xi32, #tpu.memory_space<hbm>>
      %dma_wait3A_882 = arith.constant 0 : i32
      %dma_wait3A_883 = tpu.memref_slice %arg8[%dma_wait3A_875, %dma_wait3A_882] : memref<3x80xi32, #tpu.memory_space<vmem>> -> memref<1x80xi32, #tpu.memory_space<vmem>>
      %dma_wait3A_884 = tpu.memref_squeeze %dma_wait3A_883 : memref<1x80xi32, #tpu.memory_space<vmem>> -> memref<80xi32, #tpu.memory_space<vmem>>
      %dma_wait3A_885 = arith.constant 0 : i32
      %dma_wait3A_886 = tpu.memref_slice %arg2[%dma_wait3A_874, %dma_wait3A_885] : memref<4000x80xi32, #tpu.memory_space<hbm>> -> memref<1x80xi32, #tpu.memory_space<hbm>>
      %dma_wait3A_887 = tpu.memref_squeeze %dma_wait3A_886 : memref<1x80xi32, #tpu.memory_space<hbm>> -> memref<80xi32, #tpu.memory_space<hbm>>
      tpu.wait_dma2 semaphore(%arg20 : memref<!tpu.dma_semaphore, #tpu.memory_space<semaphore_mem>>) src(%dma_wait3A_887 : memref<80xi32, #tpu.memory_space<hbm>>) dst(%dma_wait3A_884 : memref<80xi32, #tpu.memory_space<vmem>>)
      %dma_wait3A_888 = arith.constant 0 : i32
      %dma_wait3A_889 = arith.constant 0 : i32
      %dma_wait3A_890 = arith.constant 0 : i32
      %dma_wait3A_891 = tpu.memref_slice %arg9[%dma_wait3A_889, %dma_wait3A_890] : memref<3x80xi32, #tpu.memory_space<vmem>> -> memref<1x80xi32, #tpu.memory_space<vmem>>
      %dma_wait3A_892 = tpu.memref_squeeze %dma_wait3A_891 : memref<1x80xi32, #tpu.memory_space<vmem>> -> memref<80xi32, #tpu.memory_space<vmem>>
      %dma_wait3A_893 = arith.constant 0 : i32
      %dma_wait3A_894 = tpu.memref_slice %arg3[%dma_wait3A_888, %dma_wait3A_893] : memref<4000x80xi32, #tpu.memory_space<hbm>> -> memref<1x80xi32, #tpu.memory_space<hbm>>
      %dma_wait3A_895 = tpu.memref_squeeze %dma_wait3A_894 : memref<1x80xi32, #tpu.memory_space<hbm>> -> memref<80xi32, #tpu.memory_space<hbm>>
      %dma_wait3A_896 = arith.constant 0 : i32
      %dma_wait3A_897 = tpu.memref_slice %arg9[%dma_wait3A_889, %dma_wait3A_896] : memref<3x80xi32, #tpu.memory_space<vmem>> -> memref<1x80xi32, #tpu.memory_space<vmem>>
      %dma_wait3A_898 = tpu.memref_squeeze %dma_wait3A_897 : memref<1x80xi32, #tpu.memory_space<vmem>> -> memref<80xi32, #tpu.memory_space<vmem>>
      %dma_wait3A_899 = arith.constant 0 : i32
      %dma_wait3A_900 = tpu.memref_slice %arg3[%dma_wait3A_888, %dma_wait3A_899] : memref<4000x80xi32, #tpu.memory_space<hbm>> -> memref<1x80xi32, #tpu.memory_space<hbm>>
      %dma_wait3A_901 = tpu.memref_squeeze %dma_wait3A_900 : memref<1x80xi32, #tpu.memory_space<hbm>> -> memref<80xi32, #tpu.memory_space<hbm>>
      tpu.wait_dma2 semaphore(%arg20 : memref<!tpu.dma_semaphore, #tpu.memory_space<semaphore_mem>>) src(%dma_wait3A_901 : memref<80xi32, #tpu.memory_space<hbm>>) dst(%dma_wait3A_898 : memref<80xi32, #tpu.memory_space<vmem>>)
      %eq3A_902 = arith.constant 0 : i32
      %eq3A_903 = arith.cmpi eq, %arg0, %eq3A_902 : i32
      %convert_element_type3A_904 = arith.extui %eq3A_903 : i1 to i32
      %cond3A_905 = arith.constant 0 : i32
      %cond3A_906 = arith.cmpi ne, %convert_element_type3A_904, %cond3A_905 : i32
      scf.if %cond3A_906 {
        %dma_start3A_934 = arith.constant 0 : i32
        %dma_start3A_935 = arith.constant 0 : i32
        %dma_start3A_936 = arith.constant 0 : i32
        %dma_start3A_937 = arith.constant 0 : i32
        %dma_start3A_938 = arith.constant 0 : i32
        %dma_start3A_939 = tpu.memref_slice %arg11[%dma_start3A_936, %dma_start3A_937, %dma_start3A_938] : memref<3x80x144xf32, #tpu.memory_space<vmem>> -> memref<1x80x144xf32, #tpu.memory_space<vmem>>
        %dma_start3A_940 = tpu.memref_squeeze %dma_start3A_939 : memref<1x80x144xf32, #tpu.memory_space<vmem>> -> memref<80x144xf32, #tpu.memory_space<vmem>>
        %dma_start3A_941 = arith.constant 0 : i32
        %dma_start3A_942 = tpu.memref_slice %arg8[%dma_start3A_935, %dma_start3A_941] : memref<3x80xi32, #tpu.memory_space<vmem>> -> memref<1x80xi32, #tpu.memory_space<vmem>>
        %dma_start3A_943 = tpu.memref_squeeze %dma_start3A_942 : memref<1x80xi32, #tpu.memory_space<vmem>> -> memref<80xi32, #tpu.memory_space<vmem>>
        %dma_start3A_944 = arith.constant 0 : i32
        %dma_start3A_945 = arith.constant 0 : i32
        %dma_start3A_946 = tpu.memref_slice %arg4[%dma_start3A_934, %dma_start3A_944, %dma_start3A_945] : memref<2x10000x144xf32, #tpu.memory_space<hbm>> -> memref<1x10000x144xf32, #tpu.memory_space<hbm>>
        %dma_start3A_947 = tpu.memref_squeeze %dma_start3A_946 : memref<1x10000x144xf32, #tpu.memory_space<hbm>> -> memref<10000x144xf32, #tpu.memory_space<hbm>>
        %dma_start3A_948 = arith.constant 0 : i32
        %dma_start3A_949 = arith.constant 0 : i32
        %dma_start3A_950 = tpu.memref_slice %dma_start3A_947[%dma_start3A_948, %dma_start3A_949] : memref<10000x144xf32, #tpu.memory_space<hbm>> -> memref<10000x144xf32, #tpu.memory_space<hbm>>
        tpu.enqueue_indirect_dma source(%dma_start3A_950 : memref<10000x144xf32, #tpu.memory_space<hbm>>) target(%dma_start3A_940 : memref<80x144xf32, #tpu.memory_space<vmem>>) offsets(%dma_start3A_943 : memref<80xi32, #tpu.memory_space<vmem>>) semaphore(%arg14 : memref<!tpu.dma_semaphore, #tpu.memory_space<semaphore_mem>>)
        %dma_start3A_951 = arith.constant 0 : i32
        %dma_start3A_952 = arith.constant 0 : i32
        %dma_start3A_953 = arith.constant 0 : i32
        %dma_start3A_954 = arith.constant 0 : i32
        %dma_start3A_955 = arith.constant 0 : i32
        %dma_start3A_956 = tpu.memref_slice %arg12[%dma_start3A_953, %dma_start3A_954, %dma_start3A_955] : memref<3x80x16xf32, #tpu.memory_space<vmem>> -> memref<1x80x16xf32, #tpu.memory_space<vmem>>
        %dma_start3A_957 = tpu.memref_squeeze %dma_start3A_956 : memref<1x80x16xf32, #tpu.memory_space<vmem>> -> memref<80x16xf32, #tpu.memory_space<vmem>>
        %dma_start3A_958 = arith.constant 0 : i32
        %dma_start3A_959 = tpu.memref_slice %arg9[%dma_start3A_952, %dma_start3A_958] : memref<3x80xi32, #tpu.memory_space<vmem>> -> memref<1x80xi32, #tpu.memory_space<vmem>>
        %dma_start3A_960 = tpu.memref_squeeze %dma_start3A_959 : memref<1x80xi32, #tpu.memory_space<vmem>> -> memref<80xi32, #tpu.memory_space<vmem>>
        %dma_start3A_961 = arith.constant 0 : i32
        %dma_start3A_962 = arith.constant 0 : i32
        %dma_start3A_963 = tpu.memref_slice %arg5[%dma_start3A_951, %dma_start3A_961, %dma_start3A_962] : memref<2x10000x16xf32, #tpu.memory_space<hbm>> -> memref<1x10000x16xf32, #tpu.memory_space<hbm>>
        %dma_start3A_964 = tpu.memref_squeeze %dma_start3A_963 : memref<1x10000x16xf32, #tpu.memory_space<hbm>> -> memref<10000x16xf32, #tpu.memory_space<hbm>>
        %dma_start3A_965 = arith.constant 0 : i32
        %dma_start3A_966 = arith.constant 0 : i32
        %dma_start3A_967 = tpu.memref_slice %dma_start3A_964[%dma_start3A_965, %dma_start3A_966] : memref<10000x16xf32, #tpu.memory_space<hbm>> -> memref<10000x16xf32, #tpu.memory_space<hbm>>
        tpu.enqueue_indirect_dma source(%dma_start3A_967 : memref<10000x16xf32, #tpu.memory_space<hbm>>) target(%dma_start3A_957 : memref<80x16xf32, #tpu.memory_space<vmem>>) offsets(%dma_start3A_960 : memref<80xi32, #tpu.memory_space<vmem>>) semaphore(%arg14 : memref<!tpu.dma_semaphore, #tpu.memory_space<semaphore_mem>>)
      } else {
      }
      %eq3A_907 = arith.constant 1 : i32
      %eq3A_908 = arith.cmpi eq, %arg0, %eq3A_907 : i32
      %convert_element_type3A_909 = arith.extui %eq3A_908 : i1 to i32
      %cond3A_910 = arith.constant 0 : i32
      %cond3A_911 = arith.cmpi ne, %convert_element_type3A_909, %cond3A_910 : i32
      scf.if %cond3A_911 {
        %dma_start3A_934 = arith.constant 1 : i32
        %dma_start3A_935 = arith.constant 0 : i32
        %dma_start3A_936 = arith.constant 0 : i32
        %dma_start3A_937 = arith.constant 0 : i32
        %dma_start3A_938 = arith.constant 0 : i32
        %dma_start3A_939 = tpu.memref_slice %arg11[%dma_start3A_936, %dma_start3A_937, %dma_start3A_938] : memref<3x80x144xf32, #tpu.memory_space<vmem>> -> memref<1x80x144xf32, #tpu.memory_space<vmem>>
        %dma_start3A_940 = tpu.memref_squeeze %dma_start3A_939 : memref<1x80x144xf32, #tpu.memory_space<vmem>> -> memref<80x144xf32, #tpu.memory_space<vmem>>
        %dma_start3A_941 = arith.constant 0 : i32
        %dma_start3A_942 = tpu.memref_slice %arg8[%dma_start3A_935, %dma_start3A_941] : memref<3x80xi32, #tpu.memory_space<vmem>> -> memref<1x80xi32, #tpu.memory_space<vmem>>
        %dma_start3A_943 = tpu.memref_squeeze %dma_start3A_942 : memref<1x80xi32, #tpu.memory_space<vmem>> -> memref<80xi32, #tpu.memory_space<vmem>>
        %dma_start3A_944 = arith.constant 0 : i32
        %dma_start3A_945 = arith.constant 0 : i32
        %dma_start3A_946 = tpu.memref_slice %arg4[%dma_start3A_934, %dma_start3A_944, %dma_start3A_945] : memref<2x10000x144xf32, #tpu.memory_space<hbm>> -> memref<1x10000x144xf32, #tpu.memory_space<hbm>>
        %dma_start3A_947 = tpu.memref_squeeze %dma_start3A_946 : memref<1x10000x144xf32, #tpu.memory_space<hbm>> -> memref<10000x144xf32, #tpu.memory_space<hbm>>
        %dma_start3A_948 = arith.constant 0 : i32
        %dma_start3A_949 = arith.constant 0 : i32
        %dma_start3A_950 = tpu.memref_slice %dma_start3A_947[%dma_start3A_948, %dma_start3A_949] : memref<10000x144xf32, #tpu.memory_space<hbm>> -> memref<10000x144xf32, #tpu.memory_space<hbm>>
        tpu.enqueue_indirect_dma source(%dma_start3A_950 : memref<10000x144xf32, #tpu.memory_space<hbm>>) target(%dma_start3A_940 : memref<80x144xf32, #tpu.memory_space<vmem>>) offsets(%dma_start3A_943 : memref<80xi32, #tpu.memory_space<vmem>>) semaphore(%arg14 : memref<!tpu.dma_semaphore, #tpu.memory_space<semaphore_mem>>)
        %dma_start3A_951 = arith.constant 1 : i32
        %dma_start3A_952 = arith.constant 0 : i32
        %dma_start3A_953 = arith.constant 0 : i32
        %dma_start3A_954 = arith.constant 0 : i32
        %dma_start3A_955 = arith.constant 0 : i32
        %dma_start3A_956 = tpu.memref_slice %arg12[%dma_start3A_953, %dma_start3A_954, %dma_start3A_955] : memref<3x80x16xf32, #tpu.memory_space<vmem>> -> memref<1x80x16xf32, #tpu.memory_space<vmem>>
        %dma_start3A_957 = tpu.memref_squeeze %dma_start3A_956 : memref<1x80x16xf32, #tpu.memory_space<vmem>> -> memref<80x16xf32, #tpu.memory_space<vmem>>
        %dma_start3A_958 = arith.constant 0 : i32
        %dma_start3A_959 = tpu.memref_slice %arg9[%dma_start3A_952, %dma_start3A_958] : memref<3x80xi32, #tpu.memory_space<vmem>> -> memref<1x80xi32, #tpu.memory_space<vmem>>
        %dma_start3A_960 = tpu.memref_squeeze %dma_start3A_959 : memref<1x80xi32, #tpu.memory_space<vmem>> -> memref<80xi32, #tpu.memory_space<vmem>>
        %dma_start3A_961 = arith.constant 0 : i32
        %dma_start3A_962 = arith.constant 0 : i32
        %dma_start3A_963 = tpu.memref_slice %arg5[%dma_start3A_951, %dma_start3A_961, %dma_start3A_962] : memref<2x10000x16xf32, #tpu.memory_space<hbm>> -> memref<1x10000x16xf32, #tpu.memory_space<hbm>>
        %dma_start3A_964 = tpu.memref_squeeze %dma_start3A_963 : memref<1x10000x16xf32, #tpu.memory_space<hbm>> -> memref<10000x16xf32, #tpu.memory_space<hbm>>
        %dma_start3A_965 = arith.constant 0 : i32
        %dma_start3A_966 = arith.constant 0 : i32
        %dma_start3A_967 = tpu.memref_slice %dma_start3A_964[%dma_start3A_965, %dma_start3A_966] : memref<10000x16xf32, #tpu.memory_space<hbm>> -> memref<10000x16xf32, #tpu.memory_space<hbm>>
        tpu.enqueue_indirect_dma source(%dma_start3A_967 : memref<10000x16xf32, #tpu.memory_space<hbm>>) target(%dma_start3A_957 : memref<80x16xf32, #tpu.memory_space<vmem>>) offsets(%dma_start3A_960 : memref<80xi32, #tpu.memory_space<vmem>>) semaphore(%arg14 : memref<!tpu.dma_semaphore, #tpu.memory_space<semaphore_mem>>)
      } else {
      }
      %add3A_912 = arith.constant 3 : i32
      %add3A_913 = arith.addi %add3A_821, %add3A_912 : i32
      %lt3A_914 = arith.constant 250 : i32
      %lt3A_915 = arith.cmpi slt, %add3A_913, %lt3A_914 : i32
      %convert_element_type3A_916 = arith.extui %lt3A_915 : i1 to i32
      %cond3A_917 = arith.constant 0 : i32
      %cond3A_918 = arith.cmpi ne, %convert_element_type3A_916, %cond3A_917 : i32
      scf.if %cond3A_918 {
        %add3A_934 = arith.constant 3 : i32
        %add3A_935 = arith.addi %add3A_821, %add3A_934 : i32
        %add3A_936 = arith.addi %mul3A_6, %add3A_935 : i32
        %dma_start3A_937 = arith.constant 1 : i32
        %dma_start3A_938 = arith.constant 0 : i32
        %dma_start3A_939 = tpu.memref_slice %arg8[%dma_start3A_937, %dma_start3A_938] : memref<3x80xi32, #tpu.memory_space<vmem>> -> memref<1x80xi32, #tpu.memory_space<vmem>>
        %dma_start3A_940 = tpu.memref_squeeze %dma_start3A_939 : memref<1x80xi32, #tpu.memory_space<vmem>> -> memref<80xi32, #tpu.memory_space<vmem>>
        %dma_start3A_941 = arith.constant 0 : i32
        %dma_start3A_942 = tpu.memref_slice %arg2[%add3A_936, %dma_start3A_941] : memref<4000x80xi32, #tpu.memory_space<hbm>> -> memref<1x80xi32, #tpu.memory_space<hbm>>
        %dma_start3A_943 = tpu.memref_squeeze %dma_start3A_942 : memref<1x80xi32, #tpu.memory_space<hbm>> -> memref<80xi32, #tpu.memory_space<hbm>>
        %dma_start3A_944 = arith.constant 0 : i32
        %dma_start3A_945 = tpu.memref_slice %arg8[%dma_start3A_937, %dma_start3A_944] : memref<3x80xi32, #tpu.memory_space<vmem>> -> memref<1x80xi32, #tpu.memory_space<vmem>>
        %dma_start3A_946 = tpu.memref_squeeze %dma_start3A_945 : memref<1x80xi32, #tpu.memory_space<vmem>> -> memref<80xi32, #tpu.memory_space<vmem>>
        %dma_start3A_947 = arith.constant 0 : i32
        %dma_start3A_948 = tpu.memref_slice %arg2[%add3A_936, %dma_start3A_947] : memref<4000x80xi32, #tpu.memory_space<hbm>> -> memref<1x80xi32, #tpu.memory_space<hbm>>
        %dma_start3A_949 = tpu.memref_squeeze %dma_start3A_948 : memref<1x80xi32, #tpu.memory_space<hbm>> -> memref<80xi32, #tpu.memory_space<hbm>>
        tpu.enqueue_dma source(%dma_start3A_949 : memref<80xi32, #tpu.memory_space<hbm>>) target(%dma_start3A_946 : memref<80xi32, #tpu.memory_space<vmem>>) target_semaphore(%arg21 : memref<!tpu.dma_semaphore, #tpu.memory_space<semaphore_mem>>)
        %add3A_950 = arith.addi %mul3A_6, %add3A_935 : i32
        %dma_start3A_951 = arith.constant 1 : i32
        %dma_start3A_952 = arith.constant 0 : i32
        %dma_start3A_953 = tpu.memref_slice %arg9[%dma_start3A_951, %dma_start3A_952] : memref<3x80xi32, #tpu.memory_space<vmem>> -> memref<1x80xi32, #tpu.memory_space<vmem>>
        %dma_start3A_954 = tpu.memref_squeeze %dma_start3A_953 : memref<1x80xi32, #tpu.memory_space<vmem>> -> memref<80xi32, #tpu.memory_space<vmem>>
        %dma_start3A_955 = arith.constant 0 : i32
        %dma_start3A_956 = tpu.memref_slice %arg3[%add3A_950, %dma_start3A_955] : memref<4000x80xi32, #tpu.memory_space<hbm>> -> memref<1x80xi32, #tpu.memory_space<hbm>>
        %dma_start3A_957 = tpu.memref_squeeze %dma_start3A_956 : memref<1x80xi32, #tpu.memory_space<hbm>> -> memref<80xi32, #tpu.memory_space<hbm>>
        %dma_start3A_958 = arith.constant 0 : i32
        %dma_start3A_959 = tpu.memref_slice %arg9[%dma_start3A_951, %dma_start3A_958] : memref<3x80xi32, #tpu.memory_space<vmem>> -> memref<1x80xi32, #tpu.memory_space<vmem>>
        %dma_start3A_960 = tpu.memref_squeeze %dma_start3A_959 : memref<1x80xi32, #tpu.memory_space<vmem>> -> memref<80xi32, #tpu.memory_space<vmem>>
        %dma_start3A_961 = arith.constant 0 : i32
        %dma_start3A_962 = tpu.memref_slice %arg3[%add3A_950, %dma_start3A_961] : memref<4000x80xi32, #tpu.memory_space<hbm>> -> memref<1x80xi32, #tpu.memory_space<hbm>>
        %dma_start3A_963 = tpu.memref_squeeze %dma_start3A_962 : memref<1x80xi32, #tpu.memory_space<hbm>> -> memref<80xi32, #tpu.memory_space<hbm>>
        tpu.enqueue_dma source(%dma_start3A_963 : memref<80xi32, #tpu.memory_space<hbm>>) target(%dma_start3A_960 : memref<80xi32, #tpu.memory_space<vmem>>) target_semaphore(%arg21 : memref<!tpu.dma_semaphore, #tpu.memory_space<semaphore_mem>>)
      } else {
      }
      %parallel_loop3A_919 = arith.constant 0 : i32
      %parallel_loop3A_920 = arith.constant 80 : i32
      %parallel_loop3A_921 = arith.constant 1 : i32
      scf.for %parallel_loop3A_934 = %parallel_loop3A_919 to %parallel_loop3A_920 step %parallel_loop3A_921  : i32 {
        %parallel_loop3A_935 = arith.constant 1 : i32
        %parallel_loop3A_936 = arith.index_cast %parallel_loop3A_935 : i32 to index
        %parallel_loop3A_937 = arith.index_cast %parallel_loop3A_934 : i32 to index
        %parallel_loop3A_938 = arith.constant 128 : index
        %parallel_loop3A_939 = tpu.vector_load %arg11[%parallel_loop3A_936, %parallel_loop3A_937, %parallel_loop3A_938] {strides = array<i32>} : memref<3x80x144xf32, #tpu.memory_space<vmem>>, vector<16xf32>,
        %parallel_loop3A_940 = vector.extract_strided_slice %parallel_loop3A_939 {offsets = [0], sizes = [1], strides = [1]} : vector<16xf32> to vector<1xf32>
        %parallel_loop3A_941 = vector.extract %parallel_loop3A_940[0] : f32 from vector<1xf32>
        %parallel_loop3A_942 = vector.broadcast %parallel_loop3A_941 : f32 to vector<16xf32>
        %parallel_loop3A_943 = arith.constant 1 : i32
        %parallel_loop3A_944 = arith.index_cast %parallel_loop3A_943 : i32 to index
        %parallel_loop3A_945 = arith.index_cast %parallel_loop3A_934 : i32 to index
        %parallel_loop3A_946 = arith.constant 0 : index
        %parallel_loop3A_947 = tpu.vector_load %arg11[%parallel_loop3A_944, %parallel_loop3A_945, %parallel_loop3A_946] {strides = array<i32>} : memref<3x80x144xf32, #tpu.memory_space<vmem>>, vector<16xf32>,
        %parallel_loop3A_948 = arith.mulf %parallel_loop3A_947, %parallel_loop3A_942 : vector<16xf32>
        %parallel_loop3A_949 = arith.constant 1 : i32
        %parallel_loop3A_950 = arith.index_cast %parallel_loop3A_949 : i32 to index
        %parallel_loop3A_951 = arith.index_cast %parallel_loop3A_934 : i32 to index
        %parallel_loop3A_952 = arith.constant 0 : index
        %parallel_loop3A_953 = tpu.vector_load %arg11[%parallel_loop3A_950, %parallel_loop3A_951, %parallel_loop3A_952] {strides = array<i32>} : memref<3x80x144xf32, #tpu.memory_space<vmem>>, vector<16xf32>,
        tpu.vector_store %arg11[%parallel_loop3A_950, %parallel_loop3A_951, %parallel_loop3A_952], %parallel_loop3A_948 {strides = array<i32>} : memref<3x80x144xf32, #tpu.memory_space<vmem>>, vector<16xf32>,
        %parallel_loop3A_954 = arith.constant 1 : i32
        %parallel_loop3A_955 = arith.index_cast %parallel_loop3A_954 : i32 to index
        %parallel_loop3A_956 = arith.index_cast %parallel_loop3A_934 : i32 to index
        %parallel_loop3A_957 = arith.constant 16 : index
        %parallel_loop3A_958 = tpu.vector_load %arg11[%parallel_loop3A_955, %parallel_loop3A_956, %parallel_loop3A_957] {strides = array<i32>} : memref<3x80x144xf32, #tpu.memory_space<vmem>>, vector<16xf32>,
        %parallel_loop3A_959 = arith.mulf %parallel_loop3A_958, %parallel_loop3A_942 : vector<16xf32>
        %parallel_loop3A_960 = arith.constant 1 : i32
        %parallel_loop3A_961 = arith.index_cast %parallel_loop3A_960 : i32 to index
        %parallel_loop3A_962 = arith.index_cast %parallel_loop3A_934 : i32 to index
        %parallel_loop3A_963 = arith.constant 16 : index
        %parallel_loop3A_964 = tpu.vector_load %arg11[%parallel_loop3A_961, %parallel_loop3A_962, %parallel_loop3A_963] {strides = array<i32>} : memref<3x80x144xf32, #tpu.memory_space<vmem>>, vector<16xf32>,
        tpu.vector_store %arg11[%parallel_loop3A_961, %parallel_loop3A_962, %parallel_loop3A_963], %parallel_loop3A_959 {strides = array<i32>} : memref<3x80x144xf32, #tpu.memory_space<vmem>>, vector<16xf32>,
        %parallel_loop3A_965 = vector.extract_strided_slice %parallel_loop3A_939 {offsets = [1], sizes = [1], strides = [1]} : vector<16xf32> to vector<1xf32>
        %parallel_loop3A_966 = vector.extract %parallel_loop3A_965[0] : f32 from vector<1xf32>
        %parallel_loop3A_967 = vector.broadcast %parallel_loop3A_966 : f32 to vector<16xf32>
        %parallel_loop3A_968 = arith.constant 1 : i32
        %parallel_loop3A_969 = arith.index_cast %parallel_loop3A_968 : i32 to index
        %parallel_loop3A_970 = arith.index_cast %parallel_loop3A_934 : i32 to index
        %parallel_loop3A_971 = arith.constant 32 : index
        %parallel_loop3A_972 = tpu.vector_load %arg11[%parallel_loop3A_969, %parallel_loop3A_970, %parallel_loop3A_971] {strides = array<i32>} : memref<3x80x144xf32, #tpu.memory_space<vmem>>, vector<16xf32>,
        %parallel_loop3A_973 = arith.mulf %parallel_loop3A_972, %parallel_loop3A_967 : vector<16xf32>
        %parallel_loop3A_974 = arith.constant 1 : i32
        %parallel_loop3A_975 = arith.index_cast %parallel_loop3A_974 : i32 to index
        %parallel_loop3A_976 = arith.index_cast %parallel_loop3A_934 : i32 to index
        %parallel_loop3A_977 = arith.constant 32 : index
        %parallel_loop3A_978 = tpu.vector_load %arg11[%parallel_loop3A_975, %parallel_loop3A_976, %parallel_loop3A_977] {strides = array<i32>} : memref<3x80x144xf32, #tpu.memory_space<vmem>>, vector<16xf32>,
        tpu.vector_store %arg11[%parallel_loop3A_975, %parallel_loop3A_976, %parallel_loop3A_977], %parallel_loop3A_973 {strides = array<i32>} : memref<3x80x144xf32, #tpu.memory_space<vmem>>, vector<16xf32>,
        %parallel_loop3A_979 = arith.constant 1 : i32
        %parallel_loop3A_980 = arith.index_cast %parallel_loop3A_979 : i32 to index
        %parallel_loop3A_981 = arith.index_cast %parallel_loop3A_934 : i32 to index
        %parallel_loop3A_982 = arith.constant 48 : index
        %parallel_loop3A_983 = tpu.vector_load %arg11[%parallel_loop3A_980, %parallel_loop3A_981, %parallel_loop3A_982] {strides = array<i32>} : memref<3x80x144xf32, #tpu.memory_space<vmem>>, vector<16xf32>,
        %parallel_loop3A_984 = arith.mulf %parallel_loop3A_983, %parallel_loop3A_967 : vector<16xf32>
        %parallel_loop3A_985 = arith.constant 1 : i32
        %parallel_loop3A_986 = arith.index_cast %parallel_loop3A_985 : i32 to index
        %parallel_loop3A_987 = arith.index_cast %parallel_loop3A_934 : i32 to index
        %parallel_loop3A_988 = arith.constant 48 : index
        %parallel_loop3A_989 = tpu.vector_load %arg11[%parallel_loop3A_986, %parallel_loop3A_987, %parallel_loop3A_988] {strides = array<i32>} : memref<3x80x144xf32, #tpu.memory_space<vmem>>, vector<16xf32>,
        tpu.vector_store %arg11[%parallel_loop3A_986, %parallel_loop3A_987, %parallel_loop3A_988], %parallel_loop3A_984 {strides = array<i32>} : memref<3x80x144xf32, #tpu.memory_space<vmem>>, vector<16xf32>,
        %parallel_loop3A_990 = vector.extract_strided_slice %parallel_loop3A_939 {offsets = [2], sizes = [1], strides = [1]} : vector<16xf32> to vector<1xf32>
        %parallel_loop3A_991 = vector.extract %parallel_loop3A_990[0] : f32 from vector<1xf32>
        %parallel_loop3A_992 = vector.broadcast %parallel_loop3A_991 : f32 to vector<16xf32>
        %parallel_loop3A_993 = arith.constant 1 : i32
        %parallel_loop3A_994 = arith.index_cast %parallel_loop3A_993 : i32 to index
        %parallel_loop3A_995 = arith.index_cast %parallel_loop3A_934 : i32 to index
        %parallel_loop3A_996 = arith.constant 64 : index
        %parallel_loop3A_997 = tpu.vector_load %arg11[%parallel_loop3A_994, %parallel_loop3A_995, %parallel_loop3A_996] {strides = array<i32>} : memref<3x80x144xf32, #tpu.memory_space<vmem>>, vector<16xf32>,
        %parallel_loop3A_998 = arith.mulf %parallel_loop3A_997, %parallel_loop3A_992 : vector<16xf32>
        %parallel_loop3A_999 = arith.constant 1 : i32
        %parallel_loop3A_1000 = arith.index_cast %parallel_loop3A_999 : i32 to index
        %parallel_loop3A_1001 = arith.index_cast %parallel_loop3A_934 : i32 to index
        %parallel_loop3A_1002 = arith.constant 64 : index
        %parallel_loop3A_1003 = tpu.vector_load %arg11[%parallel_loop3A_1000, %parallel_loop3A_1001, %parallel_loop3A_1002] {strides = array<i32>} : memref<3x80x144xf32, #tpu.memory_space<vmem>>, vector<16xf32>,
        tpu.vector_store %arg11[%parallel_loop3A_1000, %parallel_loop3A_1001, %parallel_loop3A_1002], %parallel_loop3A_998 {strides = array<i32>} : memref<3x80x144xf32, #tpu.memory_space<vmem>>, vector<16xf32>,
        %parallel_loop3A_1004 = arith.constant 1 : i32
        %parallel_loop3A_1005 = arith.index_cast %parallel_loop3A_1004 : i32 to index
        %parallel_loop3A_1006 = arith.index_cast %parallel_loop3A_934 : i32 to index
        %parallel_loop3A_1007 = arith.constant 80 : index
        %parallel_loop3A_1008 = tpu.vector_load %arg11[%parallel_loop3A_1005, %parallel_loop3A_1006, %parallel_loop3A_1007] {strides = array<i32>} : memref<3x80x144xf32, #tpu.memory_space<vmem>>, vector<16xf32>,
        %parallel_loop3A_1009 = arith.mulf %parallel_loop3A_1008, %parallel_loop3A_992 : vector<16xf32>
        %parallel_loop3A_1010 = arith.constant 1 : i32
        %parallel_loop3A_1011 = arith.index_cast %parallel_loop3A_1010 : i32 to index
        %parallel_loop3A_1012 = arith.index_cast %parallel_loop3A_934 : i32 to index
        %parallel_loop3A_1013 = arith.constant 80 : index
        %parallel_loop3A_1014 = tpu.vector_load %arg11[%parallel_loop3A_1011, %parallel_loop3A_1012, %parallel_loop3A_1013] {strides = array<i32>} : memref<3x80x144xf32, #tpu.memory_space<vmem>>, vector<16xf32>,
        tpu.vector_store %arg11[%parallel_loop3A_1011, %parallel_loop3A_1012, %parallel_loop3A_1013], %parallel_loop3A_1009 {strides = array<i32>} : memref<3x80x144xf32, #tpu.memory_space<vmem>>, vector<16xf32>,
        %parallel_loop3A_1015 = vector.extract_strided_slice %parallel_loop3A_939 {offsets = [3], sizes = [1], strides = [1]} : vector<16xf32> to vector<1xf32>
        %parallel_loop3A_1016 = vector.extract %parallel_loop3A_1015[0] : f32 from vector<1xf32>
        %parallel_loop3A_1017 = vector.broadcast %parallel_loop3A_1016 : f32 to vector<16xf32>
        %parallel_loop3A_1018 = arith.constant 1 : i32
        %parallel_loop3A_1019 = arith.index_cast %parallel_loop3A_1018 : i32 to index
        %parallel_loop3A_1020 = arith.index_cast %parallel_loop3A_934 : i32 to index
        %parallel_loop3A_1021 = arith.constant 96 : index
        %parallel_loop3A_1022 = tpu.vector_load %arg11[%parallel_loop3A_1019, %parallel_loop3A_1020, %parallel_loop3A_1021] {strides = array<i32>} : memref<3x80x144xf32, #tpu.memory_space<vmem>>, vector<16xf32>,
        %parallel_loop3A_1023 = arith.mulf %parallel_loop3A_1022, %parallel_loop3A_1017 : vector<16xf32>
        %parallel_loop3A_1024 = arith.constant 1 : i32
        %parallel_loop3A_1025 = arith.index_cast %parallel_loop3A_1024 : i32 to index
        %parallel_loop3A_1026 = arith.index_cast %parallel_loop3A_934 : i32 to index
        %parallel_loop3A_1027 = arith.constant 96 : index
        %parallel_loop3A_1028 = tpu.vector_load %arg11[%parallel_loop3A_1025, %parallel_loop3A_1026, %parallel_loop3A_1027] {strides = array<i32>} : memref<3x80x144xf32, #tpu.memory_space<vmem>>, vector<16xf32>,
        tpu.vector_store %arg11[%parallel_loop3A_1025, %parallel_loop3A_1026, %parallel_loop3A_1027], %parallel_loop3A_1023 {strides = array<i32>} : memref<3x80x144xf32, #tpu.memory_space<vmem>>, vector<16xf32>,
        %parallel_loop3A_1029 = arith.constant 1 : i32
        %parallel_loop3A_1030 = arith.index_cast %parallel_loop3A_1029 : i32 to index
        %parallel_loop3A_1031 = arith.index_cast %parallel_loop3A_934 : i32 to index
        %parallel_loop3A_1032 = arith.constant 112 : index
        %parallel_loop3A_1033 = tpu.vector_load %arg11[%parallel_loop3A_1030, %parallel_loop3A_1031, %parallel_loop3A_1032] {strides = array<i32>} : memref<3x80x144xf32, #tpu.memory_space<vmem>>, vector<16xf32>,
        %parallel_loop3A_1034 = arith.mulf %parallel_loop3A_1033, %parallel_loop3A_1017 : vector<16xf32>
        %parallel_loop3A_1035 = arith.constant 1 : i32
        %parallel_loop3A_1036 = arith.index_cast %parallel_loop3A_1035 : i32 to index
        %parallel_loop3A_1037 = arith.index_cast %parallel_loop3A_934 : i32 to index
        %parallel_loop3A_1038 = arith.constant 112 : index
        %parallel_loop3A_1039 = tpu.vector_load %arg11[%parallel_loop3A_1036, %parallel_loop3A_1037, %parallel_loop3A_1038] {strides = array<i32>} : memref<3x80x144xf32, #tpu.memory_space<vmem>>, vector<16xf32>,
        tpu.vector_store %arg11[%parallel_loop3A_1036, %parallel_loop3A_1037, %parallel_loop3A_1038], %parallel_loop3A_1034 {strides = array<i32>} : memref<3x80x144xf32, #tpu.memory_space<vmem>>, vector<16xf32>,
      } {sc.loop_unroll_factor = 2 : i64, sc.parallel_access}
      %dma_start3A_922 = arith.constant 1 : i32
      %dma_start3A_923 = arith.constant 1 : i32
      %dma_start3A_924 = arith.constant 0 : i32
      %dma_start3A_925 = arith.constant 0 : i32
      %dma_start3A_926 = tpu.memref_slice %arg11[%dma_start3A_922, %dma_start3A_924, %dma_start3A_925] : memref<3x80x144xf32, #tpu.memory_space<vmem>> -> memref<1x80x144xf32, #tpu.memory_space<vmem>>
      %dma_start3A_927 = tpu.memref_squeeze %dma_start3A_926 : memref<1x80x144xf32, #tpu.memory_space<vmem>> -> memref<80x144xf32, #tpu.memory_space<vmem>>
      %dma_start3A_928 = arith.constant 0 : i32
      %dma_start3A_929 = tpu.memref_slice %arg10[%dma_start3A_923, %dma_start3A_928] : memref<3x80xi32, #tpu.memory_space<vmem>> -> memref<1x80xi32, #tpu.memory_space<vmem>>
      %dma_start3A_930 = tpu.memref_squeeze %dma_start3A_929 : memref<1x80xi32, #tpu.memory_space<vmem>> -> memref<80xi32, #tpu.memory_space<vmem>>
      %dma_start3A_931 = arith.constant 0 : i32
      %dma_start3A_932 = arith.constant 0 : i32
      %dma_start3A_933 = tpu.memref_slice %arg13[%dma_start3A_931, %dma_start3A_932] : memref<10000x144xf32, #tpu.memory_space<vmem_shared>> -> memref<10000x144xf32, #tpu.memory_space<vmem_shared>>
      tpu.enqueue_indirect_dma source(%dma_start3A_927 : memref<80x144xf32, #tpu.memory_space<vmem>>) target(%dma_start3A_933 : memref<10000x144xf32, #tpu.memory_space<vmem_shared>>) offsets(%dma_start3A_930 : memref<80xi32, #tpu.memory_space<vmem>>) semaphore(%arg18 : memref<!tpu.dma_semaphore, #tpu.memory_space<semaphore_mem>>) {add = true}
    }
    %scan3A_431 = arith.constant 82 : i32
    %dma_wait3A_432 = arith.constant 0 : i32
    %dma_wait3A_433 = arith.constant 2 : i32
    %dma_wait3A_434 = arith.constant 2 : i32
    %dma_wait3A_435 = arith.constant 0 : i32
    %dma_wait3A_436 = arith.constant 0 : i32
    %dma_wait3A_437 = tpu.memref_slice %arg11[%dma_wait3A_434, %dma_wait3A_435, %dma_wait3A_436] : memref<3x80x144xf32, #tpu.memory_space<vmem>> -> memref<1x80x144xf32, #tpu.memory_space<vmem>>
    %dma_wait3A_438 = tpu.memref_squeeze %dma_wait3A_437 : memref<1x80x144xf32, #tpu.memory_space<vmem>> -> memref<80x144xf32, #tpu.memory_space<vmem>>
    %dma_wait3A_439 = arith.constant 0 : i32
    %dma_wait3A_440 = tpu.memref_slice %arg8[%dma_wait3A_433, %dma_wait3A_439] : memref<3x80xi32, #tpu.memory_space<vmem>> -> memref<1x80xi32, #tpu.memory_space<vmem>>
    %dma_wait3A_441 = tpu.memref_squeeze %dma_wait3A_440 : memref<1x80xi32, #tpu.memory_space<vmem>> -> memref<80xi32, #tpu.memory_space<vmem>>
    %dma_wait3A_442 = arith.constant 0 : i32
    %dma_wait3A_443 = arith.constant 0 : i32
    %dma_wait3A_444 = tpu.memref_slice %arg4[%dma_wait3A_432, %dma_wait3A_442, %dma_wait3A_443] : memref<2x10000x144xf32, #tpu.memory_space<hbm>> -> memref<1x10000x144xf32, #tpu.memory_space<hbm>>
    %dma_wait3A_445 = tpu.memref_squeeze %dma_wait3A_444 : memref<1x10000x144xf32, #tpu.memory_space<hbm>> -> memref<10000x144xf32, #tpu.memory_space<hbm>>
    %dma_wait3A_446 = arith.constant 0 : i32
    %dma_wait3A_447 = arith.constant 0 : i32
    %dma_wait3A_448 = tpu.memref_slice %dma_wait3A_445[%dma_wait3A_446, %dma_wait3A_447] : memref<10000x144xf32, #tpu.memory_space<hbm>> -> memref<10000x144xf32, #tpu.memory_space<hbm>>
    tpu.wait_indirect_dma semaphore(%arg16 : memref<!tpu.dma_semaphore, #tpu.memory_space<semaphore_mem>>) src(%dma_wait3A_448 : memref<10000x144xf32, #tpu.memory_space<hbm>>) dst(%dma_wait3A_438 : memref<80x144xf32, #tpu.memory_space<vmem>>)
    %dma_wait3A_449 = arith.constant 0 : i32
    %dma_wait3A_450 = arith.constant 2 : i32
    %dma_wait3A_451 = arith.constant 2 : i32
    %dma_wait3A_452 = arith.constant 0 : i32
    %dma_wait3A_453 = arith.constant 0 : i32
    %dma_wait3A_454 = tpu.memref_slice %arg12[%dma_wait3A_451, %dma_wait3A_452, %dma_wait3A_453] : memref<3x80x16xf32, #tpu.memory_space<vmem>> -> memref<1x80x16xf32, #tpu.memory_space<vmem>>
    %dma_wait3A_455 = tpu.memref_squeeze %dma_wait3A_454 : memref<1x80x16xf32, #tpu.memory_space<vmem>> -> memref<80x16xf32, #tpu.memory_space<vmem>>
    %dma_wait3A_456 = arith.constant 0 : i32
    %dma_wait3A_457 = tpu.memref_slice %arg9[%dma_wait3A_450, %dma_wait3A_456] : memref<3x80xi32, #tpu.memory_space<vmem>> -> memref<1x80xi32, #tpu.memory_space<vmem>>
    %dma_wait3A_458 = tpu.memref_squeeze %dma_wait3A_457 : memref<1x80xi32, #tpu.memory_space<vmem>> -> memref<80xi32, #tpu.memory_space<vmem>>
    %dma_wait3A_459 = arith.constant 0 : i32
    %dma_wait3A_460 = arith.constant 0 : i32
    %dma_wait3A_461 = tpu.memref_slice %arg5[%dma_wait3A_449, %dma_wait3A_459, %dma_wait3A_460] : memref<2x10000x16xf32, #tpu.memory_space<hbm>> -> memref<1x10000x16xf32, #tpu.memory_space<hbm>>
    %dma_wait3A_462 = tpu.memref_squeeze %dma_wait3A_461 : memref<1x10000x16xf32, #tpu.memory_space<hbm>> -> memref<10000x16xf32, #tpu.memory_space<hbm>>
    %dma_wait3A_463 = arith.constant 0 : i32
    %dma_wait3A_464 = arith.constant 0 : i32
    %dma_wait3A_465 = tpu.memref_slice %dma_wait3A_462[%dma_wait3A_463, %dma_wait3A_464] : memref<10000x16xf32, #tpu.memory_space<hbm>> -> memref<10000x16xf32, #tpu.memory_space<hbm>>
    tpu.wait_indirect_dma semaphore(%arg16 : memref<!tpu.dma_semaphore, #tpu.memory_space<semaphore_mem>>) src(%dma_wait3A_465 : memref<10000x16xf32, #tpu.memory_space<hbm>>) dst(%dma_wait3A_455 : memref<80x16xf32, #tpu.memory_space<vmem>>)
    %parallel_loop3A_466 = arith.constant 0 : i32
    %parallel_loop3A_467 = arith.constant 5 : i32
    %parallel_loop3A_468 = arith.constant 1 : i32
    scf.for %parallel_loop3A_589 = %parallel_loop3A_466 to %parallel_loop3A_467 step %parallel_loop3A_468  : i32 {
      %parallel_loop3A_590 = arith.constant 16 : i32
      %parallel_loop3A_591 = arith.muli %parallel_loop3A_589, %parallel_loop3A_590 : i32
      %parallel_loop3A_592 = arith.constant 2 : i32
      %parallel_loop3A_593 = arith.index_cast %parallel_loop3A_592 : i32 to index
      %parallel_loop3A_594 = arith.index_cast %parallel_loop3A_591 : i32 to index
      %parallel_loop3A_595 = tpu.vector_load %arg9[%parallel_loop3A_593, %parallel_loop3A_594] {strides = array<i32>} : memref<3x80xi32, #tpu.memory_space<vmem>>, vector<16xi32>,
      %parallel_loop3A_596 = arith.constant 16 : i32
      %parallel_loop3A_597 = arith.muli %parallel_loop3A_589, %parallel_loop3A_596 : i32
      %parallel_loop3A_598 = arith.constant 2 : i32
      %parallel_loop3A_599 = arith.index_cast %parallel_loop3A_598 : i32 to index
      %parallel_loop3A_600 = arith.index_cast %parallel_loop3A_597 : i32 to index
      %parallel_loop3A_601 = tpu.vector_load %arg10[%parallel_loop3A_599, %parallel_loop3A_600] {strides = array<i32>} : memref<3x80xi32, #tpu.memory_space<vmem>>, vector<16xi32>,
      tpu.vector_store %arg10[%parallel_loop3A_599, %parallel_loop3A_600], %parallel_loop3A_595 {strides = array<i32>} : memref<3x80xi32, #tpu.memory_space<vmem>>, vector<16xi32>,
    } {sc.loop_unroll_factor = 5 : i64, sc.parallel_access}
    %parallel_loop3A_469 = arith.constant 0 : i32
    %parallel_loop3A_470 = arith.constant 80 : i32
    %parallel_loop3A_471 = arith.constant 1 : i32
    scf.for %parallel_loop3A_589 = %parallel_loop3A_469 to %parallel_loop3A_470 step %parallel_loop3A_471  : i32 {
      %parallel_loop3A_590 = arith.constant 2 : i32
      %parallel_loop3A_591 = arith.index_cast %parallel_loop3A_590 : i32 to index
      %parallel_loop3A_592 = arith.index_cast %parallel_loop3A_589 : i32 to index
      %parallel_loop3A_593 = arith.constant 128 : index
      %parallel_loop3A_594 = tpu.vector_load %arg11[%parallel_loop3A_591, %parallel_loop3A_592, %parallel_loop3A_593] {strides = array<i32>} : memref<3x80x144xf32, #tpu.memory_space<vmem>>, vector<16xf32>,
      %parallel_loop3A_595 = arith.constant 2 : i32
      %parallel_loop3A_596 = arith.index_cast %parallel_loop3A_595 : i32 to index
      %parallel_loop3A_597 = arith.index_cast %parallel_loop3A_589 : i32 to index
      %parallel_loop3A_598 = arith.constant 0 : index
      %parallel_loop3A_599 = tpu.vector_load %arg12[%parallel_loop3A_596, %parallel_loop3A_597, %parallel_loop3A_598] {strides = array<i32>} : memref<3x80x16xf32, #tpu.memory_space<vmem>>, vector<16xf32>,
      %parallel_loop3A_600 = arith.addf %parallel_loop3A_594, %parallel_loop3A_599 : vector<16xf32>
      %parallel_loop3A_601 = arith.constant 0.000000e+00 : f32
      %parallel_loop3A_602 = vector.broadcast %parallel_loop3A_601 : f32 to vector<16xf32>
      %parallel_loop3A_603 = arith.cmpf oge, %parallel_loop3A_600, %parallel_loop3A_602 : vector<16xf32>
      %parallel_loop3A_604 = arith.constant 2.000000e-01 : f32
      %parallel_loop3A_605 = vector.broadcast %parallel_loop3A_604 : f32 to vector<16xf32>
      %parallel_loop3A_606 = arith.mulf %parallel_loop3A_605, %parallel_loop3A_600 : vector<16xf32>
      %parallel_loop3A_607 = arith.select %parallel_loop3A_603, %parallel_loop3A_600, %parallel_loop3A_606 : vector<16xi1>, vector<16xf32>
      %parallel_loop3A_608 = math.exp %parallel_loop3A_607 : vector<16xf32>
      %parallel_loop3A_609 = arith.constant 2 : i32
      %parallel_loop3A_610 = arith.index_cast %parallel_loop3A_609 : i32 to index
      %parallel_loop3A_611 = arith.index_cast %parallel_loop3A_589 : i32 to index
      %parallel_loop3A_612 = arith.constant 128 : index
      %parallel_loop3A_613 = tpu.vector_load %arg11[%parallel_loop3A_610, %parallel_loop3A_611, %parallel_loop3A_612] {strides = array<i32>} : memref<3x80x144xf32, #tpu.memory_space<vmem>>, vector<16xf32>,
      tpu.vector_store %arg11[%parallel_loop3A_610, %parallel_loop3A_611, %parallel_loop3A_612], %parallel_loop3A_608 {strides = array<i32>} : memref<3x80x144xf32, #tpu.memory_space<vmem>>, vector<16xf32>,
    } {sc.loop_unroll_factor = 4 : i64, sc.parallel_access}
    %dma_wait3A_472 = arith.constant 1 : i32
    %dma_wait3A_473 = arith.constant 1 : i32
    %dma_wait3A_474 = arith.constant 0 : i32
    %dma_wait3A_475 = arith.constant 0 : i32
    %dma_wait3A_476 = tpu.memref_slice %arg11[%dma_wait3A_472, %dma_wait3A_474, %dma_wait3A_475] : memref<3x80x144xf32, #tpu.memory_space<vmem>> -> memref<1x80x144xf32, #tpu.memory_space<vmem>>
    %dma_wait3A_477 = tpu.memref_squeeze %dma_wait3A_476 : memref<1x80x144xf32, #tpu.memory_space<vmem>> -> memref<80x144xf32, #tpu.memory_space<vmem>>
    %dma_wait3A_478 = arith.constant 0 : i32
    %dma_wait3A_479 = tpu.memref_slice %arg10[%dma_wait3A_473, %dma_wait3A_478] : memref<3x80xi32, #tpu.memory_space<vmem>> -> memref<1x80xi32, #tpu.memory_space<vmem>>
    %dma_wait3A_480 = tpu.memref_squeeze %dma_wait3A_479 : memref<1x80xi32, #tpu.memory_space<vmem>> -> memref<80xi32, #tpu.memory_space<vmem>>
    %dma_wait3A_481 = arith.constant 0 : i32
    %dma_wait3A_482 = arith.constant 0 : i32
    %dma_wait3A_483 = tpu.memref_slice %arg13[%dma_wait3A_481, %dma_wait3A_482] : memref<10000x144xf32, #tpu.memory_space<vmem_shared>> -> memref<10000x144xf32, #tpu.memory_space<vmem_shared>>
    tpu.wait_indirect_dma semaphore(%arg18 : memref<!tpu.dma_semaphore, #tpu.memory_space<semaphore_mem>>) src(%dma_wait3A_477 : memref<80x144xf32, #tpu.memory_space<vmem>>) dst(%dma_wait3A_483 : memref<10000x144xf32, #tpu.memory_space<vmem_shared>>)
    %parallel_loop3A_484 = arith.constant 0 : i32
    %parallel_loop3A_485 = arith.constant 80 : i32
    %parallel_loop3A_486 = arith.constant 1 : i32
    scf.for %parallel_loop3A_589 = %parallel_loop3A_484 to %parallel_loop3A_485 step %parallel_loop3A_486  : i32 {
      %parallel_loop3A_590 = arith.constant 2 : i32
      %parallel_loop3A_591 = arith.index_cast %parallel_loop3A_590 : i32 to index
      %parallel_loop3A_592 = arith.index_cast %parallel_loop3A_589 : i32 to index
      %parallel_loop3A_593 = arith.constant 128 : index
      %parallel_loop3A_594 = tpu.vector_load %arg11[%parallel_loop3A_591, %parallel_loop3A_592, %parallel_loop3A_593] {strides = array<i32>} : memref<3x80x144xf32, #tpu.memory_space<vmem>>, vector<16xf32>,
      %parallel_loop3A_595 = vector.extract_strided_slice %parallel_loop3A_594 {offsets = [0], sizes = [1], strides = [1]} : vector<16xf32> to vector<1xf32>
      %parallel_loop3A_596 = vector.extract %parallel_loop3A_595[0] : f32 from vector<1xf32>
      %parallel_loop3A_597 = vector.broadcast %parallel_loop3A_596 : f32 to vector<16xf32>
      %parallel_loop3A_598 = arith.constant 2 : i32
      %parallel_loop3A_599 = arith.index_cast %parallel_loop3A_598 : i32 to index
      %parallel_loop3A_600 = arith.index_cast %parallel_loop3A_589 : i32 to index
      %parallel_loop3A_601 = arith.constant 0 : index
      %parallel_loop3A_602 = tpu.vector_load %arg11[%parallel_loop3A_599, %parallel_loop3A_600, %parallel_loop3A_601] {strides = array<i32>} : memref<3x80x144xf32, #tpu.memory_space<vmem>>, vector<16xf32>,
      %parallel_loop3A_603 = arith.mulf %parallel_loop3A_602, %parallel_loop3A_597 : vector<16xf32>
      %parallel_loop3A_604 = arith.constant 2 : i32
      %parallel_loop3A_605 = arith.index_cast %parallel_loop3A_604 : i32 to index
      %parallel_loop3A_606 = arith.index_cast %parallel_loop3A_589 : i32 to index
      %parallel_loop3A_607 = arith.constant 0 : index
      %parallel_loop3A_608 = tpu.vector_load %arg11[%parallel_loop3A_605, %parallel_loop3A_606, %parallel_loop3A_607] {strides = array<i32>} : memref<3x80x144xf32, #tpu.memory_space<vmem>>, vector<16xf32>,
      tpu.vector_store %arg11[%parallel_loop3A_605, %parallel_loop3A_606, %parallel_loop3A_607], %parallel_loop3A_603 {strides = array<i32>} : memref<3x80x144xf32, #tpu.memory_space<vmem>>, vector<16xf32>,
      %parallel_loop3A_609 = arith.constant 2 : i32
      %parallel_loop3A_610 = arith.index_cast %parallel_loop3A_609 : i32 to index
      %parallel_loop3A_611 = arith.index_cast %parallel_loop3A_589 : i32 to index
      %parallel_loop3A_612 = arith.constant 16 : index
      %parallel_loop3A_613 = tpu.vector_load %arg11[%parallel_loop3A_610, %parallel_loop3A_611, %parallel_loop3A_612] {strides = array<i32>} : memref<3x80x144xf32, #tpu.memory_space<vmem>>, vector<16xf32>,
      %parallel_loop3A_614 = arith.mulf %parallel_loop3A_613, %parallel_loop3A_597 : vector<16xf32>
      %parallel_loop3A_615 = arith.constant 2 : i32
      %parallel_loop3A_616 = arith.index_cast %parallel_loop3A_615 : i32 to index
      %parallel_loop3A_617 = arith.index_cast %parallel_loop3A_589 : i32 to index
      %parallel_loop3A_618 = arith.constant 16 : index
      %parallel_loop3A_619 = tpu.vector_load %arg11[%parallel_loop3A_616, %parallel_loop3A_617, %parallel_loop3A_618] {strides = array<i32>} : memref<3x80x144xf32, #tpu.memory_space<vmem>>, vector<16xf32>,
      tpu.vector_store %arg11[%parallel_loop3A_616, %parallel_loop3A_617, %parallel_loop3A_618], %parallel_loop3A_614 {strides = array<i32>} : memref<3x80x144xf32, #tpu.memory_space<vmem>>, vector<16xf32>,
      %parallel_loop3A_620 = vector.extract_strided_slice %parallel_loop3A_594 {offsets = [1], sizes = [1], strides = [1]} : vector<16xf32> to vector<1xf32>
      %parallel_loop3A_621 = vector.extract %parallel_loop3A_620[0] : f32 from vector<1xf32>
      %parallel_loop3A_622 = vector.broadcast %parallel_loop3A_621 : f32 to vector<16xf32>
      %parallel_loop3A_623 = arith.constant 2 : i32
      %parallel_loop3A_624 = arith.index_cast %parallel_loop3A_623 : i32 to index
      %parallel_loop3A_625 = arith.index_cast %parallel_loop3A_589 : i32 to index
      %parallel_loop3A_626 = arith.constant 32 : index
      %parallel_loop3A_627 = tpu.vector_load %arg11[%parallel_loop3A_624, %parallel_loop3A_625, %parallel_loop3A_626] {strides = array<i32>} : memref<3x80x144xf32, #tpu.memory_space<vmem>>, vector<16xf32>,
      %parallel_loop3A_628 = arith.mulf %parallel_loop3A_627, %parallel_loop3A_622 : vector<16xf32>
      %parallel_loop3A_629 = arith.constant 2 : i32
      %parallel_loop3A_630 = arith.index_cast %parallel_loop3A_629 : i32 to index
      %parallel_loop3A_631 = arith.index_cast %parallel_loop3A_589 : i32 to index
      %parallel_loop3A_632 = arith.constant 32 : index
      %parallel_loop3A_633 = tpu.vector_load %arg11[%parallel_loop3A_630, %parallel_loop3A_631, %parallel_loop3A_632] {strides = array<i32>} : memref<3x80x144xf32, #tpu.memory_space<vmem>>, vector<16xf32>,
      tpu.vector_store %arg11[%parallel_loop3A_630, %parallel_loop3A_631, %parallel_loop3A_632], %parallel_loop3A_628 {strides = array<i32>} : memref<3x80x144xf32, #tpu.memory_space<vmem>>, vector<16xf32>,
      %parallel_loop3A_634 = arith.constant 2 : i32
      %parallel_loop3A_635 = arith.index_cast %parallel_loop3A_634 : i32 to index
      %parallel_loop3A_636 = arith.index_cast %parallel_loop3A_589 : i32 to index
      %parallel_loop3A_637 = arith.constant 48 : index
      %parallel_loop3A_638 = tpu.vector_load %arg11[%parallel_loop3A_635, %parallel_loop3A_636, %parallel_loop3A_637] {strides = array<i32>} : memref<3x80x144xf32, #tpu.memory_space<vmem>>, vector<16xf32>,
      %parallel_loop3A_639 = arith.mulf %parallel_loop3A_638, %parallel_loop3A_622 : vector<16xf32>
      %parallel_loop3A_640 = arith.constant 2 : i32
      %parallel_loop3A_641 = arith.index_cast %parallel_loop3A_640 : i32 to index
      %parallel_loop3A_642 = arith.index_cast %parallel_loop3A_589 : i32 to index
      %parallel_loop3A_643 = arith.constant 48 : index
      %parallel_loop3A_644 = tpu.vector_load %arg11[%parallel_loop3A_641, %parallel_loop3A_642, %parallel_loop3A_643] {strides = array<i32>} : memref<3x80x144xf32, #tpu.memory_space<vmem>>, vector<16xf32>,
      tpu.vector_store %arg11[%parallel_loop3A_641, %parallel_loop3A_642, %parallel_loop3A_643], %parallel_loop3A_639 {strides = array<i32>} : memref<3x80x144xf32, #tpu.memory_space<vmem>>, vector<16xf32>,
      %parallel_loop3A_645 = vector.extract_strided_slice %parallel_loop3A_594 {offsets = [2], sizes = [1], strides = [1]} : vector<16xf32> to vector<1xf32>
      %parallel_loop3A_646 = vector.extract %parallel_loop3A_645[0] : f32 from vector<1xf32>
      %parallel_loop3A_647 = vector.broadcast %parallel_loop3A_646 : f32 to vector<16xf32>
      %parallel_loop3A_648 = arith.constant 2 : i32
      %parallel_loop3A_649 = arith.index_cast %parallel_loop3A_648 : i32 to index
      %parallel_loop3A_650 = arith.index_cast %parallel_loop3A_589 : i32 to index
      %parallel_loop3A_651 = arith.constant 64 : index
      %parallel_loop3A_652 = tpu.vector_load %arg11[%parallel_loop3A_649, %parallel_loop3A_650, %parallel_loop3A_651] {strides = array<i32>} : memref<3x80x144xf32, #tpu.memory_space<vmem>>, vector<16xf32>,
      %parallel_loop3A_653 = arith.mulf %parallel_loop3A_652, %parallel_loop3A_647 : vector<16xf32>
      %parallel_loop3A_654 = arith.constant 2 : i32
      %parallel_loop3A_655 = arith.index_cast %parallel_loop3A_654 : i32 to index
      %parallel_loop3A_656 = arith.index_cast %parallel_loop3A_589 : i32 to index
      %parallel_loop3A_657 = arith.constant 64 : index
      %parallel_loop3A_658 = tpu.vector_load %arg11[%parallel_loop3A_655, %parallel_loop3A_656, %parallel_loop3A_657] {strides = array<i32>} : memref<3x80x144xf32, #tpu.memory_space<vmem>>, vector<16xf32>,
      tpu.vector_store %arg11[%parallel_loop3A_655, %parallel_loop3A_656, %parallel_loop3A_657], %parallel_loop3A_653 {strides = array<i32>} : memref<3x80x144xf32, #tpu.memory_space<vmem>>, vector<16xf32>,
      %parallel_loop3A_659 = arith.constant 2 : i32
      %parallel_loop3A_660 = arith.index_cast %parallel_loop3A_659 : i32 to index
      %parallel_loop3A_661 = arith.index_cast %parallel_loop3A_589 : i32 to index
      %parallel_loop3A_662 = arith.constant 80 : index
      %parallel_loop3A_663 = tpu.vector_load %arg11[%parallel_loop3A_660, %parallel_loop3A_661, %parallel_loop3A_662] {strides = array<i32>} : memref<3x80x144xf32, #tpu.memory_space<vmem>>, vector<16xf32>,
      %parallel_loop3A_664 = arith.mulf %parallel_loop3A_663, %parallel_loop3A_647 : vector<16xf32>
      %parallel_loop3A_665 = arith.constant 2 : i32
      %parallel_loop3A_666 = arith.index_cast %parallel_loop3A_665 : i32 to index
      %parallel_loop3A_667 = arith.index_cast %parallel_loop3A_589 : i32 to index
      %parallel_loop3A_668 = arith.constant 80 : index
      %parallel_loop3A_669 = tpu.vector_load %arg11[%parallel_loop3A_666, %parallel_loop3A_667, %parallel_loop3A_668] {strides = array<i32>} : memref<3x80x144xf32, #tpu.memory_space<vmem>>, vector<16xf32>,
      tpu.vector_store %arg11[%parallel_loop3A_666, %parallel_loop3A_667, %parallel_loop3A_668], %parallel_loop3A_664 {strides = array<i32>} : memref<3x80x144xf32, #tpu.memory_space<vmem>>, vector<16xf32>,
      %parallel_loop3A_670 = vector.extract_strided_slice %parallel_loop3A_594 {offsets = [3], sizes = [1], strides = [1]} : vector<16xf32> to vector<1xf32>
      %parallel_loop3A_671 = vector.extract %parallel_loop3A_670[0] : f32 from vector<1xf32>
      %parallel_loop3A_672 = vector.broadcast %parallel_loop3A_671 : f32 to vector<16xf32>
      %parallel_loop3A_673 = arith.constant 2 : i32
      %parallel_loop3A_674 = arith.index_cast %parallel_loop3A_673 : i32 to index
      %parallel_loop3A_675 = arith.index_cast %parallel_loop3A_589 : i32 to index
      %parallel_loop3A_676 = arith.constant 96 : index
      %parallel_loop3A_677 = tpu.vector_load %arg11[%parallel_loop3A_674, %parallel_loop3A_675, %parallel_loop3A_676] {strides = array<i32>} : memref<3x80x144xf32, #tpu.memory_space<vmem>>, vector<16xf32>,
      %parallel_loop3A_678 = arith.mulf %parallel_loop3A_677, %parallel_loop3A_672 : vector<16xf32>
      %parallel_loop3A_679 = arith.constant 2 : i32
      %parallel_loop3A_680 = arith.index_cast %parallel_loop3A_679 : i32 to index
      %parallel_loop3A_681 = arith.index_cast %parallel_loop3A_589 : i32 to index
      %parallel_loop3A_682 = arith.constant 96 : index
      %parallel_loop3A_683 = tpu.vector_load %arg11[%parallel_loop3A_680, %parallel_loop3A_681, %parallel_loop3A_682] {strides = array<i32>} : memref<3x80x144xf32, #tpu.memory_space<vmem>>, vector<16xf32>,
      tpu.vector_store %arg11[%parallel_loop3A_680, %parallel_loop3A_681, %parallel_loop3A_682], %parallel_loop3A_678 {strides = array<i32>} : memref<3x80x144xf32, #tpu.memory_space<vmem>>, vector<16xf32>,
      %parallel_loop3A_684 = arith.constant 2 : i32
      %parallel_loop3A_685 = arith.index_cast %parallel_loop3A_684 : i32 to index
      %parallel_loop3A_686 = arith.index_cast %parallel_loop3A_589 : i32 to index
      %parallel_loop3A_687 = arith.constant 112 : index
      %parallel_loop3A_688 = tpu.vector_load %arg11[%parallel_loop3A_685, %parallel_loop3A_686, %parallel_loop3A_687] {strides = array<i32>} : memref<3x80x144xf32, #tpu.memory_space<vmem>>, vector<16xf32>,
      %parallel_loop3A_689 = arith.mulf %parallel_loop3A_688, %parallel_loop3A_672 : vector<16xf32>
      %parallel_loop3A_690 = arith.constant 2 : i32
      %parallel_loop3A_691 = arith.index_cast %parallel_loop3A_690 : i32 to index
      %parallel_loop3A_692 = arith.index_cast %parallel_loop3A_589 : i32 to index
      %parallel_loop3A_693 = arith.constant 112 : index
      %parallel_loop3A_694 = tpu.vector_load %arg11[%parallel_loop3A_691, %parallel_loop3A_692, %parallel_loop3A_693] {strides = array<i32>} : memref<3x80x144xf32, #tpu.memory_space<vmem>>, vector<16xf32>,
      tpu.vector_store %arg11[%parallel_loop3A_691, %parallel_loop3A_692, %parallel_loop3A_693], %parallel_loop3A_689 {strides = array<i32>} : memref<3x80x144xf32, #tpu.memory_space<vmem>>, vector<16xf32>,
    } {sc.loop_unroll_factor = 2 : i64, sc.parallel_access}
    %dma_start3A_487 = arith.constant 2 : i32
    %dma_start3A_488 = arith.constant 2 : i32
    %dma_start3A_489 = arith.constant 0 : i32
    %dma_start3A_490 = arith.constant 0 : i32
    %dma_start3A_491 = tpu.memref_slice %arg11[%dma_start3A_487, %dma_start3A_489, %dma_start3A_490] : memref<3x80x144xf32, #tpu.memory_space<vmem>> -> memref<1x80x144xf32, #tpu.memory_space<vmem>>
    %dma_start3A_492 = tpu.memref_squeeze %dma_start3A_491 : memref<1x80x144xf32, #tpu.memory_space<vmem>> -> memref<80x144xf32, #tpu.memory_space<vmem>>
    %dma_start3A_493 = arith.constant 0 : i32
    %dma_start3A_494 = tpu.memref_slice %arg10[%dma_start3A_488, %dma_start3A_493] : memref<3x80xi32, #tpu.memory_space<vmem>> -> memref<1x80xi32, #tpu.memory_space<vmem>>
    %dma_start3A_495 = tpu.memref_squeeze %dma_start3A_494 : memref<1x80xi32, #tpu.memory_space<vmem>> -> memref<80xi32, #tpu.memory_space<vmem>>
    %dma_start3A_496 = arith.constant 0 : i32
    %dma_start3A_497 = arith.constant 0 : i32
    %dma_start3A_498 = tpu.memref_slice %arg13[%dma_start3A_496, %dma_start3A_497] : memref<10000x144xf32, #tpu.memory_space<vmem_shared>> -> memref<10000x144xf32, #tpu.memory_space<vmem_shared>>
    tpu.enqueue_indirect_dma source(%dma_start3A_492 : memref<80x144xf32, #tpu.memory_space<vmem>>) target(%dma_start3A_498 : memref<10000x144xf32, #tpu.memory_space<vmem_shared>>) offsets(%dma_start3A_495 : memref<80xi32, #tpu.memory_space<vmem>>) semaphore(%arg19 : memref<!tpu.dma_semaphore, #tpu.memory_space<semaphore_mem>>) {add = true}
    %dma_wait3A_499 = arith.constant 0 : i32
    %dma_wait3A_500 = arith.constant 0 : i32
    %dma_wait3A_501 = arith.constant 0 : i32
    %dma_wait3A_502 = arith.constant 0 : i32
    %dma_wait3A_503 = arith.constant 0 : i32
    %dma_wait3A_504 = tpu.memref_slice %arg11[%dma_wait3A_501, %dma_wait3A_502, %dma_wait3A_503] : memref<3x80x144xf32, #tpu.memory_space<vmem>> -> memref<1x80x144xf32, #tpu.memory_space<vmem>>
    %dma_wait3A_505 = tpu.memref_squeeze %dma_wait3A_504 : memref<1x80x144xf32, #tpu.memory_space<vmem>> -> memref<80x144xf32, #tpu.memory_space<vmem>>
    %dma_wait3A_506 = arith.constant 0 : i32
    %dma_wait3A_507 = tpu.memref_slice %arg8[%dma_wait3A_500, %dma_wait3A_506] : memref<3x80xi32, #tpu.memory_space<vmem>> -> memref<1x80xi32, #tpu.memory_space<vmem>>
    %dma_wait3A_508 = tpu.memref_squeeze %dma_wait3A_507 : memref<1x80xi32, #tpu.memory_space<vmem>> -> memref<80xi32, #tpu.memory_space<vmem>>
    %dma_wait3A_509 = arith.constant 0 : i32
    %dma_wait3A_510 = arith.constant 0 : i32
    %dma_wait3A_511 = tpu.memref_slice %arg4[%dma_wait3A_499, %dma_wait3A_509, %dma_wait3A_510] : memref<2x10000x144xf32, #tpu.memory_space<hbm>> -> memref<1x10000x144xf32, #tpu.memory_space<hbm>>
    %dma_wait3A_512 = tpu.memref_squeeze %dma_wait3A_511 : memref<1x10000x144xf32, #tpu.memory_space<hbm>> -> memref<10000x144xf32, #tpu.memory_space<hbm>>
    %dma_wait3A_513 = arith.constant 0 : i32
    %dma_wait3A_514 = arith.constant 0 : i32
    %dma_wait3A_515 = tpu.memref_slice %dma_wait3A_512[%dma_wait3A_513, %dma_wait3A_514] : memref<10000x144xf32, #tpu.memory_space<hbm>> -> memref<10000x144xf32, #tpu.memory_space<hbm>>
    tpu.wait_indirect_dma semaphore(%arg14 : memref<!tpu.dma_semaphore, #tpu.memory_space<semaphore_mem>>) src(%dma_wait3A_515 : memref<10000x144xf32, #tpu.memory_space<hbm>>) dst(%dma_wait3A_505 : memref<80x144xf32, #tpu.memory_space<vmem>>)
    %dma_wait3A_516 = arith.constant 0 : i32
    %dma_wait3A_517 = arith.constant 0 : i32
    %dma_wait3A_518 = arith.constant 0 : i32
    %dma_wait3A_519 = arith.constant 0 : i32
    %dma_wait3A_520 = arith.constant 0 : i32
    %dma_wait3A_521 = tpu.memref_slice %arg12[%dma_wait3A_518, %dma_wait3A_519, %dma_wait3A_520] : memref<3x80x16xf32, #tpu.memory_space<vmem>> -> memref<1x80x16xf32, #tpu.memory_space<vmem>>
    %dma_wait3A_522 = tpu.memref_squeeze %dma_wait3A_521 : memref<1x80x16xf32, #tpu.memory_space<vmem>> -> memref<80x16xf32, #tpu.memory_space<vmem>>
    %dma_wait3A_523 = arith.constant 0 : i32
    %dma_wait3A_524 = tpu.memref_slice %arg9[%dma_wait3A_517, %dma_wait3A_523] : memref<3x80xi32, #tpu.memory_space<vmem>> -> memref<1x80xi32, #tpu.memory_space<vmem>>
    %dma_wait3A_525 = tpu.memref_squeeze %dma_wait3A_524 : memref<1x80xi32, #tpu.memory_space<vmem>> -> memref<80xi32, #tpu.memory_space<vmem>>
    %dma_wait3A_526 = arith.constant 0 : i32
    %dma_wait3A_527 = arith.constant 0 : i32
    %dma_wait3A_528 = tpu.memref_slice %arg5[%dma_wait3A_516, %dma_wait3A_526, %dma_wait3A_527] : memref<2x10000x16xf32, #tpu.memory_space<hbm>> -> memref<1x10000x16xf32, #tpu.memory_space<hbm>>
    %dma_wait3A_529 = tpu.memref_squeeze %dma_wait3A_528 : memref<1x10000x16xf32, #tpu.memory_space<hbm>> -> memref<10000x16xf32, #tpu.memory_space<hbm>>
    %dma_wait3A_530 = arith.constant 0 : i32
    %dma_wait3A_531 = arith.constant 0 : i32
    %dma_wait3A_532 = tpu.memref_slice %dma_wait3A_529[%dma_wait3A_530, %dma_wait3A_531] : memref<10000x16xf32, #tpu.memory_space<hbm>> -> memref<10000x16xf32, #tpu.memory_space<hbm>>
    tpu.wait_indirect_dma semaphore(%arg14 : memref<!tpu.dma_semaphore, #tpu.memory_space<semaphore_mem>>) src(%dma_wait3A_532 : memref<10000x16xf32, #tpu.memory_space<hbm>>) dst(%dma_wait3A_522 : memref<80x16xf32, #tpu.memory_space<vmem>>)
    %parallel_loop3A_533 = arith.constant 0 : i32
    %parallel_loop3A_534 = arith.constant 5 : i32
    %parallel_loop3A_535 = arith.constant 1 : i32
    scf.for %parallel_loop3A_589 = %parallel_loop3A_533 to %parallel_loop3A_534 step %parallel_loop3A_535  : i32 {
      %parallel_loop3A_590 = arith.constant 16 : i32
      %parallel_loop3A_591 = arith.muli %parallel_loop3A_589, %parallel_loop3A_590 : i32
      %parallel_loop3A_592 = arith.constant 0 : i32
      %parallel_loop3A_593 = arith.index_cast %parallel_loop3A_592 : i32 to index
      %parallel_loop3A_594 = arith.index_cast %parallel_loop3A_591 : i32 to index
      %parallel_loop3A_595 = tpu.vector_load %arg9[%parallel_loop3A_593, %parallel_loop3A_594] {strides = array<i32>} : memref<3x80xi32, #tpu.memory_space<vmem>>, vector<16xi32>,
      %parallel_loop3A_596 = arith.constant 16 : i32
      %parallel_loop3A_597 = arith.muli %parallel_loop3A_589, %parallel_loop3A_596 : i32
      %parallel_loop3A_598 = arith.constant 0 : i32
      %parallel_loop3A_599 = arith.index_cast %parallel_loop3A_598 : i32 to index
      %parallel_loop3A_600 = arith.index_cast %parallel_loop3A_597 : i32 to index
      %parallel_loop3A_601 = tpu.vector_load %arg10[%parallel_loop3A_599, %parallel_loop3A_600] {strides = array<i32>} : memref<3x80xi32, #tpu.memory_space<vmem>>, vector<16xi32>,
      tpu.vector_store %arg10[%parallel_loop3A_599, %parallel_loop3A_600], %parallel_loop3A_595 {strides = array<i32>} : memref<3x80xi32, #tpu.memory_space<vmem>>, vector<16xi32>,
    } {sc.loop_unroll_factor = 5 : i64, sc.parallel_access}
    %parallel_loop3A_536 = arith.constant 0 : i32
    %parallel_loop3A_537 = arith.constant 80 : i32
    %parallel_loop3A_538 = arith.constant 1 : i32
    scf.for %parallel_loop3A_589 = %parallel_loop3A_536 to %parallel_loop3A_537 step %parallel_loop3A_538  : i32 {
      %parallel_loop3A_590 = arith.constant 0 : i32
      %parallel_loop3A_591 = arith.index_cast %parallel_loop3A_590 : i32 to index
      %parallel_loop3A_592 = arith.index_cast %parallel_loop3A_589 : i32 to index
      %parallel_loop3A_593 = arith.constant 128 : index
      %parallel_loop3A_594 = tpu.vector_load %arg11[%parallel_loop3A_591, %parallel_loop3A_592, %parallel_loop3A_593] {strides = array<i32>} : memref<3x80x144xf32, #tpu.memory_space<vmem>>, vector<16xf32>,
      %parallel_loop3A_595 = arith.constant 0 : i32
      %parallel_loop3A_596 = arith.index_cast %parallel_loop3A_595 : i32 to index
      %parallel_loop3A_597 = arith.index_cast %parallel_loop3A_589 : i32 to index
      %parallel_loop3A_598 = arith.constant 0 : index
      %parallel_loop3A_599 = tpu.vector_load %arg12[%parallel_loop3A_596, %parallel_loop3A_597, %parallel_loop3A_598] {strides = array<i32>} : memref<3x80x16xf32, #tpu.memory_space<vmem>>, vector<16xf32>,
      %parallel_loop3A_600 = arith.addf %parallel_loop3A_594, %parallel_loop3A_599 : vector<16xf32>
      %parallel_loop3A_601 = arith.constant 0.000000e+00 : f32
      %parallel_loop3A_602 = vector.broadcast %parallel_loop3A_601 : f32 to vector<16xf32>
      %parallel_loop3A_603 = arith.cmpf oge, %parallel_loop3A_600, %parallel_loop3A_602 : vector<16xf32>
      %parallel_loop3A_604 = arith.constant 2.000000e-01 : f32
      %parallel_loop3A_605 = vector.broadcast %parallel_loop3A_604 : f32 to vector<16xf32>
      %parallel_loop3A_606 = arith.mulf %parallel_loop3A_605, %parallel_loop3A_600 : vector<16xf32>
      %parallel_loop3A_607 = arith.select %parallel_loop3A_603, %parallel_loop3A_600, %parallel_loop3A_606 : vector<16xi1>, vector<16xf32>
      %parallel_loop3A_608 = math.exp %parallel_loop3A_607 : vector<16xf32>
      %parallel_loop3A_609 = arith.constant 0 : i32
      %parallel_loop3A_610 = arith.index_cast %parallel_loop3A_609 : i32 to index
      %parallel_loop3A_611 = arith.index_cast %parallel_loop3A_589 : i32 to index
      %parallel_loop3A_612 = arith.constant 128 : index
      %parallel_loop3A_613 = tpu.vector_load %arg11[%parallel_loop3A_610, %parallel_loop3A_611, %parallel_loop3A_612] {strides = array<i32>} : memref<3x80x144xf32, #tpu.memory_space<vmem>>, vector<16xf32>,
      tpu.vector_store %arg11[%parallel_loop3A_610, %parallel_loop3A_611, %parallel_loop3A_612], %parallel_loop3A_608 {strides = array<i32>} : memref<3x80x144xf32, #tpu.memory_space<vmem>>, vector<16xf32>,
    } {sc.loop_unroll_factor = 4 : i64, sc.parallel_access}
    %dma_wait3A_539 = arith.constant 2 : i32
    %dma_wait3A_540 = arith.constant 2 : i32
    %dma_wait3A_541 = arith.constant 0 : i32
    %dma_wait3A_542 = arith.constant 0 : i32
    %dma_wait3A_543 = tpu.memref_slice %arg11[%dma_wait3A_539, %dma_wait3A_541, %dma_wait3A_542] : memref<3x80x144xf32, #tpu.memory_space<vmem>> -> memref<1x80x144xf32, #tpu.memory_space<vmem>>
    %dma_wait3A_544 = tpu.memref_squeeze %dma_wait3A_543 : memref<1x80x144xf32, #tpu.memory_space<vmem>> -> memref<80x144xf32, #tpu.memory_space<vmem>>
    %dma_wait3A_545 = arith.constant 0 : i32
    %dma_wait3A_546 = tpu.memref_slice %arg10[%dma_wait3A_540, %dma_wait3A_545] : memref<3x80xi32, #tpu.memory_space<vmem>> -> memref<1x80xi32, #tpu.memory_space<vmem>>
    %dma_wait3A_547 = tpu.memref_squeeze %dma_wait3A_546 : memref<1x80xi32, #tpu.memory_space<vmem>> -> memref<80xi32, #tpu.memory_space<vmem>>
    %dma_wait3A_548 = arith.constant 0 : i32
    %dma_wait3A_549 = arith.constant 0 : i32
    %dma_wait3A_550 = tpu.memref_slice %arg13[%dma_wait3A_548, %dma_wait3A_549] : memref<10000x144xf32, #tpu.memory_space<vmem_shared>> -> memref<10000x144xf32, #tpu.memory_space<vmem_shared>>
    tpu.wait_indirect_dma semaphore(%arg19 : memref<!tpu.dma_semaphore, #tpu.memory_space<semaphore_mem>>) src(%dma_wait3A_544 : memref<80x144xf32, #tpu.memory_space<vmem>>) dst(%dma_wait3A_550 : memref<10000x144xf32, #tpu.memory_space<vmem_shared>>)
    %parallel_loop3A_551 = arith.constant 0 : i32
    %parallel_loop3A_552 = arith.constant 80 : i32
    %parallel_loop3A_553 = arith.constant 1 : i32
    scf.for %parallel_loop3A_589 = %parallel_loop3A_551 to %parallel_loop3A_552 step %parallel_loop3A_553  : i32 {
      %parallel_loop3A_590 = arith.constant 0 : i32
      %parallel_loop3A_591 = arith.index_cast %parallel_loop3A_590 : i32 to index
      %parallel_loop3A_592 = arith.index_cast %parallel_loop3A_589 : i32 to index
      %parallel_loop3A_593 = arith.constant 128 : index
      %parallel_loop3A_594 = tpu.vector_load %arg11[%parallel_loop3A_591, %parallel_loop3A_592, %parallel_loop3A_593] {strides = array<i32>} : memref<3x80x144xf32, #tpu.memory_space<vmem>>, vector<16xf32>,
      %parallel_loop3A_595 = vector.extract_strided_slice %parallel_loop3A_594 {offsets = [0], sizes = [1], strides = [1]} : vector<16xf32> to vector<1xf32>
      %parallel_loop3A_596 = vector.extract %parallel_loop3A_595[0] : f32 from vector<1xf32>
      %parallel_loop3A_597 = vector.broadcast %parallel_loop3A_596 : f32 to vector<16xf32>
      %parallel_loop3A_598 = arith.constant 0 : i32
      %parallel_loop3A_599 = arith.index_cast %parallel_loop3A_598 : i32 to index
      %parallel_loop3A_600 = arith.index_cast %parallel_loop3A_589 : i32 to index
      %parallel_loop3A_601 = arith.constant 0 : index
      %parallel_loop3A_602 = tpu.vector_load %arg11[%parallel_loop3A_599, %parallel_loop3A_600, %parallel_loop3A_601] {strides = array<i32>} : memref<3x80x144xf32, #tpu.memory_space<vmem>>, vector<16xf32>,
      %parallel_loop3A_603 = arith.mulf %parallel_loop3A_602, %parallel_loop3A_597 : vector<16xf32>
      %parallel_loop3A_604 = arith.constant 0 : i32
      %parallel_loop3A_605 = arith.index_cast %parallel_loop3A_604 : i32 to index
      %parallel_loop3A_606 = arith.index_cast %parallel_loop3A_589 : i32 to index
      %parallel_loop3A_607 = arith.constant 0 : index
      %parallel_loop3A_608 = tpu.vector_load %arg11[%parallel_loop3A_605, %parallel_loop3A_606, %parallel_loop3A_607] {strides = array<i32>} : memref<3x80x144xf32, #tpu.memory_space<vmem>>, vector<16xf32>,
      tpu.vector_store %arg11[%parallel_loop3A_605, %parallel_loop3A_606, %parallel_loop3A_607], %parallel_loop3A_603 {strides = array<i32>} : memref<3x80x144xf32, #tpu.memory_space<vmem>>, vector<16xf32>,
      %parallel_loop3A_609 = arith.constant 0 : i32
      %parallel_loop3A_610 = arith.index_cast %parallel_loop3A_609 : i32 to index
      %parallel_loop3A_611 = arith.index_cast %parallel_loop3A_589 : i32 to index
      %parallel_loop3A_612 = arith.constant 16 : index
      %parallel_loop3A_613 = tpu.vector_load %arg11[%parallel_loop3A_610, %parallel_loop3A_611, %parallel_loop3A_612] {strides = array<i32>} : memref<3x80x144xf32, #tpu.memory_space<vmem>>, vector<16xf32>,
      %parallel_loop3A_614 = arith.mulf %parallel_loop3A_613, %parallel_loop3A_597 : vector<16xf32>
      %parallel_loop3A_615 = arith.constant 0 : i32
      %parallel_loop3A_616 = arith.index_cast %parallel_loop3A_615 : i32 to index
      %parallel_loop3A_617 = arith.index_cast %parallel_loop3A_589 : i32 to index
      %parallel_loop3A_618 = arith.constant 16 : index
      %parallel_loop3A_619 = tpu.vector_load %arg11[%parallel_loop3A_616, %parallel_loop3A_617, %parallel_loop3A_618] {strides = array<i32>} : memref<3x80x144xf32, #tpu.memory_space<vmem>>, vector<16xf32>,
      tpu.vector_store %arg11[%parallel_loop3A_616, %parallel_loop3A_617, %parallel_loop3A_618], %parallel_loop3A_614 {strides = array<i32>} : memref<3x80x144xf32, #tpu.memory_space<vmem>>, vector<16xf32>,
      %parallel_loop3A_620 = vector.extract_strided_slice %parallel_loop3A_594 {offsets = [1], sizes = [1], strides = [1]} : vector<16xf32> to vector<1xf32>
      %parallel_loop3A_621 = vector.extract %parallel_loop3A_620[0] : f32 from vector<1xf32>
      %parallel_loop3A_622 = vector.broadcast %parallel_loop3A_621 : f32 to vector<16xf32>
      %parallel_loop3A_623 = arith.constant 0 : i32
      %parallel_loop3A_624 = arith.index_cast %parallel_loop3A_623 : i32 to index
      %parallel_loop3A_625 = arith.index_cast %parallel_loop3A_589 : i32 to index
      %parallel_loop3A_626 = arith.constant 32 : index
      %parallel_loop3A_627 = tpu.vector_load %arg11[%parallel_loop3A_624, %parallel_loop3A_625, %parallel_loop3A_626] {strides = array<i32>} : memref<3x80x144xf32, #tpu.memory_space<vmem>>, vector<16xf32>,
      %parallel_loop3A_628 = arith.mulf %parallel_loop3A_627, %parallel_loop3A_622 : vector<16xf32>
      %parallel_loop3A_629 = arith.constant 0 : i32
      %parallel_loop3A_630 = arith.index_cast %parallel_loop3A_629 : i32 to index
      %parallel_loop3A_631 = arith.index_cast %parallel_loop3A_589 : i32 to index
      %parallel_loop3A_632 = arith.constant 32 : index
      %parallel_loop3A_633 = tpu.vector_load %arg11[%parallel_loop3A_630, %parallel_loop3A_631, %parallel_loop3A_632] {strides = array<i32>} : memref<3x80x144xf32, #tpu.memory_space<vmem>>, vector<16xf32>,
      tpu.vector_store %arg11[%parallel_loop3A_630, %parallel_loop3A_631, %parallel_loop3A_632], %parallel_loop3A_628 {strides = array<i32>} : memref<3x80x144xf32, #tpu.memory_space<vmem>>, vector<16xf32>,
      %parallel_loop3A_634 = arith.constant 0 : i32
      %parallel_loop3A_635 = arith.index_cast %parallel_loop3A_634 : i32 to index
      %parallel_loop3A_636 = arith.index_cast %parallel_loop3A_589 : i32 to index
      %parallel_loop3A_637 = arith.constant 48 : index
      %parallel_loop3A_638 = tpu.vector_load %arg11[%parallel_loop3A_635, %parallel_loop3A_636, %parallel_loop3A_637] {strides = array<i32>} : memref<3x80x144xf32, #tpu.memory_space<vmem>>, vector<16xf32>,
      %parallel_loop3A_639 = arith.mulf %parallel_loop3A_638, %parallel_loop3A_622 : vector<16xf32>
      %parallel_loop3A_640 = arith.constant 0 : i32
      %parallel_loop3A_641 = arith.index_cast %parallel_loop3A_640 : i32 to index
      %parallel_loop3A_642 = arith.index_cast %parallel_loop3A_589 : i32 to index
      %parallel_loop3A_643 = arith.constant 48 : index
      %parallel_loop3A_644 = tpu.vector_load %arg11[%parallel_loop3A_641, %parallel_loop3A_642, %parallel_loop3A_643] {strides = array<i32>} : memref<3x80x144xf32, #tpu.memory_space<vmem>>, vector<16xf32>,
      tpu.vector_store %arg11[%parallel_loop3A_641, %parallel_loop3A_642, %parallel_loop3A_643], %parallel_loop3A_639 {strides = array<i32>} : memref<3x80x144xf32, #tpu.memory_space<vmem>>, vector<16xf32>,
      %parallel_loop3A_645 = vector.extract_strided_slice %parallel_loop3A_594 {offsets = [2], sizes = [1], strides = [1]} : vector<16xf32> to vector<1xf32>
      %parallel_loop3A_646 = vector.extract %parallel_loop3A_645[0] : f32 from vector<1xf32>
      %parallel_loop3A_647 = vector.broadcast %parallel_loop3A_646 : f32 to vector<16xf32>
      %parallel_loop3A_648 = arith.constant 0 : i32
      %parallel_loop3A_649 = arith.index_cast %parallel_loop3A_648 : i32 to index
      %parallel_loop3A_650 = arith.index_cast %parallel_loop3A_589 : i32 to index
      %parallel_loop3A_651 = arith.constant 64 : index
      %parallel_loop3A_652 = tpu.vector_load %arg11[%parallel_loop3A_649, %parallel_loop3A_650, %parallel_loop3A_651] {strides = array<i32>} : memref<3x80x144xf32, #tpu.memory_space<vmem>>, vector<16xf32>,
      %parallel_loop3A_653 = arith.mulf %parallel_loop3A_652, %parallel_loop3A_647 : vector<16xf32>
      %parallel_loop3A_654 = arith.constant 0 : i32
      %parallel_loop3A_655 = arith.index_cast %parallel_loop3A_654 : i32 to index
      %parallel_loop3A_656 = arith.index_cast %parallel_loop3A_589 : i32 to index
      %parallel_loop3A_657 = arith.constant 64 : index
      %parallel_loop3A_658 = tpu.vector_load %arg11[%parallel_loop3A_655, %parallel_loop3A_656, %parallel_loop3A_657] {strides = array<i32>} : memref<3x80x144xf32, #tpu.memory_space<vmem>>, vector<16xf32>,
      tpu.vector_store %arg11[%parallel_loop3A_655, %parallel_loop3A_656, %parallel_loop3A_657], %parallel_loop3A_653 {strides = array<i32>} : memref<3x80x144xf32, #tpu.memory_space<vmem>>, vector<16xf32>,
      %parallel_loop3A_659 = arith.constant 0 : i32
      %parallel_loop3A_660 = arith.index_cast %parallel_loop3A_659 : i32 to index
      %parallel_loop3A_661 = arith.index_cast %parallel_loop3A_589 : i32 to index
      %parallel_loop3A_662 = arith.constant 80 : index
      %parallel_loop3A_663 = tpu.vector_load %arg11[%parallel_loop3A_660, %parallel_loop3A_661, %parallel_loop3A_662] {strides = array<i32>} : memref<3x80x144xf32, #tpu.memory_space<vmem>>, vector<16xf32>,
      %parallel_loop3A_664 = arith.mulf %parallel_loop3A_663, %parallel_loop3A_647 : vector<16xf32>
      %parallel_loop3A_665 = arith.constant 0 : i32
      %parallel_loop3A_666 = arith.index_cast %parallel_loop3A_665 : i32 to index
      %parallel_loop3A_667 = arith.index_cast %parallel_loop3A_589 : i32 to index
      %parallel_loop3A_668 = arith.constant 80 : index
      %parallel_loop3A_669 = tpu.vector_load %arg11[%parallel_loop3A_666, %parallel_loop3A_667, %parallel_loop3A_668] {strides = array<i32>} : memref<3x80x144xf32, #tpu.memory_space<vmem>>, vector<16xf32>,
      tpu.vector_store %arg11[%parallel_loop3A_666, %parallel_loop3A_667, %parallel_loop3A_668], %parallel_loop3A_664 {strides = array<i32>} : memref<3x80x144xf32, #tpu.memory_space<vmem>>, vector<16xf32>,
      %parallel_loop3A_670 = vector.extract_strided_slice %parallel_loop3A_594 {offsets = [3], sizes = [1], strides = [1]} : vector<16xf32> to vector<1xf32>
      %parallel_loop3A_671 = vector.extract %parallel_loop3A_670[0] : f32 from vector<1xf32>
      %parallel_loop3A_672 = vector.broadcast %parallel_loop3A_671 : f32 to vector<16xf32>
      %parallel_loop3A_673 = arith.constant 0 : i32
      %parallel_loop3A_674 = arith.index_cast %parallel_loop3A_673 : i32 to index
      %parallel_loop3A_675 = arith.index_cast %parallel_loop3A_589 : i32 to index
      %parallel_loop3A_676 = arith.constant 96 : index
      %parallel_loop3A_677 = tpu.vector_load %arg11[%parallel_loop3A_674, %parallel_loop3A_675, %parallel_loop3A_676] {strides = array<i32>} : memref<3x80x144xf32, #tpu.memory_space<vmem>>, vector<16xf32>,
      %parallel_loop3A_678 = arith.mulf %parallel_loop3A_677, %parallel_loop3A_672 : vector<16xf32>
      %parallel_loop3A_679 = arith.constant 0 : i32
      %parallel_loop3A_680 = arith.index_cast %parallel_loop3A_679 : i32 to index
      %parallel_loop3A_681 = arith.index_cast %parallel_loop3A_589 : i32 to index
      %parallel_loop3A_682 = arith.constant 96 : index
      %parallel_loop3A_683 = tpu.vector_load %arg11[%parallel_loop3A_680, %parallel_loop3A_681, %parallel_loop3A_682] {strides = array<i32>} : memref<3x80x144xf32, #tpu.memory_space<vmem>>, vector<16xf32>,
      tpu.vector_store %arg11[%parallel_loop3A_680, %parallel_loop3A_681, %parallel_loop3A_682], %parallel_loop3A_678 {strides = array<i32>} : memref<3x80x144xf32, #tpu.memory_space<vmem>>, vector<16xf32>,
      %parallel_loop3A_684 = arith.constant 0 : i32
      %parallel_loop3A_685 = arith.index_cast %parallel_loop3A_684 : i32 to index
      %parallel_loop3A_686 = arith.index_cast %parallel_loop3A_589 : i32 to index
      %parallel_loop3A_687 = arith.constant 112 : index
      %parallel_loop3A_688 = tpu.vector_load %arg11[%parallel_loop3A_685, %parallel_loop3A_686, %parallel_loop3A_687] {strides = array<i32>} : memref<3x80x144xf32, #tpu.memory_space<vmem>>, vector<16xf32>,
      %parallel_loop3A_689 = arith.mulf %parallel_loop3A_688, %parallel_loop3A_672 : vector<16xf32>
      %parallel_loop3A_690 = arith.constant 0 : i32
      %parallel_loop3A_691 = arith.index_cast %parallel_loop3A_690 : i32 to index
      %parallel_loop3A_692 = arith.index_cast %parallel_loop3A_589 : i32 to index
      %parallel_loop3A_693 = arith.constant 112 : index
      %parallel_loop3A_694 = tpu.vector_load %arg11[%parallel_loop3A_691, %parallel_loop3A_692, %parallel_loop3A_693] {strides = array<i32>} : memref<3x80x144xf32, #tpu.memory_space<vmem>>, vector<16xf32>,
      tpu.vector_store %arg11[%parallel_loop3A_691, %parallel_loop3A_692, %parallel_loop3A_693], %parallel_loop3A_689 {strides = array<i32>} : memref<3x80x144xf32, #tpu.memory_space<vmem>>, vector<16xf32>,
    } {sc.loop_unroll_factor = 2 : i64, sc.parallel_access}
    %dma_start3A_554 = arith.constant 0 : i32
    %dma_start3A_555 = arith.constant 0 : i32
    %dma_start3A_556 = arith.constant 0 : i32
    %dma_start3A_557 = arith.constant 0 : i32
    %dma_start3A_558 = tpu.memref_slice %arg11[%dma_start3A_554, %dma_start3A_556, %dma_start3A_557] : memref<3x80x144xf32, #tpu.memory_space<vmem>> -> memref<1x80x144xf32, #tpu.memory_space<vmem>>
    %dma_start3A_559 = tpu.memref_squeeze %dma_start3A_558 : memref<1x80x144xf32, #tpu.memory_space<vmem>> -> memref<80x144xf32, #tpu.memory_space<vmem>>
    %dma_start3A_560 = arith.constant 0 : i32
    %dma_start3A_561 = tpu.memref_slice %arg10[%dma_start3A_555, %dma_start3A_560] : memref<3x80xi32, #tpu.memory_space<vmem>> -> memref<1x80xi32, #tpu.memory_space<vmem>>
    %dma_start3A_562 = tpu.memref_squeeze %dma_start3A_561 : memref<1x80xi32, #tpu.memory_space<vmem>> -> memref<80xi32, #tpu.memory_space<vmem>>
    %dma_start3A_563 = arith.constant 0 : i32
    %dma_start3A_564 = arith.constant 0 : i32
    %dma_start3A_565 = tpu.memref_slice %arg13[%dma_start3A_563, %dma_start3A_564] : memref<10000x144xf32, #tpu.memory_space<vmem_shared>> -> memref<10000x144xf32, #tpu.memory_space<vmem_shared>>
    tpu.enqueue_indirect_dma source(%dma_start3A_559 : memref<80x144xf32, #tpu.memory_space<vmem>>) target(%dma_start3A_565 : memref<10000x144xf32, #tpu.memory_space<vmem_shared>>) offsets(%dma_start3A_562 : memref<80xi32, #tpu.memory_space<vmem>>) semaphore(%arg17 : memref<!tpu.dma_semaphore, #tpu.memory_space<semaphore_mem>>) {add = true}
    %dma_wait3A_566 = arith.constant 0 : i32
    %dma_wait3A_567 = arith.constant 0 : i32
    %dma_wait3A_568 = arith.constant 0 : i32
    %dma_wait3A_569 = arith.constant 0 : i32
    %dma_wait3A_570 = tpu.memref_slice %arg11[%dma_wait3A_566, %dma_wait3A_568, %dma_wait3A_569] : memref<3x80x144xf32, #tpu.memory_space<vmem>> -> memref<1x80x144xf32, #tpu.memory_space<vmem>>
    %dma_wait3A_571 = tpu.memref_squeeze %dma_wait3A_570 : memref<1x80x144xf32, #tpu.memory_space<vmem>> -> memref<80x144xf32, #tpu.memory_space<vmem>>
    %dma_wait3A_572 = arith.constant 0 : i32
    %dma_wait3A_573 = tpu.memref_slice %arg10[%dma_wait3A_567, %dma_wait3A_572] : memref<3x80xi32, #tpu.memory_space<vmem>> -> memref<1x80xi32, #tpu.memory_space<vmem>>
    %dma_wait3A_574 = tpu.memref_squeeze %dma_wait3A_573 : memref<1x80xi32, #tpu.memory_space<vmem>> -> memref<80xi32, #tpu.memory_space<vmem>>
    %dma_wait3A_575 = arith.constant 0 : i32
    %dma_wait3A_576 = arith.constant 0 : i32
    %dma_wait3A_577 = tpu.memref_slice %arg13[%dma_wait3A_575, %dma_wait3A_576] : memref<10000x144xf32, #tpu.memory_space<vmem_shared>> -> memref<10000x144xf32, #tpu.memory_space<vmem_shared>>
    tpu.wait_indirect_dma semaphore(%arg17 : memref<!tpu.dma_semaphore, #tpu.memory_space<semaphore_mem>>) src(%dma_wait3A_571 : memref<80x144xf32, #tpu.memory_space<vmem>>) dst(%dma_wait3A_577 : memref<10000x144xf32, #tpu.memory_space<vmem_shared>>)
    %barrier3A_578 = arith.constant 0 : index
    tpu.barrier barrier_id(%barrier3A_578)
    %lt3A_579 = arith.constant 15 : i32
    %lt3A_580 = arith.cmpi slt, %arg1, %lt3A_579 : i32
    %convert_element_type3A_581 = arith.extui %lt3A_580 : i1 to i32
    %cond3A_582 = arith.constant 0 : i32
    %cond3A_583 = arith.cmpi ne, %convert_element_type3A_581, %cond3A_582 : i32
    scf.if %cond3A_583 {
      %mul3A_589 = arith.constant 640 : i32
      %mul3A_590 = arith.muli %arg1, %mul3A_589 : i32
      %multiple_of3A = tpu.assume_multiple %mul3A_590, 8 : i32
      "tpu.region"() ({
        %run_scoped3A = tpu.sem_alloc : memref<!tpu.dma_semaphore, #tpu.memory_space<semaphore_mem>>
        %dma_start3A_591 = arith.constant 0 : i32
        %dma_start3A_592 = tpu.memref_slice %arg7[%arg0, %multiple_of3A, %dma_start3A_591] : memref<2x10000x144xf32, #tpu.memory_space<hbm>> -> memref<1x640x144xf32, #tpu.memory_space<hbm>>
        %dma_start3A_593 = tpu.memref_squeeze %dma_start3A_592 : memref<1x640x144xf32, #tpu.memory_space<hbm>> -> memref<640x144xf32, #tpu.memory_space<hbm>>
        %dma_start3A_594 = arith.constant 0 : i32
        %dma_start3A_595 = tpu.memref_slice %arg13[%multiple_of3A, %dma_start3A_594] : memref<10000x144xf32, #tpu.memory_space<vmem_shared>> -> memref<640x144xf32, #tpu.memory_space<vmem_shared>>
        tpu.enqueue_dma source(%dma_start3A_595 : memref<640x144xf32, #tpu.memory_space<vmem_shared>>) target(%dma_start3A_593 : memref<640x144xf32, #tpu.memory_space<hbm>>) target_semaphore(%run_scoped3A : memref<!tpu.dma_semaphore, #tpu.memory_space<semaphore_mem>>)
        %dma_wait3A_596 = arith.constant 0 : i32
        %dma_wait3A_597 = tpu.memref_slice %arg7[%arg0, %multiple_of3A, %dma_wait3A_596] : memref<2x10000x144xf32, #tpu.memory_space<hbm>> -> memref<1x640x144xf32, #tpu.memory_space<hbm>>
        %dma_wait3A_598 = tpu.memref_squeeze %dma_wait3A_597 : memref<1x640x144xf32, #tpu.memory_space<hbm>> -> memref<640x144xf32, #tpu.memory_space<hbm>>
        %dma_wait3A_599 = arith.constant 0 : i32
        %dma_wait3A_600 = tpu.memref_slice %arg13[%multiple_of3A, %dma_wait3A_599] : memref<10000x144xf32, #tpu.memory_space<vmem_shared>> -> memref<640x144xf32, #tpu.memory_space<vmem_shared>>
        tpu.wait_dma2 semaphore(%run_scoped3A : memref<!tpu.dma_semaphore, #tpu.memory_space<semaphore_mem>>) src(%dma_wait3A_600 : memref<640x144xf32, #tpu.memory_space<vmem_shared>>) dst(%dma_wait3A_598 : memref<640x144xf32, #tpu.memory_space<hbm>>)
        tpu.yield
      }) : () -> ()
    } else {
    }
    %eq3A_584 = arith.constant 15 : i32
    %eq3A_585 = arith.cmpi eq, %arg1, %eq3A_584 : i32
    %convert_element_type3A_586 = arith.extui %eq3A_585 : i1 to i32
    %cond3A_587 = arith.constant 0 : i32
    %cond3A_588 = arith.cmpi ne, %convert_element_type3A_586, %cond3A_587 : i32
    scf.if %cond3A_588 {
      "tpu.region"() ({
        %run_scoped3A = tpu.sem_alloc : memref<!tpu.dma_semaphore, #tpu.memory_space<semaphore_mem>>
        %dma_start3A_589 = arith.constant 9600 : i32
        %dma_start3A_590 = arith.constant 0 : i32
        %dma_start3A_591 = tpu.memref_slice %arg7[%arg0, %dma_start3A_589, %dma_start3A_590] : memref<2x10000x144xf32, #tpu.memory_space<hbm>> -> memref<1x400x144xf32, #tpu.memory_space<hbm>>
        %dma_start3A_592 = tpu.memref_squeeze %dma_start3A_591 : memref<1x400x144xf32, #tpu.memory_space<hbm>> -> memref<400x144xf32, #tpu.memory_space<hbm>>
        %dma_start3A_593 = arith.constant 9600 : i32
        %dma_start3A_594 = arith.constant 0 : i32
        %dma_start3A_595 = tpu.memref_slice %arg13[%dma_start3A_593, %dma_start3A_594] : memref<10000x144xf32, #tpu.memory_space<vmem_shared>> -> memref<400x144xf32, #tpu.memory_space<vmem_shared>>
        tpu.enqueue_dma source(%dma_start3A_595 : memref<400x144xf32, #tpu.memory_space<vmem_shared>>) target(%dma_start3A_592 : memref<400x144xf32, #tpu.memory_space<hbm>>) target_semaphore(%run_scoped3A : memref<!tpu.dma_semaphore, #tpu.memory_space<semaphore_mem>>)
        %dma_wait3A_596 = arith.constant 9600 : i32
        %dma_wait3A_597 = arith.constant 0 : i32
        %dma_wait3A_598 = tpu.memref_slice %arg7[%arg0, %dma_wait3A_596, %dma_wait3A_597] : memref<2x10000x144xf32, #tpu.memory_space<hbm>> -> memref<1x400x144xf32, #tpu.memory_space<hbm>>
        %dma_wait3A_599 = tpu.memref_squeeze %dma_wait3A_598 : memref<1x400x144xf32, #tpu.memory_space<hbm>> -> memref<400x144xf32, #tpu.memory_space<hbm>>
        %dma_wait3A_600 = arith.constant 9600 : i32
        %dma_wait3A_601 = arith.constant 0 : i32
        %dma_wait3A_602 = tpu.memref_slice %arg13[%dma_wait3A_600, %dma_wait3A_601] : memref<10000x144xf32, #tpu.memory_space<vmem_shared>> -> memref<400x144xf32, #tpu.memory_space<vmem_shared>>
        tpu.wait_dma2 semaphore(%run_scoped3A : memref<!tpu.dma_semaphore, #tpu.memory_space<semaphore_mem>>) src(%dma_wait3A_602 : memref<400x144xf32, #tpu.memory_space<vmem_shared>>) dst(%dma_wait3A_599 : memref<400x144xf32, #tpu.memory_space<hbm>>)
        tpu.yield
      }) : () -> ()
    } else {
    }
    return
  }
}

module attributes {stable_mosaic.version = 14 : i64} {
  func.func @_prologue(%arg0: i32, %arg1: i32, %arg2: memref<1000x128xf32, #tpu.memory_space<vmem>>, %arg3: memref<128x128xf32, #tpu.memory_space<vmem>>, %arg4: memref<1x128x4xf32, #tpu.memory_space<vmem>>, %arg5: memref<1x128x4xf32, #tpu.memory_space<vmem>>, %arg6: memref<1x1000x144xf32, #tpu.memory_space<vmem>>, %arg7: memref<1x1000x16xf32, #tpu.memory_space<vmem>>) attributes {dimension_semantics = [#tpu.dimension_semantics<arbitrary>, #tpu.dimension_semantics<arbitrary>], iteration_bounds = array<i64: 10, 2>, scalar_prefetch = 0 : i64, scratch_operands = 0 : i64, tpu.core_type = #tpu.core_type<tc>, window_params = [{transform_indices = @transform_0, window_bounds = array<i64: 1000, 128>}, {transform_indices = @transform_1, window_bounds = array<i64: 128, 128>}, {transform_indices = @transform_2, window_bounds = array<i64: 1, 128, 4>}, {transform_indices = @transform_3, window_bounds = array<i64: 1, 128, 4>}, {transform_indices = @transform_4, window_bounds = array<i64: 1, 1000, 144>}, {transform_indices = @transform_5, window_bounds = array<i64: 1, 1000, 16>}]} {
    %get3A = arith.constant 0 : index
    %get3A_0 = arith.constant 0 : index
    %get3A_1 = vector.load %arg2[%get3A, %get3A_0] : memref<1000x128xf32, #tpu.memory_space<vmem>>, vector<1000x128xf32>
    %get3A_2 = arith.constant 0 : index
    %get3A_3 = arith.constant 0 : index
    %get3A_4 = vector.load %arg3[%get3A_2, %get3A_3] : memref<128x128xf32, #tpu.memory_space<vmem>>, vector<128x128xf32>
    %dot_general3A = arith.constant dense<0.000000e+00> : vector<1000x128xf32>
    %dot_general3A_5 = tpu.matmul %get3A_1, %get3A_4, %dot_general3A {dimension_numbers = #tpu.dot_dimension_numbers<[1], [0], [0], [1], [0, 0, 1, 1], [], []>, transpose_lhs_hint = false} : vector<1000x128xf32>, vector<128x128xf32>, vector<1000x128xf32> -> vector<1000x128xf32>
    %get3A_6 = arith.constant 0 : index
    %get3A_7 = arith.constant 0 : index
    %get3A_8 = arith.constant 0 : index
    %get3A_9 = vector.load %arg4[%get3A_6, %get3A_7, %get3A_8] : memref<1x128x4xf32, #tpu.memory_space<vmem>>, vector<1x128x4xf32>
    %get3A_10 = vector.shape_cast %get3A_9 : vector<1x128x4xf32> to vector<128x4xf32>
    %dot_general3A_11 = arith.constant dense<0.000000e+00> : vector<1000x4xf32>
    %dot_general3A_12 = tpu.matmul %dot_general3A_5, %get3A_10, %dot_general3A_11 {dimension_numbers = #tpu.dot_dimension_numbers<[1], [0], [0], [1], [0, 0, 1, 1], [], []>, transpose_lhs_hint = false} : vector<1000x128xf32>, vector<128x4xf32>, vector<1000x4xf32> -> vector<1000x4xf32>
    %get3A_13 = arith.constant 0 : index
    %get3A_14 = arith.constant 0 : index
    %get3A_15 = arith.constant 0 : index
    %get3A_16 = vector.load %arg5[%get3A_13, %get3A_14, %get3A_15] : memref<1x128x4xf32, #tpu.memory_space<vmem>>, vector<1x128x4xf32>
    %get3A_17 = vector.shape_cast %get3A_16 : vector<1x128x4xf32> to vector<128x4xf32>
    %dot_general3A_18 = arith.constant dense<0.000000e+00> : vector<1000x4xf32>
    %dot_general3A_19 = tpu.matmul %dot_general3A_5, %get3A_17, %dot_general3A_18 {dimension_numbers = #tpu.dot_dimension_numbers<[1], [0], [0], [1], [0, 0, 1, 1], [], []>, transpose_lhs_hint = false} : vector<1000x128xf32>, vector<128x4xf32>, vector<1000x4xf32> -> vector<1000x4xf32>
    %broadcast_in_dim3A = arith.constant 0.000000e+00 : f32
    %broadcast_in_dim3A_20 = vector.broadcast %broadcast_in_dim3A : f32 to vector<1000x12xf32>
    %concatenate3A = tpu.concatenate %dot_general3A_5, %dot_general3A_12, %broadcast_in_dim3A_20 in 1 : vector<1000x128xf32>, vector<1000x4xf32>, vector<1000x12xf32> -> vector<1000x144xf32>
    %swap3A = arith.constant 0 : index
    %swap3A_21 = arith.constant 0 : index
    %swap3A_22 = arith.constant 0 : index
    %swap3A_23 = vector.load %arg6[%swap3A, %swap3A_21, %swap3A_22] : memref<1x1000x144xf32, #tpu.memory_space<vmem>>, vector<1x1000x144xf32>
    %swap3A_24 = vector.shape_cast %swap3A_23 : vector<1x1000x144xf32> to vector<1000x144xf32>
    %swap3A_25 = vector.shape_cast %concatenate3A : vector<1000x144xf32> to vector<1x1000x144xf32>
    tpu.vector_store %arg6[%swap3A, %swap3A_21, %swap3A_22], %swap3A_25 {strides = array<i32>} : memref<1x1000x144xf32, #tpu.memory_space<vmem>>, vector<1x1000x144xf32>,
    %concatenate3A_26 = tpu.concatenate %dot_general3A_19, %broadcast_in_dim3A_20 in 1 : vector<1000x4xf32>, vector<1000x12xf32> -> vector<1000x16xf32>
    %swap3A_27 = arith.constant 0 : index
    %swap3A_28 = arith.constant 0 : index
    %swap3A_29 = arith.constant 0 : index
    %swap3A_30 = vector.load %arg7[%swap3A_27, %swap3A_28, %swap3A_29] : memref<1x1000x16xf32, #tpu.memory_space<vmem>>, vector<1x1000x16xf32>
    %swap3A_31 = vector.shape_cast %swap3A_30 : vector<1x1000x16xf32> to vector<1000x16xf32>
    %swap3A_32 = vector.shape_cast %concatenate3A_26 : vector<1000x16xf32> to vector<1x1000x16xf32>
    tpu.vector_store %arg7[%swap3A_27, %swap3A_28, %swap3A_29], %swap3A_32 {strides = array<i32>} : memref<1x1000x16xf32, #tpu.memory_space<vmem>>, vector<1x1000x16xf32>,
    return
  }
  func.func @transform_0(%arg0: i32, %arg1: i32) -> (i32, i32) {
    %c0_i32 = arith.constant 0 : i32
    %c0_i32_0 = arith.constant 0 : i32
    return %arg0, %c0_i32 : i32, i32
  }
  func.func @transform_1(%arg0: i32, %arg1: i32) -> (i32, i32) {
    %c0_i32 = arith.constant 0 : i32
    %c0_i32_0 = arith.constant 0 : i32
    return %c0_i32, %arg1 : i32, i32
  }
  func.func @transform_2(%arg0: i32, %arg1: i32) -> (i32, i32, i32) {
    %c0_i32 = arith.constant 0 : i32
    %c0_i32_0 = arith.constant 0 : i32
    %c0_i32_1 = arith.constant 0 : i32
    return %arg1, %c0_i32, %c0_i32_0 : i32, i32, i32
  }
  func.func @transform_3(%arg0: i32, %arg1: i32) -> (i32, i32, i32) {
    %c0_i32 = arith.constant 0 : i32
    %c0_i32_0 = arith.constant 0 : i32
    %c0_i32_1 = arith.constant 0 : i32
    return %arg1, %c0_i32, %c0_i32_0 : i32, i32, i32
  }
  func.func @transform_4(%arg0: i32, %arg1: i32) -> (i32, i32, i32) {
    %c0_i32 = arith.constant 0 : i32
    %c0_i32_0 = arith.constant 0 : i32
    return %arg1, %arg0, %c0_i32 : i32, i32, i32
  }
  func.func @transform_5(%arg0: i32, %arg1: i32) -> (i32, i32, i32) {
    %c0_i32 = arith.constant 0 : i32
    %c0_i32_0 = arith.constant 0 : i32
    return %arg1, %arg0, %c0_i32 : i32, i32, i32
  }
}

module attributes {stable_mosaic.version = 14 : i64} {
  func.func @_epilogue(%arg0: i32, %arg1: memref<2x1000x144xf32, #tpu.memory_space<vmem>>, %arg2: memref<4x128xf32, #tpu.memory_space<vmem>>, %arg3: memref<2x128xf32, #tpu.memory_space<vmem>>, %arg4: memref<2x128x32xf32, #tpu.memory_space<vmem>>, %arg5: memref<1x32xf32, #tpu.memory_space<vmem>>, %arg6: memref<1000x32xf32, #tpu.memory_space<vmem>>) attributes {dimension_semantics = [#tpu.dimension_semantics<arbitrary>], iteration_bounds = array<i64: 10>, scalar_prefetch = 0 : i64, scratch_operands = 0 : i64, tpu.core_type = #tpu.core_type<tc>, window_params = [{transform_indices = @transform_0, window_bounds = array<i64: 2, 1000, 144>}, {pipeline_mode = #tpu.pipeline_mode<synchronous>, transform_indices = @transform_1, window_bounds = array<i64: 4, 128>}, {pipeline_mode = #tpu.pipeline_mode<synchronous>, transform_indices = @transform_2, window_bounds = array<i64: 2, 128>}, {pipeline_mode = #tpu.pipeline_mode<synchronous>, transform_indices = @transform_3, window_bounds = array<i64: 2, 128, 32>}, {pipeline_mode = #tpu.pipeline_mode<synchronous>, transform_indices = @transform_4, window_bounds = array<i64: 1, 32>}, {transform_indices = @transform_5, window_bounds = array<i64: 1000, 32>}]} {
    %broadcast_in_dim3A = arith.constant 0.000000e+00 : f32
    %broadcast_in_dim3A_0 = vector.broadcast %broadcast_in_dim3A : f32 to vector<1000x32xf32>
    %get3A = arith.constant 0 : index
    %get3A_1 = arith.constant 0 : index
    %get3A_2 = arith.constant 0 : index
    %get3A_3 = vector.load %arg1[%get3A, %get3A_1, %get3A_2] : memref<2x1000x144xf32, #tpu.memory_space<vmem>>, vector<1x1000x128xf32>
    %get3A_4 = vector.shape_cast %get3A_3 : vector<1x1000x128xf32> to vector<1000x128xf32>
    %get3A_5 = arith.constant 0 : index
    %get3A_6 = arith.constant 0 : index
    %get3A_7 = arith.constant 128 : index
    %get3A_8 = vector.load %arg1[%get3A_5, %get3A_6, %get3A_7] : memref<2x1000x144xf32, #tpu.memory_space<vmem>>, vector<1x1000x4xf32>
    %get3A_9 = vector.shape_cast %get3A_8 : vector<1x1000x4xf32> to vector<1000x4xf32>
    %max3A = arith.constant 9.99999971E-10 : f32
    %max3A_10 = vector.broadcast %max3A : f32 to vector<1000x4xf32>
    %max3A_11 = arith.maximumf %get3A_9, %max3A_10 : vector<1000x4xf32>
    %div3A = arith.constant 1.000000e+00 : f32
    %div3A_12 = vector.broadcast %div3A : f32 to vector<1000x4xf32>
    %div3A_13 = arith.divf %div3A_12, %max3A_11 : vector<1000x4xf32>
    %get3A_14 = arith.constant 0 : index
    %get3A_15 = arith.constant 0 : index
    %get3A_16 = vector.load %arg2[%get3A_14, %get3A_15] : memref<4x128xf32, #tpu.memory_space<vmem>>, vector<4x128xf32>
    %dot_general3A = arith.constant dense<0.000000e+00> : vector<1000x128xf32>
    %dot_general3A_17 = tpu.matmul %div3A_13, %get3A_16, %dot_general3A {dimension_numbers = #tpu.dot_dimension_numbers<[1], [0], [0], [1], [0, 0, 1, 1], [], []>, transpose_lhs_hint = false} : vector<1000x4xf32>, vector<4x128xf32>, vector<1000x128xf32> -> vector<1000x128xf32>
    %mul3A = arith.mulf %get3A_4, %dot_general3A_17 : vector<1000x128xf32>
    %get3A_18 = arith.constant 0 : index
    %get3A_19 = arith.constant 0 : index
    %get3A_20 = vector.load %arg3[%get3A_18, %get3A_19] : memref<2x128xf32, #tpu.memory_space<vmem>>, vector<1x128xf32>
    %get3A_21 = vector.shape_cast %get3A_20 : vector<1x128xf32> to vector<128xf32>
    %broadcast_in_dim3A_22 = vector.shape_cast %get3A_21 : vector<128xf32> to vector<1x128xf32>
    %add3A = vector.broadcast %broadcast_in_dim3A_22 : vector<1x128xf32> to vector<1000x128xf32>
    %add3A_23 = arith.addf %mul3A, %add3A : vector<1000x128xf32>
    %gt3A = arith.constant 0.000000e+00 : f32
    %gt3A_24 = vector.broadcast %gt3A : f32 to vector<1000x128xf32>
    %gt3A_25 = arith.cmpf ogt, %add3A_23, %gt3A_24 : vector<1000x128xf32>
    %exp3A = math.exp %add3A_23 : vector<1000x128xf32>
    %sub3A = arith.constant 1.000000e+00 : f32
    %sub3A_26 = vector.broadcast %sub3A : f32 to vector<1000x128xf32>
    %sub3A_27 = arith.subf %exp3A, %sub3A_26 : vector<1000x128xf32>
    %select_n3A = arith.select %gt3A_25, %add3A_23, %sub3A_27 : vector<1000x128xi1>, vector<1000x128xf32>
    %get3A_28 = arith.constant 0 : index
    %get3A_29 = arith.constant 0 : index
    %get3A_30 = arith.constant 0 : index
    %get3A_31 = vector.load %arg4[%get3A_28, %get3A_29, %get3A_30] : memref<2x128x32xf32, #tpu.memory_space<vmem>>, vector<1x128x32xf32>
    %get3A_32 = vector.shape_cast %get3A_31 : vector<1x128x32xf32> to vector<128x32xf32>
    %dot_general3A_33 = arith.constant dense<0.000000e+00> : vector<1000x32xf32>
    %dot_general3A_34 = tpu.matmul %select_n3A, %get3A_32, %dot_general3A_33 {dimension_numbers = #tpu.dot_dimension_numbers<[1], [0], [0], [1], [0, 0, 1, 1], [], []>, transpose_lhs_hint = false} : vector<1000x128xf32>, vector<128x32xf32>, vector<1000x32xf32> -> vector<1000x32xf32>
    %add3A_35 = arith.addf %broadcast_in_dim3A_0, %dot_general3A_34 : vector<1000x32xf32>
    %get3A_36 = arith.constant 1 : index
    %get3A_37 = arith.constant 0 : index
    %get3A_38 = arith.constant 0 : index
    %get3A_39 = vector.load %arg1[%get3A_36, %get3A_37, %get3A_38] : memref<2x1000x144xf32, #tpu.memory_space<vmem>>, vector<1x1000x128xf32>
    %get3A_40 = vector.shape_cast %get3A_39 : vector<1x1000x128xf32> to vector<1000x128xf32>
    %get3A_41 = arith.constant 1 : index
    %get3A_42 = arith.constant 0 : index
    %get3A_43 = arith.constant 128 : index
    %get3A_44 = vector.load %arg1[%get3A_41, %get3A_42, %get3A_43] : memref<2x1000x144xf32, #tpu.memory_space<vmem>>, vector<1x1000x4xf32>
    %get3A_45 = vector.shape_cast %get3A_44 : vector<1x1000x4xf32> to vector<1000x4xf32>
    %max3A_46 = arith.constant 9.99999971E-10 : f32
    %max3A_47 = vector.broadcast %max3A_46 : f32 to vector<1000x4xf32>
    %max3A_48 = arith.maximumf %get3A_45, %max3A_47 : vector<1000x4xf32>
    %div3A_49 = arith.constant 1.000000e+00 : f32
    %div3A_50 = vector.broadcast %div3A_49 : f32 to vector<1000x4xf32>
    %div3A_51 = arith.divf %div3A_50, %max3A_48 : vector<1000x4xf32>
    %get3A_52 = arith.constant 0 : index
    %get3A_53 = arith.constant 0 : index
    %get3A_54 = vector.load %arg2[%get3A_52, %get3A_53] : memref<4x128xf32, #tpu.memory_space<vmem>>, vector<4x128xf32>
    %dot_general3A_55 = arith.constant dense<0.000000e+00> : vector<1000x128xf32>
    %dot_general3A_56 = tpu.matmul %div3A_51, %get3A_54, %dot_general3A_55 {dimension_numbers = #tpu.dot_dimension_numbers<[1], [0], [0], [1], [0, 0, 1, 1], [], []>, transpose_lhs_hint = false} : vector<1000x4xf32>, vector<4x128xf32>, vector<1000x128xf32> -> vector<1000x128xf32>
    %mul3A_57 = arith.mulf %get3A_40, %dot_general3A_56 : vector<1000x128xf32>
    %get3A_58 = arith.constant 1 : index
    %get3A_59 = arith.constant 0 : index
    %get3A_60 = vector.load %arg3[%get3A_58, %get3A_59] : memref<2x128xf32, #tpu.memory_space<vmem>>, vector<1x128xf32>
    %get3A_61 = vector.shape_cast %get3A_60 : vector<1x128xf32> to vector<128xf32>
    %broadcast_in_dim3A_62 = vector.shape_cast %get3A_61 : vector<128xf32> to vector<1x128xf32>
    %add3A_63 = vector.broadcast %broadcast_in_dim3A_62 : vector<1x128xf32> to vector<1000x128xf32>
    %add3A_64 = arith.addf %mul3A_57, %add3A_63 : vector<1000x128xf32>
    %gt3A_65 = arith.constant 0.000000e+00 : f32
    %gt3A_66 = vector.broadcast %gt3A_65 : f32 to vector<1000x128xf32>
    %gt3A_67 = arith.cmpf ogt, %add3A_64, %gt3A_66 : vector<1000x128xf32>
    %exp3A_68 = math.exp %add3A_64 : vector<1000x128xf32>
    %sub3A_69 = arith.constant 1.000000e+00 : f32
    %sub3A_70 = vector.broadcast %sub3A_69 : f32 to vector<1000x128xf32>
    %sub3A_71 = arith.subf %exp3A_68, %sub3A_70 : vector<1000x128xf32>
    %select_n3A_72 = arith.select %gt3A_67, %add3A_64, %sub3A_71 : vector<1000x128xi1>, vector<1000x128xf32>
    %get3A_73 = arith.constant 1 : index
    %get3A_74 = arith.constant 0 : index
    %get3A_75 = arith.constant 0 : index
    %get3A_76 = vector.load %arg4[%get3A_73, %get3A_74, %get3A_75] : memref<2x128x32xf32, #tpu.memory_space<vmem>>, vector<1x128x32xf32>
    %get3A_77 = vector.shape_cast %get3A_76 : vector<1x128x32xf32> to vector<128x32xf32>
    %dot_general3A_78 = arith.constant dense<0.000000e+00> : vector<1000x32xf32>
    %dot_general3A_79 = tpu.matmul %select_n3A_72, %get3A_77, %dot_general3A_78 {dimension_numbers = #tpu.dot_dimension_numbers<[1], [0], [0], [1], [0, 0, 1, 1], [], []>, transpose_lhs_hint = false} : vector<1000x128xf32>, vector<128x32xf32>, vector<1000x32xf32> -> vector<1000x32xf32>
    %add3A_80 = arith.addf %add3A_35, %dot_general3A_79 : vector<1000x32xf32>
    %get3A_81 = arith.constant 0 : index
    %get3A_82 = arith.constant 0 : index
    %get3A_83 = vector.load %arg5[%get3A_81, %get3A_82] : memref<1x32xf32, #tpu.memory_space<vmem>>, vector<1x32xf32>
    %add3A_84 = vector.broadcast %get3A_83 : vector<1x32xf32> to vector<1000x32xf32>
    %add3A_85 = arith.addf %add3A_80, %add3A_84 : vector<1000x32xf32>
    %swap3A = arith.constant 0 : index
    %swap3A_86 = arith.constant 0 : index
    %swap3A_87 = vector.load %arg6[%swap3A, %swap3A_86] : memref<1000x32xf32, #tpu.memory_space<vmem>>, vector<1000x32xf32>
    tpu.vector_store %arg6[%swap3A, %swap3A_86], %add3A_85 {strides = array<i32>} : memref<1000x32xf32, #tpu.memory_space<vmem>>, vector<1000x32xf32>,
    return
  }
  func.func @transform_0(%arg0: i32) -> (i32, i32, i32) {
    %c0_i32 = arith.constant 0 : i32
    %c0_i32_0 = arith.constant 0 : i32
    %c0_i32_1 = arith.constant 0 : i32
    return %c0_i32, %arg0, %c0_i32_0 : i32, i32, i32
  }
  func.func @transform_1(%arg0: i32) -> (i32, i32) {
    %c0_i32 = arith.constant 0 : i32
    %c0_i32_0 = arith.constant 0 : i32
    %c0_i32_1 = arith.constant 0 : i32
    return %c0_i32, %c0_i32_0 : i32, i32
  }
  func.func @transform_2(%arg0: i32) -> (i32, i32) {
    %c0_i32 = arith.constant 0 : i32
    %c0_i32_0 = arith.constant 0 : i32
    %c0_i32_1 = arith.constant 0 : i32
    return %c0_i32, %c0_i32_0 : i32, i32
  }
  func.func @transform_3(%arg0: i32) -> (i32, i32, i32) {
    %c0_i32 = arith.constant 0 : i32
    %c0_i32_0 = arith.constant 0 : i32
    %c0_i32_1 = arith.constant 0 : i32
    %c0_i32_2 = arith.constant 0 : i32
    return %c0_i32, %c0_i32_0, %c0_i32_1 : i32, i32, i32
  }
  func.func @transform_4(%arg0: i32) -> (i32, i32) {
    %c0_i32 = arith.constant 0 : i32
    %c0_i32_0 = arith.constant 0 : i32
    %c0_i32_1 = arith.constant 0 : i32
    return %c0_i32, %c0_i32_0 : i32, i32
  }
  func.func @transform_5(%arg0: i32) -> (i32, i32) {
    %c0_i32 = arith.constant 0 : i32
    %c0_i32_0 = arith.constant 0 : i32
    return %arg0, %c0_i32 : i32, i32
  }
}

</mosaic_0001>

<sc_bundles>
// kernel: kernel.5.cloned.1.call-start
scs
__scs_entry_jumppad:
0x0: {  	(pc) =	sbr.rel $0x88, $3  }
0x1: {  	(tag) =	ssettag $0x0;
	lr =	simm.s32 $0x1  }
0x2: {  	[smem:$0x3F99] =	sst lr;
	_ =	strace $0xD0000000  }
0x3: {  	_ = 	snop  }
0x4: {  	_ = 	snop  }
0x5: {  	_ = 	snop  }
0x6: {  	_ = 	snop  }
0x7: {  	_ = 	snop  }
__scs_overlays_trampoline_lowered:
0x8: {  	[smem:$0x3FA8] =	sst s0  }
0x9: {  	[smem:$0x3FA9] =	sst s1  }
0xa: {  	[smem:$0x3FAA] =	sst s2  }
0xb: {  	[smem:$0x3FAB] =	sst s3  }
0xc: {  	[smem:$0x3FAC] =	sst s4  }
0xd: {  	[smem:$0x3FAD] =	sst s5  }
0xe: {  	[smem:$0x3FAE] =	sst s6  }
0xf: {  	[smem:$0x3FAF] =	sst s7  }
0x10: {  	[smem:$0x3FB0] =	sst s8  }
0x11: {  	[smem:$0x3FB1] =	sst s9;
	s0 =	simm.s32 @!p0 $0x0  }
0x12: {  	s1 =	sld [smem:$0x3F97];
	s0 =	simm.s32 @p0 $0x1  }
0x13: {  	[smem:$0x3FB2] =	sst s0;
	s0 =	simm.s32 @!p1 $0x0  }
0x14: {  	s2 =	sld [smem:$0x3F96];
	s0 =	simm.s32 @p1 $0x1  }
0x15: {  	[smem:$0x3FB3] =	sst s0;
	s0 =	simm.s32 @!p2 $0x0  }
0x16: {  	s3 =	sld [smem:$0x3FDB];
	s0 =	simm.s32 @p2 $0x1  }
0x17: {  	s4 =	simm.s32 $0x1BF5;
	[smem:$0x3FB5] =	sst s0  }
0x18: {  	s0 =	sld [smem:$0x3F98];
	_ =	swait.ge [sflag:s4], $0x0  }
0x19: {  	s7 =	sld [smem:$0x3F99]  }
0x1a: {  	s8 =	sadd.s32 $0xFFFFE003, lr  }
0x1b: {  	s9 =	sadd.s32 $0xFFFFFEF7, lr;
	s5 =	simm.s32 $0xFFFFFFFF;
	p2 =	slt.u32 s8, $0xFFFFF086  }
0x1c: {  	p1 =	slt.u32 s9, $0xF7A;
	s5 =	simm.s32 @!p2 $0x0  }
0x1d: {  	s5 =	simm.s32 @p1 $0x1;
	p0 =	seq.s32 s7, s2  }
0x1e: {  	s7 =	smul.u32 @!p0 $0xF7A, s2;
	p2 =	seq.s32 @!p0 s5, $0x0  }
0x1f: {  	s9 =	smul.u32 $0xF7A, s1;
	s8 =	simm.s32 @!p0 $0x1BF5;
	p2 =	por !p2, p0  }
0x20: {  	[sflag:s8] =	ssyncset.s32 @!p0 $0xFFFFF086;
	s6 =	sadd.s32 @!p0 s3, s7;
	s7 =	simm.s32 @!p0 $0x108  }
0x21: {  	s3 =	sadd.s32 s3, s9;
	s6 =	sadd.s32 @!p0 $0x88, s6;
	s7 =	simm.s32 @p2 $0x1082  }
0x22: {  	[simem:s7], [sflag:s8] =	dma.local @!p0 [hbm:s6], $0xF7A  }
0x23: {  	s9 =	sor.u32 $0xD0000000, s2;
	s6 =	simm.s32 $0x108;
	_ =	swait.ge @!p0 [sflag:s8], $0x0  }
0x24: {  	s3 =	sadd.s32 $0x88, s3;
	s6 =	simm.s32 @!p1 $0x1082;
	[sflag:s4] =	ssyncset.s32 $0xFFFFF086  }
0x25: {  	[simem:s6], [sflag:s4] =	dma.local [hbm:s3], $0xF7A  }
0x26: {  	[smem:$0x3F99] =	sst s1;
	(tag) =	ssettag s2;
	_ =	strace s9  }
0x27: {  	s1 =	sld [smem:$0x3FA9]  }
0x28: {  	s2 =	sld [smem:$0x3FAA]  }
0x29: {  	s4 =	sld [smem:$0x3FAC]  }
0x2a: {  	p0 =	seq.s32 s5, $0x0;
	s5 =	sld [smem:$0x3FAD]  }
0x2b: {  	s6 =	sld [smem:$0x3FAE]  }
0x2c: {  	s7 =	sld [smem:$0x3FAF]  }
0x2d: {  	s3 =	simm.s32 $0x108;
	s8 =	sld [smem:$0x3FB0]  }
0x2e: {  	s3 =	simm.s32 @!p0 $0x1082;
	s9 =	sld [smem:$0x3FB1]  }
0x2f: {  	lr =	sadd.s32 s0, s3;
	s0 =	sld [smem:$0x3FA8]  }
0x30: {  	s3 =	sld [smem:$0x3FAB]  }
0x31: {  	[smem:$0x3FB4] =	sst s10  }
0x32: {  	s10 =	sld [smem:$0x3FB2];
	_ =	sdelay $0x3  }
0x33: {  	p0 =	seq.s32 s10, $0x1;
	s10 =	sld [smem:$0x3FB4];
	_ =	sdelay $0x3  }
0x34: {  	[smem:$0x3FB4] =	sst s10  }
0x35: {  	s10 =	sld [smem:$0x3FB3];
	_ =	sdelay $0x3  }
0x36: {  	p1 =	seq.s32 s10, $0x1;
	s10 =	sld [smem:$0x3FB4];
	_ =	sdelay $0x3  }
0x37: {  	[smem:$0x3FB4] =	sst s10  }
0x38: {  	s10 =	sld [smem:$0x3FB5]  }
0x39: {  	_ = 	snop;
	(pc) =	sbr.ind lr, $3  }
0x3a: {  	_ = 	snop  }
0x3b: {  	_ = 	snop  }
0x3c: {  	p2 =	seq.s32 s10, $0x1;
	s10 =	sld [smem:$0x3FB4]  }
0x3d: {  	_ =	shalt  }
0x3e: {  	_ =	shalt  }
0x3f: {  	_ =	shalt  }
0x40: {  	_ =	shalt  }
0x41: {  	_ =	shalt  }
0x42: {  	_ =	shalt  }
0x43: {  	_ =	shalt  }
0x44: {  	_ =	shalt  }
0x45: {  	_ =	shalt  }
0x46: {  	_ =	shalt  }
0x47: {  	_ =	shalt  }
0x48: {  	_ =	shalt  }
0x49: {  	_ =	shalt  }
0x4a: {  	_ =	shalt  }
0x4b: {  	_ =	shalt  }
0x4c: {  	_ =	shalt  }
0x4d: {  	_ =	shalt  }
0x4e: {  	_ =	shalt  }
0x4f: {  	_ =	shalt  }
0x50: {  	_ =	shalt  }
0x51: {  	_ =	shalt  }
0x52: {  	_ =	shalt  }
0x53: {  	_ =	shalt  }
0x54: {  	_ =	shalt  }
0x55: {  	_ =	shalt  }
0x56: {  	_ =	shalt  }
0x57: {  	_ =	shalt  }
0x58: {  	_ =	shalt  }
0x59: {  	_ =	shalt  }
0x5a: {  	_ =	shalt  }
0x5b: {  	_ =	shalt  }
0x5c: {  	_ =	shalt  }
0x5d: {  	_ =	shalt  }
0x5e: {  	_ =	shalt  }
0x5f: {  	_ =	shalt  }
0x60: {  	_ =	shalt  }
0x61: {  	_ =	shalt  }
0x62: {  	_ =	shalt  }
0x63: {  	_ =	shalt  }
0x64: {  	_ =	shalt  }
0x65: {  	_ =	shalt  }
0x66: {  	_ =	shalt  }
0x67: {  	_ =	shalt  }
0x68: {  	_ =	shalt  }
0x69: {  	_ =	shalt  }
0x6a: {  	_ =	shalt  }
0x6b: {  	_ =	shalt  }
0x6c: {  	_ =	shalt  }
0x6d: {  	_ =	shalt  }
0x6e: {  	_ =	shalt  }
0x6f: {  	_ =	shalt  }
0x70: {  	_ =	shalt  }
0x71: {  	_ =	shalt  }
0x72: {  	_ =	shalt  }
0x73: {  	_ =	shalt  }
0x74: {  	_ =	shalt  }
0x75: {  	_ =	shalt  }
0x76: {  	_ =	shalt  }
0x77: {  	_ =	shalt  }
0x78: {  	_ =	shalt  }
0x79: {  	_ =	shalt  }
0x7a: {  	_ =	shalt  }
0x7b: {  	_ =	shalt  }
0x7c: {  	_ =	shalt  }
0x7d: {  	_ =	shalt  }
0x7e: {  	_ =	shalt  }
0x7f: {  	_ =	shalt  }
0x80: {  	_ =	shalt  }
0x81: {  	_ =	shalt  }
0x82: {  	_ =	shalt  }
0x83: {  	_ =	shalt  }
0x84: {  	_ =	shalt  }
0x85: {  	_ =	shalt  }
0x86: {  	_ =	shalt  }
0x87: {  	_ =	shalt  }
.Lfunc_end0:
.L_simem_size_0:
called_computation_lowered:
.L_overlay_start_0:
0x88: {  	s2 =	sld [smem:$0x3FD9]  }
0x89: {  	s3 =	sld [smem:$0x3FFE];
	_ =	sdelay $0x1  }
0x8a: {  	s1 =	srdreg.scid  }
0x8b: {  	s0 =	sand.u32 $0x1, s1  }
0x8c: {  	s17 =	sshll.u32 s0, $0xA;
	s2 =	sadd.s32 s3, s2  }
0x8d: {  	s2 =	sadd.s32 s2, s17  }
0x8e: {  	[smem:$0x3FC0] =	sst s2  }
0x8f: {  	_ = 	snop  }
0x90: {  	s2 =	sld [smem:$0x3FD0];
	(tm) =	ssettm $0x1  }
0x91: {  	s18 =	sld [smem:$0x3FFB];
	_ =	sdelay $0x3  }
0x92: {  	_ =	strace s18  }
0x93: {  	s3 =	sld [smem:$0x3FFC];
	_ =	sdelay $0x3  }
0x94: {  	_ =	strace s3  }
0x95: {  	s3 =	sld [smem:$0x3FFD];
	_ =	sdelay $0x3  }
0x96: {  	_ =	strace s3  }
0x97: {  	_ =	strace $0x8FFFFFFF  }
0x98: {  	s19 =	sld [smem:$0x3FDB];
	_ =	sdelay $0x1  }
0x99: {  	s4 =	simm.s32 $_scs_section_size  }
0x9a: {  	s5 =	simm.s32 $_size__tile_overlayer_lowered;
	s6 =	simm.s32 $_tile_overlayer_lowered  }
0x9b: {  	s22 =	simm.s32 $0x1BFF;
	s21 =	sshll.u32 s6, $0x1;
	s3 =	sadd.s32 s4, s19  }
0x9c: {  	s7 =	simm.s32 $0x0;
	s20 =	sshll.u32 s5, $0x1;
	s5 =	sadd.s32 s21, s3  }
0x9d: {  	[timem:s7], [sflag:s22] =	dma.local [hbm:s5], s20  }
0x9e: {  	_ =	swait.ge [sflag:s22], s20  }
0x9f: {  	s4 =	ssub.s32 $0x0, s20;
	[sflag:s22] =	ssyncset.done $0x0  }
0xa0: {  	[sflag:s22] =	ssyncadd.s32 s4;
	_ =	sdelay $0x1  }
0xa1: {  	s23 =	simm.s32 $0x1B8B  }
0xa2: {  	_ =	swait.ge [sflag:s23], $0x1  }
0xa3: {  	[sflag:s23] =	ssyncset.done $0x0  }
0xa4: {  	s25 =	simm.s32 $0x1B8E;
	s24 =	sld [smem:$0x3FFE];
	[sflag:s23] =	ssyncadd.s32 $0xFFFFFFFF  }
0xa5: {  	s26 =	simm.s32 $execute0_lowered;
	[smem:$0x3FD2] =	sst s25  }
0xa6: {  	s5 =	sshll.u32 s26, $0x1;
	_ =	strace $0x80000046;
	[dreg:$0x1] =	wrdreg $0xFFFFFFFF  }
0xa7: {  	s28 =	simm.s32 $_size_execute0_lowered;
	s3 =	sadd.s32 s3, s5;
	[dreg:$0x0] =	wrdreg $0x0  }
0xa8: {  	s5 =	sshll.u32 s28, $0x1;
	[dreg:$0x2] =	wrdreg s3  }
0xa9: {  	[dreg:$0x3] =	wrdreg s5  }
0xaa: {  	[dreg:$0x4] =	wrdreg $0xC0  }
0xab: {  	_ =	task [dreg:s7], $0x5FFFF  }
0xac: {  	[dreg:$0x1] =	wrdreg $0xFFFFFFFF  }
0xad: {  	[dreg:$0x0] =	wrdreg $0x60  }
0xae: {  	[dreg:$0x2] =	wrdreg s24  }
0xaf: {  	[dreg:$0x3] =	wrdreg s2  }
0xb0: {  	[dreg:$0x4] =	wrdreg $0x98D00  }
0xb1: {  	[dreg:$0x5] =	wrdreg $0x9  }
0xb2: {  	_ =	task.clear_ibuf [dreg:s7], $0x6FFFF;
	_ =	strace $0x90000046  }
0xb3: {  	s29 =	simm.s32 $0x9;
	_ =	strace $0x80000048  }
0xb4: {  	_ =	swait.ge [sflag:s29], $0x1  }
0xb5: {  	[sflag:s29] =	ssyncadd.s32 $0xFFFFFFFF  }
0xb6: {  	_ =	strace $0x90000048  }
0xb7: {  	_ =	sfence  }
0xb8: {  	s30 =	sld [smem:$0x0];
	_ =	sdelay $0x2  }
0xb9: {  	s31 =	sshll.u32 s1, $0xD;
	s1 =	sshrl.u32 s1, $0x2  }
0xba: {  	s3 =	sand.u32 $0x4000, s31;
	s1 =	sadd.s32 s1, s30  }
0xbb: {  	s0 =	sor.u32 s3, s0;
	s1 =	sshll.u32 s1, $0x11  }
0xbc: {  	s0 =	sor.u32 s1, s0  }
0xbd: {  	s0 =	sadd.s32 $0x8F2B, s0  }
0xbe: {  	[sflag:s0] =	ssyncadd.remote.s32 $0x1  }
0xbf: {  	_ =	sfence.sel $0xFFFF  }
0xc0: {  	[dreg:$0x0] =	wrdreg $0xFFFFFFFF;
	(pc) =	sbr.abs _section_cstart, $3  }
0xc1: {  	[dreg:$0x1] =	wrdreg $0xFFFFFFFF  }
0xc2: {  	_ =	task.clear_ibuf [dreg:s7], $0x2FFFF;
	_ =	strace $0x9FFFFFFF  }
0xc3: {  	(tm) =	ssettm $0x7FFFFFFF  }
tec
execute0_lowered:
.L_overlay_start_1:
0x0: {  	(tag) =	ssettag $0x1  }
0x1: {  	s0 =	rddreg [dreg:$0x0]  }
0x2: {  	s1 =	rddreg [dreg:$0x1]  }
0x3: {  	s3 =	rddreg [dreg:$0x2];
	s4 =	simm.s32 $0x0  }
0x4: {  	s15 =	stileid.u32;
	s6 =	srdreg.scid;
	s31 =	simm.s32 $0xF0  }
0x5: {  	s28 =	simm.s32 $0x5;
	[smem:$0x7FF] =	sst s4;
	s2 =	smul.u32 $0x16800, s15  }
0x6: {  	s5 =	sadd.s32 $0xA000, s0;
	s7 =	sand.u32 $0x1, s6;
	s29 =	smul.u32 $0x4E20, s15  }
0x7: {  	s6 =	sadd.s32 $0x9C600, s0;
	s10 =	sadd.s32 $0x200, s0;
	s30 =	smul.u32 $0x9C4, s15  }
0x8: {  	s11 =	sadd.s32 $0x3FE00, s0;
	s14 =	sadd.s32 $0x3E100, s0;
	s16 =	smul.u32 $0xFA, s15  }
0x9: {  	p1 =	seq.s32 s15, $0xF;
	_ =	strace $0x80000047;
	[dreg:$0x4] =	wrdreg s10  }
0xa: {  	s15 =	simm.s32 $0x9;
	s9 =	ssub.s32 $0x2, s7;
	[dreg:$0x7] =	wrdreg s14  }
0xb: {  	s14 =	smul.u32 $0x15F900, s7;
	p0 =	sne.s32 s7, $0x0;
	s7 =	simm.s32 $0x4  }
0xc: {  	s8 =	sshrl.u32 s2, $0x3;
	s26 =	sshrl.u32 s9, $0x1;
	s12 =	sadd.s32 s2, s3  }
0xd: {  	s10 =	sshrl.u32 s29, $0x3;
	s13 =	sadd.s32 s5, s30;
	[dreg:$0x5] =	wrdreg s12  }
0xe: {  	s8 =	sadd.s32 s8, s0;
	s9 =	ssub.s32 s9, s26;
	[dreg:$0x8] =	wrdreg s13  }
0xf: {  	s17 =	sadd.s32 $0xA, s10;
	s19 =	sadd.s32 $0x14, s10;
	s2 =	sadd.s32 s2, s14  }
0x10: {  	s22 =	sshrl.u32 s14, $0x3;
	s23 =	sadd.s32 $0x1E, s10;
	s8 =	sadd.s32 $0x13E00, s8  }
0x11: {  	s25 =	sadd.s32 $0x28, s10;
	s18 =	sadd.s32 s5, s17;
	[dreg:$0x6] =	wrdreg s8  }
0x12: {  	s10 =	simm.s32 $0x7;
	s13 =	sadd.s32 s1, s17;
	[dreg:$0xa] =	wrdreg s18  }
0x13: {  	s12 =	simm.s32 $0x8;
	s20 =	sadd.s32 s5, s19;
	[dreg:$0xb] =	wrdreg s13  }
0x14: {  	s17 =	sadd.s32 $0xC8520, s0;
	s0 =	sadd.s32 $0x5020, s0;
	[dreg:$0xc] =	wrdreg s20  }
0x15: {  	s14 =	simm.s32 $0x1;
	s24 =	sadd.s32 s5, s23;
	[dreg:$0xe] =	wrdreg s0  }
0x16: {  	s2 =	sshrl.u32 s2, $0x3;
	s26 =	sadd.s32 s5, s25;
	[dreg:$0x10] =	wrdreg s24  }
0x17: {  	s29 =	smax.u32 s9, $0x1;
	s9 =	simm.s32 $0x190;
	[dreg:$0x12] =	wrdreg s26  }
0x18: {  	s8 =	sadd.s32 s1, s30;
	s21 =	sadd.s32 s11, s2;
	[dreg:$0x15] =	wrdreg s29  }
0x19: {  	s0 =	sadd.s32 s11, s22;
	s2 =	sadd.s32 s1, s23;
	[dreg:$0x9] =	wrdreg s8  }
0x1a: {  	s24 =	sadd.s32 $0x5, s16;
	s26 =	sadd.s32 $0x7, s16;
	[dreg:$0xf] =	wrdreg s21  }
0x1b: {  	s30 =	sadd.s32 $0x151800, s3;
	s20 =	simm.s32 $0x2;
	[dreg:$0x11] =	wrdreg s2  }
0x1c: {  	s23 =	simm.s32 $0x3;
	s8 =	sadd.s32 s1, s19;
	[dreg:$0x16] =	wrdreg s30  }
0x1d: {  	s13 =	simm.s32 $0x0;
	s2 =	sadd.s32 s1, s25;
	[dreg:$0xd] =	wrdreg s8  }
0x1e: {  	s25 =	sadd.s32 $0x6, s16;
	s0 =	sadd.s32 $0x2A300, s0;
	[dreg:$0x13] =	wrdreg s2  }
0x1f: {  	[dreg:$0x14] =	wrdreg s0;
	s0 =	simm.s32 $0x50;
	s8 =	simm.s32 $0x6  }
.LBB2_1:
0x20: {  	[dreg:$0x17] =	wrdreg s13  }
0x21: {  	s2 =	rddreg [dreg:$0x16]  }
0x22: {  	s11 =	rddreg [dreg:$0x7];
	s13 =	sshrl.u32 @p1 s2, $0x3  }
0x23: {  	s2 =	simm.s32 @p1 $0x1FCA;
	[dreg:$0x18] =	wrdreg s13  }
0x24: {  	[spmem:s13], [sflag:s2] =	dma.local @p1 [hbm:s11], $0x1C20  }
0x25: {  	s2 =	simm.s32 @p1 $0xA  }
0x26: {  	s11 =	stileid.u32;
	_ =	swait.ge @p1 [sflag:s2], $0x1C20  }
0x27: {  	s11 =	sshll.u32 @!p1 s11, $0x6;
	[sflag:s2] =	ssyncset.done @p1 $0x0  }
0x28: {  	s11 =	sor.u32 @!p1 $0x1C0A, s11;
	[sflag:s2] =	ssyncadd.s32 @p1 $0xFFFFE3E0;
	s2 =	rddreg [dreg:$0x5]  }
0x29: {  	[dreg:$0x19] =	wrdreg s11  }
0x2a: {  	s13 =	sshrl.u32 @!p1 s2, $0x3;
	s2 =	rddreg [dreg:$0x6]  }
0x2b: {  	[dreg:$0x1a] =	wrdreg s13  }
0x2c: {  	[spmem:s13], [sflag:s11] =	dma.local @!p1 [hbm:s2], $0x2D00  }
0x2d: {  	s2 =	simm.s32 @!p1 $0xA  }
0x2e: {  	_ =	swait.ge @!p1 [sflag:s2], $0x2D00  }
0x2f: {  	[sflag:s2] =	ssyncset.done @!p1 $0x0  }
0x30: {  	[sflag:s2] =	ssyncadd.s32 @!p1 $0xFFFFD300  }
0x31: {  	[bflag:$0x0] =	sbarrier.arrive $0xFFFF  }
0x32: {  	s30 =	rddreg [dreg:$0x8]  }
0x33: {  	[tilespmem:s4], [sflag:$0x7] =	stream.linear.gather [hbm4b:s30+s4], $0x50, $0x38;
	[tilespmem:$0x1F860] =	vst v63  }
0x34: {  	s11 =	rddreg [dreg:$0x9]  }
0x35: {  	[tilespmem:s31], [sflag:$0x7] =	stream.linear.gather [hbm4b:s11+s4], $0x50, $0x38;
	[tilespmem:$0x1F860] =	vst v63  }
0x36: {  	s13 =	rddreg [dreg:$0xa]  }
0x37: {  	[tilespmem:s0], [sflag:$0x8] =	stream.linear.gather [hbm4b:s13+s4], $0x50, $0x38;
	[tilespmem:$0x1F860] =	vst v63  }
0x38: {  	s18 =	simm.s32 $0x140;
	s16 =	rddreg [dreg:$0xb]  }
0x39: {  	[tilespmem:s18], [sflag:$0x8] =	stream.linear.gather [hbm4b:s16+s4], $0x50, $0x38;
	[tilespmem:$0x1F860] =	vst v63  }
0x3a: {  	s21 =	simm.s32 $0xA0;
	s19 =	rddreg [dreg:$0xc]  }
0x3b: {  	[tilespmem:s21], [sflag:$0x9] =	stream.linear.gather [hbm4b:s19+s4], $0x50, $0x38;
	[tilespmem:$0x1F860] =	vst v63  }
0x3c: {  	s22 =	rddreg [dreg:$0xd]  }
0x3d: {  	[tilespmem:s9], [sflag:$0x9] =	stream.linear.gather [hbm4b:s22+s4], $0x50, $0x38;
	[tilespmem:$0x1F860] =	vst v63  }
0x3e: {  	_ =	swait.ge [sflag:s10], $0x50  }
0x3f: {  	[sflag:s10] =	ssyncset.done $0x0  }
0x40: {  	[sflag:s10] =	ssyncadd.s32 $0xFFFFFFB0  }
0x41: {  	_ =	swait.ge [sflag:s10], $0x50  }
0x42: {  	s2 =	simm.s32 @p0 $0x50;
	[sflag:s10] =	ssyncset.done $0x0  }
0x43: {  	s11 =	simm.s32 @p0 $0x0;
	s13 =	simm.s32 @p0 $0x2D0;
	[sflag:s10] =	ssyncadd.s32 $0xFFFFFFB0  }
0x44: {  	[tilespmem:s13], [sflag:$0x1] =	stream.indirect.gather @p0 [hbm4b:s17+s2], $0x90, s11, s2, $0xb8;
	[tilespmem:$0x1F860] =	vst v63  }
0x45: {  	s16 =	simm.s32 @!p0 $0x2D0;
	s11 =	simm.s32 @!p0 $0x50;
	s13 =	simm.s32 @!p0 $0x0  }
0x46: {  	[tilespmem:s16], [sflag:$0x1] =	stream.indirect.gather @!p0 [hbm4b:s6+s11], $0x90, s13, s11, $0xb8;
	[tilespmem:$0x1F860] =	vst v63  }
0x47: {  	s13 =	rddreg [dreg:$0x4]  }
0x48: {  	s16 =	rddreg [dreg:$0xe]  }
0x49: {  	s30 =	simm.s32 $0x89D0;
	s13 =	smov.u32 @p0 s16  }
0x4a: {  	[tilespmem:s30], [sflag:$0x1] =	stream.indirect.gather [hbm4b:s13+s0], $0x10, s31, s0, $0xb8;
	[tilespmem:$0x1F860] =	vst v63  }
0x4b: {  	_ =	swait.ge [sflag:s12], $0x50  }
0x4c: {  	[sflag:s12] =	ssyncset.done $0x0  }
0x4d: {  	[sflag:s12] =	ssyncadd.s32 $0xFFFFFFB0  }
0x4e: {  	_ =	swait.ge [sflag:s12], $0x50  }
0x4f: {  	[sflag:s12] =	ssyncset.done $0x0  }
0x50: {  	s16 =	simm.s32 @p0 $0x2FD0;
	[sflag:s12] =	ssyncadd.s32 $0xFFFFFFB0  }
0x51: {  	[tilespmem:s16], [sflag:$0x2] =	stream.indirect.gather @p0 [hbm4b:s17+s2], $0x90, s2, s2, $0xb8;
	[tilespmem:$0x1F860] =	vst v63  }
0x52: {  	s2 =	simm.s32 @!p0 $0x2FD0  }
0x53: {  	[tilespmem:s2], [sflag:$0x2] =	stream.indirect.gather @!p0 [hbm4b:s6+s11], $0x90, s11, s11, $0xb8;
	[tilespmem:$0x1F860] =	vst v63  }
0x54: {  	s19 =	simm.s32 $0x8ED0  }
0x55: {  	[tilespmem:s19], [sflag:$0x2] =	stream.indirect.gather [hbm4b:s13+s0], $0x10, s18, s0, $0xb8;
	[tilespmem:$0x1F860] =	vst v63  }
0x56: {  	_ =	swait.ge [sflag:s14], $0x2D00  }
0x57: {  	[sflag:s14] =	ssyncset.done $0x0  }
0x58: {  	[sflag:s14] =	ssyncadd.s32 $0xFFFFD300  }
0x59: {  	_ =	swait.ge [sflag:s14], $0x500  }
0x5a: {  	[sflag:s14] =	ssyncset.done $0x0  }
0x5b: {  	[sflag:s14] =	ssyncadd.s32 $0xFFFFFB00  }
0x5c: {  	v0 =	vld [tilespmem:$0xF0]  }
0x5d: {  	v1 =	vld [tilespmem:$0x100]  }
0x5e: {  	v2 =	vld [tilespmem:$0x110]  }
0x5f: {  	v3 =	vld [tilespmem:$0x120]  }
0x60: {  	v4 =	vld [tilespmem:$0x130]  }
0x61: {  	[tilespmem:$0x1E0] =	vst v0  }
0x62: {  	[tilespmem:$0x1F0] =	vst v1  }
0x63: {  	[tilespmem:$0x200] =	vst v2  }
0x64: {  	[tilespmem:$0x210] =	vst v3  }
0x65: {  	s16 =	simm.s32 $0x470;
	[tilespmem:$0x220] =	vst v4  }
0x66: {  	s21 =	simm.s32 $0x89F0;
	v0 =	vld [tilespmem:s16+$0x90]  }
0x67: {  	v1 =	vld [tilespmem:s21+$0x10]  }
0x68: {  	v2 =	vld [tilespmem:s21+$0xFFFFFFE0]  }
0x69: {  	v3 =	vld [tilespmem:s16+$0xFFFFFF70]  }
0x6a: {  	v4 =	vld [tilespmem:s21+$0xFFFFFFF0]  }
0x6b: {  	v5 =	vld [tilespmem:s16+$0x0]  }
0x6c: {  	s22 =	simm.s32 $0x8A30;
	v6 =	vld [tilespmem:s21+$0x0]  }
0x6d: {  	s21 =	simm.s32 $0x6B0;
	v9 =	vld [tilespmem:s22+$0x10]  }
0x6e: {  	v7 =	vld [tilespmem:s21+$0x90];
	v0 =	vadd.f32 v1, v0  }
0x6f: {  	v1 =	vld [tilespmem:s16+$0xFFFFFEE0]  }
0x70: {  	v10 =	vld [tilespmem:s22+$0xFFFFFFF0];
	v8 =	vmul.f32 $2.000000030e-01, v0  }
0x71: {  	v12 =	vld [tilespmem:s21+$0xFFFFFEE0];
	vm0 =	vge.f32 v0, $0.0e+00  }
0x72: {  	v3 =	vadd.f32 v4, v3;
	v4 =	vld [tilespmem:s22+$0xFFFFFFE0];
	v5 =	vadd.f32 v6, v5;
	v0 =	vsel vm0, v0, v8  }
0x73: {  	v7 =	vadd.f32 v9, v7;
	v8 =	vld [tilespmem:s21+$0xFFFFFF70];
	v0 =	vmul.f32 $1.442695020e+00, v0  }
0x74: {  	v6 =	vmul.f32 $2.000000030e-01, v3;
	v11 =	vmul.f32 $2.000000030e-01, v5;
	v1 =	vadd.f32 v2, v1;
	v2 =	vld [tilespmem:s21+$0x0]  }
0x75: {  	vm1 =	vge.f32 v5, $0.0e+00;
	vm0 =	vge.f32 v3, $0.0e+00;
	(erf) = vpow2.f32 v0;
	v0 =	vld [tilespmem:s22+$0x0]  }
0x76: {  	v5 =	vsel vm1, v5, v11;
	v11 =	vmul.f32 $2.000000030e-01, v7;
	v9 =	vmul.f32 $2.000000030e-01, v1;
	s22 =	simm.s32 $0x8F0  }
0x77: {  	s30 =	simm.s32 $0x8A70;
	v3 =	vsel vm0, v3, v6;
	vm0 =	vge.f32 v7, $0.0e+00;
	vm2 =	vge.f32 v1, $0.0e+00;
	v6 =	vld [tilespmem:s22+$0x90]  }
0x78: {  	v5 =	vmul.f32 $1.442695020e+00, v5;
	v3 =	vmul.f32 $1.442695020e+00, v3;
	v1 =	vsel vm2, v1, v9;
	v9 =	vld [tilespmem:s30+$0x10]  }
0x79: {  	v4 =	vadd.f32 v4, v12;
	v7 =	vsel vm0, v7, v11;
	v8 =	vadd.f32 v10, v8  }
0x7a: {  	(erf) = vpow2.f32 v3;
	v3 =	vld [tilespmem:s22+$0xFFFFFF70];
	v1 =	vmul.f32 $1.442695020e+00, v1;
	v0 =	vadd.f32 v0, v2  }
0x7b: {  	v62 =	vld [tilespmem:s22+$0x0];
	vm2 =	vge.f32 v4, $0.0e+00;
	v11 =	vmul.f32 $2.000000030e-01, v8;
	v2 =	vmul.f32 $1.442695020e+00, v7  }
0x7c: {  	vm0 =	vge.f32 v8, $0.0e+00;
	v7 =	vld [tilespmem:s30+$0xFFFFFFF0];
	(erf) = vpow2.f32 v1;
	v1 =	vmul.f32 $2.000000030e-01, v0  }
0x7d: {  	v13 =	vld [tilespmem:s22+$0xFFFFFEE0];
	(erf) = vpow2.f32 v2;
	v6 =	vadd.f32 v9, v6;
	v9 =	vmul.f32 $2.000000030e-01, v4  }
0x7e: {  	v8 =	vsel vm0, v8, v11;
	vm1 =	vge.f32 v0, $0.0e+00;
	v2 =	vld [tilespmem:s30+$0x0];
	(erf) = vpow2.f32 v5  }
0x7f: {  	s29 =	simm.s32 $0xB30;
	v10 =	vld [tilespmem:s30+$0xFFFFFFE0];
	v1 =	vsel vm1, v0, v1;
	v0 =	vsel vm2, v4, v9;
	v4 =	vmul.f32 $1.442695020e+00, v8  }
0x80: {  	s11 =	simm.s32 $0x8AB0;
	v5 =	vld [tilespmem:s29+$0x90];
	v11 =	vmul.f32 $2.000000030e-01, v6  }
0x81: {  	v8 =	vld [tilespmem:s11+$0x10];
	vm0 =	vge.f32 v6, $0.0e+00;
	v14 =	vadd.f32 v7, v3;
	v3 =	vmul.f32 $1.442695020e+00, v0  }
0x82: {  	v0 =	vld [tilespmem:s11+$0xFFFFFFE0];
	v6 =	vsel vm0, v6, v11;
	v11 =	vmul.f32 $1.442695020e+00, v1;
	(erf) = vpow2.f32 v4  }
0x83: {  	v1 =	vld [tilespmem:s29+$0xFFFFFF70];
	v15 =	vmul.f32 $2.000000030e-01, v14;
	v12 =	vadd.f32 v2, v62;
	v7 =	vmul.f32 $1.442695020e+00, v6;
	v4 =	vpop (erf)  }
0x84: {  	v6 =	vadd.f32 v10, v13;
	vm1 =	vge.f32 v14, $0.0e+00;
	(erf) = vpow2.f32 v3;
	[tilespmem:s16+$0x90] =	vst v4;
	v2 =	vpop (erf);
	v4 =	vld [tilespmem:s11+$0xFFFFFFF0]  }
0x85: {  	v3 =	vld [tilespmem:s11+$0x0];
	vm2 =	vge.f32 v12, $0.0e+00;
	v63 =	vmul.f32 $2.000000030e-01, v12;
	(erf) = vpow2.f32 v7;
	[tilespmem:s16+$0xFFFFFF70] =	vst v2;
	v10 =	vpop (erf)  }
0x86: {  	v7 =	vadd.f32 v8, v5;
	v9 =	vmul.f32 $2.000000030e-01, v6;
	v2 =	vld [tilespmem:s29+$0x0];
	v16 =	vpop (erf);
	[tilespmem:s16+$0xFFFFFEE0] =	vst v10;
	(erf) = vpow2.f32 v11  }
0x87: {  	s18 =	simm.s32 $0xC;
	s19 =	simm.s32 $0xD70;
	vm0 =	vge.f32 v6, $0.0e+00;
	v5 =	vld [tilespmem:s29+$0xFFFFFEE0];
	v10 =	vsel vm1, v14, v15;
	v8 =	vsel vm2, v12, v63;
	[tilespmem:s21+$0x90] =	vst v16  }
.LBB2_2:
0x88: {  	v11 =	vld [tilespmem:s19+$0x90];
	v12 =	vmul.f32 $2.000000030e-01, v7;
	s11 =	sadd.s32 $0x40, s11;
	v6 =	vsel vm0, v6, v9;
	v9 =	vmul.f32 $1.442695020e+00, v10;
	v10 =	vpop (erf)  }
0x89: {  	s18 =	sadd.s32 $0x4, s18;
	vm0 =	vge.f32 v7, $0.0e+00;
	v13 =	vld [tilespmem:s11+$0x10];
	v14 =	vadd.f32 v4, v1;
	v15 =	vmul.f32 $1.442695020e+00, v6;
	[tilespmem:s16+$0x0] =	vst v10;
	s16 =	smov.u32 s21;
	s21 =	smov.u32 s22  }
0x8a: {  	p2 =	slt.u32 s18, $0x4C;
	s22 =	smov.u32 s29;
	s29 =	smov.u32 s19;
	v16 =	vld [tilespmem:s11+$0xFFFFFFE0];
	v4 =	vsel vm0, v7, v12;
	v12 =	vmul.f32 $1.442695020e+00, v8;
	(erf) = vpow2.f32 v9  }
.Ltmp0:
0x8b: {  	v1 =	vld [tilespmem:s19+$0xFFFFFF70];
	v8 =	vmul.f32 $2.000000030e-01, v14;
	v17 =	vadd.f32 v3, v2;
	v3 =	vmul.f32 $1.442695020e+00, v4;
	v2 =	vpop (erf);
	(pc) =	sbr.rel @p2 .LBB2_2-.Ltmp0, $4  }
0x8c: {  	vm1 =	vge.f32 v14, $0.0e+00;
	v4 =	vld [tilespmem:s11+$0xFFFFFFF0];
	v6 =	vadd.f32 v0, v5;
	(erf) = vpow2.f32 v15;
	[tilespmem:s16+$0xFFFFFF70] =	vst v2  }
0x8d: {  	v2 =	vld [tilespmem:s19+$0x0];
	vm2 =	vge.f32 v17, $0.0e+00;
	v15 =	vmul.f32 $2.000000030e-01, v17;
	(erf) = vpow2.f32 v3;
	v5 =	vpop (erf)  }
0x8e: {  	v3 =	vld [tilespmem:s11+$0x0];
	v7 =	vadd.f32 v13, v11;
	vm0 =	vge.f32 v6, $0.0e+00;
	v9 =	vmul.f32 $2.000000030e-01, v6;
	v11 =	vpop (erf);
	[tilespmem:s16+$0xFFFFFEE0] =	vst v5  }
0x8f: {  	s19 =	sadd.s32 $0x240, s19;
	v10 =	vsel vm1, v14, v8;
	v5 =	vld [tilespmem:s29+$0xFFFFFEE0];
	v8 =	vsel vm2, v17, v15;
	[tilespmem:s21+$0x90] =	vst v11;
	(erf) = vpow2.f32 v12;
	v0 =	vmovc v16  }
0x90: {  	_ =	sdelay $0x1  }
0x91: {  	v11 =	vmul.f32 $2.000000030e-01, v7;
	v6 =	vsel vm0, v6, v9;
	v9 =	vmul.f32 $1.442695020e+00, v10  }
0x92: {  	vm14 =	vge.f32 v7, $0.0e+00;
	v1 =	vadd.f32 v4, v1;
	v4 =	vmul.f32 $1.442695020e+00, v6  }
0x93: {  	v6 =	vsel vm14, v7, v11;
	v7 =	vmul.f32 $1.442695020e+00, v8;
	v0 =	vadd.f32 v0, v5  }
0x94: {  	(erf) = vpow2.f32 v9;
	v2 =	vadd.f32 v3, v2;
	v3 =	vmul.f32 $2.000000030e-01, v1  }
0x95: {  	vm15 =	vge.f32 v1, $0.0e+00;
	(erf) = vpow2.f32 v4;
	v4 =	vmul.f32 $2.000000030e-01, v0  }
0x96: {  	v5 =	vmul.f32 $1.442695020e+00, v6;
	v1 =	vsel vm15, v1, v3;
	vm2 =	vge.f32 v0, $0.0e+00  }
0x97: {  	v6 =	vmul.f32 $2.000000030e-01, v2;
	v1 =	vmul.f32 $1.442695020e+00, v1;
	v0 =	vsel vm2, v0, v4  }
0x98: {  	vm1 =	vge.f32 v2, $0.0e+00;
	(erf) = vpow2.f32 v5;
	v0 =	vmul.f32 $1.442695020e+00, v0  }
0x99: {  	v2 =	vsel vm1, v2, v6;
	(erf) = vpow2.f32 v7  }
0x9a: {  	v3 =	vpop (erf);
	v2 =	vmul.f32 $1.442695020e+00, v2;
	(erf) = vpow2.f32 v1  }
0x9b: {  	[tilespmem:s16+$0x0] =	vst v3;
	v1 =	vpop (erf);
	(erf) = vpow2.f32 v0  }
0x9c: {  	[tilespmem:s21+$0xFFFFFF70] =	vst v1;
	v0 =	vpop (erf);
	(erf) = vpow2.f32 v2  }
0x9d: {  	v1 =	vpop (erf);
	[tilespmem:s21+$0xFFFFFEE0] =	vst v0  }
0x9e: {  	v0 =	vpop (erf);
	[tilespmem:s22+$0x90] =	vst v1  }
0x9f: {  	v1 =	vpop (erf);
	[tilespmem:s21+$0x0] =	vst v0  }
0xa0: {  	[tilespmem:s22+$0xFFFFFF70] =	vst v1;
	v0 =	vpop (erf)  }
0xa1: {  	v1 =	vpop (erf);
	[tilespmem:s22+$0xFFFFFEE0] =	vst v0  }
0xa2: {  	[tilespmem:s29+$0x90] =	vst v1;
	v0 =	vpop (erf)  }
0xa3: {  	[tilespmem:s22+$0x0] =	vst v0;
	v0 =	vpop (erf)  }
0xa4: {  	[tilespmem:s29+$0xFFFFFF70] =	vst v0;
	v0 =	vpop (erf)  }
0xa5: {  	[tilespmem:s29+$0xFFFFFEE0] =	vst v0;
	v0 =	vpop (erf)  }
0xa6: {  	[tilespmem:s29+$0x0] =	vst v0  }
0xa7: {  	_ =	swait.ge [sflag:s15], $0x50  }
0xa8: {  	[sflag:s15] =	ssyncset.done $0x0  }
0xa9: {  	[sflag:s15] =	ssyncadd.s32 $0xFFFFFFB0  }
0xaa: {  	_ =	swait.ge [sflag:s15], $0x50  }
0xab: {  	s2 =	simm.s32 @p0 $0x50;
	[sflag:s15] =	ssyncset.done $0x0  }
0xac: {  	s11 =	simm.s32 @p0 $0xA0;
	s16 =	simm.s32 @p0 $0x5CD0;
	[sflag:s15] =	ssyncadd.s32 $0xFFFFFFB0  }
0xad: {  	[tilespmem:s16], [sflag:$0x3] =	stream.indirect.gather @p0 [hbm4b:s17+s2], $0x90, s11, s2, $0xb8;
	[tilespmem:$0x1F860] =	vst v63  }
0xae: {  	s2 =	simm.s32 @!p0 $0x50;
	s11 =	simm.s32 @!p0 $0xA0;
	s16 =	simm.s32 @!p0 $0x5CD0  }
0xaf: {  	[tilespmem:s16], [sflag:$0x3] =	stream.indirect.gather @!p0 [hbm4b:s6+s2], $0x90, s11, s2, $0xb8;
	[tilespmem:$0x1F860] =	vst v63  }
0xb0: {  	s22 =	simm.s32 $0x93D0  }
0xb1: {  	[tilespmem:s22], [sflag:$0x3] =	stream.indirect.gather [hbm4b:s13+s0], $0x10, s9, s0, $0xb8;
	[tilespmem:$0x1F860] =	vst v63  }
0xb2: {  	s29 =	rddreg [dreg:$0x10]  }
0xb3: {  	[tilespmem:s4], [sflag:$0x7] =	stream.linear.gather [hbm4b:s29+s4], $0x50, $0x38;
	[tilespmem:$0x1F860] =	vst v63  }
0xb4: {  	s30 =	rddreg [dreg:$0x11];
	s11 =	simm.s32 $0x360  }
0xb5: {  	[tilespmem:s31], [sflag:$0x7] =	stream.linear.gather [hbm4b:s30+s4], $0x50, $0x38;
	[tilespmem:$0x1F860] =	vst v63  }
0xb6: {  	v1 =	vld [tilespmem:s11+$0x80]  }
0xb7: {  	v2 =	vld [tilespmem:s11+$0xFFFFFFF0]  }
0xb8: {  	v3 =	vld [tilespmem:s11+$0x70]  }
0xb9: {  	v4 =	vld [tilespmem:s11+$0xFFFFFF70]  }
0xba: {  	v5 =	vld [tilespmem:s11+$0xFFFFFF80]  }
0xbb: {  	v6 =	vld [tilespmem:s11+$0xFFFFFF90]  }
0xbc: {  	v7 =	vld [tilespmem:s11+$0xFFFFFFA0];
	v0 =	vbroadcast v1, $0x3  }
0xbd: {  	v9 =	vld [tilespmem:s11+$0xFFFFFFB0];
	v8 =	vbroadcast v2, $0x0  }
0xbe: {  	v10 =	vld [tilespmem:s11+$0xFFFFFFC0];
	v11 =	vbroadcast v2, $0x1;
	v3 =	vmul.f32 v3, v0  }
0xbf: {  	v12 =	vld [tilespmem:s11+$0xFFFFFFD0];
	v4 =	vmul.f32 v8, v4  }
0xc0: {  	v13 =	vld [tilespmem:s11+$0x0];
	v6 =	vmul.f32 v6, v11;
	[tilespmem:s11+$0x70] =	vst v3  }
0xc1: {  	v3 =	vmul.f32 v5, v8;
	v8 =	vld [tilespmem:s11+$0xFFFFFFE0];
	v5 =	vbroadcast v2, $0x2;
	[tilespmem:s11+$0xFFFFFF70] =	vst v4  }
0xc2: {  	v4 =	vmul.f32 v7, v11;
	v7 =	vld [tilespmem:s11+$0x10];
	[tilespmem:s11+$0xFFFFFF90] =	vst v6  }
0xc3: {  	v11 =	vbroadcast v2, $0x3;
	[tilespmem:s11+$0xFFFFFF80] =	vst v3;
	v9 =	vmul.f32 v9, v5;
	v3 =	vld [tilespmem:s11+$0x20]  }
0xc4: {  	v14 =	vbroadcast v1, $0x0;
	v6 =	vmul.f32 v10, v5;
	[tilespmem:s11+$0xFFFFFFA0] =	vst v4;
	v4 =	vld [tilespmem:s11+$0x30]  }
0xc5: {  	v2 =	vbroadcast v1, $0x1;
	v10 =	vmul.f32 v12, v11;
	v5 =	vld [tilespmem:s11+$0x40];
	[tilespmem:s11+$0xFFFFFFB0] =	vst v9  }
0xc6: {  	v1 =	vbroadcast v1, $0x2;
	[tilespmem:s11+$0xFFFFFFC0] =	vst v6;
	v6 =	vld [tilespmem:s11+$0x50];
	v8 =	vmul.f32 v8, v11  }
0xc7: {  	s18 =	simm.s32 $0x480;
	s16 =	simm.s32 $0x0;
	v9 =	vmul.f32 v14, v13;
	[tilespmem:s11+$0xFFFFFFD0] =	vst v10;
	v10 =	vmul.f32 v7, v14;
	v7 =	vld [tilespmem:s11+$0x60]  }
.LBB2_4:
0xc8: {  	v11 =	vld [tilespmem:s18+$0x80];
	s16 =	sadd.s32 $0x2, s16;
	[tilespmem:s11+$0xFFFFFFE0] =	vst v8;
	v3 =	vmul.f32 v3, v2  }
0xc9: {  	v8 =	vld [tilespmem:s18+$0xFFFFFFF0];
	p2 =	slt.u32 s16, $0x4E;
	[tilespmem:s11+$0x0] =	vst v9;
	v2 =	vmul.f32 v4, v2  }
0xca: {  	v4 =	vld [tilespmem:s18+$0x70];
	[tilespmem:s11+$0x10] =	vst v10;
	v5 =	vmul.f32 v5, v1  }
0xcb: {  	v9 =	vld [tilespmem:s18+$0xFFFFFF70];
	[tilespmem:s11+$0x20] =	vst v3;
	v1 =	vmul.f32 v6, v1  }
0xcc: {  	v3 =	vld [tilespmem:s18+$0xFFFFFF80];
	[tilespmem:s11+$0x30] =	vst v2;
	v2 =	vmul.f32 v7, v0  }
0xcd: {  	v6 =	vld [tilespmem:s18+$0xFFFFFF90];
	v7 =	vbroadcast v11, $0x0;
	v0 =	vbroadcast v11, $0x3;
	[tilespmem:s11+$0x40] =	vst v5  }
0xce: {  	v5 =	vbroadcast v8, $0x0;
	v10 =	vbroadcast v8, $0x1;
	v12 =	vld [tilespmem:s18+$0xFFFFFFA0];
	[tilespmem:s11+$0x50] =	vst v1  }
0xcf: {  	v13 =	vbroadcast v8, $0x2;
	v14 =	vld [tilespmem:s18+$0xFFFFFFB0];
	v4 =	vmul.f32 v4, v0;
	[tilespmem:s11+$0x60] =	vst v2;
	s11 =	smov.u32 s18  }
0xd0: {  	v8 =	vbroadcast v8, $0x3;
	v2 =	vbroadcast v11, $0x1;
	v15 =	vld [tilespmem:s18+$0xFFFFFFC0]  }
0xd1: {  	v1 =	vbroadcast v11, $0x2;
	v9 =	vmul.f32 v5, v9;
	v16 =	vld [tilespmem:s18+$0xFFFFFFD0];
	[tilespmem:s18+$0x70] =	vst v4  }
0xd2: {  	v3 =	vmul.f32 v3, v5;
	v4 =	vmul.f32 v6, v10;
	v5 =	vld [tilespmem:s18+$0xFFFFFFE0]  }
0xd3: {  	[tilespmem:s18+$0xFFFFFF70] =	vst v9;
	v6 =	vmul.f32 v12, v10;
	v9 =	vld [tilespmem:s18+$0x0]  }
0xd4: {  	[tilespmem:s18+$0xFFFFFF80] =	vst v3;
	v10 =	vmul.f32 v14, v13;
	v11 =	vld [tilespmem:s18+$0x10]  }
.Ltmp1:
0xd5: {  	[tilespmem:s18+$0xFFFFFF90] =	vst v4;
	v12 =	vmul.f32 v15, v13;
	v3 =	vld [tilespmem:s18+$0x20];
	(pc) =	sbr.rel @p2 .LBB2_4-.Ltmp1, $4  }
0xd6: {  	[tilespmem:s18+$0xFFFFFFA0] =	vst v6;
	v13 =	vmul.f32 v16, v8;
	v4 =	vld [tilespmem:s18+$0x30]  }
0xd7: {  	[tilespmem:s18+$0xFFFFFFB0] =	vst v10;
	v8 =	vmul.f32 v5, v8;
	v5 =	vld [tilespmem:s18+$0x40]  }
0xd8: {  	[tilespmem:s18+$0xFFFFFFC0] =	vst v12;
	v9 =	vmul.f32 v7, v9;
	v6 =	vld [tilespmem:s18+$0x50]  }
0xd9: {  	s18 =	sadd.s32 $0x120, s18;
	[tilespmem:s11+$0xFFFFFFD0] =	vst v13;
	v10 =	vmul.f32 v11, v7;
	v7 =	vld [tilespmem:s11+$0x60]  }
0xda: {  	[tilespmem:s11+$0xFFFFFFE0] =	vst v8  }
0xdb: {  	v3 =	vmul.f32 v3, v2;
	[tilespmem:s11+$0x0] =	vst v9  }
0xdc: {  	v2 =	vmul.f32 v4, v2;
	[tilespmem:s11+$0x10] =	vst v10  }
0xdd: {  	v4 =	vmul.f32 v5, v1;
	[tilespmem:s11+$0x20] =	vst v3  }
0xde: {  	v1 =	vmul.f32 v6, v1;
	[tilespmem:s11+$0x30] =	vst v2  }
0xdf: {  	v0 =	vmul.f32 v7, v0;
	[tilespmem:s11+$0x40] =	vst v4  }
0xe0: {  	[tilespmem:s11+$0x50] =	vst v1  }
0xe1: {  	s2 =	simm.s32 $0x1E0;
	s19 =	simm.s32 $0x2D0;
	[tilespmem:s11+$0x60] =	vst v0  }
0xe2: {  	[spmem:s3] =	stream.indirect.scatter.add.f32 [tilespmem:s19], [sflag:$0x4], $0x90, s2, s0, $0xb8;
	[tilespmem:$0x1F860] =	vst v63  }
0xe3: {  	_ =	swait.ge [sflag:s20], $0x2D00  }
0xe4: {  	[sflag:s20] =	ssyncset.done $0x0  }
0xe5: {  	[sflag:s20] =	ssyncadd.s32 $0xFFFFD300  }
0xe6: {  	_ =	swait.ge [sflag:s20], $0x500  }
0xe7: {  	[sflag:s20] =	ssyncset.done $0x0  }
0xe8: {  	[sflag:s20] =	ssyncadd.s32 $0xFFFFFB00  }
0xe9: {  	v0 =	vld [tilespmem:$0x140]  }
0xea: {  	v1 =	vld [tilespmem:$0x150]  }
0xeb: {  	v2 =	vld [tilespmem:$0x160]  }
0xec: {  	v3 =	vld [tilespmem:$0x170]  }
0xed: {  	v4 =	vld [tilespmem:$0x180]  }
0xee: {  	[tilespmem:$0x230] =	vst v0  }
0xef: {  	[tilespmem:$0x240] =	vst v1  }
0xf0: {  	[tilespmem:$0x250] =	vst v2  }
0xf1: {  	[tilespmem:$0x260] =	vst v3  }
0xf2: {  	s16 =	simm.s32 $0x3200;
	[tilespmem:$0x270] =	vst v4  }
0xf3: {  	s21 =	simm.s32 $0x8F00;
	v0 =	vld [tilespmem:s16+$0x0]  }
0xf4: {  	v1 =	vld [tilespmem:s21+$0x0]  }
0xf5: {  	v2 =	vld [tilespmem:s21+$0xFFFFFFD0]  }
0xf6: {  	v3 =	vld [tilespmem:s16+$0xFFFFFEE0]  }
0xf7: {  	v4 =	vld [tilespmem:s21+$0xFFFFFFE0]  }
0xf8: {  	v5 =	vld [tilespmem:s16+$0xFFFFFF70]  }
0xf9: {  	s22 =	simm.s32 $0x8F40;
	v6 =	vld [tilespmem:s21+$0xFFFFFFF0]  }
0xfa: {  	s21 =	simm.s32 $0x3440;
	v9 =	vld [tilespmem:s22+$0x0]  }
0xfb: {  	v7 =	vld [tilespmem:s21+$0x0];
	v0 =	vadd.f32 v1, v0  }
0xfc: {  	v1 =	vld [tilespmem:s16+$0xFFFFFE50]  }
0xfd: {  	v10 =	vld [tilespmem:s22+$0xFFFFFFE0];
	v8 =	vmul.f32 $2.000000030e-01, v0  }
0xfe: {  	v12 =	vld [tilespmem:s21+$0xFFFFFE50];
	vm0 =	vge.f32 v0, $0.0e+00  }
0xff: {  	v3 =	vadd.f32 v4, v3;
	v4 =	vld [tilespmem:s22+$0xFFFFFFD0];
	v5 =	vadd.f32 v6, v5;
	v0 =	vsel vm0, v0, v8  }
0x100: {  	v7 =	vadd.f32 v9, v7;
	v8 =	vld [tilespmem:s21+$0xFFFFFEE0];
	v0 =	vmul.f32 $1.442695020e+00, v0  }
0x101: {  	v6 =	vmul.f32 $2.000000030e-01, v3;
	v11 =	vmul.f32 $2.000000030e-01, v5;
	v1 =	vadd.f32 v2, v1;
	v2 =	vld [tilespmem:s21+$0xFFFFFF70]  }
0x102: {  	vm1 =	vge.f32 v5, $0.0e+00;
	vm0 =	vge.f32 v3, $0.0e+00;
	(erf) = vpow2.f32 v0;
	v0 =	vld [tilespmem:s22+$0xFFFFFFF0]  }
0x103: {  	v5 =	vsel vm1, v5, v11;
	v11 =	vmul.f32 $2.000000030e-01, v7;
	v9 =	vmul.f32 $2.000000030e-01, v1;
	s22 =	simm.s32 $0x3680  }
0x104: {  	s30 =	simm.s32 $0x8F80;
	v3 =	vsel vm0, v3, v6;
	vm0 =	vge.f32 v7, $0.0e+00;
	vm2 =	vge.f32 v1, $0.0e+00;
	v6 =	vld [tilespmem:s22+$0x0]  }
0x105: {  	v5 =	vmul.f32 $1.442695020e+00, v5;
	v3 =	vmul.f32 $1.442695020e+00, v3;
	v1 =	vsel vm2, v1, v9;
	v9 =	vld [tilespmem:s30+$0x0]  }
0x106: {  	v4 =	vadd.f32 v4, v12;
	v7 =	vsel vm0, v7, v11;
	v8 =	vadd.f32 v10, v8  }
0x107: {  	(erf) = vpow2.f32 v3;
	v3 =	vld [tilespmem:s22+$0xFFFFFEE0];
	v1 =	vmul.f32 $1.442695020e+00, v1;
	v0 =	vadd.f32 v0, v2  }
0x108: {  	v62 =	vld [tilespmem:s22+$0xFFFFFF70];
	vm2 =	vge.f32 v4, $0.0e+00;
	v11 =	vmul.f32 $2.000000030e-01, v8;
	v2 =	vmul.f32 $1.442695020e+00, v7  }
0x109: {  	vm0 =	vge.f32 v8, $0.0e+00;
	v7 =	vld [tilespmem:s30+$0xFFFFFFE0];
	(erf) = vpow2.f32 v1;
	v1 =	vmul.f32 $2.000000030e-01, v0  }
0x10a: {  	v13 =	vld [tilespmem:s22+$0xFFFFFE50];
	(erf) = vpow2.f32 v2;
	v6 =	vadd.f32 v9, v6;
	v9 =	vmul.f32 $2.000000030e-01, v4  }
0x10b: {  	v8 =	vsel vm0, v8, v11;
	vm1 =	vge.f32 v0, $0.0e+00;
	v2 =	vld [tilespmem:s30+$0xFFFFFFF0];
	(erf) = vpow2.f32 v5  }
0x10c: {  	s29 =	simm.s32 $0x38C0;
	v10 =	vld [tilespmem:s30+$0xFFFFFFD0];
	v1 =	vsel vm1, v0, v1;
	v0 =	vsel vm2, v4, v9;
	v4 =	vmul.f32 $1.442695020e+00, v8  }
0x10d: {  	s11 =	simm.s32 $0x8FC0;
	v5 =	vld [tilespmem:s29+$0x0];
	v11 =	vmul.f32 $2.000000030e-01, v6  }
0x10e: {  	v8 =	vld [tilespmem:s11+$0x0];
	vm0 =	vge.f32 v6, $0.0e+00;
	v14 =	vadd.f32 v7, v3;
	v3 =	vmul.f32 $1.442695020e+00, v0  }
0x10f: {  	v0 =	vld [tilespmem:s11+$0xFFFFFFD0];
	v6 =	vsel vm0, v6, v11;
	v11 =	vmul.f32 $1.442695020e+00, v1;
	(erf) = vpow2.f32 v4  }
0x110: {  	v1 =	vld [tilespmem:s29+$0xFFFFFEE0];
	v15 =	vmul.f32 $2.000000030e-01, v14;
	v12 =	vadd.f32 v2, v62;
	v7 =	vmul.f32 $1.442695020e+00, v6;
	v4 =	vpop (erf)  }
0x111: {  	v6 =	vadd.f32 v10, v13;
	vm1 =	vge.f32 v14, $0.0e+00;
	(erf) = vpow2.f32 v3;
	[tilespmem:s16+$0x0] =	vst v4;
	v2 =	vpop (erf);
	v4 =	vld [tilespmem:s11+$0xFFFFFFE0]  }
0x112: {  	v3 =	vld [tilespmem:s11+$0xFFFFFFF0];
	vm2 =	vge.f32 v12, $0.0e+00;
	v63 =	vmul.f32 $2.000000030e-01, v12;
	(erf) = vpow2.f32 v7;
	[tilespmem:s16+$0xFFFFFEE0] =	vst v2;
	v10 =	vpop (erf)  }
0x113: {  	v7 =	vadd.f32 v8, v5;
	v9 =	vmul.f32 $2.000000030e-01, v6;
	v2 =	vld [tilespmem:s29+$0xFFFFFF70];
	v16 =	vpop (erf);
	[tilespmem:s16+$0xFFFFFE50] =	vst v10;
	(erf) = vpow2.f32 v11  }
0x114: {  	s18 =	simm.s32 $0xC;
	s19 =	simm.s32 $0x3B00;
	vm0 =	vge.f32 v6, $0.0e+00;
	v5 =	vld [tilespmem:s29+$0xFFFFFE50];
	v10 =	vsel vm1, v14, v15;
	v8 =	vsel vm2, v12, v63;
	[tilespmem:s21+$0x0] =	vst v16  }
.LBB2_6:
0x115: {  	v11 =	vld [tilespmem:s19+$0x0];
	v12 =	vmul.f32 $2.000000030e-01, v7;
	s11 =	sadd.s32 $0x40, s11;
	v6 =	vsel vm0, v6, v9;
	v9 =	vmul.f32 $1.442695020e+00, v10;
	v10 =	vpop (erf)  }
0x116: {  	s18 =	sadd.s32 $0x4, s18;
	vm0 =	vge.f32 v7, $0.0e+00;
	v13 =	vld [tilespmem:s11+$0x0];
	v14 =	vadd.f32 v4, v1;
	v15 =	vmul.f32 $1.442695020e+00, v6;
	[tilespmem:s16+$0xFFFFFF70] =	vst v10;
	s16 =	smov.u32 s21;
	s21 =	smov.u32 s22  }
0x117: {  	p2 =	slt.u32 s18, $0x4C;
	s22 =	smov.u32 s29;
	s29 =	smov.u32 s19;
	v16 =	vld [tilespmem:s11+$0xFFFFFFD0];
	v4 =	vsel vm0, v7, v12;
	v12 =	vmul.f32 $1.442695020e+00, v8;
	(erf) = vpow2.f32 v9  }
.Ltmp2:
0x118: {  	v1 =	vld [tilespmem:s19+$0xFFFFFEE0];
	v8 =	vmul.f32 $2.000000030e-01, v14;
	v17 =	vadd.f32 v3, v2;
	v3 =	vmul.f32 $1.442695020e+00, v4;
	v2 =	vpop (erf);
	(pc) =	sbr.rel @p2 .LBB2_6-.Ltmp2, $4  }
0x119: {  	vm1 =	vge.f32 v14, $0.0e+00;
	v4 =	vld [tilespmem:s11+$0xFFFFFFE0];
	v6 =	vadd.f32 v0, v5;
	(erf) = vpow2.f32 v15;
	[tilespmem:s16+$0xFFFFFEE0] =	vst v2  }
0x11a: {  	v2 =	vld [tilespmem:s19+$0xFFFFFF70];
	vm2 =	vge.f32 v17, $0.0e+00;
	v15 =	vmul.f32 $2.000000030e-01, v17;
	(erf) = vpow2.f32 v3;
	v5 =	vpop (erf)  }
0x11b: {  	v3 =	vld [tilespmem:s11+$0xFFFFFFF0];
	v7 =	vadd.f32 v13, v11;
	vm0 =	vge.f32 v6, $0.0e+00;
	v9 =	vmul.f32 $2.000000030e-01, v6;
	v11 =	vpop (erf);
	[tilespmem:s16+$0xFFFFFE50] =	vst v5  }
0x11c: {  	s19 =	sadd.s32 $0x240, s19;
	v10 =	vsel vm1, v14, v8;
	v5 =	vld [tilespmem:s29+$0xFFFFFE50];
	v8 =	vsel vm2, v17, v15;
	[tilespmem:s21+$0x0] =	vst v11;
	(erf) = vpow2.f32 v12;
	v0 =	vmovc v16  }
0x11d: {  	_ =	sdelay $0x1  }
0x11e: {  	v11 =	vmul.f32 $2.000000030e-01, v7;
	v6 =	vsel vm0, v6, v9;
	v9 =	vmul.f32 $1.442695020e+00, v10  }
0x11f: {  	vm14 =	vge.f32 v7, $0.0e+00;
	v1 =	vadd.f32 v4, v1;
	v4 =	vmul.f32 $1.442695020e+00, v6  }
0x120: {  	v6 =	vsel vm14, v7, v11;
	v7 =	vmul.f32 $1.442695020e+00, v8;
	v0 =	vadd.f32 v0, v5  }
0x121: {  	(erf) = vpow2.f32 v9;
	v2 =	vadd.f32 v3, v2;
	v3 =	vmul.f32 $2.000000030e-01, v1  }
0x122: {  	vm15 =	vge.f32 v1, $0.0e+00;
	(erf) = vpow2.f32 v4;
	v4 =	vmul.f32 $2.000000030e-01, v0  }
0x123: {  	v5 =	vmul.f32 $1.442695020e+00, v6;
	v1 =	vsel vm15, v1, v3;
	vm2 =	vge.f32 v0, $0.0e+00  }
0x124: {  	v6 =	vmul.f32 $2.000000030e-01, v2;
	v1 =	vmul.f32 $1.442695020e+00, v1;
	v0 =	vsel vm2, v0, v4  }
0x125: {  	vm1 =	vge.f32 v2, $0.0e+00;
	(erf) = vpow2.f32 v5;
	v0 =	vmul.f32 $1.442695020e+00, v0  }
0x126: {  	v2 =	vsel vm1, v2, v6;
	(erf) = vpow2.f32 v7  }
0x127: {  	v3 =	vpop (erf);
	v2 =	vmul.f32 $1.442695020e+00, v2;
	(erf) = vpow2.f32 v1  }
0x128: {  	[tilespmem:s16+$0xFFFFFF70] =	vst v3;
	v1 =	vpop (erf);
	(erf) = vpow2.f32 v0  }
0x129: {  	[tilespmem:s21+$0xFFFFFEE0] =	vst v1;
	v0 =	vpop (erf);
	(erf) = vpow2.f32 v2  }
0x12a: {  	v1 =	vpop (erf);
	[tilespmem:s21+$0xFFFFFE50] =	vst v0  }
0x12b: {  	v0 =	vpop (erf);
	[tilespmem:s22+$0x0] =	vst v1  }
0x12c: {  	v1 =	vpop (erf);
	[tilespmem:s21+$0xFFFFFF70] =	vst v0  }
0x12d: {  	[tilespmem:s22+$0xFFFFFEE0] =	vst v1;
	v0 =	vpop (erf)  }
0x12e: {  	v1 =	vpop (erf);
	[tilespmem:s22+$0xFFFFFE50] =	vst v0  }
0x12f: {  	[tilespmem:s29+$0x0] =	vst v1;
	v0 =	vpop (erf)  }
0x130: {  	[tilespmem:s22+$0xFFFFFF70] =	vst v0;
	v0 =	vpop (erf)  }
0x131: {  	[tilespmem:s29+$0xFFFFFEE0] =	vst v0;
	v0 =	vpop (erf)  }
0x132: {  	[tilespmem:s29+$0xFFFFFE50] =	vst v0;
	v0 =	vpop (erf)  }
0x133: {  	[tilespmem:s29+$0xFFFFFF70] =	vst v0  }
0x134: {  	_ =	swait.ge [sflag:s7], $0x2D00  }
0x135: {  	[sflag:s7] =	ssyncset.done $0x0  }
0x136: {  	[sflag:s7] =	ssyncadd.s32 $0xFFFFD300  }
0x137: {  	_ =	swait.ge [sflag:s10], $0x50  }
0x138: {  	[sflag:s10] =	ssyncset.done $0x0  }
0x139: {  	[sflag:s10] =	ssyncadd.s32 $0xFFFFFFB0  }
0x13a: {  	_ =	swait.ge [sflag:s10], $0x50  }
0x13b: {  	s2 =	simm.s32 @p0 $0x50;
	[sflag:s10] =	ssyncset.done $0x0  }
0x13c: {  	s11 =	simm.s32 @p0 $0x0;
	s16 =	simm.s32 @p0 $0x2D0;
	[sflag:s10] =	ssyncadd.s32 $0xFFFFFFB0  }
0x13d: {  	[tilespmem:s16], [sflag:$0x1] =	stream.indirect.gather @p0 [hbm4b:s17+s2], $0x90, s11, s2, $0xb8;
	[tilespmem:$0x1F860] =	vst v63  }
0x13e: {  	s2 =	simm.s32 @!p0 $0x50;
	s11 =	simm.s32 @!p0 $0x0;
	s16 =	simm.s32 @!p0 $0x2D0  }
0x13f: {  	[tilespmem:s16], [sflag:$0x1] =	stream.indirect.gather @!p0 [hbm4b:s6+s2], $0x90, s11, s2, $0xb8;
	[tilespmem:$0x1F860] =	vst v63  }
0x140: {  	s21 =	simm.s32 $0x89D0  }
0x141: {  	[tilespmem:s21], [sflag:$0x1] =	stream.indirect.gather [hbm4b:s13+s0], $0x10, s31, s0, $0xb8;
	[tilespmem:$0x1F860] =	vst v63  }
0x142: {  	s22 =	rddreg [dreg:$0x12]  }
0x143: {  	[tilespmem:s0], [sflag:$0x8] =	stream.linear.gather [hbm4b:s22+s4], $0x50, $0x38;
	[tilespmem:$0x1F860] =	vst v63  }
0x144: {  	s30 =	simm.s32 $0x140;
	s29 =	rddreg [dreg:$0x13];
	s11 =	simm.s32 $0x2FD0  }
0x145: {  	[tilespmem:s30], [sflag:$0x8] =	stream.linear.gather [hbm4b:s29+s4], $0x50, $0x38;
	[tilespmem:$0x1F860] =	vst v63  }
0x146: {  	v1 =	vld [tilespmem:s11+$0x110]  }
0x147: {  	v2 =	vld [tilespmem:s11+$0x80]  }
0x148: {  	v3 =	vld [tilespmem:s11+$0x100]  }
0x149: {  	v4 =	vld [tilespmem:s11+$0x0]  }
0x14a: {  	v5 =	vld [tilespmem:s11+$0x10]  }
0x14b: {  	v6 =	vld [tilespmem:s11+$0x20]  }
0x14c: {  	v7 =	vld [tilespmem:s11+$0x30];
	v0 =	vbroadcast v1, $0x3  }
0x14d: {  	v9 =	vld [tilespmem:s11+$0x40];
	v8 =	vbroadcast v2, $0x0  }
0x14e: {  	v10 =	vld [tilespmem:s11+$0x50];
	v11 =	vbroadcast v2, $0x1;
	v3 =	vmul.f32 v3, v0  }
0x14f: {  	v12 =	vld [tilespmem:s11+$0x60];
	v4 =	vmul.f32 v8, v4  }
0x150: {  	v13 =	vld [tilespmem:s11+$0x90];
	v6 =	vmul.f32 v6, v11;
	[tilespmem:s11+$0x100] =	vst v3  }
0x151: {  	v3 =	vmul.f32 v5, v8;
	v8 =	vld [tilespmem:s11+$0x70];
	v5 =	vbroadcast v2, $0x2;
	[tilespmem:s11+$0x0] =	vst v4  }
0x152: {  	v4 =	vmul.f32 v7, v11;
	v7 =	vld [tilespmem:s11+$0xA0];
	[tilespmem:s11+$0x20] =	vst v6  }
0x153: {  	v11 =	vbroadcast v2, $0x3;
	[tilespmem:s11+$0x10] =	vst v3;
	v9 =	vmul.f32 v9, v5;
	v3 =	vld [tilespmem:s11+$0xB0]  }
0x154: {  	v14 =	vbroadcast v1, $0x0;
	v6 =	vmul.f32 v10, v5;
	[tilespmem:s11+$0x30] =	vst v4;
	v4 =	vld [tilespmem:s11+$0xC0]  }
0x155: {  	v2 =	vbroadcast v1, $0x1;
	v10 =	vmul.f32 v12, v11;
	v5 =	vld [tilespmem:s11+$0xD0];
	[tilespmem:s11+$0x40] =	vst v9  }
0x156: {  	v1 =	vbroadcast v1, $0x2;
	[tilespmem:s11+$0x50] =	vst v6;
	v6 =	vld [tilespmem:s11+$0xE0];
	v8 =	vmul.f32 v8, v11  }
0x157: {  	s18 =	simm.s32 $0x30F0;
	s16 =	simm.s32 $0x0;
	v9 =	vmul.f32 v14, v13;
	[tilespmem:s11+$0x60] =	vst v10;
	v10 =	vmul.f32 v7, v14;
	v7 =	vld [tilespmem:s11+$0xF0]  }
.LBB2_8:
0x158: {  	v11 =	vld [tilespmem:s18+$0x110];
	s16 =	sadd.s32 $0x2, s16;
	[tilespmem:s11+$0x70] =	vst v8;
	v3 =	vmul.f32 v3, v2  }
0x159: {  	v8 =	vld [tilespmem:s18+$0x80];
	p2 =	slt.u32 s16, $0x4E;
	[tilespmem:s11+$0x90] =	vst v9;
	v2 =	vmul.f32 v4, v2  }
0x15a: {  	v4 =	vld [tilespmem:s18+$0x100];
	[tilespmem:s11+$0xA0] =	vst v10;
	v5 =	vmul.f32 v5, v1  }
0x15b: {  	v9 =	vld [tilespmem:s18+$0x0];
	[tilespmem:s11+$0xB0] =	vst v3;
	v1 =	vmul.f32 v6, v1  }
0x15c: {  	v3 =	vld [tilespmem:s18+$0x10];
	[tilespmem:s11+$0xC0] =	vst v2;
	v2 =	vmul.f32 v7, v0  }
0x15d: {  	v6 =	vld [tilespmem:s18+$0x20];
	v7 =	vbroadcast v11, $0x0;
	v0 =	vbroadcast v11, $0x3;
	[tilespmem:s11+$0xD0] =	vst v5  }
0x15e: {  	v5 =	vbroadcast v8, $0x0;
	v10 =	vbroadcast v8, $0x1;
	v12 =	vld [tilespmem:s18+$0x30];
	[tilespmem:s11+$0xE0] =	vst v1  }
0x15f: {  	v13 =	vbroadcast v8, $0x2;
	v14 =	vld [tilespmem:s18+$0x40];
	v4 =	vmul.f32 v4, v0;
	[tilespmem:s11+$0xF0] =	vst v2;
	s11 =	smov.u32 s18  }
0x160: {  	v8 =	vbroadcast v8, $0x3;
	v2 =	vbroadcast v11, $0x1;
	v15 =	vld [tilespmem:s18+$0x50]  }
0x161: {  	v1 =	vbroadcast v11, $0x2;
	v9 =	vmul.f32 v5, v9;
	v16 =	vld [tilespmem:s18+$0x60];
	[tilespmem:s18+$0x100] =	vst v4  }
0x162: {  	v3 =	vmul.f32 v3, v5;
	v4 =	vmul.f32 v6, v10;
	v5 =	vld [tilespmem:s18+$0x70]  }
0x163: {  	[tilespmem:s18+$0x0] =	vst v9;
	v6 =	vmul.f32 v12, v10;
	v9 =	vld [tilespmem:s18+$0x90]  }
0x164: {  	[tilespmem:s18+$0x10] =	vst v3;
	v10 =	vmul.f32 v14, v13;
	v11 =	vld [tilespmem:s18+$0xA0]  }
.Ltmp3:
0x165: {  	[tilespmem:s18+$0x20] =	vst v4;
	v12 =	vmul.f32 v15, v13;
	v3 =	vld [tilespmem:s18+$0xB0];
	(pc) =	sbr.rel @p2 .LBB2_8-.Ltmp3, $4  }
0x166: {  	[tilespmem:s18+$0x30] =	vst v6;
	v13 =	vmul.f32 v16, v8;
	v4 =	vld [tilespmem:s18+$0xC0]  }
0x167: {  	[tilespmem:s18+$0x40] =	vst v10;
	v8 =	vmul.f32 v5, v8;
	v5 =	vld [tilespmem:s18+$0xD0]  }
0x168: {  	[tilespmem:s18+$0x50] =	vst v12;
	v9 =	vmul.f32 v7, v9;
	v6 =	vld [tilespmem:s18+$0xE0]  }
0x169: {  	s18 =	sadd.s32 $0x120, s18;
	[tilespmem:s11+$0x60] =	vst v13;
	v10 =	vmul.f32 v11, v7;
	v7 =	vld [tilespmem:s11+$0xF0]  }
0x16a: {  	[tilespmem:s11+$0x70] =	vst v8  }
0x16b: {  	v3 =	vmul.f32 v3, v2;
	[tilespmem:s11+$0x90] =	vst v9  }
0x16c: {  	v61 =	vmul.f32 v4, v2;
	[tilespmem:s11+$0xA0] =	vst v10  }
0x16d: {  	v62 =	vmul.f32 v5, v1;
	[tilespmem:s11+$0xB0] =	vst v3  }
0x16e: {  	v63 =	vmul.f32 v6, v1;
	[tilespmem:s11+$0xC0] =	vst v61  }
0x16f: {  	v0 =	vmul.f32 v7, v0;
	[tilespmem:s11+$0xD0] =	vst v62  }
0x170: {  	[tilespmem:s11+$0xE0] =	vst v63  }
0x171: {  	s2 =	simm.s32 $0x230;
	s30 =	simm.s32 $0x2FD0;
	s16 =	simm.s32 $0x0;
	[tilespmem:s11+$0xF0] =	vst v0  }
0x172: {  	[spmem:s3] =	stream.indirect.scatter.add.f32 [tilespmem:s30], [sflag:$0x5], $0x90, s2, s0, $0xb8;
	[tilespmem:$0x1F860] =	vst v63  }
.LBB2_10:
0x173: {  	_ =	swait.ge [sflag:s23], $0x2D00  }
0x174: {  	[sflag:s23] =	ssyncset.done $0x0  }
0x175: {  	[sflag:s23] =	ssyncadd.s32 $0xFFFFD300  }
0x176: {  	_ =	swait.ge [sflag:s23], $0x500  }
0x177: {  	[sflag:s23] =	ssyncset.done $0x0  }
0x178: {  	[sflag:s23] =	ssyncadd.s32 $0xFFFFFB00  }
0x179: {  	v0 =	vld [tilespmem:$0x190]  }
0x17a: {  	v1 =	vld [tilespmem:$0x1A0]  }
0x17b: {  	v2 =	vld [tilespmem:$0x1B0]  }
0x17c: {  	v3 =	vld [tilespmem:$0x1C0]  }
0x17d: {  	v4 =	vld [tilespmem:$0x1D0]  }
0x17e: {  	[tilespmem:$0x280] =	vst v0  }
0x17f: {  	[tilespmem:$0x290] =	vst v1  }
0x180: {  	[tilespmem:$0x2A0] =	vst v2  }
0x181: {  	[tilespmem:$0x2B0] =	vst v3  }
0x182: {  	s21 =	simm.s32 $0x5D50;
	[tilespmem:$0x2C0] =	vst v4  }
0x183: {  	s2 =	simm.s32 $0x9400;
	v0 =	vld [tilespmem:s21+$0x1B0]  }
0x184: {  	v1 =	vld [tilespmem:s2+$0x0]  }
0x185: {  	v2 =	vld [tilespmem:s2+$0xFFFFFFD0]  }
0x186: {  	v3 =	vld [tilespmem:s21+$0x90]  }
0x187: {  	v4 =	vld [tilespmem:s2+$0xFFFFFFE0]  }
0x188: {  	v5 =	vld [tilespmem:s21+$0x120]  }
0x189: {  	s22 =	simm.s32 $0x5F90;
	v6 =	vld [tilespmem:s2+$0xFFFFFFF0]  }
0x18a: {  	s18 =	simm.s32 $0x9440;
	v7 =	vld [tilespmem:s22+$0x1B0]  }
0x18b: {  	v9 =	vld [tilespmem:s18+$0x0];
	v0 =	vadd.f32 v1, v0  }
0x18c: {  	v1 =	vld [tilespmem:s21+$0x0]  }
0x18d: {  	v10 =	vld [tilespmem:s18+$0xFFFFFFE0];
	v8 =	vmul.f32 $2.000000030e-01, v0  }
0x18e: {  	v12 =	vld [tilespmem:s22+$0x0];
	vm0 =	vge.f32 v0, $0.0e+00  }
0x18f: {  	v3 =	vadd.f32 v4, v3;
	v4 =	vld [tilespmem:s18+$0xFFFFFFD0];
	v5 =	vadd.f32 v6, v5;
	v0 =	vsel vm0, v0, v8  }
0x190: {  	v7 =	vadd.f32 v9, v7;
	v8 =	vld [tilespmem:s22+$0x90];
	v0 =	vmul.f32 $1.442695020e+00, v0  }
0x191: {  	v6 =	vmul.f32 $2.000000030e-01, v3;
	v11 =	vmul.f32 $2.000000030e-01, v5;
	v1 =	vadd.f32 v2, v1;
	v2 =	vld [tilespmem:s22+$0x120]  }
0x192: {  	vm1 =	vge.f32 v5, $0.0e+00;
	vm0 =	vge.f32 v3, $0.0e+00;
	(erf) = vpow2.f32 v0;
	v0 =	vld [tilespmem:s18+$0xFFFFFFF0]  }
0x193: {  	s29 =	simm.s32 $0x61D0;
	v5 =	vsel vm1, v5, v11;
	v11 =	vmul.f32 $2.000000030e-01, v7;
	v9 =	vmul.f32 $2.000000030e-01, v1  }
0x194: {  	s19 =	simm.s32 $0x9480;
	v3 =	vsel vm0, v3, v6;
	v6 =	vld [tilespmem:s29+$0x1B0];
	vm0 =	vge.f32 v7, $0.0e+00;
	vm2 =	vge.f32 v1, $0.0e+00  }
0x195: {  	v5 =	vmul.f32 $1.442695020e+00, v5;
	v3 =	vmul.f32 $1.442695020e+00, v3;
	v1 =	vsel vm2, v1, v9;
	v9 =	vld [tilespmem:s19+$0x0]  }
0x196: {  	v4 =	vadd.f32 v4, v12;
	v7 =	vsel vm0, v7, v11;
	v8 =	vadd.f32 v10, v8  }
0x197: {  	v62 =	vld [tilespmem:s29+$0x120];
	(erf) = vpow2.f32 v3;
	v1 =	vmul.f32 $1.442695020e+00, v1;
	v0 =	vadd.f32 v0, v2  }
0x198: {  	v3 =	vld [tilespmem:s29+$0x90];
	vm2 =	vge.f32 v4, $0.0e+00;
	v11 =	vmul.f32 $2.000000030e-01, v8;
	v2 =	vmul.f32 $1.442695020e+00, v7  }
0x199: {  	vm0 =	vge.f32 v8, $0.0e+00;
	v7 =	vld [tilespmem:s19+$0xFFFFFFE0];
	(erf) = vpow2.f32 v1;
	v1 =	vmul.f32 $2.000000030e-01, v0  }
0x19a: {  	v13 =	vld [tilespmem:s29+$0x0];
	(erf) = vpow2.f32 v2;
	v6 =	vadd.f32 v9, v6;
	v9 =	vmul.f32 $2.000000030e-01, v4  }
0x19b: {  	v8 =	vsel vm0, v8, v11;
	vm1 =	vge.f32 v0, $0.0e+00;
	v2 =	vld [tilespmem:s19+$0xFFFFFFF0];
	(erf) = vpow2.f32 v5  }
0x19c: {  	s30 =	simm.s32 $0x6410;
	v10 =	vld [tilespmem:s19+$0xFFFFFFD0];
	v1 =	vsel vm1, v0, v1;
	v0 =	vsel vm2, v4, v9;
	v4 =	vmul.f32 $1.442695020e+00, v8  }
0x19d: {  	s11 =	simm.s32 $0x94C0;
	v5 =	vld [tilespmem:s30+$0x1B0];
	v11 =	vmul.f32 $2.000000030e-01, v6  }
0x19e: {  	v8 =	vld [tilespmem:s11+$0x0];
	vm0 =	vge.f32 v6, $0.0e+00;
	v14 =	vadd.f32 v7, v3;
	v3 =	vmul.f32 $1.442695020e+00, v0  }
0x19f: {  	v0 =	vld [tilespmem:s11+$0xFFFFFFD0];
	v6 =	vsel vm0, v6, v11;
	v11 =	vmul.f32 $1.442695020e+00, v1;
	(erf) = vpow2.f32 v4  }
0x1a0: {  	v1 =	vld [tilespmem:s30+$0x90];
	v15 =	vmul.f32 $2.000000030e-01, v14;
	v12 =	vadd.f32 v2, v62;
	v7 =	vmul.f32 $1.442695020e+00, v6;
	v4 =	vpop (erf)  }
0x1a1: {  	v6 =	vadd.f32 v10, v13;
	vm1 =	vge.f32 v14, $0.0e+00;
	(erf) = vpow2.f32 v3;
	[tilespmem:s21+$0x1B0] =	vst v4;
	v2 =	vpop (erf);
	v4 =	vld [tilespmem:s11+$0xFFFFFFE0]  }
0x1a2: {  	v3 =	vld [tilespmem:s11+$0xFFFFFFF0];
	vm2 =	vge.f32 v12, $0.0e+00;
	v63 =	vmul.f32 $2.000000030e-01, v12;
	(erf) = vpow2.f32 v7;
	[tilespmem:s21+$0x90] =	vst v2;
	v10 =	vpop (erf)  }
0x1a3: {  	v7 =	vadd.f32 v8, v5;
	v9 =	vmul.f32 $2.000000030e-01, v6;
	v2 =	vld [tilespmem:s30+$0x120];
	v16 =	vpop (erf);
	[tilespmem:s21+$0x0] =	vst v10;
	(erf) = vpow2.f32 v11  }
0x1a4: {  	s18 =	simm.s32 $0xC;
	s19 =	simm.s32 $0x6650;
	vm0 =	vge.f32 v6, $0.0e+00;
	v5 =	vld [tilespmem:s30+$0x0];
	v10 =	vsel vm1, v14, v15;
	v8 =	vsel vm2, v12, v63;
	[tilespmem:s22+$0x1B0] =	vst v16  }
.LBB2_11:
0x1a5: {  	v11 =	vld [tilespmem:s19+$0x1B0];
	v12 =	vmul.f32 $2.000000030e-01, v7;
	s11 =	sadd.s32 $0x40, s11;
	v6 =	vsel vm0, v6, v9;
	v9 =	vmul.f32 $1.442695020e+00, v10;
	v10 =	vpop (erf)  }
0x1a6: {  	s18 =	sadd.s32 $0x4, s18;
	vm0 =	vge.f32 v7, $0.0e+00;
	v13 =	vld [tilespmem:s11+$0x0];
	v14 =	vadd.f32 v4, v1;
	v15 =	vmul.f32 $1.442695020e+00, v6;
	[tilespmem:s21+$0x120] =	vst v10;
	s21 =	smov.u32 s22;
	s22 =	smov.u32 s29  }
0x1a7: {  	p2 =	slt.u32 s18, $0x4C;
	s29 =	smov.u32 s30;
	s30 =	smov.u32 s19;
	v16 =	vld [tilespmem:s11+$0xFFFFFFD0];
	v4 =	vsel vm0, v7, v12;
	v12 =	vmul.f32 $1.442695020e+00, v8;
	(erf) = vpow2.f32 v9  }
.Ltmp4:
0x1a8: {  	v1 =	vld [tilespmem:s19+$0x90];
	v8 =	vmul.f32 $2.000000030e-01, v14;
	v17 =	vadd.f32 v3, v2;
	v3 =	vmul.f32 $1.442695020e+00, v4;
	v2 =	vpop (erf);
	(pc) =	sbr.rel @p2 .LBB2_11-.Ltmp4, $4  }
0x1a9: {  	vm1 =	vge.f32 v14, $0.0e+00;
	v4 =	vld [tilespmem:s11+$0xFFFFFFE0];
	v6 =	vadd.f32 v0, v5;
	(erf) = vpow2.f32 v15;
	[tilespmem:s21+$0x90] =	vst v2  }
0x1aa: {  	v2 =	vld [tilespmem:s19+$0x120];
	vm2 =	vge.f32 v17, $0.0e+00;
	v15 =	vmul.f32 $2.000000030e-01, v17;
	(erf) = vpow2.f32 v3;
	v5 =	vpop (erf)  }
0x1ab: {  	v3 =	vld [tilespmem:s11+$0xFFFFFFF0];
	v7 =	vadd.f32 v13, v11;
	vm0 =	vge.f32 v6, $0.0e+00;
	v9 =	vmul.f32 $2.000000030e-01, v6;
	v11 =	vpop (erf);
	[tilespmem:s21+$0x0] =	vst v5  }
0x1ac: {  	s19 =	sadd.s32 $0x240, s19;
	v10 =	vsel vm1, v14, v8;
	v5 =	vld [tilespmem:s30+$0x0];
	v8 =	vsel vm2, v17, v15;
	[tilespmem:s22+$0x1B0] =	vst v11;
	(erf) = vpow2.f32 v12;
	v0 =	vmovc v16  }
0x1ad: {  	_ =	sdelay $0x1  }
0x1ae: {  	v11 =	vmul.f32 $2.000000030e-01, v7;
	v6 =	vsel vm0, v6, v9;
	v9 =	vmul.f32 $1.442695020e+00, v10  }
0x1af: {  	vm14 =	vge.f32 v7, $0.0e+00;
	v1 =	vadd.f32 v4, v1;
	v4 =	vmul.f32 $1.442695020e+00, v6  }
0x1b0: {  	v6 =	vsel vm14, v7, v11;
	v7 =	vmul.f32 $1.442695020e+00, v8;
	v0 =	vadd.f32 v0, v5  }
0x1b1: {  	(erf) = vpow2.f32 v9;
	v2 =	vadd.f32 v3, v2;
	v3 =	vmul.f32 $2.000000030e-01, v1  }
0x1b2: {  	vm15 =	vge.f32 v1, $0.0e+00;
	(erf) = vpow2.f32 v4;
	v4 =	vmul.f32 $2.000000030e-01, v0  }
0x1b3: {  	v5 =	vmul.f32 $1.442695020e+00, v6;
	v1 =	vsel vm15, v1, v3;
	vm2 =	vge.f32 v0, $0.0e+00  }
0x1b4: {  	v6 =	vmul.f32 $2.000000030e-01, v2;
	v1 =	vmul.f32 $1.442695020e+00, v1;
	v0 =	vsel vm2, v0, v4  }
0x1b5: {  	vm1 =	vge.f32 v2, $0.0e+00;
	(erf) = vpow2.f32 v5;
	v0 =	vmul.f32 $1.442695020e+00, v0  }
0x1b6: {  	v2 =	vsel vm1, v2, v6;
	(erf) = vpow2.f32 v7  }
0x1b7: {  	v3 =	vpop (erf);
	v2 =	vmul.f32 $1.442695020e+00, v2;
	(erf) = vpow2.f32 v1  }
0x1b8: {  	[tilespmem:s21+$0x120] =	vst v3;
	v1 =	vpop (erf);
	(erf) = vpow2.f32 v0  }
0x1b9: {  	[tilespmem:s22+$0x90] =	vst v1;
	v0 =	vpop (erf);
	(erf) = vpow2.f32 v2  }
0x1ba: {  	v1 =	vpop (erf);
	[tilespmem:s22+$0x0] =	vst v0  }
0x1bb: {  	v0 =	vpop (erf);
	[tilespmem:s29+$0x1B0] =	vst v1  }
0x1bc: {  	v1 =	vpop (erf);
	[tilespmem:s22+$0x120] =	vst v0  }
0x1bd: {  	[tilespmem:s29+$0x90] =	vst v1;
	v0 =	vpop (erf)  }
0x1be: {  	v1 =	vpop (erf);
	[tilespmem:s29+$0x0] =	vst v0  }
0x1bf: {  	[tilespmem:s30+$0x1B0] =	vst v1;
	v0 =	vpop (erf)  }
0x1c0: {  	[tilespmem:s29+$0x120] =	vst v0;
	v0 =	vpop (erf)  }
0x1c1: {  	[tilespmem:s30+$0x90] =	vst v0;
	v0 =	vpop (erf)  }
0x1c2: {  	[tilespmem:s30+$0x0] =	vst v0;
	v0 =	vpop (erf)  }
0x1c3: {  	[tilespmem:s30+$0x120] =	vst v0  }
0x1c4: {  	_ =	swait.ge [sflag:s28], $0x2D00  }
0x1c5: {  	[sflag:s28] =	ssyncset.done $0x0  }
0x1c6: {  	[sflag:s28] =	ssyncadd.s32 $0xFFFFD300  }
0x1c7: {  	_ =	swait.ge [sflag:s12], $0x50  }
0x1c8: {  	[sflag:s12] =	ssyncset.done $0x0  }
0x1c9: {  	[sflag:s12] =	ssyncadd.s32 $0xFFFFFFB0  }
0x1ca: {  	_ =	swait.ge [sflag:s12], $0x50  }
0x1cb: {  	s2 =	simm.s32 @p0 $0x50;
	[sflag:s12] =	ssyncset.done $0x0  }
0x1cc: {  	s11 =	simm.s32 @p0 $0x2FD0;
	s21 =	smul.u32 $0x3, s16;
	[sflag:s12] =	ssyncadd.s32 $0xFFFFFFB0  }
0x1cd: {  	[tilespmem:s11], [sflag:$0x2] =	stream.indirect.gather @p0 [hbm4b:s17+s2], $0x90, s2, s2, $0xb8;
	[tilespmem:$0x1F860] =	vst v63  }
0x1ce: {  	s19 =	sadd.s32 s21, s24;
	s2 =	simm.s32 @!p0 $0x50;
	s11 =	simm.s32 @!p0 $0x2FD0  }
0x1cf: {  	[tilespmem:s11], [sflag:$0x2] =	stream.indirect.gather @!p0 [hbm4b:s6+s2], $0x90, s2, s2, $0xb8;
	[tilespmem:$0x1F860] =	vst v63  }
0x1d0: {  	s18 =	simm.s32 $0x8ED0;
	s22 =	simm.s32 $0x140;
	s2 =	smul.u32 $0xA, s19  }
0x1d1: {  	[tilespmem:s18], [sflag:$0x2] =	stream.indirect.gather [hbm4b:s13+s0], $0x10, s22, s0, $0xb8;
	[tilespmem:$0x1F860] =	vst v63  }
0x1d2: {  	s30 =	simm.s32 $0xA0;
	s29 =	sadd.s32 s5, s2  }
0x1d3: {  	[tilespmem:s30], [sflag:$0x9] =	stream.linear.gather [hbm4b:s29+s4], $0x50, $0x38;
	[tilespmem:$0x1F860] =	vst v63  }
0x1d4: {  	s11 =	simm.s32 $0x5CD0;
	s2 =	sadd.s32 s1, s2  }
0x1d5: {  	[tilespmem:s9], [sflag:$0x9] =	stream.linear.gather [hbm4b:s2+s4], $0x50, $0x38;
	[tilespmem:$0x1F860] =	vst v63  }
0x1d6: {  	v1 =	vld [tilespmem:s11+$0x110]  }
0x1d7: {  	v2 =	vld [tilespmem:s11+$0x80]  }
0x1d8: {  	v3 =	vld [tilespmem:s11+$0x100]  }
0x1d9: {  	v4 =	vld [tilespmem:s11+$0x0]  }
0x1da: {  	v5 =	vld [tilespmem:s11+$0x10]  }
0x1db: {  	v6 =	vld [tilespmem:s11+$0x20]  }
0x1dc: {  	v7 =	vld [tilespmem:s11+$0x30];
	v0 =	vbroadcast v1, $0x3  }
0x1dd: {  	v9 =	vld [tilespmem:s11+$0x40];
	v8 =	vbroadcast v2, $0x0  }
0x1de: {  	v10 =	vld [tilespmem:s11+$0x50];
	v11 =	vbroadcast v2, $0x1;
	v3 =	vmul.f32 v3, v0  }
0x1df: {  	v12 =	vld [tilespmem:s11+$0x60];
	v4 =	vmul.f32 v8, v4  }
0x1e0: {  	v13 =	vld [tilespmem:s11+$0x90];
	v6 =	vmul.f32 v6, v11;
	[tilespmem:s11+$0x100] =	vst v3  }
0x1e1: {  	v3 =	vmul.f32 v5, v8;
	v8 =	vld [tilespmem:s11+$0x70];
	v5 =	vbroadcast v2, $0x2;
	[tilespmem:s11+$0x0] =	vst v4  }
0x1e2: {  	v4 =	vmul.f32 v7, v11;
	v7 =	vld [tilespmem:s11+$0xA0];
	[tilespmem:s11+$0x20] =	vst v6  }
0x1e3: {  	v11 =	vbroadcast v2, $0x3;
	[tilespmem:s11+$0x10] =	vst v3;
	v9 =	vmul.f32 v9, v5;
	v3 =	vld [tilespmem:s11+$0xB0]  }
0x1e4: {  	v14 =	vbroadcast v1, $0x0;
	v6 =	vmul.f32 v10, v5;
	[tilespmem:s11+$0x30] =	vst v4;
	v4 =	vld [tilespmem:s11+$0xC0]  }
0x1e5: {  	v2 =	vbroadcast v1, $0x1;
	v10 =	vmul.f32 v12, v11;
	v5 =	vld [tilespmem:s11+$0xD0];
	[tilespmem:s11+$0x40] =	vst v9  }
0x1e6: {  	v1 =	vbroadcast v1, $0x2;
	[tilespmem:s11+$0x50] =	vst v6;
	v6 =	vld [tilespmem:s11+$0xE0];
	v8 =	vmul.f32 v8, v11  }
0x1e7: {  	s18 =	simm.s32 $0x0;
	s22 =	simm.s32 $0x5DF0;
	v9 =	vmul.f32 v14, v13;
	[tilespmem:s11+$0x60] =	vst v10;
	v10 =	vmul.f32 v7, v14;
	v7 =	vld [tilespmem:s11+$0xF0]  }
.LBB2_13:
0x1e8: {  	v11 =	vld [tilespmem:s22+$0x110];
	s18 =	sadd.s32 $0x2, s18;
	[tilespmem:s11+$0x70] =	vst v8;
	v3 =	vmul.f32 v3, v2  }
0x1e9: {  	v8 =	vld [tilespmem:s22+$0x80];
	p2 =	slt.u32 s18, $0x4E;
	[tilespmem:s11+$0x90] =	vst v9;
	v2 =	vmul.f32 v4, v2  }
0x1ea: {  	v4 =	vld [tilespmem:s22+$0x100];
	[tilespmem:s11+$0xA0] =	vst v10;
	v5 =	vmul.f32 v5, v1  }
0x1eb: {  	v9 =	vld [tilespmem:s22+$0x0];
	[tilespmem:s11+$0xB0] =	vst v3;
	v1 =	vmul.f32 v6, v1  }
0x1ec: {  	v3 =	vld [tilespmem:s22+$0x10];
	[tilespmem:s11+$0xC0] =	vst v2;
	v2 =	vmul.f32 v7, v0  }
0x1ed: {  	v6 =	vld [tilespmem:s22+$0x20];
	v7 =	vbroadcast v11, $0x0;
	v0 =	vbroadcast v11, $0x3;
	[tilespmem:s11+$0xD0] =	vst v5  }
0x1ee: {  	v5 =	vbroadcast v8, $0x0;
	v10 =	vbroadcast v8, $0x1;
	v12 =	vld [tilespmem:s22+$0x30];
	[tilespmem:s11+$0xE0] =	vst v1  }
0x1ef: {  	v13 =	vbroadcast v8, $0x2;
	v14 =	vld [tilespmem:s22+$0x40];
	v4 =	vmul.f32 v4, v0;
	[tilespmem:s11+$0xF0] =	vst v2;
	s11 =	smov.u32 s22  }
0x1f0: {  	v8 =	vbroadcast v8, $0x3;
	v2 =	vbroadcast v11, $0x1;
	v15 =	vld [tilespmem:s22+$0x50]  }
0x1f1: {  	v1 =	vbroadcast v11, $0x2;
	v9 =	vmul.f32 v5, v9;
	v16 =	vld [tilespmem:s22+$0x60];
	[tilespmem:s22+$0x100] =	vst v4  }
0x1f2: {  	v3 =	vmul.f32 v3, v5;
	v4 =	vmul.f32 v6, v10;
	v5 =	vld [tilespmem:s22+$0x70]  }
0x1f3: {  	[tilespmem:s22+$0x0] =	vst v9;
	v6 =	vmul.f32 v12, v10;
	v9 =	vld [tilespmem:s22+$0x90]  }
0x1f4: {  	[tilespmem:s22+$0x10] =	vst v3;
	v10 =	vmul.f32 v14, v13;
	v11 =	vld [tilespmem:s22+$0xA0]  }
.Ltmp5:
0x1f5: {  	[tilespmem:s22+$0x20] =	vst v4;
	v12 =	vmul.f32 v15, v13;
	v3 =	vld [tilespmem:s22+$0xB0];
	(pc) =	sbr.rel @p2 .LBB2_13-.Ltmp5, $4  }
0x1f6: {  	[tilespmem:s22+$0x30] =	vst v6;
	v13 =	vmul.f32 v16, v8;
	v4 =	vld [tilespmem:s22+$0xC0]  }
0x1f7: {  	[tilespmem:s22+$0x40] =	vst v10;
	v8 =	vmul.f32 v5, v8;
	v5 =	vld [tilespmem:s22+$0xD0]  }
0x1f8: {  	[tilespmem:s22+$0x50] =	vst v12;
	v9 =	vmul.f32 v7, v9;
	v6 =	vld [tilespmem:s22+$0xE0]  }
0x1f9: {  	s22 =	sadd.s32 $0x120, s22;
	[tilespmem:s11+$0x60] =	vst v13;
	v10 =	vmul.f32 v11, v7;
	v7 =	vld [tilespmem:s11+$0xF0]  }
0x1fa: {  	[tilespmem:s11+$0x70] =	vst v8  }
0x1fb: {  	v3 =	vmul.f32 v3, v2;
	[tilespmem:s11+$0x90] =	vst v9  }
0x1fc: {  	v2 =	vmul.f32 v4, v2;
	[tilespmem:s11+$0xA0] =	vst v10  }
0x1fd: {  	v4 =	vmul.f32 v5, v1;
	[tilespmem:s11+$0xB0] =	vst v3  }
0x1fe: {  	v1 =	vmul.f32 v6, v1;
	[tilespmem:s11+$0xC0] =	vst v2  }
0x1ff: {  	v0 =	vmul.f32 v7, v0;
	[tilespmem:s11+$0xD0] =	vst v4  }
0x200: {  	[tilespmem:s11+$0xE0] =	vst v1  }
0x201: {  	s2 =	simm.s32 $0x280;
	s22 =	simm.s32 $0x5CD0;
	[tilespmem:s11+$0xF0] =	vst v0  }
0x202: {  	[spmem:s3] =	stream.indirect.scatter.add.f32 [tilespmem:s22], [sflag:$0x6], $0x90, s2, s0, $0xb8;
	[tilespmem:$0x1F860] =	vst v63  }
0x203: {  	_ =	swait.ge [sflag:s14], $0x2D00  }
0x204: {  	[sflag:s14] =	ssyncset.done $0x0  }
0x205: {  	[sflag:s14] =	ssyncadd.s32 $0xFFFFD300  }
0x206: {  	_ =	swait.ge [sflag:s14], $0x500  }
0x207: {  	[sflag:s14] =	ssyncset.done $0x0  }
0x208: {  	[sflag:s14] =	ssyncadd.s32 $0xFFFFFB00  }
0x209: {  	v0 =	vld [tilespmem:$0xF0]  }
0x20a: {  	v1 =	vld [tilespmem:$0x100]  }
0x20b: {  	v2 =	vld [tilespmem:$0x110]  }
0x20c: {  	v3 =	vld [tilespmem:$0x120]  }
0x20d: {  	v4 =	vld [tilespmem:$0x130]  }
0x20e: {  	[tilespmem:$0x1E0] =	vst v0  }
0x20f: {  	[tilespmem:$0x1F0] =	vst v1  }
0x210: {  	[tilespmem:$0x200] =	vst v2  }
0x211: {  	[tilespmem:$0x210] =	vst v3  }
0x212: {  	s22 =	simm.s32 $0x470;
	[tilespmem:$0x220] =	vst v4  }
0x213: {  	s11 =	simm.s32 $0x89F0;
	v0 =	vld [tilespmem:s22+$0x90]  }
0x214: {  	v1 =	vld [tilespmem:s11+$0x10]  }
0x215: {  	v2 =	vld [tilespmem:s11+$0xFFFFFFE0]  }
0x216: {  	v3 =	vld [tilespmem:s22+$0xFFFFFF70]  }
0x217: {  	v4 =	vld [tilespmem:s11+$0xFFFFFFF0]  }
0x218: {  	v5 =	vld [tilespmem:s22+$0x0]  }
0x219: {  	s29 =	simm.s32 $0x6B0;
	v6 =	vld [tilespmem:s11+$0x0]  }
0x21a: {  	s18 =	simm.s32 $0x8A30;
	v7 =	vld [tilespmem:s29+$0x90]  }
0x21b: {  	v9 =	vld [tilespmem:s18+$0x10];
	v0 =	vadd.f32 v1, v0  }
0x21c: {  	v1 =	vld [tilespmem:s22+$0xFFFFFEE0]  }
0x21d: {  	v10 =	vld [tilespmem:s18+$0xFFFFFFF0];
	v8 =	vmul.f32 $2.000000030e-01, v0  }
0x21e: {  	v12 =	vld [tilespmem:s29+$0xFFFFFEE0];
	vm0 =	vge.f32 v0, $0.0e+00  }
0x21f: {  	v3 =	vadd.f32 v4, v3;
	v4 =	vld [tilespmem:s18+$0xFFFFFFE0];
	v5 =	vadd.f32 v6, v5;
	v0 =	vsel vm0, v0, v8  }
0x220: {  	v7 =	vadd.f32 v9, v7;
	v8 =	vld [tilespmem:s29+$0xFFFFFF70];
	v0 =	vmul.f32 $1.442695020e+00, v0  }
0x221: {  	v6 =	vmul.f32 $2.000000030e-01, v3;
	v11 =	vmul.f32 $2.000000030e-01, v5;
	v1 =	vadd.f32 v2, v1;
	v2 =	vld [tilespmem:s29+$0x0]  }
0x222: {  	vm1 =	vge.f32 v5, $0.0e+00;
	vm0 =	vge.f32 v3, $0.0e+00;
	(erf) = vpow2.f32 v0;
	v0 =	vld [tilespmem:s18+$0x0]  }
0x223: {  	s30 =	simm.s32 $0x8F0;
	v5 =	vsel vm1, v5, v11;
	v11 =	vmul.f32 $2.000000030e-01, v7;
	v9 =	vmul.f32 $2.000000030e-01, v1  }
0x224: {  	s19 =	simm.s32 $0x8A70;
	v3 =	vsel vm0, v3, v6;
	v6 =	vld [tilespmem:s30+$0x90];
	vm0 =	vge.f32 v7, $0.0e+00;
	vm2 =	vge.f32 v1, $0.0e+00  }
0x225: {  	v5 =	vmul.f32 $1.442695020e+00, v5;
	v3 =	vmul.f32 $1.442695020e+00, v3;
	v1 =	vsel vm2, v1, v9;
	v9 =	vld [tilespmem:s19+$0x10]  }
0x226: {  	v4 =	vadd.f32 v4, v12;
	v7 =	vsel vm0, v7, v11;
	v8 =	vadd.f32 v10, v8  }
0x227: {  	v62 =	vld [tilespmem:s30+$0x0];
	(erf) = vpow2.f32 v3;
	v1 =	vmul.f32 $1.442695020e+00, v1;
	v0 =	vadd.f32 v0, v2  }
0x228: {  	v3 =	vld [tilespmem:s30+$0xFFFFFF70];
	vm2 =	vge.f32 v4, $0.0e+00;
	v11 =	vmul.f32 $2.000000030e-01, v8;
	v2 =	vmul.f32 $1.442695020e+00, v7  }
0x229: {  	vm0 =	vge.f32 v8, $0.0e+00;
	v7 =	vld [tilespmem:s19+$0xFFFFFFF0];
	(erf) = vpow2.f32 v1;
	v1 =	vmul.f32 $2.000000030e-01, v0  }
0x22a: {  	v13 =	vld [tilespmem:s30+$0xFFFFFEE0];
	(erf) = vpow2.f32 v2;
	v6 =	vadd.f32 v9, v6;
	v9 =	vmul.f32 $2.000000030e-01, v4  }
0x22b: {  	v8 =	vsel vm0, v8, v11;
	vm1 =	vge.f32 v0, $0.0e+00;
	v2 =	vld [tilespmem:s19+$0x0];
	(erf) = vpow2.f32 v5  }
0x22c: {  	s11 =	simm.s32 $0xB30;
	v10 =	vld [tilespmem:s19+$0xFFFFFFE0];
	v1 =	vsel vm1, v0, v1;
	v0 =	vsel vm2, v4, v9;
	v4 =	vmul.f32 $1.442695020e+00, v8  }
0x22d: {  	s18 =	simm.s32 $0x8AB0;
	v5 =	vld [tilespmem:s11+$0x90];
	v11 =	vmul.f32 $2.000000030e-01, v6  }
0x22e: {  	v8 =	vld [tilespmem:s18+$0x10];
	vm0 =	vge.f32 v6, $0.0e+00;
	v14 =	vadd.f32 v7, v3;
	v3 =	vmul.f32 $1.442695020e+00, v0  }
0x22f: {  	v0 =	vld [tilespmem:s18+$0xFFFFFFE0];
	v6 =	vsel vm0, v6, v11;
	v11 =	vmul.f32 $1.442695020e+00, v1;
	(erf) = vpow2.f32 v4  }
0x230: {  	v1 =	vld [tilespmem:s11+$0xFFFFFF70];
	v15 =	vmul.f32 $2.000000030e-01, v14;
	v12 =	vadd.f32 v2, v62;
	v7 =	vmul.f32 $1.442695020e+00, v6;
	v4 =	vpop (erf)  }
0x231: {  	v6 =	vadd.f32 v10, v13;
	vm1 =	vge.f32 v14, $0.0e+00;
	(erf) = vpow2.f32 v3;
	[tilespmem:s22+$0x90] =	vst v4;
	v2 =	vpop (erf);
	v4 =	vld [tilespmem:s18+$0xFFFFFFF0]  }
0x232: {  	v3 =	vld [tilespmem:s18+$0x0];
	vm2 =	vge.f32 v12, $0.0e+00;
	v63 =	vmul.f32 $2.000000030e-01, v12;
	(erf) = vpow2.f32 v7;
	[tilespmem:s22+$0xFFFFFF70] =	vst v2;
	v10 =	vpop (erf)  }
0x233: {  	v7 =	vadd.f32 v8, v5;
	v9 =	vmul.f32 $2.000000030e-01, v6;
	v2 =	vld [tilespmem:s11+$0x0];
	v16 =	vpop (erf);
	[tilespmem:s22+$0xFFFFFEE0] =	vst v10;
	(erf) = vpow2.f32 v11  }
0x234: {  	s2 =	simm.s32 $0xD70;
	s19 =	simm.s32 $0xC;
	vm0 =	vge.f32 v6, $0.0e+00;
	v5 =	vld [tilespmem:s11+$0xFFFFFEE0];
	v10 =	vsel vm1, v14, v15;
	v8 =	vsel vm2, v12, v63;
	[tilespmem:s29+$0x90] =	vst v16  }
.LBB2_15:
0x235: {  	v11 =	vld [tilespmem:s2+$0x90];
	v12 =	vmul.f32 $2.000000030e-01, v7;
	s18 =	sadd.s32 $0x40, s18;
	v6 =	vsel vm0, v6, v9;
	v9 =	vmul.f32 $1.442695020e+00, v10;
	v10 =	vpop (erf)  }
0x236: {  	s19 =	sadd.s32 $0x4, s19;
	vm0 =	vge.f32 v7, $0.0e+00;
	v13 =	vld [tilespmem:s18+$0x10];
	v14 =	vadd.f32 v4, v1;
	v15 =	vmul.f32 $1.442695020e+00, v6;
	[tilespmem:s22+$0x0] =	vst v10;
	s22 =	smov.u32 s29;
	s29 =	smov.u32 s30  }
0x237: {  	p2 =	slt.u32 s19, $0x4C;
	s30 =	smov.u32 s11;
	s11 =	smov.u32 s2;
	v16 =	vld [tilespmem:s18+$0xFFFFFFE0];
	v4 =	vsel vm0, v7, v12;
	v12 =	vmul.f32 $1.442695020e+00, v8;
	(erf) = vpow2.f32 v9  }
.Ltmp6:
0x238: {  	v1 =	vld [tilespmem:s2+$0xFFFFFF70];
	v8 =	vmul.f32 $2.000000030e-01, v14;
	v17 =	vadd.f32 v3, v2;
	v3 =	vmul.f32 $1.442695020e+00, v4;
	v2 =	vpop (erf);
	(pc) =	sbr.rel @p2 .LBB2_15-.Ltmp6, $4  }
0x239: {  	vm1 =	vge.f32 v14, $0.0e+00;
	v4 =	vld [tilespmem:s18+$0xFFFFFFF0];
	v6 =	vadd.f32 v0, v5;
	(erf) = vpow2.f32 v15;
	[tilespmem:s22+$0xFFFFFF70] =	vst v2  }
0x23a: {  	v2 =	vld [tilespmem:s2+$0x0];
	vm2 =	vge.f32 v17, $0.0e+00;
	v15 =	vmul.f32 $2.000000030e-01, v17;
	(erf) = vpow2.f32 v3;
	v5 =	vpop (erf)  }
0x23b: {  	v3 =	vld [tilespmem:s18+$0x0];
	v7 =	vadd.f32 v13, v11;
	vm0 =	vge.f32 v6, $0.0e+00;
	v9 =	vmul.f32 $2.000000030e-01, v6;
	v11 =	vpop (erf);
	[tilespmem:s22+$0xFFFFFEE0] =	vst v5  }
0x23c: {  	s2 =	sadd.s32 $0x240, s2;
	v10 =	vsel vm1, v14, v8;
	v5 =	vld [tilespmem:s11+$0xFFFFFEE0];
	v8 =	vsel vm2, v17, v15;
	[tilespmem:s29+$0x90] =	vst v11;
	(erf) = vpow2.f32 v12;
	v0 =	vmovc v16  }
0x23d: {  	_ =	sdelay $0x1  }
0x23e: {  	v11 =	vmul.f32 $2.000000030e-01, v7;
	v6 =	vsel vm0, v6, v9;
	v9 =	vmul.f32 $1.442695020e+00, v10  }
0x23f: {  	vm14 =	vge.f32 v7, $0.0e+00;
	v1 =	vadd.f32 v4, v1;
	v4 =	vmul.f32 $1.442695020e+00, v6  }
0x240: {  	v6 =	vsel vm14, v7, v11;
	v7 =	vmul.f32 $1.442695020e+00, v8;
	v0 =	vadd.f32 v0, v5  }
0x241: {  	(erf) = vpow2.f32 v9;
	v2 =	vadd.f32 v3, v2;
	v3 =	vmul.f32 $2.000000030e-01, v1  }
0x242: {  	vm15 =	vge.f32 v1, $0.0e+00;
	(erf) = vpow2.f32 v4;
	v4 =	vmul.f32 $2.000000030e-01, v0  }
0x243: {  	v5 =	vmul.f32 $1.442695020e+00, v6;
	v1 =	vsel vm15, v1, v3;
	vm2 =	vge.f32 v0, $0.0e+00  }
0x244: {  	v6 =	vmul.f32 $2.000000030e-01, v2;
	v1 =	vmul.f32 $1.442695020e+00, v1;
	v0 =	vsel vm2, v0, v4  }
0x245: {  	vm1 =	vge.f32 v2, $0.0e+00;
	(erf) = vpow2.f32 v5;
	v0 =	vmul.f32 $1.442695020e+00, v0  }
0x246: {  	v2 =	vsel vm1, v2, v6;
	(erf) = vpow2.f32 v7  }
0x247: {  	v3 =	vpop (erf);
	v2 =	vmul.f32 $1.442695020e+00, v2;
	(erf) = vpow2.f32 v1  }
0x248: {  	[tilespmem:s22+$0x0] =	vst v3;
	v1 =	vpop (erf);
	(erf) = vpow2.f32 v0  }
0x249: {  	[tilespmem:s29+$0xFFFFFF70] =	vst v1;
	v0 =	vpop (erf);
	(erf) = vpow2.f32 v2  }
0x24a: {  	v1 =	vpop (erf);
	[tilespmem:s29+$0xFFFFFEE0] =	vst v0  }
0x24b: {  	v0 =	vpop (erf);
	[tilespmem:s30+$0x90] =	vst v1  }
0x24c: {  	v1 =	vpop (erf);
	[tilespmem:s29+$0x0] =	vst v0  }
0x24d: {  	[tilespmem:s30+$0xFFFFFF70] =	vst v1;
	v0 =	vpop (erf)  }
0x24e: {  	v1 =	vpop (erf);
	[tilespmem:s30+$0xFFFFFEE0] =	vst v0  }
0x24f: {  	[tilespmem:s11+$0x90] =	vst v1;
	v0 =	vpop (erf)  }
0x250: {  	[tilespmem:s30+$0x0] =	vst v0;
	v0 =	vpop (erf)  }
0x251: {  	[tilespmem:s11+$0xFFFFFF70] =	vst v0;
	v0 =	vpop (erf)  }
0x252: {  	[tilespmem:s11+$0xFFFFFEE0] =	vst v0;
	v0 =	vpop (erf)  }
0x253: {  	[tilespmem:s11+$0x0] =	vst v0  }
0x254: {  	_ =	swait.ge [sflag:s8], $0x2D00  }
0x255: {  	[sflag:s8] =	ssyncset.done $0x0  }
0x256: {  	[sflag:s8] =	ssyncadd.s32 $0xFFFFD300  }
0x257: {  	_ =	swait.ge [sflag:s15], $0x50  }
0x258: {  	[sflag:s15] =	ssyncset.done $0x0  }
0x259: {  	[sflag:s15] =	ssyncadd.s32 $0xFFFFFFB0  }
0x25a: {  	_ =	swait.ge [sflag:s15], $0x50  }
0x25b: {  	s2 =	simm.s32 @p0 $0x50;
	s18 =	simm.s32 @p0 $0x5CD0;
	[sflag:s15] =	ssyncset.done $0x0  }
0x25c: {  	s22 =	sadd.s32 s21, s25;
	s11 =	simm.s32 @p0 $0xA0;
	[sflag:s15] =	ssyncadd.s32 $0xFFFFFFB0  }
0x25d: {  	[tilespmem:s18], [sflag:$0x3] =	stream.indirect.gather @p0 [hbm4b:s17+s2], $0x90, s11, s2, $0xb8;
	[tilespmem:$0x1F860] =	vst v63  }
0x25e: {  	s2 =	simm.s32 @!p0 $0x50;
	s11 =	simm.s32 @!p0 $0xA0;
	s18 =	simm.s32 @!p0 $0x5CD0  }
0x25f: {  	[tilespmem:s18], [sflag:$0x3] =	stream.indirect.gather @!p0 [hbm4b:s6+s2], $0x90, s11, s2, $0xb8;
	[tilespmem:$0x1F860] =	vst v63  }
0x260: {  	s29 =	simm.s32 $0x93D0;
	s2 =	smul.u32 $0xA, s22  }
0x261: {  	[tilespmem:s29], [sflag:$0x3] =	stream.indirect.gather [hbm4b:s13+s0], $0x10, s9, s0, $0xb8;
	[tilespmem:$0x1F860] =	vst v63  }
0x262: {  	s30 =	sadd.s32 s5, s2  }
0x263: {  	[tilespmem:s4], [sflag:$0x7] =	stream.linear.gather [hbm4b:s30+s4], $0x50, $0x38;
	[tilespmem:$0x1F860] =	vst v63  }
0x264: {  	s11 =	simm.s32 $0x360;
	s2 =	sadd.s32 s1, s2  }
0x265: {  	[tilespmem:s31], [sflag:$0x7] =	stream.linear.gather [hbm4b:s2+s4], $0x50, $0x38;
	[tilespmem:$0x1F860] =	vst v63  }
0x266: {  	v1 =	vld [tilespmem:s11+$0x80]  }
0x267: {  	v2 =	vld [tilespmem:s11+$0xFFFFFFF0]  }
0x268: {  	v3 =	vld [tilespmem:s11+$0x70]  }
0x269: {  	v4 =	vld [tilespmem:s11+$0xFFFFFF70]  }
0x26a: {  	v5 =	vld [tilespmem:s11+$0xFFFFFF80]  }
0x26b: {  	v6 =	vld [tilespmem:s11+$0xFFFFFF90]  }
0x26c: {  	v7 =	vld [tilespmem:s11+$0xFFFFFFA0];
	v0 =	vbroadcast v1, $0x3  }
0x26d: {  	v9 =	vld [tilespmem:s11+$0xFFFFFFB0];
	v8 =	vbroadcast v2, $0x0  }
0x26e: {  	v10 =	vld [tilespmem:s11+$0xFFFFFFC0];
	v11 =	vbroadcast v2, $0x1;
	v3 =	vmul.f32 v3, v0  }
0x26f: {  	v12 =	vld [tilespmem:s11+$0xFFFFFFD0];
	v4 =	vmul.f32 v8, v4  }
0x270: {  	v13 =	vld [tilespmem:s11+$0x0];
	v6 =	vmul.f32 v6, v11;
	[tilespmem:s11+$0x70] =	vst v3  }
0x271: {  	v3 =	vmul.f32 v5, v8;
	v8 =	vld [tilespmem:s11+$0xFFFFFFE0];
	v5 =	vbroadcast v2, $0x2;
	[tilespmem:s11+$0xFFFFFF70] =	vst v4  }
0x272: {  	v4 =	vmul.f32 v7, v11;
	v7 =	vld [tilespmem:s11+$0x10];
	[tilespmem:s11+$0xFFFFFF90] =	vst v6  }
0x273: {  	v11 =	vbroadcast v2, $0x3;
	[tilespmem:s11+$0xFFFFFF80] =	vst v3;
	v9 =	vmul.f32 v9, v5;
	v3 =	vld [tilespmem:s11+$0x20]  }
0x274: {  	v14 =	vbroadcast v1, $0x0;
	v6 =	vmul.f32 v10, v5;
	[tilespmem:s11+$0xFFFFFFA0] =	vst v4;
	v4 =	vld [tilespmem:s11+$0x30]  }
0x275: {  	v2 =	vbroadcast v1, $0x1;
	v10 =	vmul.f32 v12, v11;
	v5 =	vld [tilespmem:s11+$0x40];
	[tilespmem:s11+$0xFFFFFFB0] =	vst v9  }
0x276: {  	v1 =	vbroadcast v1, $0x2;
	[tilespmem:s11+$0xFFFFFFC0] =	vst v6;
	v6 =	vld [tilespmem:s11+$0x50];
	v8 =	vmul.f32 v8, v11  }
0x277: {  	s18 =	simm.s32 $0x0;
	s22 =	simm.s32 $0x480;
	v9 =	vmul.f32 v14, v13;
	[tilespmem:s11+$0xFFFFFFD0] =	vst v10;
	v10 =	vmul.f32 v7, v14;
	v7 =	vld [tilespmem:s11+$0x60]  }
.LBB2_17:
0x278: {  	v11 =	vld [tilespmem:s22+$0x80];
	s18 =	sadd.s32 $0x2, s18;
	[tilespmem:s11+$0xFFFFFFE0] =	vst v8;
	v3 =	vmul.f32 v3, v2  }
0x279: {  	v8 =	vld [tilespmem:s22+$0xFFFFFFF0];
	p2 =	slt.u32 s18, $0x4E;
	[tilespmem:s11+$0x0] =	vst v9;
	v2 =	vmul.f32 v4, v2  }
0x27a: {  	v4 =	vld [tilespmem:s22+$0x70];
	[tilespmem:s11+$0x10] =	vst v10;
	v5 =	vmul.f32 v5, v1  }
0x27b: {  	v9 =	vld [tilespmem:s22+$0xFFFFFF70];
	[tilespmem:s11+$0x20] =	vst v3;
	v1 =	vmul.f32 v6, v1  }
0x27c: {  	v3 =	vld [tilespmem:s22+$0xFFFFFF80];
	[tilespmem:s11+$0x30] =	vst v2;
	v2 =	vmul.f32 v7, v0  }
0x27d: {  	v6 =	vld [tilespmem:s22+$0xFFFFFF90];
	v7 =	vbroadcast v11, $0x0;
	v0 =	vbroadcast v11, $0x3;
	[tilespmem:s11+$0x40] =	vst v5  }
0x27e: {  	v5 =	vbroadcast v8, $0x0;
	v10 =	vbroadcast v8, $0x1;
	v12 =	vld [tilespmem:s22+$0xFFFFFFA0];
	[tilespmem:s11+$0x50] =	vst v1  }
0x27f: {  	v13 =	vbroadcast v8, $0x2;
	v14 =	vld [tilespmem:s22+$0xFFFFFFB0];
	v4 =	vmul.f32 v4, v0;
	[tilespmem:s11+$0x60] =	vst v2;
	s11 =	smov.u32 s22  }
0x280: {  	v8 =	vbroadcast v8, $0x3;
	v2 =	vbroadcast v11, $0x1;
	v15 =	vld [tilespmem:s22+$0xFFFFFFC0]  }
0x281: {  	v1 =	vbroadcast v11, $0x2;
	v9 =	vmul.f32 v5, v9;
	v16 =	vld [tilespmem:s22+$0xFFFFFFD0];
	[tilespmem:s22+$0x70] =	vst v4  }
0x282: {  	v3 =	vmul.f32 v3, v5;
	v4 =	vmul.f32 v6, v10;
	v5 =	vld [tilespmem:s22+$0xFFFFFFE0]  }
0x283: {  	[tilespmem:s22+$0xFFFFFF70] =	vst v9;
	v6 =	vmul.f32 v12, v10;
	v9 =	vld [tilespmem:s22+$0x0]  }
0x284: {  	[tilespmem:s22+$0xFFFFFF80] =	vst v3;
	v10 =	vmul.f32 v14, v13;
	v11 =	vld [tilespmem:s22+$0x10]  }
.Ltmp7:
0x285: {  	[tilespmem:s22+$0xFFFFFF90] =	vst v4;
	v12 =	vmul.f32 v15, v13;
	v3 =	vld [tilespmem:s22+$0x20];
	(pc) =	sbr.rel @p2 .LBB2_17-.Ltmp7, $4  }
0x286: {  	[tilespmem:s22+$0xFFFFFFA0] =	vst v6;
	v13 =	vmul.f32 v16, v8;
	v4 =	vld [tilespmem:s22+$0x30]  }
0x287: {  	[tilespmem:s22+$0xFFFFFFB0] =	vst v10;
	v8 =	vmul.f32 v5, v8;
	v5 =	vld [tilespmem:s22+$0x40]  }
0x288: {  	[tilespmem:s22+$0xFFFFFFC0] =	vst v12;
	v9 =	vmul.f32 v7, v9;
	v6 =	vld [tilespmem:s22+$0x50]  }
0x289: {  	s22 =	sadd.s32 $0x120, s22;
	[tilespmem:s11+$0xFFFFFFD0] =	vst v13;
	v10 =	vmul.f32 v11, v7;
	v7 =	vld [tilespmem:s11+$0x60]  }
0x28a: {  	[tilespmem:s11+$0xFFFFFFE0] =	vst v8  }
0x28b: {  	v3 =	vmul.f32 v3, v2;
	[tilespmem:s11+$0x0] =	vst v9  }
0x28c: {  	v2 =	vmul.f32 v4, v2;
	[tilespmem:s11+$0x10] =	vst v10  }
0x28d: {  	v4 =	vmul.f32 v5, v1;
	[tilespmem:s11+$0x20] =	vst v3  }
0x28e: {  	v1 =	vmul.f32 v6, v1;
	[tilespmem:s11+$0x30] =	vst v2  }
0x28f: {  	v0 =	vmul.f32 v7, v0;
	[tilespmem:s11+$0x40] =	vst v4  }
0x290: {  	[tilespmem:s11+$0x50] =	vst v1  }
0x291: {  	s2 =	simm.s32 $0x1E0;
	s22 =	simm.s32 $0x2D0;
	[tilespmem:s11+$0x60] =	vst v0  }
0x292: {  	[spmem:s3] =	stream.indirect.scatter.add.f32 [tilespmem:s22], [sflag:$0x4], $0x90, s2, s0, $0xb8;
	[tilespmem:$0x1F860] =	vst v63  }
0x293: {  	_ =	swait.ge [sflag:s20], $0x2D00  }
0x294: {  	[sflag:s20] =	ssyncset.done $0x0  }
0x295: {  	[sflag:s20] =	ssyncadd.s32 $0xFFFFD300  }
0x296: {  	_ =	swait.ge [sflag:s20], $0x500  }
0x297: {  	[sflag:s20] =	ssyncset.done $0x0  }
0x298: {  	[sflag:s20] =	ssyncadd.s32 $0xFFFFFB00  }
0x299: {  	v0 =	vld [tilespmem:$0x140]  }
0x29a: {  	v1 =	vld [tilespmem:$0x150]  }
0x29b: {  	v2 =	vld [tilespmem:$0x160]  }
0x29c: {  	v3 =	vld [tilespmem:$0x170]  }
0x29d: {  	v4 =	vld [tilespmem:$0x180]  }
0x29e: {  	[tilespmem:$0x230] =	vst v0  }
0x29f: {  	[tilespmem:$0x240] =	vst v1  }
0x2a0: {  	[tilespmem:$0x250] =	vst v2  }
0x2a1: {  	[tilespmem:$0x260] =	vst v3  }
0x2a2: {  	s22 =	simm.s32 $0x3200;
	[tilespmem:$0x270] =	vst v4  }
0x2a3: {  	s11 =	simm.s32 $0x8F00;
	v0 =	vld [tilespmem:s22+$0x0]  }
0x2a4: {  	v1 =	vld [tilespmem:s11+$0x0]  }
0x2a5: {  	v2 =	vld [tilespmem:s11+$0xFFFFFFD0]  }
0x2a6: {  	v3 =	vld [tilespmem:s22+$0xFFFFFEE0]  }
0x2a7: {  	v4 =	vld [tilespmem:s11+$0xFFFFFFE0]  }
0x2a8: {  	v5 =	vld [tilespmem:s22+$0xFFFFFF70]  }
0x2a9: {  	s29 =	simm.s32 $0x3440;
	v6 =	vld [tilespmem:s11+$0xFFFFFFF0]  }
0x2aa: {  	s18 =	simm.s32 $0x8F40;
	v7 =	vld [tilespmem:s29+$0x0]  }
0x2ab: {  	v9 =	vld [tilespmem:s18+$0x0];
	v0 =	vadd.f32 v1, v0  }
0x2ac: {  	v1 =	vld [tilespmem:s22+$0xFFFFFE50]  }
0x2ad: {  	v10 =	vld [tilespmem:s18+$0xFFFFFFE0];
	v8 =	vmul.f32 $2.000000030e-01, v0  }
0x2ae: {  	v12 =	vld [tilespmem:s29+$0xFFFFFE50];
	vm0 =	vge.f32 v0, $0.0e+00  }
0x2af: {  	v3 =	vadd.f32 v4, v3;
	v4 =	vld [tilespmem:s18+$0xFFFFFFD0];
	v5 =	vadd.f32 v6, v5;
	v0 =	vsel vm0, v0, v8  }
0x2b0: {  	v7 =	vadd.f32 v9, v7;
	v8 =	vld [tilespmem:s29+$0xFFFFFEE0];
	v0 =	vmul.f32 $1.442695020e+00, v0  }
0x2b1: {  	v6 =	vmul.f32 $2.000000030e-01, v3;
	v11 =	vmul.f32 $2.000000030e-01, v5;
	v1 =	vadd.f32 v2, v1;
	v2 =	vld [tilespmem:s29+$0xFFFFFF70]  }
0x2b2: {  	vm1 =	vge.f32 v5, $0.0e+00;
	vm0 =	vge.f32 v3, $0.0e+00;
	(erf) = vpow2.f32 v0;
	v0 =	vld [tilespmem:s18+$0xFFFFFFF0]  }
0x2b3: {  	s30 =	simm.s32 $0x3680;
	v5 =	vsel vm1, v5, v11;
	v11 =	vmul.f32 $2.000000030e-01, v7;
	v9 =	vmul.f32 $2.000000030e-01, v1  }
0x2b4: {  	s19 =	simm.s32 $0x8F80;
	v3 =	vsel vm0, v3, v6;
	v6 =	vld [tilespmem:s30+$0x0];
	vm0 =	vge.f32 v7, $0.0e+00;
	vm2 =	vge.f32 v1, $0.0e+00  }
0x2b5: {  	v5 =	vmul.f32 $1.442695020e+00, v5;
	v3 =	vmul.f32 $1.442695020e+00, v3;
	v1 =	vsel vm2, v1, v9;
	v9 =	vld [tilespmem:s19+$0x0]  }
0x2b6: {  	v4 =	vadd.f32 v4, v12;
	v7 =	vsel vm0, v7, v11;
	v8 =	vadd.f32 v10, v8  }
0x2b7: {  	v62 =	vld [tilespmem:s30+$0xFFFFFF70];
	(erf) = vpow2.f32 v3;
	v1 =	vmul.f32 $1.442695020e+00, v1;
	v0 =	vadd.f32 v0, v2  }
0x2b8: {  	v3 =	vld [tilespmem:s30+$0xFFFFFEE0];
	vm2 =	vge.f32 v4, $0.0e+00;
	v11 =	vmul.f32 $2.000000030e-01, v8;
	v2 =	vmul.f32 $1.442695020e+00, v7  }
0x2b9: {  	vm0 =	vge.f32 v8, $0.0e+00;
	v7 =	vld [tilespmem:s19+$0xFFFFFFE0];
	(erf) = vpow2.f32 v1;
	v1 =	vmul.f32 $2.000000030e-01, v0  }
0x2ba: {  	v13 =	vld [tilespmem:s30+$0xFFFFFE50];
	(erf) = vpow2.f32 v2;
	v6 =	vadd.f32 v9, v6;
	v9 =	vmul.f32 $2.000000030e-01, v4  }
0x2bb: {  	v8 =	vsel vm0, v8, v11;
	vm1 =	vge.f32 v0, $0.0e+00;
	v2 =	vld [tilespmem:s19+$0xFFFFFFF0];
	(erf) = vpow2.f32 v5  }
0x2bc: {  	s11 =	simm.s32 $0x38C0;
	v10 =	vld [tilespmem:s19+$0xFFFFFFD0];
	v1 =	vsel vm1, v0, v1;
	v0 =	vsel vm2, v4, v9;
	v4 =	vmul.f32 $1.442695020e+00, v8  }
0x2bd: {  	s18 =	simm.s32 $0x8FC0;
	v5 =	vld [tilespmem:s11+$0x0];
	v11 =	vmul.f32 $2.000000030e-01, v6  }
0x2be: {  	v8 =	vld [tilespmem:s18+$0x0];
	vm0 =	vge.f32 v6, $0.0e+00;
	v14 =	vadd.f32 v7, v3;
	v3 =	vmul.f32 $1.442695020e+00, v0  }
0x2bf: {  	v0 =	vld [tilespmem:s18+$0xFFFFFFD0];
	v6 =	vsel vm0, v6, v11;
	v11 =	vmul.f32 $1.442695020e+00, v1;
	(erf) = vpow2.f32 v4  }
0x2c0: {  	v1 =	vld [tilespmem:s11+$0xFFFFFEE0];
	v15 =	vmul.f32 $2.000000030e-01, v14;
	v12 =	vadd.f32 v2, v62;
	v7 =	vmul.f32 $1.442695020e+00, v6;
	v4 =	vpop (erf)  }
0x2c1: {  	v6 =	vadd.f32 v10, v13;
	vm1 =	vge.f32 v14, $0.0e+00;
	(erf) = vpow2.f32 v3;
	[tilespmem:s22+$0x0] =	vst v4;
	v2 =	vpop (erf);
	v4 =	vld [tilespmem:s18+$0xFFFFFFE0]  }
0x2c2: {  	v3 =	vld [tilespmem:s18+$0xFFFFFFF0];
	vm2 =	vge.f32 v12, $0.0e+00;
	v63 =	vmul.f32 $2.000000030e-01, v12;
	(erf) = vpow2.f32 v7;
	[tilespmem:s22+$0xFFFFFEE0] =	vst v2;
	v10 =	vpop (erf)  }
0x2c3: {  	v7 =	vadd.f32 v8, v5;
	v9 =	vmul.f32 $2.000000030e-01, v6;
	v2 =	vld [tilespmem:s11+$0xFFFFFF70];
	v16 =	vpop (erf);
	[tilespmem:s22+$0xFFFFFE50] =	vst v10;
	(erf) = vpow2.f32 v11  }
0x2c4: {  	s2 =	simm.s32 $0x3B00;
	s19 =	simm.s32 $0xC;
	vm0 =	vge.f32 v6, $0.0e+00;
	v5 =	vld [tilespmem:s11+$0xFFFFFE50];
	v10 =	vsel vm1, v14, v15;
	v8 =	vsel vm2, v12, v63;
	[tilespmem:s29+$0x0] =	vst v16  }
.LBB2_19:
0x2c5: {  	v11 =	vld [tilespmem:s2+$0x0];
	v12 =	vmul.f32 $2.000000030e-01, v7;
	s18 =	sadd.s32 $0x40, s18;
	v6 =	vsel vm0, v6, v9;
	v9 =	vmul.f32 $1.442695020e+00, v10;
	v10 =	vpop (erf)  }
0x2c6: {  	s19 =	sadd.s32 $0x4, s19;
	vm0 =	vge.f32 v7, $0.0e+00;
	v13 =	vld [tilespmem:s18+$0x0];
	v14 =	vadd.f32 v4, v1;
	v15 =	vmul.f32 $1.442695020e+00, v6;
	[tilespmem:s22+$0xFFFFFF70] =	vst v10;
	s22 =	smov.u32 s29;
	s29 =	smov.u32 s30  }
0x2c7: {  	p2 =	slt.u32 s19, $0x4C;
	s30 =	smov.u32 s11;
	s11 =	smov.u32 s2;
	v16 =	vld [tilespmem:s18+$0xFFFFFFD0];
	v4 =	vsel vm0, v7, v12;
	v12 =	vmul.f32 $1.442695020e+00, v8;
	(erf) = vpow2.f32 v9  }
.Ltmp8:
0x2c8: {  	v1 =	vld [tilespmem:s2+$0xFFFFFEE0];
	v8 =	vmul.f32 $2.000000030e-01, v14;
	v17 =	vadd.f32 v3, v2;
	v3 =	vmul.f32 $1.442695020e+00, v4;
	v2 =	vpop (erf);
	(pc) =	sbr.rel @p2 .LBB2_19-.Ltmp8, $4  }
0x2c9: {  	vm1 =	vge.f32 v14, $0.0e+00;
	v4 =	vld [tilespmem:s18+$0xFFFFFFE0];
	v6 =	vadd.f32 v0, v5;
	(erf) = vpow2.f32 v15;
	[tilespmem:s22+$0xFFFFFEE0] =	vst v2  }
0x2ca: {  	v2 =	vld [tilespmem:s2+$0xFFFFFF70];
	vm2 =	vge.f32 v17, $0.0e+00;
	v15 =	vmul.f32 $2.000000030e-01, v17;
	(erf) = vpow2.f32 v3;
	v5 =	vpop (erf)  }
0x2cb: {  	v3 =	vld [tilespmem:s18+$0xFFFFFFF0];
	v7 =	vadd.f32 v13, v11;
	vm0 =	vge.f32 v6, $0.0e+00;
	v9 =	vmul.f32 $2.000000030e-01, v6;
	v11 =	vpop (erf);
	[tilespmem:s22+$0xFFFFFE50] =	vst v5  }
0x2cc: {  	s2 =	sadd.s32 $0x240, s2;
	v10 =	vsel vm1, v14, v8;
	v5 =	vld [tilespmem:s11+$0xFFFFFE50];
	v8 =	vsel vm2, v17, v15;
	[tilespmem:s29+$0x0] =	vst v11;
	(erf) = vpow2.f32 v12;
	v0 =	vmovc v16  }
0x2cd: {  	_ =	sdelay $0x1  }
0x2ce: {  	v11 =	vmul.f32 $2.000000030e-01, v7;
	v6 =	vsel vm0, v6, v9;
	v9 =	vmul.f32 $1.442695020e+00, v10  }
0x2cf: {  	vm14 =	vge.f32 v7, $0.0e+00;
	v1 =	vadd.f32 v4, v1;
	v4 =	vmul.f32 $1.442695020e+00, v6  }
0x2d0: {  	v6 =	vsel vm14, v7, v11;
	v7 =	vmul.f32 $1.442695020e+00, v8;
	v0 =	vadd.f32 v0, v5  }
0x2d1: {  	(erf) = vpow2.f32 v9;
	v2 =	vadd.f32 v3, v2;
	v3 =	vmul.f32 $2.000000030e-01, v1  }
0x2d2: {  	vm15 =	vge.f32 v1, $0.0e+00;
	(erf) = vpow2.f32 v4;
	v4 =	vmul.f32 $2.000000030e-01, v0  }
0x2d3: {  	v5 =	vmul.f32 $1.442695020e+00, v6;
	v1 =	vsel vm15, v1, v3;
	vm2 =	vge.f32 v0, $0.0e+00  }
0x2d4: {  	v6 =	vmul.f32 $2.000000030e-01, v2;
	v1 =	vmul.f32 $1.442695020e+00, v1;
	v0 =	vsel vm2, v0, v4  }
0x2d5: {  	vm1 =	vge.f32 v2, $0.0e+00;
	(erf) = vpow2.f32 v5;
	v0 =	vmul.f32 $1.442695020e+00, v0  }
0x2d6: {  	v2 =	vsel vm1, v2, v6;
	(erf) = vpow2.f32 v7  }
0x2d7: {  	v3 =	vpop (erf);
	v2 =	vmul.f32 $1.442695020e+00, v2;
	(erf) = vpow2.f32 v1  }
0x2d8: {  	[tilespmem:s22+$0xFFFFFF70] =	vst v3;
	v1 =	vpop (erf);
	(erf) = vpow2.f32 v0  }
0x2d9: {  	[tilespmem:s29+$0xFFFFFEE0] =	vst v1;
	v0 =	vpop (erf);
	(erf) = vpow2.f32 v2  }
0x2da: {  	v1 =	vpop (erf);
	[tilespmem:s29+$0xFFFFFE50] =	vst v0  }
0x2db: {  	v0 =	vpop (erf);
	[tilespmem:s30+$0x0] =	vst v1  }
0x2dc: {  	v1 =	vpop (erf);
	[tilespmem:s29+$0xFFFFFF70] =	vst v0  }
0x2dd: {  	[tilespmem:s30+$0xFFFFFEE0] =	vst v1;
	v0 =	vpop (erf)  }
0x2de: {  	v1 =	vpop (erf);
	[tilespmem:s30+$0xFFFFFE50] =	vst v0  }
0x2df: {  	[tilespmem:s11+$0x0] =	vst v1;
	v0 =	vpop (erf)  }
0x2e0: {  	[tilespmem:s30+$0xFFFFFF70] =	vst v0;
	v0 =	vpop (erf)  }
0x2e1: {  	[tilespmem:s11+$0xFFFFFEE0] =	vst v0;
	v0 =	vpop (erf)  }
0x2e2: {  	[tilespmem:s11+$0xFFFFFE50] =	vst v0;
	v0 =	vpop (erf)  }
0x2e3: {  	[tilespmem:s11+$0xFFFFFF70] =	vst v0  }
0x2e4: {  	_ =	swait.ge [sflag:s7], $0x2D00  }
0x2e5: {  	[sflag:s7] =	ssyncset.done $0x0  }
0x2e6: {  	[sflag:s7] =	ssyncadd.s32 $0xFFFFD300  }
0x2e7: {  	_ =	swait.ge [sflag:s10], $0x50  }
0x2e8: {  	[sflag:s10] =	ssyncset.done $0x0  }
0x2e9: {  	[sflag:s10] =	ssyncadd.s32 $0xFFFFFFB0  }
0x2ea: {  	_ =	swait.ge [sflag:s10], $0x50  }
0x2eb: {  	s2 =	simm.s32 @p0 $0x50;
	s18 =	simm.s32 @p0 $0x2D0;
	[sflag:s10] =	ssyncset.done $0x0  }
0x2ec: {  	p2 =	seq.s32 s16, $0x51;
	s11 =	simm.s32 @p0 $0x0;
	[sflag:s10] =	ssyncadd.s32 $0xFFFFFFB0  }
0x2ed: {  	[tilespmem:s18], [sflag:$0x1] =	stream.indirect.gather @p0 [hbm4b:s17+s2], $0x90, s11, s2, $0xb8;
	[tilespmem:$0x1F860] =	vst v63  }
0x2ee: {  	s2 =	simm.s32 @!p0 $0x50;
	s11 =	simm.s32 @!p0 $0x0;
	s18 =	simm.s32 @!p0 $0x2D0  }
0x2ef: {  	[tilespmem:s18], [sflag:$0x1] =	stream.indirect.gather @!p0 [hbm4b:s6+s2], $0x90, s11, s2, $0xb8;
	[tilespmem:$0x1F860] =	vst v63  }
0x2f0: {  	s2 =	sadd.s32 @!p2 s21, s26  }
0x2f1: {  	s30 =	simm.s32 $0x89D0;
	s2 =	smul.u32 @!p2 $0xA, s2  }
0x2f2: {  	[tilespmem:s30], [sflag:$0x1] =	stream.indirect.gather [hbm4b:s13+s0], $0x10, s31, s0, $0xb8;
	[tilespmem:$0x1F860] =	vst v63  }
0x2f3: {  	s19 =	simm.s32 @!p2 $0x50;
	s18 =	simm.s32 @!p2 $0x0;
	s11 =	sadd.s32 @!p2 s5, s2  }
0x2f4: {  	[tilespmem:s19], [sflag:$0x8] =	stream.linear.gather @!p2 [hbm4b:s11+s18], $0x50, $0x38;
	[tilespmem:$0x1F860] =	vst v63  }
0x2f5: {  	s2 =	sadd.s32 @!p2 s1, s2;
	s11 =	simm.s32 @!p2 $0x140  }
0x2f6: {  	[tilespmem:s11], [sflag:$0x8] =	stream.linear.gather @!p2 [hbm4b:s2+s18], $0x50, $0x38;
	[tilespmem:$0x1F860] =	vst v63  }
0x2f7: {  	s11 =	simm.s32 $0x2FD0  }
0x2f8: {  	v1 =	vld [tilespmem:s11+$0x110]  }
0x2f9: {  	v2 =	vld [tilespmem:s11+$0x80]  }
0x2fa: {  	v3 =	vld [tilespmem:s11+$0x100]  }
0x2fb: {  	v4 =	vld [tilespmem:s11+$0x0]  }
0x2fc: {  	v5 =	vld [tilespmem:s11+$0x10]  }
0x2fd: {  	v6 =	vld [tilespmem:s11+$0x20]  }
0x2fe: {  	v7 =	vld [tilespmem:s11+$0x30];
	v0 =	vbroadcast v1, $0x3  }
0x2ff: {  	v9 =	vld [tilespmem:s11+$0x40];
	v8 =	vbroadcast v2, $0x0  }
0x300: {  	v10 =	vld [tilespmem:s11+$0x50];
	v11 =	vbroadcast v2, $0x1;
	v3 =	vmul.f32 v3, v0  }
0x301: {  	v12 =	vld [tilespmem:s11+$0x60];
	v4 =	vmul.f32 v8, v4  }
0x302: {  	v13 =	vld [tilespmem:s11+$0x90];
	v6 =	vmul.f32 v6, v11;
	[tilespmem:s11+$0x100] =	vst v3  }
0x303: {  	v3 =	vmul.f32 v5, v8;
	v8 =	vld [tilespmem:s11+$0x70];
	v5 =	vbroadcast v2, $0x2;
	[tilespmem:s11+$0x0] =	vst v4  }
0x304: {  	v4 =	vmul.f32 v7, v11;
	v7 =	vld [tilespmem:s11+$0xA0];
	[tilespmem:s11+$0x20] =	vst v6  }
0x305: {  	v11 =	vbroadcast v2, $0x3;
	[tilespmem:s11+$0x10] =	vst v3;
	v9 =	vmul.f32 v9, v5;
	v3 =	vld [tilespmem:s11+$0xB0]  }
0x306: {  	v14 =	vbroadcast v1, $0x0;
	v6 =	vmul.f32 v10, v5;
	[tilespmem:s11+$0x30] =	vst v4;
	v4 =	vld [tilespmem:s11+$0xC0]  }
0x307: {  	v2 =	vbroadcast v1, $0x1;
	v10 =	vmul.f32 v12, v11;
	v5 =	vld [tilespmem:s11+$0xD0];
	[tilespmem:s11+$0x40] =	vst v9  }
0x308: {  	v1 =	vbroadcast v1, $0x2;
	[tilespmem:s11+$0x50] =	vst v6;
	v6 =	vld [tilespmem:s11+$0xE0];
	v8 =	vmul.f32 v8, v11  }
0x309: {  	s21 =	simm.s32 $0x30F0;
	s18 =	simm.s32 $0x0;
	v9 =	vmul.f32 v14, v13;
	[tilespmem:s11+$0x60] =	vst v10;
	v10 =	vmul.f32 v7, v14;
	v7 =	vld [tilespmem:s11+$0xF0]  }
.LBB2_21:
0x30a: {  	v11 =	vld [tilespmem:s21+$0x110];
	s18 =	sadd.s32 $0x2, s18;
	[tilespmem:s11+$0x70] =	vst v8;
	v3 =	vmul.f32 v3, v2  }
0x30b: {  	v8 =	vld [tilespmem:s21+$0x80];
	p2 =	slt.u32 s18, $0x4E;
	[tilespmem:s11+$0x90] =	vst v9;
	v2 =	vmul.f32 v4, v2  }
0x30c: {  	v4 =	vld [tilespmem:s21+$0x100];
	[tilespmem:s11+$0xA0] =	vst v10;
	v5 =	vmul.f32 v5, v1  }
0x30d: {  	v9 =	vld [tilespmem:s21+$0x0];
	[tilespmem:s11+$0xB0] =	vst v3;
	v1 =	vmul.f32 v6, v1  }
0x30e: {  	v3 =	vld [tilespmem:s21+$0x10];
	[tilespmem:s11+$0xC0] =	vst v2;
	v2 =	vmul.f32 v7, v0  }
0x30f: {  	v6 =	vld [tilespmem:s21+$0x20];
	v7 =	vbroadcast v11, $0x0;
	v0 =	vbroadcast v11, $0x3;
	[tilespmem:s11+$0xD0] =	vst v5  }
0x310: {  	v5 =	vbroadcast v8, $0x0;
	v10 =	vbroadcast v8, $0x1;
	v12 =	vld [tilespmem:s21+$0x30];
	[tilespmem:s11+$0xE0] =	vst v1  }
0x311: {  	v13 =	vbroadcast v8, $0x2;
	v14 =	vld [tilespmem:s21+$0x40];
	v4 =	vmul.f32 v4, v0;
	[tilespmem:s11+$0xF0] =	vst v2;
	s11 =	smov.u32 s21  }
0x312: {  	v8 =	vbroadcast v8, $0x3;
	v2 =	vbroadcast v11, $0x1;
	v15 =	vld [tilespmem:s21+$0x50]  }
0x313: {  	v1 =	vbroadcast v11, $0x2;
	v9 =	vmul.f32 v5, v9;
	v16 =	vld [tilespmem:s21+$0x60];
	[tilespmem:s21+$0x100] =	vst v4  }
0x314: {  	v3 =	vmul.f32 v3, v5;
	v4 =	vmul.f32 v6, v10;
	v5 =	vld [tilespmem:s21+$0x70]  }
0x315: {  	[tilespmem:s21+$0x0] =	vst v9;
	v6 =	vmul.f32 v12, v10;
	v9 =	vld [tilespmem:s21+$0x90]  }
0x316: {  	[tilespmem:s21+$0x10] =	vst v3;
	v10 =	vmul.f32 v14, v13;
	v11 =	vld [tilespmem:s21+$0xA0]  }
.Ltmp9:
0x317: {  	[tilespmem:s21+$0x20] =	vst v4;
	v12 =	vmul.f32 v15, v13;
	v3 =	vld [tilespmem:s21+$0xB0];
	(pc) =	sbr.rel @p2 .LBB2_21-.Ltmp9, $4  }
0x318: {  	[tilespmem:s21+$0x30] =	vst v6;
	v13 =	vmul.f32 v16, v8;
	v4 =	vld [tilespmem:s21+$0xC0]  }
0x319: {  	[tilespmem:s21+$0x40] =	vst v10;
	v8 =	vmul.f32 v5, v8;
	v5 =	vld [tilespmem:s21+$0xD0]  }
0x31a: {  	[tilespmem:s21+$0x50] =	vst v12;
	v9 =	vmul.f32 v7, v9;
	v6 =	vld [tilespmem:s21+$0xE0]  }
0x31b: {  	s21 =	sadd.s32 $0x120, s21;
	[tilespmem:s11+$0x60] =	vst v13;
	v10 =	vmul.f32 v11, v7;
	v7 =	vld [tilespmem:s11+$0xF0]  }
0x31c: {  	[tilespmem:s11+$0x70] =	vst v8  }
0x31d: {  	v3 =	vmul.f32 v3, v2;
	[tilespmem:s11+$0x90] =	vst v9  }
0x31e: {  	s16 =	sadd.s32 $0x1, s16;
	v61 =	vmul.f32 v4, v2;
	[tilespmem:s11+$0xA0] =	vst v10  }
0x31f: {  	p2 =	sne.s32 s16, $0x52;
	v62 =	vmul.f32 v5, v1;
	[tilespmem:s11+$0xB0] =	vst v3  }
.Ltmp10:
0x320: {  	v63 =	vmul.f32 v6, v1;
	[tilespmem:s11+$0xC0] =	vst v61;
	(pc) =	sbr.rel @p2 .LBB2_10-.Ltmp10, $4  }
0x321: {  	v0 =	vmul.f32 v7, v0;
	[tilespmem:s11+$0xD0] =	vst v62  }
0x322: {  	[tilespmem:s11+$0xE0] =	vst v63  }
0x323: {  	s2 =	simm.s32 $0x230;
	s30 =	simm.s32 $0x2FD0;
	[tilespmem:s11+$0xF0] =	vst v0  }
0x324: {  	[spmem:s3] =	stream.indirect.scatter.add.f32 [tilespmem:s30], [sflag:$0x5], $0x90, s2, s0, $0xb8;
	[tilespmem:$0x1F860] =	vst v63  }
0x325: {  	_ =	swait.ge [sflag:s23], $0x2D00  }
0x326: {  	[sflag:s23] =	ssyncset.done $0x0  }
0x327: {  	[sflag:s23] =	ssyncadd.s32 $0xFFFFD300  }
0x328: {  	_ =	swait.ge [sflag:s23], $0x500  }
0x329: {  	[sflag:s23] =	ssyncset.done $0x0  }
0x32a: {  	[sflag:s23] =	ssyncadd.s32 $0xFFFFFB00  }
0x32b: {  	v0 =	vld [tilespmem:$0x190]  }
0x32c: {  	v1 =	vld [tilespmem:$0x1A0]  }
0x32d: {  	v2 =	vld [tilespmem:$0x1B0]  }
0x32e: {  	v3 =	vld [tilespmem:$0x1C0]  }
0x32f: {  	v4 =	vld [tilespmem:$0x1D0]  }
0x330: {  	[tilespmem:$0x280] =	vst v0  }
0x331: {  	[tilespmem:$0x290] =	vst v1  }
0x332: {  	[tilespmem:$0x2A0] =	vst v2  }
0x333: {  	[tilespmem:$0x2B0] =	vst v3  }
0x334: {  	s13 =	simm.s32 $0x5D50;
	[tilespmem:$0x2C0] =	vst v4  }
0x335: {  	s2 =	simm.s32 $0x9400;
	v0 =	vld [tilespmem:s13+$0x1B0]  }
0x336: {  	v1 =	vld [tilespmem:s2+$0x0]  }
0x337: {  	v2 =	vld [tilespmem:s2+$0xFFFFFFD0]  }
0x338: {  	v3 =	vld [tilespmem:s13+$0x90]  }
0x339: {  	v4 =	vld [tilespmem:s2+$0xFFFFFFE0]  }
0x33a: {  	v5 =	vld [tilespmem:s13+$0x120]  }
0x33b: {  	s16 =	simm.s32 $0x5F90;
	v6 =	vld [tilespmem:s2+$0xFFFFFFF0]  }
0x33c: {  	s29 =	simm.s32 $0x9440;
	v7 =	vld [tilespmem:s16+$0x1B0]  }
0x33d: {  	v9 =	vld [tilespmem:s29+$0x0];
	v0 =	vadd.f32 v1, v0  }
0x33e: {  	v1 =	vld [tilespmem:s13+$0x0]  }
0x33f: {  	v10 =	vld [tilespmem:s29+$0xFFFFFFE0];
	v8 =	vmul.f32 $2.000000030e-01, v0  }
0x340: {  	v12 =	vld [tilespmem:s16+$0x0];
	vm0 =	vge.f32 v0, $0.0e+00  }
0x341: {  	v3 =	vadd.f32 v4, v3;
	v4 =	vld [tilespmem:s29+$0xFFFFFFD0];
	v5 =	vadd.f32 v6, v5;
	v0 =	vsel vm0, v0, v8  }
0x342: {  	v7 =	vadd.f32 v9, v7;
	v8 =	vld [tilespmem:s16+$0x90];
	v0 =	vmul.f32 $1.442695020e+00, v0  }
0x343: {  	v6 =	vmul.f32 $2.000000030e-01, v3;
	v11 =	vmul.f32 $2.000000030e-01, v5;
	v1 =	vadd.f32 v2, v1;
	v2 =	vld [tilespmem:s16+$0x120]  }
0x344: {  	vm1 =	vge.f32 v5, $0.0e+00;
	vm0 =	vge.f32 v3, $0.0e+00;
	(erf) = vpow2.f32 v0;
	v0 =	vld [tilespmem:s29+$0xFFFFFFF0]  }
0x345: {  	s21 =	simm.s32 $0x61D0;
	v5 =	vsel vm1, v5, v11;
	v11 =	vmul.f32 $2.000000030e-01, v7;
	v9 =	vmul.f32 $2.000000030e-01, v1  }
0x346: {  	s30 =	simm.s32 $0x9480;
	v3 =	vsel vm0, v3, v6;
	v6 =	vld [tilespmem:s21+$0x1B0];
	vm0 =	vge.f32 v7, $0.0e+00;
	vm2 =	vge.f32 v1, $0.0e+00  }
0x347: {  	v5 =	vmul.f32 $1.442695020e+00, v5;
	v3 =	vmul.f32 $1.442695020e+00, v3;
	v1 =	vsel vm2, v1, v9;
	v9 =	vld [tilespmem:s30+$0x0]  }
0x348: {  	v4 =	vadd.f32 v4, v12;
	v7 =	vsel vm0, v7, v11;
	v8 =	vadd.f32 v10, v8  }
0x349: {  	v62 =	vld [tilespmem:s21+$0x120];
	(erf) = vpow2.f32 v3;
	v1 =	vmul.f32 $1.442695020e+00, v1;
	v0 =	vadd.f32 v0, v2  }
0x34a: {  	v3 =	vld [tilespmem:s21+$0x90];
	vm2 =	vge.f32 v4, $0.0e+00;
	v11 =	vmul.f32 $2.000000030e-01, v8;
	v2 =	vmul.f32 $1.442695020e+00, v7  }
0x34b: {  	vm0 =	vge.f32 v8, $0.0e+00;
	v7 =	vld [tilespmem:s30+$0xFFFFFFE0];
	(erf) = vpow2.f32 v1;
	v1 =	vmul.f32 $2.000000030e-01, v0  }
0x34c: {  	v13 =	vld [tilespmem:s21+$0x0];
	(erf) = vpow2.f32 v2;
	v6 =	vadd.f32 v9, v6;
	v9 =	vmul.f32 $2.000000030e-01, v4  }
0x34d: {  	v8 =	vsel vm0, v8, v11;
	vm1 =	vge.f32 v0, $0.0e+00;
	v2 =	vld [tilespmem:s30+$0xFFFFFFF0];
	(erf) = vpow2.f32 v5  }
0x34e: {  	s11 =	simm.s32 $0x6410;
	v10 =	vld [tilespmem:s30+$0xFFFFFFD0];
	v1 =	vsel vm1, v0, v1;
	v0 =	vsel vm2, v4, v9;
	v4 =	vmul.f32 $1.442695020e+00, v8  }
0x34f: {  	s18 =	simm.s32 $0x94C0;
	v5 =	vld [tilespmem:s11+$0x1B0];
	v11 =	vmul.f32 $2.000000030e-01, v6  }
0x350: {  	v8 =	vld [tilespmem:s18+$0x0];
	vm0 =	vge.f32 v6, $0.0e+00;
	v14 =	vadd.f32 v7, v3;
	v3 =	vmul.f32 $1.442695020e+00, v0  }
0x351: {  	v0 =	vld [tilespmem:s18+$0xFFFFFFD0];
	v6 =	vsel vm0, v6, v11;
	v11 =	vmul.f32 $1.442695020e+00, v1;
	(erf) = vpow2.f32 v4  }
0x352: {  	v1 =	vld [tilespmem:s11+$0x90];
	v15 =	vmul.f32 $2.000000030e-01, v14;
	v12 =	vadd.f32 v2, v62;
	v7 =	vmul.f32 $1.442695020e+00, v6;
	v4 =	vpop (erf)  }
0x353: {  	v6 =	vadd.f32 v10, v13;
	vm1 =	vge.f32 v14, $0.0e+00;
	(erf) = vpow2.f32 v3;
	[tilespmem:s13+$0x1B0] =	vst v4;
	v2 =	vpop (erf);
	v4 =	vld [tilespmem:s18+$0xFFFFFFE0]  }
0x354: {  	v3 =	vld [tilespmem:s18+$0xFFFFFFF0];
	vm2 =	vge.f32 v12, $0.0e+00;
	v63 =	vmul.f32 $2.000000030e-01, v12;
	(erf) = vpow2.f32 v7;
	[tilespmem:s13+$0x90] =	vst v2;
	v10 =	vpop (erf)  }
0x355: {  	v7 =	vadd.f32 v8, v5;
	v9 =	vmul.f32 $2.000000030e-01, v6;
	v2 =	vld [tilespmem:s11+$0x120];
	v16 =	vpop (erf);
	[tilespmem:s13+$0x0] =	vst v10;
	(erf) = vpow2.f32 v11  }
0x356: {  	s19 =	simm.s32 $0xC;
	s2 =	simm.s32 $0x6650;
	vm0 =	vge.f32 v6, $0.0e+00;
	v5 =	vld [tilespmem:s11+$0x0];
	v10 =	vsel vm1, v14, v15;
	v8 =	vsel vm2, v12, v63;
	[tilespmem:s16+$0x1B0] =	vst v16  }
.LBB2_24:
0x357: {  	v11 =	vld [tilespmem:s2+$0x1B0];
	v12 =	vmul.f32 $2.000000030e-01, v7;
	s18 =	sadd.s32 $0x40, s18;
	v6 =	vsel vm0, v6, v9;
	v9 =	vmul.f32 $1.442695020e+00, v10;
	v10 =	vpop (erf)  }
0x358: {  	s19 =	sadd.s32 $0x4, s19;
	vm0 =	vge.f32 v7, $0.0e+00;
	v13 =	vld [tilespmem:s18+$0x0];
	v14 =	vadd.f32 v4, v1;
	v15 =	vmul.f32 $1.442695020e+00, v6;
	[tilespmem:s13+$0x120] =	vst v10;
	s13 =	smov.u32 s16;
	s16 =	smov.u32 s21  }
0x359: {  	p2 =	slt.u32 s19, $0x4C;
	s21 =	smov.u32 s11;
	s11 =	smov.u32 s2;
	v16 =	vld [tilespmem:s18+$0xFFFFFFD0];
	v4 =	vsel vm0, v7, v12;
	v12 =	vmul.f32 $1.442695020e+00, v8;
	(erf) = vpow2.f32 v9  }
.Ltmp11:
0x35a: {  	v1 =	vld [tilespmem:s2+$0x90];
	v8 =	vmul.f32 $2.000000030e-01, v14;
	v17 =	vadd.f32 v3, v2;
	v3 =	vmul.f32 $1.442695020e+00, v4;
	v2 =	vpop (erf);
	(pc) =	sbr.rel @p2 .LBB2_24-.Ltmp11, $4  }
0x35b: {  	vm1 =	vge.f32 v14, $0.0e+00;
	v4 =	vld [tilespmem:s18+$0xFFFFFFE0];
	v6 =	vadd.f32 v0, v5;
	(erf) = vpow2.f32 v15;
	[tilespmem:s13+$0x90] =	vst v2  }
0x35c: {  	v2 =	vld [tilespmem:s2+$0x120];
	vm2 =	vge.f32 v17, $0.0e+00;
	v15 =	vmul.f32 $2.000000030e-01, v17;
	(erf) = vpow2.f32 v3;
	v5 =	vpop (erf)  }
0x35d: {  	v3 =	vld [tilespmem:s18+$0xFFFFFFF0];
	v7 =	vadd.f32 v13, v11;
	vm0 =	vge.f32 v6, $0.0e+00;
	v9 =	vmul.f32 $2.000000030e-01, v6;
	v11 =	vpop (erf);
	[tilespmem:s13+$0x0] =	vst v5  }
0x35e: {  	s2 =	sadd.s32 $0x240, s2;
	v10 =	vsel vm1, v14, v8;
	v5 =	vld [tilespmem:s11+$0x0];
	v8 =	vsel vm2, v17, v15;
	[tilespmem:s16+$0x1B0] =	vst v11;
	(erf) = vpow2.f32 v12;
	v0 =	vmovc v16  }
0x35f: {  	_ =	sdelay $0x1  }
0x360: {  	v11 =	vmul.f32 $2.000000030e-01, v7;
	v6 =	vsel vm0, v6, v9;
	v9 =	vmul.f32 $1.442695020e+00, v10  }
0x361: {  	vm14 =	vge.f32 v7, $0.0e+00;
	v1 =	vadd.f32 v4, v1;
	v4 =	vmul.f32 $1.442695020e+00, v6  }
0x362: {  	v6 =	vsel vm14, v7, v11;
	v7 =	vmul.f32 $1.442695020e+00, v8;
	v0 =	vadd.f32 v0, v5  }
0x363: {  	(erf) = vpow2.f32 v9;
	v2 =	vadd.f32 v3, v2;
	v3 =	vmul.f32 $2.000000030e-01, v1  }
0x364: {  	vm15 =	vge.f32 v1, $0.0e+00;
	(erf) = vpow2.f32 v4;
	v4 =	vmul.f32 $2.000000030e-01, v0  }
0x365: {  	v5 =	vmul.f32 $1.442695020e+00, v6;
	v1 =	vsel vm15, v1, v3;
	vm2 =	vge.f32 v0, $0.0e+00  }
0x366: {  	v6 =	vmul.f32 $2.000000030e-01, v2;
	v1 =	vmul.f32 $1.442695020e+00, v1;
	v0 =	vsel vm2, v0, v4  }
0x367: {  	vm1 =	vge.f32 v2, $0.0e+00;
	(erf) = vpow2.f32 v5;
	v0 =	vmul.f32 $1.442695020e+00, v0  }
0x368: {  	v2 =	vsel vm1, v2, v6;
	(erf) = vpow2.f32 v7  }
0x369: {  	v3 =	vpop (erf);
	v2 =	vmul.f32 $1.442695020e+00, v2;
	(erf) = vpow2.f32 v1  }
0x36a: {  	[tilespmem:s13+$0x120] =	vst v3;
	v1 =	vpop (erf);
	(erf) = vpow2.f32 v0  }
0x36b: {  	[tilespmem:s16+$0x90] =	vst v1;
	v0 =	vpop (erf);
	(erf) = vpow2.f32 v2  }
0x36c: {  	v1 =	vpop (erf);
	[tilespmem:s16+$0x0] =	vst v0  }
0x36d: {  	v0 =	vpop (erf);
	[tilespmem:s21+$0x1B0] =	vst v1  }
0x36e: {  	v1 =	vpop (erf);
	[tilespmem:s16+$0x120] =	vst v0  }
0x36f: {  	[tilespmem:s21+$0x90] =	vst v1;
	v0 =	vpop (erf)  }
0x370: {  	v1 =	vpop (erf);
	[tilespmem:s21+$0x0] =	vst v0  }
0x371: {  	[tilespmem:s11+$0x1B0] =	vst v1;
	v0 =	vpop (erf)  }
0x372: {  	[tilespmem:s21+$0x120] =	vst v0;
	v0 =	vpop (erf)  }
0x373: {  	[tilespmem:s11+$0x90] =	vst v0;
	v0 =	vpop (erf)  }
0x374: {  	[tilespmem:s11+$0x0] =	vst v0;
	v0 =	vpop (erf)  }
0x375: {  	[tilespmem:s11+$0x120] =	vst v0  }
0x376: {  	_ =	swait.ge [sflag:s28], $0x2D00  }
0x377: {  	[sflag:s28] =	ssyncset.done $0x0  }
0x378: {  	s11 =	simm.s32 $0x5CD0;
	[sflag:s28] =	ssyncadd.s32 $0xFFFFD300  }
0x379: {  	v1 =	vld [tilespmem:s11+$0x110]  }
0x37a: {  	v2 =	vld [tilespmem:s11+$0x80]  }
0x37b: {  	v3 =	vld [tilespmem:s11+$0x100]  }
0x37c: {  	v4 =	vld [tilespmem:s11+$0x0]  }
0x37d: {  	v5 =	vld [tilespmem:s11+$0x10]  }
0x37e: {  	v6 =	vld [tilespmem:s11+$0x20]  }
0x37f: {  	v7 =	vld [tilespmem:s11+$0x30];
	v0 =	vbroadcast v1, $0x3  }
0x380: {  	v9 =	vld [tilespmem:s11+$0x40];
	v8 =	vbroadcast v2, $0x0  }
0x381: {  	v10 =	vld [tilespmem:s11+$0x50];
	v11 =	vbroadcast v2, $0x1;
	v3 =	vmul.f32 v3, v0  }
0x382: {  	v12 =	vld [tilespmem:s11+$0x60];
	v4 =	vmul.f32 v8, v4  }
0x383: {  	v13 =	vld [tilespmem:s11+$0x90];
	v6 =	vmul.f32 v6, v11;
	[tilespmem:s11+$0x100] =	vst v3  }
0x384: {  	v3 =	vmul.f32 v5, v8;
	v8 =	vld [tilespmem:s11+$0x70];
	v5 =	vbroadcast v2, $0x2;
	[tilespmem:s11+$0x0] =	vst v4  }
0x385: {  	v4 =	vmul.f32 v7, v11;
	v7 =	vld [tilespmem:s11+$0xA0];
	[tilespmem:s11+$0x20] =	vst v6  }
0x386: {  	v11 =	vbroadcast v2, $0x3;
	[tilespmem:s11+$0x10] =	vst v3;
	v9 =	vmul.f32 v9, v5;
	v3 =	vld [tilespmem:s11+$0xB0]  }
0x387: {  	v14 =	vbroadcast v1, $0x0;
	v6 =	vmul.f32 v10, v5;
	[tilespmem:s11+$0x30] =	vst v4;
	v4 =	vld [tilespmem:s11+$0xC0]  }
0x388: {  	v2 =	vbroadcast v1, $0x1;
	v10 =	vmul.f32 v12, v11;
	v5 =	vld [tilespmem:s11+$0xD0];
	[tilespmem:s11+$0x40] =	vst v9  }
0x389: {  	v1 =	vbroadcast v1, $0x2;
	[tilespmem:s11+$0x50] =	vst v6;
	v6 =	vld [tilespmem:s11+$0xE0];
	v8 =	vmul.f32 v8, v11  }
0x38a: {  	s13 =	simm.s32 $0x0;
	s16 =	simm.s32 $0x5DF0;
	v9 =	vmul.f32 v14, v13;
	[tilespmem:s11+$0x60] =	vst v10;
	v10 =	vmul.f32 v7, v14;
	v7 =	vld [tilespmem:s11+$0xF0]  }
.LBB2_26:
0x38b: {  	v11 =	vld [tilespmem:s16+$0x110];
	s13 =	sadd.s32 $0x2, s13;
	[tilespmem:s11+$0x70] =	vst v8;
	v3 =	vmul.f32 v3, v2  }
0x38c: {  	v8 =	vld [tilespmem:s16+$0x80];
	p2 =	slt.u32 s13, $0x4E;
	[tilespmem:s11+$0x90] =	vst v9;
	v2 =	vmul.f32 v4, v2  }
0x38d: {  	v4 =	vld [tilespmem:s16+$0x100];
	[tilespmem:s11+$0xA0] =	vst v10;
	v5 =	vmul.f32 v5, v1  }
0x38e: {  	v9 =	vld [tilespmem:s16+$0x0];
	[tilespmem:s11+$0xB0] =	vst v3;
	v1 =	vmul.f32 v6, v1  }
0x38f: {  	v3 =	vld [tilespmem:s16+$0x10];
	[tilespmem:s11+$0xC0] =	vst v2;
	v2 =	vmul.f32 v7, v0  }
0x390: {  	v6 =	vld [tilespmem:s16+$0x20];
	v7 =	vbroadcast v11, $0x0;
	v0 =	vbroadcast v11, $0x3;
	[tilespmem:s11+$0xD0] =	vst v5  }
0x391: {  	v5 =	vbroadcast v8, $0x0;
	v10 =	vbroadcast v8, $0x1;
	v12 =	vld [tilespmem:s16+$0x30];
	[tilespmem:s11+$0xE0] =	vst v1  }
0x392: {  	v13 =	vbroadcast v8, $0x2;
	v14 =	vld [tilespmem:s16+$0x40];
	v4 =	vmul.f32 v4, v0;
	[tilespmem:s11+$0xF0] =	vst v2;
	s11 =	smov.u32 s16  }
0x393: {  	v8 =	vbroadcast v8, $0x3;
	v2 =	vbroadcast v11, $0x1;
	v15 =	vld [tilespmem:s16+$0x50]  }
0x394: {  	v1 =	vbroadcast v11, $0x2;
	v9 =	vmul.f32 v5, v9;
	v16 =	vld [tilespmem:s16+$0x60];
	[tilespmem:s16+$0x100] =	vst v4  }
0x395: {  	v3 =	vmul.f32 v3, v5;
	v4 =	vmul.f32 v6, v10;
	v5 =	vld [tilespmem:s16+$0x70]  }
0x396: {  	[tilespmem:s16+$0x0] =	vst v9;
	v6 =	vmul.f32 v12, v10;
	v9 =	vld [tilespmem:s16+$0x90]  }
0x397: {  	[tilespmem:s16+$0x10] =	vst v3;
	v10 =	vmul.f32 v14, v13;
	v11 =	vld [tilespmem:s16+$0xA0]  }
.Ltmp12:
0x398: {  	[tilespmem:s16+$0x20] =	vst v4;
	v12 =	vmul.f32 v15, v13;
	v3 =	vld [tilespmem:s16+$0xB0];
	(pc) =	sbr.rel @p2 .LBB2_26-.Ltmp12, $4  }
0x399: {  	[tilespmem:s16+$0x30] =	vst v6;
	v13 =	vmul.f32 v16, v8;
	v4 =	vld [tilespmem:s16+$0xC0]  }
0x39a: {  	[tilespmem:s16+$0x40] =	vst v10;
	v8 =	vmul.f32 v5, v8;
	v5 =	vld [tilespmem:s16+$0xD0]  }
0x39b: {  	[tilespmem:s16+$0x50] =	vst v12;
	v9 =	vmul.f32 v7, v9;
	v6 =	vld [tilespmem:s16+$0xE0]  }
0x39c: {  	s16 =	sadd.s32 $0x120, s16;
	[tilespmem:s11+$0x60] =	vst v13;
	v10 =	vmul.f32 v11, v7;
	v7 =	vld [tilespmem:s11+$0xF0]  }
0x39d: {  	[tilespmem:s11+$0x70] =	vst v8  }
0x39e: {  	v3 =	vmul.f32 v3, v2;
	[tilespmem:s11+$0x90] =	vst v9  }
0x39f: {  	v2 =	vmul.f32 v4, v2;
	[tilespmem:s11+$0xA0] =	vst v10  }
0x3a0: {  	v4 =	vmul.f32 v5, v1;
	[tilespmem:s11+$0xB0] =	vst v3  }
0x3a1: {  	v1 =	vmul.f32 v6, v1;
	[tilespmem:s11+$0xC0] =	vst v2  }
0x3a2: {  	v0 =	vmul.f32 v7, v0;
	[tilespmem:s11+$0xD0] =	vst v4  }
0x3a3: {  	[tilespmem:s11+$0xE0] =	vst v1  }
0x3a4: {  	s2 =	simm.s32 $0x280;
	s21 =	simm.s32 $0x5CD0;
	[tilespmem:s11+$0xF0] =	vst v0  }
0x3a5: {  	[spmem:s3] =	stream.indirect.scatter.add.f32 [tilespmem:s21], [sflag:$0x6], $0x90, s2, s0, $0xb8;
	[tilespmem:$0x1F860] =	vst v63  }
0x3a6: {  	_ =	swait.ge [sflag:s14], $0x2D00  }
0x3a7: {  	[sflag:s14] =	ssyncset.done $0x0  }
0x3a8: {  	[sflag:s14] =	ssyncadd.s32 $0xFFFFD300  }
0x3a9: {  	_ =	swait.ge [sflag:s14], $0x500  }
0x3aa: {  	[sflag:s14] =	ssyncset.done $0x0  }
0x3ab: {  	[sflag:s14] =	ssyncadd.s32 $0xFFFFFB00  }
0x3ac: {  	v0 =	vld [tilespmem:$0xF0]  }
0x3ad: {  	v1 =	vld [tilespmem:$0x100]  }
0x3ae: {  	v2 =	vld [tilespmem:$0x110]  }
0x3af: {  	v3 =	vld [tilespmem:$0x120]  }
0x3b0: {  	v4 =	vld [tilespmem:$0x130]  }
0x3b1: {  	[tilespmem:$0x1E0] =	vst v0  }
0x3b2: {  	[tilespmem:$0x1F0] =	vst v1  }
0x3b3: {  	[tilespmem:$0x200] =	vst v2  }
0x3b4: {  	[tilespmem:$0x210] =	vst v3  }
0x3b5: {  	s13 =	simm.s32 $0x470;
	[tilespmem:$0x220] =	vst v4  }
0x3b6: {  	s22 =	simm.s32 $0x89F0;
	v0 =	vld [tilespmem:s13+$0x90]  }
0x3b7: {  	v1 =	vld [tilespmem:s22+$0x10]  }
0x3b8: {  	v2 =	vld [tilespmem:s22+$0xFFFFFFE0]  }
0x3b9: {  	v3 =	vld [tilespmem:s13+$0xFFFFFF70]  }
0x3ba: {  	v4 =	vld [tilespmem:s22+$0xFFFFFFF0]  }
0x3bb: {  	v5 =	vld [tilespmem:s13+$0x0]  }
0x3bc: {  	s16 =	simm.s32 $0x6B0;
	v6 =	vld [tilespmem:s22+$0x0]  }
0x3bd: {  	s29 =	simm.s32 $0x8A30;
	v7 =	vld [tilespmem:s16+$0x90]  }
0x3be: {  	v9 =	vld [tilespmem:s29+$0x10];
	v0 =	vadd.f32 v1, v0  }
0x3bf: {  	v1 =	vld [tilespmem:s13+$0xFFFFFEE0]  }
0x3c0: {  	v10 =	vld [tilespmem:s29+$0xFFFFFFF0];
	v8 =	vmul.f32 $2.000000030e-01, v0  }
0x3c1: {  	v12 =	vld [tilespmem:s16+$0xFFFFFEE0];
	vm0 =	vge.f32 v0, $0.0e+00  }
0x3c2: {  	v3 =	vadd.f32 v4, v3;
	v4 =	vld [tilespmem:s29+$0xFFFFFFE0];
	v5 =	vadd.f32 v6, v5;
	v0 =	vsel vm0, v0, v8  }
0x3c3: {  	v7 =	vadd.f32 v9, v7;
	v8 =	vld [tilespmem:s16+$0xFFFFFF70];
	v0 =	vmul.f32 $1.442695020e+00, v0  }
0x3c4: {  	v6 =	vmul.f32 $2.000000030e-01, v3;
	v11 =	vmul.f32 $2.000000030e-01, v5;
	v1 =	vadd.f32 v2, v1;
	v2 =	vld [tilespmem:s16+$0x0]  }
0x3c5: {  	vm1 =	vge.f32 v5, $0.0e+00;
	vm0 =	vge.f32 v3, $0.0e+00;
	(erf) = vpow2.f32 v0;
	v0 =	vld [tilespmem:s29+$0x0]  }
0x3c6: {  	s21 =	simm.s32 $0x8F0;
	v5 =	vsel vm1, v5, v11;
	v11 =	vmul.f32 $2.000000030e-01, v7;
	v9 =	vmul.f32 $2.000000030e-01, v1  }
0x3c7: {  	s30 =	simm.s32 $0x8A70;
	v3 =	vsel vm0, v3, v6;
	v6 =	vld [tilespmem:s21+$0x90];
	vm0 =	vge.f32 v7, $0.0e+00;
	vm2 =	vge.f32 v1, $0.0e+00  }
0x3c8: {  	v5 =	vmul.f32 $1.442695020e+00, v5;
	v3 =	vmul.f32 $1.442695020e+00, v3;
	v1 =	vsel vm2, v1, v9;
	v9 =	vld [tilespmem:s30+$0x10]  }
0x3c9: {  	v4 =	vadd.f32 v4, v12;
	v7 =	vsel vm0, v7, v11;
	v8 =	vadd.f32 v10, v8  }
0x3ca: {  	v62 =	vld [tilespmem:s21+$0x0];
	(erf) = vpow2.f32 v3;
	v1 =	vmul.f32 $1.442695020e+00, v1;
	v0 =	vadd.f32 v0, v2  }
0x3cb: {  	v3 =	vld [tilespmem:s21+$0xFFFFFF70];
	vm2 =	vge.f32 v4, $0.0e+00;
	v11 =	vmul.f32 $2.000000030e-01, v8;
	v2 =	vmul.f32 $1.442695020e+00, v7  }
0x3cc: {  	vm0 =	vge.f32 v8, $0.0e+00;
	v7 =	vld [tilespmem:s30+$0xFFFFFFF0];
	(erf) = vpow2.f32 v1;
	v1 =	vmul.f32 $2.000000030e-01, v0  }
0x3cd: {  	v13 =	vld [tilespmem:s21+$0xFFFFFEE0];
	(erf) = vpow2.f32 v2;
	v6 =	vadd.f32 v9, v6;
	v9 =	vmul.f32 $2.000000030e-01, v4  }
0x3ce: {  	v8 =	vsel vm0, v8, v11;
	vm1 =	vge.f32 v0, $0.0e+00;
	v2 =	vld [tilespmem:s30+$0x0];
	(erf) = vpow2.f32 v5  }
0x3cf: {  	s11 =	simm.s32 $0xB30;
	v10 =	vld [tilespmem:s30+$0xFFFFFFE0];
	v1 =	vsel vm1, v0, v1;
	v0 =	vsel vm2, v4, v9;
	v4 =	vmul.f32 $1.442695020e+00, v8  }
0x3d0: {  	s18 =	simm.s32 $0x8AB0;
	v5 =	vld [tilespmem:s11+$0x90];
	v11 =	vmul.f32 $2.000000030e-01, v6  }
0x3d1: {  	v8 =	vld [tilespmem:s18+$0x10];
	vm0 =	vge.f32 v6, $0.0e+00;
	v14 =	vadd.f32 v7, v3;
	v3 =	vmul.f32 $1.442695020e+00, v0  }
0x3d2: {  	v0 =	vld [tilespmem:s18+$0xFFFFFFE0];
	v6 =	vsel vm0, v6, v11;
	v11 =	vmul.f32 $1.442695020e+00, v1;
	(erf) = vpow2.f32 v4  }
0x3d3: {  	v1 =	vld [tilespmem:s11+$0xFFFFFF70];
	v15 =	vmul.f32 $2.000000030e-01, v14;
	v12 =	vadd.f32 v2, v62;
	v7 =	vmul.f32 $1.442695020e+00, v6;
	v4 =	vpop (erf)  }
0x3d4: {  	v6 =	vadd.f32 v10, v13;
	vm1 =	vge.f32 v14, $0.0e+00;
	(erf) = vpow2.f32 v3;
	[tilespmem:s13+$0x90] =	vst v4;
	v2 =	vpop (erf);
	v4 =	vld [tilespmem:s18+$0xFFFFFFF0]  }
0x3d5: {  	v3 =	vld [tilespmem:s18+$0x0];
	vm2 =	vge.f32 v12, $0.0e+00;
	v63 =	vmul.f32 $2.000000030e-01, v12;
	(erf) = vpow2.f32 v7;
	[tilespmem:s13+$0xFFFFFF70] =	vst v2;
	v10 =	vpop (erf)  }
0x3d6: {  	v7 =	vadd.f32 v8, v5;
	v9 =	vmul.f32 $2.000000030e-01, v6;
	v2 =	vld [tilespmem:s11+$0x0];
	v16 =	vpop (erf);
	[tilespmem:s13+$0xFFFFFEE0] =	vst v10;
	(erf) = vpow2.f32 v11  }
0x3d7: {  	s19 =	simm.s32 $0xC;
	s2 =	simm.s32 $0xD70;
	vm0 =	vge.f32 v6, $0.0e+00;
	v5 =	vld [tilespmem:s11+$0xFFFFFEE0];
	v10 =	vsel vm1, v14, v15;
	v8 =	vsel vm2, v12, v63;
	[tilespmem:s16+$0x90] =	vst v16  }
.LBB2_28:
0x3d8: {  	v11 =	vld [tilespmem:s2+$0x90];
	v12 =	vmul.f32 $2.000000030e-01, v7;
	s18 =	sadd.s32 $0x40, s18;
	v6 =	vsel vm0, v6, v9;
	v9 =	vmul.f32 $1.442695020e+00, v10;
	v10 =	vpop (erf)  }
0x3d9: {  	s19 =	sadd.s32 $0x4, s19;
	vm0 =	vge.f32 v7, $0.0e+00;
	v13 =	vld [tilespmem:s18+$0x10];
	v14 =	vadd.f32 v4, v1;
	v15 =	vmul.f32 $1.442695020e+00, v6;
	[tilespmem:s13+$0x0] =	vst v10;
	s13 =	smov.u32 s16;
	s16 =	smov.u32 s21  }
0x3da: {  	p2 =	slt.u32 s19, $0x4C;
	s21 =	smov.u32 s11;
	s11 =	smov.u32 s2;
	v16 =	vld [tilespmem:s18+$0xFFFFFFE0];
	v4 =	vsel vm0, v7, v12;
	v12 =	vmul.f32 $1.442695020e+00, v8;
	(erf) = vpow2.f32 v9  }
.Ltmp13:
0x3db: {  	v1 =	vld [tilespmem:s2+$0xFFFFFF70];
	v8 =	vmul.f32 $2.000000030e-01, v14;
	v17 =	vadd.f32 v3, v2;
	v3 =	vmul.f32 $1.442695020e+00, v4;
	v2 =	vpop (erf);
	(pc) =	sbr.rel @p2 .LBB2_28-.Ltmp13, $4  }
0x3dc: {  	vm1 =	vge.f32 v14, $0.0e+00;
	v4 =	vld [tilespmem:s18+$0xFFFFFFF0];
	v6 =	vadd.f32 v0, v5;
	(erf) = vpow2.f32 v15;
	[tilespmem:s13+$0xFFFFFF70] =	vst v2  }
0x3dd: {  	v2 =	vld [tilespmem:s2+$0x0];
	vm2 =	vge.f32 v17, $0.0e+00;
	v15 =	vmul.f32 $2.000000030e-01, v17;
	(erf) = vpow2.f32 v3;
	v5 =	vpop (erf)  }
0x3de: {  	v3 =	vld [tilespmem:s18+$0x0];
	v7 =	vadd.f32 v13, v11;
	vm0 =	vge.f32 v6, $0.0e+00;
	v9 =	vmul.f32 $2.000000030e-01, v6;
	v11 =	vpop (erf);
	[tilespmem:s13+$0xFFFFFEE0] =	vst v5  }
0x3df: {  	s2 =	sadd.s32 $0x240, s2;
	v10 =	vsel vm1, v14, v8;
	v5 =	vld [tilespmem:s11+$0xFFFFFEE0];
	v8 =	vsel vm2, v17, v15;
	[tilespmem:s16+$0x90] =	vst v11;
	(erf) = vpow2.f32 v12;
	v0 =	vmovc v16  }
0x3e0: {  	_ =	sdelay $0x1  }
0x3e1: {  	v11 =	vmul.f32 $2.000000030e-01, v7;
	v6 =	vsel vm0, v6, v9;
	v9 =	vmul.f32 $1.442695020e+00, v10  }
0x3e2: {  	vm14 =	vge.f32 v7, $0.0e+00;
	v1 =	vadd.f32 v4, v1;
	v4 =	vmul.f32 $1.442695020e+00, v6  }
0x3e3: {  	v6 =	vsel vm14, v7, v11;
	v7 =	vmul.f32 $1.442695020e+00, v8;
	v0 =	vadd.f32 v0, v5  }
0x3e4: {  	(erf) = vpow2.f32 v9;
	v2 =	vadd.f32 v3, v2;
	v3 =	vmul.f32 $2.000000030e-01, v1  }
0x3e5: {  	vm15 =	vge.f32 v1, $0.0e+00;
	(erf) = vpow2.f32 v4;
	v4 =	vmul.f32 $2.000000030e-01, v0  }
0x3e6: {  	v5 =	vmul.f32 $1.442695020e+00, v6;
	v1 =	vsel vm15, v1, v3;
	vm2 =	vge.f32 v0, $0.0e+00  }
0x3e7: {  	v6 =	vmul.f32 $2.000000030e-01, v2;
	v1 =	vmul.f32 $1.442695020e+00, v1;
	v0 =	vsel vm2, v0, v4  }
0x3e8: {  	vm1 =	vge.f32 v2, $0.0e+00;
	(erf) = vpow2.f32 v5;
	v0 =	vmul.f32 $1.442695020e+00, v0  }
0x3e9: {  	v2 =	vsel vm1, v2, v6;
	(erf) = vpow2.f32 v7  }
0x3ea: {  	v3 =	vpop (erf);
	v2 =	vmul.f32 $1.442695020e+00, v2;
	(erf) = vpow2.f32 v1  }
0x3eb: {  	[tilespmem:s13+$0x0] =	vst v3;
	v1 =	vpop (erf);
	(erf) = vpow2.f32 v0  }
0x3ec: {  	[tilespmem:s16+$0xFFFFFF70] =	vst v1;
	v0 =	vpop (erf);
	(erf) = vpow2.f32 v2  }
0x3ed: {  	v1 =	vpop (erf);
	[tilespmem:s16+$0xFFFFFEE0] =	vst v0  }
0x3ee: {  	v0 =	vpop (erf);
	[tilespmem:s21+$0x90] =	vst v1  }
0x3ef: {  	v1 =	vpop (erf);
	[tilespmem:s16+$0x0] =	vst v0  }
0x3f0: {  	[tilespmem:s21+$0xFFFFFF70] =	vst v1;
	v0 =	vpop (erf)  }
0x3f1: {  	v1 =	vpop (erf);
	[tilespmem:s21+$0xFFFFFEE0] =	vst v0  }
0x3f2: {  	[tilespmem:s11+$0x90] =	vst v1;
	v0 =	vpop (erf)  }
0x3f3: {  	[tilespmem:s21+$0x0] =	vst v0;
	v0 =	vpop (erf)  }
0x3f4: {  	[tilespmem:s11+$0xFFFFFF70] =	vst v0;
	v0 =	vpop (erf)  }
0x3f5: {  	[tilespmem:s11+$0xFFFFFEE0] =	vst v0;
	v0 =	vpop (erf)  }
0x3f6: {  	[tilespmem:s11+$0x0] =	vst v0  }
0x3f7: {  	_ =	swait.ge [sflag:s8], $0x2D00  }
0x3f8: {  	[sflag:s8] =	ssyncset.done $0x0  }
0x3f9: {  	s11 =	simm.s32 $0x360;
	[sflag:s8] =	ssyncadd.s32 $0xFFFFD300  }
0x3fa: {  	v1 =	vld [tilespmem:s11+$0x80]  }
0x3fb: {  	v2 =	vld [tilespmem:s11+$0xFFFFFFF0]  }
0x3fc: {  	v3 =	vld [tilespmem:s11+$0x70]  }
0x3fd: {  	v4 =	vld [tilespmem:s11+$0xFFFFFF70]  }
0x3fe: {  	v5 =	vld [tilespmem:s11+$0xFFFFFF80]  }
0x3ff: {  	v6 =	vld [tilespmem:s11+$0xFFFFFF90]  }
0x400: {  	v7 =	vld [tilespmem:s11+$0xFFFFFFA0];
	v0 =	vbroadcast v1, $0x3  }
0x401: {  	v9 =	vld [tilespmem:s11+$0xFFFFFFB0];
	v8 =	vbroadcast v2, $0x0  }
0x402: {  	v10 =	vld [tilespmem:s11+$0xFFFFFFC0];
	v11 =	vbroadcast v2, $0x1;
	v3 =	vmul.f32 v3, v0  }
0x403: {  	v12 =	vld [tilespmem:s11+$0xFFFFFFD0];
	v4 =	vmul.f32 v8, v4  }
0x404: {  	v13 =	vld [tilespmem:s11+$0x0];
	v6 =	vmul.f32 v6, v11;
	[tilespmem:s11+$0x70] =	vst v3  }
0x405: {  	v3 =	vmul.f32 v5, v8;
	v8 =	vld [tilespmem:s11+$0xFFFFFFE0];
	v5 =	vbroadcast v2, $0x2;
	[tilespmem:s11+$0xFFFFFF70] =	vst v4  }
0x406: {  	v4 =	vmul.f32 v7, v11;
	v7 =	vld [tilespmem:s11+$0x10];
	[tilespmem:s11+$0xFFFFFF90] =	vst v6  }
0x407: {  	v11 =	vbroadcast v2, $0x3;
	[tilespmem:s11+$0xFFFFFF80] =	vst v3;
	v9 =	vmul.f32 v9, v5;
	v3 =	vld [tilespmem:s11+$0x20]  }
0x408: {  	v14 =	vbroadcast v1, $0x0;
	v6 =	vmul.f32 v10, v5;
	[tilespmem:s11+$0xFFFFFFA0] =	vst v4;
	v4 =	vld [tilespmem:s11+$0x30]  }
0x409: {  	v2 =	vbroadcast v1, $0x1;
	v10 =	vmul.f32 v12, v11;
	v5 =	vld [tilespmem:s11+$0x40];
	[tilespmem:s11+$0xFFFFFFB0] =	vst v9  }
0x40a: {  	v1 =	vbroadcast v1, $0x2;
	[tilespmem:s11+$0xFFFFFFC0] =	vst v6;
	v6 =	vld [tilespmem:s11+$0x50];
	v8 =	vmul.f32 v8, v11  }
0x40b: {  	s13 =	simm.s32 $0x0;
	s16 =	simm.s32 $0x480;
	v9 =	vmul.f32 v14, v13;
	[tilespmem:s11+$0xFFFFFFD0] =	vst v10;
	v10 =	vmul.f32 v7, v14;
	v7 =	vld [tilespmem:s11+$0x60]  }
.LBB2_30:
0x40c: {  	v11 =	vld [tilespmem:s16+$0x80];
	s13 =	sadd.s32 $0x2, s13;
	[tilespmem:s11+$0xFFFFFFE0] =	vst v8;
	v3 =	vmul.f32 v3, v2  }
0x40d: {  	v8 =	vld [tilespmem:s16+$0xFFFFFFF0];
	p2 =	slt.u32 s13, $0x4E;
	[tilespmem:s11+$0x0] =	vst v9;
	v2 =	vmul.f32 v4, v2  }
0x40e: {  	v4 =	vld [tilespmem:s16+$0x70];
	[tilespmem:s11+$0x10] =	vst v10;
	v5 =	vmul.f32 v5, v1  }
0x40f: {  	v9 =	vld [tilespmem:s16+$0xFFFFFF70];
	[tilespmem:s11+$0x20] =	vst v3;
	v1 =	vmul.f32 v6, v1  }
0x410: {  	v3 =	vld [tilespmem:s16+$0xFFFFFF80];
	[tilespmem:s11+$0x30] =	vst v2;
	v2 =	vmul.f32 v7, v0  }
0x411: {  	v6 =	vld [tilespmem:s16+$0xFFFFFF90];
	v7 =	vbroadcast v11, $0x0;
	v0 =	vbroadcast v11, $0x3;
	[tilespmem:s11+$0x40] =	vst v5  }
0x412: {  	v5 =	vbroadcast v8, $0x0;
	v10 =	vbroadcast v8, $0x1;
	v12 =	vld [tilespmem:s16+$0xFFFFFFA0];
	[tilespmem:s11+$0x50] =	vst v1  }
0x413: {  	v13 =	vbroadcast v8, $0x2;
	v14 =	vld [tilespmem:s16+$0xFFFFFFB0];
	v4 =	vmul.f32 v4, v0;
	[tilespmem:s11+$0x60] =	vst v2;
	s11 =	smov.u32 s16  }
0x414: {  	v8 =	vbroadcast v8, $0x3;
	v2 =	vbroadcast v11, $0x1;
	v15 =	vld [tilespmem:s16+$0xFFFFFFC0]  }
0x415: {  	v1 =	vbroadcast v11, $0x2;
	v9 =	vmul.f32 v5, v9;
	v16 =	vld [tilespmem:s16+$0xFFFFFFD0];
	[tilespmem:s16+$0x70] =	vst v4  }
0x416: {  	v3 =	vmul.f32 v3, v5;
	v4 =	vmul.f32 v6, v10;
	v5 =	vld [tilespmem:s16+$0xFFFFFFE0]  }
0x417: {  	[tilespmem:s16+$0xFFFFFF70] =	vst v9;
	v6 =	vmul.f32 v12, v10;
	v9 =	vld [tilespmem:s16+$0x0]  }
0x418: {  	[tilespmem:s16+$0xFFFFFF80] =	vst v3;
	v10 =	vmul.f32 v14, v13;
	v11 =	vld [tilespmem:s16+$0x10]  }
.Ltmp14:
0x419: {  	[tilespmem:s16+$0xFFFFFF90] =	vst v4;
	v12 =	vmul.f32 v15, v13;
	v3 =	vld [tilespmem:s16+$0x20];
	(pc) =	sbr.rel @p2 .LBB2_30-.Ltmp14, $4  }
0x41a: {  	[tilespmem:s16+$0xFFFFFFA0] =	vst v6;
	v13 =	vmul.f32 v16, v8;
	v4 =	vld [tilespmem:s16+$0x30]  }
0x41b: {  	[tilespmem:s16+$0xFFFFFFB0] =	vst v10;
	v8 =	vmul.f32 v5, v8;
	v5 =	vld [tilespmem:s16+$0x40]  }
0x41c: {  	[tilespmem:s16+$0xFFFFFFC0] =	vst v12;
	v9 =	vmul.f32 v7, v9;
	v6 =	vld [tilespmem:s16+$0x50]  }
0x41d: {  	s16 =	sadd.s32 $0x120, s16;
	[tilespmem:s11+$0xFFFFFFD0] =	vst v13;
	v10 =	vmul.f32 v11, v7;
	v7 =	vld [tilespmem:s11+$0x60]  }
0x41e: {  	[tilespmem:s11+$0xFFFFFFE0] =	vst v8  }
0x41f: {  	v3 =	vmul.f32 v3, v2;
	[tilespmem:s11+$0x0] =	vst v9  }
0x420: {  	v61 =	vmul.f32 v4, v2;
	[tilespmem:s11+$0x10] =	vst v10  }
0x421: {  	v62 =	vmul.f32 v5, v1;
	[tilespmem:s11+$0x20] =	vst v3  }
0x422: {  	v63 =	vmul.f32 v6, v1;
	[tilespmem:s11+$0x30] =	vst v61  }
0x423: {  	v0 =	vmul.f32 v7, v0;
	[tilespmem:s11+$0x40] =	vst v62  }
0x424: {  	[tilespmem:s11+$0x50] =	vst v63  }
0x425: {  	s2 =	simm.s32 $0x1E0;
	s22 =	simm.s32 $0x2D0;
	[tilespmem:s11+$0x60] =	vst v0  }
0x426: {  	[spmem:s3] =	stream.indirect.scatter.add.f32 [tilespmem:s22], [sflag:$0x4], $0x90, s2, s0, $0xb8;
	[tilespmem:$0x1F860] =	vst v63  }
0x427: {  	_ =	swait.ge [sflag:s7], $0x2D00  }
0x428: {  	[sflag:s7] =	ssyncset.done $0x0  }
0x429: {  	[sflag:s7] =	ssyncadd.s32 $0xFFFFD300  }
0x42a: {  	[bflag:$0x0] =	sbarrier.arrive $0xFFFF  }
0x42b: {  	s11 =	rddreg [dreg:$0x14]  }
0x42c: {  	s2 =	simm.s32 @p1 $0x1FCA;
	s13 =	rddreg [dreg:$0x18]  }
0x42d: {  	[hbm:s11], [sflag:s2] =	dma.local @p1 [spmem:s13], $0x1C20  }
0x42e: {  	s2 =	simm.s32 @p1 $0xA  }
0x42f: {  	_ =	swait.ge @p1 [sflag:s2], $0x1C20  }
0x430: {  	s11 =	rddreg [dreg:$0x19]  }
0x431: {  	[sflag:s2] =	ssyncset.done @p1 $0x0;
	s13 =	rddreg [dreg:$0x1a]  }
0x432: {  	[sflag:s2] =	ssyncadd.s32 @p1 $0xFFFFE3E0;
	s2 =	rddreg [dreg:$0xf]  }
0x433: {  	[hbm:s2], [sflag:s11] =	dma.local @!p1 [spmem:s13], $0x2D00  }
0x434: {  	s2 =	simm.s32 @!p1 $0xA  }
0x435: {  	_ =	swait.ge @!p1 [sflag:s2], $0x2D00  }
0x436: {  	s29 =	rddreg [dreg:$0x17]  }
0x437: {  	s30 =	rddreg [dreg:$0x15];
	s13 =	sadd.s32 $0x1, s29  }
0x438: {  	p2 =	sne.s32 s13, s30  }
.Ltmp15:
0x439: {  	_ = 	snop;
	(pc) =	sbr.rel @p2 .LBB2_1-.Ltmp15, $3  }
0x43a: {  	_ =	sdelay $0x1  }
0x43b: {  	[sflag:s2] =	ssyncset.done @!p1 $0x0  }
0x43c: {  	[sflag:s2] =	ssyncadd.s32 @!p1 $0xFFFFD300  }
0x43d: {  	_ =	sfence.sel $0x180000  }
0x43e: {  	[bflag:$0x0] =	sbarrier.arrive $0xFFFF  }
0x43f: {  	_ =	strace $0x90000047  }
0x440: {  	s0 =	stileid.u32;
	[bflag:$0x2] =	sbarrier.arrive $0xFFFF  }
0x441: {  	p0 =	sne.s32 s0, $0x0;
	s0 =	rddreg [dreg:$0x3]  }
0x442: {  	s0 =	sadd.s32 @!p0 $0x100000, s0  }
0x443: {  	[sflag:s0] =	ssyncadd.tile.s32 @!p0 $0x1;
	_ =	shalt  }
.Lfunc_end2:
_tile_overlayer_lowered:
.L_overlay_start_2:
0x444: {  	(tag) =	ssettag $0x2  }
0x445: {  	s0 =	rddreg [dreg:$0x0];
	s2 =	stileid.u32  }
0x446: {  	s1 =	rddreg [dreg:$0x1];
	p0 =	sne.s32 s2, $0x0  }
0x447: {  	s3 =	rddreg [dreg:$0x2];
	[bflag:$0x3] =	sbarrier.arrive $0xFFFF;
	s2 =	simm.s32 @!p0 $0x1C0A  }
0x448: {  	[timem:s3], [sflag:s2] =	dma.local @!p0 [hbm:s0], s1  }
0x449: {  	s0 =	simm.s32 @!p0 $0xA  }
0x44a: {  	_ =	swait.ge @!p0 [sflag:s0], s1  }
0x44b: {  	s1 =	ssub.s32 @!p0 $0x0, s1;
	[sflag:s0] =	ssyncset.done @!p0 $0x0  }
0x44c: {  	[sflag:s0] =	ssyncadd.s32 @!p0 s1  }
0x44d: {  	[bflag:$0x3] =	sbarrier.arrive $0xFFFF  }
0x44e: {  	_ =	shalt  }

</sc_bundles>
